<compile_context>
chip_gen: v7x
topology: tpu7x:2x2x1
jax: 0.10.2.dev20260603
libtpu: 0.0.44.dev20260713+nightly
codegen_flags: <defaults>
</compile_context>

<pallas_src>
import functools

import jax
import jax.numpy as jnp
from jax import lax
from jax.experimental import pallas as pl
from jax.experimental.pallas import tpu as pltpu
from jax.experimental.pallas import tpu_sc as plsc

E = 100000
N = 50000
D = 128
W = 0.1
NC, NS, L = 2, 16, 16
NPC = N // NC
RMAX = 4200
NPASS = -(-NPC // RMAX)
ESH = 6256
SEG = 2048
MB = SEG + 176
CH = 64
DV = D // L
RPT = -(-RMAX // (NS * 8)) * 8


def _sc_update_body(src, dst, tns, rp0, rp1, rp2, out,
                    e_src, e_dst, e_tw, m_scat, m_gath, m_w,
                    scat_a, gath_a, scat_b, gath_b,
                    rows_a0, rows_a1, rows_b0, rows_b1, tb16,
                    acc1, acc2, sem_ga, sem_gb, sem_sa, sem_sb):
  cid = lax.axis_index("c")
  sid = lax.axis_index("s")

  eoff = jnp.minimum(sid * ESH, E - ESH)
  overlap = sid * ESH - eoff
  pltpu.sync_copy(src.at[pl.ds(eoff, ESH)], e_src)
  pltpu.sync_copy(dst.at[pl.ds(eoff, ESH)], e_dst)
  pltpu.sync_copy(tns.at[pl.ds(eoff, ESH)], e_tw)
  pltpu.sync_copy(tns.at[pl.ds(E - L, L)], tb16)

  lane16 = lax.iota(jnp.int32, L)
  Tv = jnp.full((L,), tb16[...][L - 1], jnp.float32)
  decay_v = jnp.exp(-W * Tv)
  decay2_v = decay_v * decay_v

  neg1 = jnp.full((L,), -1, jnp.int32)
  zf = jnp.zeros((L,), jnp.float32)
  zi = jnp.zeros((L,), jnp.int32)
  for k in range(6):
    o = k * L

    @pl.when(o < overlap)
    def _():
      e_src[pl.ds(o, L)] = neg1
      e_dst[pl.ds(o, L)] = neg1

  def tw_body(k, carry):
    o = k * L
    e_tw[pl.ds(o, L)] = jnp.exp((e_tw[pl.ds(o, L)] - Tv) * W)
    return carry

  lax.fori_loop(0, ESH // L, tw_body, 0)

  trash_v = jnp.full((L,), MB - L, jnp.int32) + lane16
  sets = ((scat_a, gath_a, rows_a0, rows_a1, sem_ga, sem_sa),
          (scat_b, gath_b, rows_b0, rows_b1, sem_gb, sem_sb))

  def one_pass(p, carry):
    range_lo = cid * NPC + p * RMAX
    range_n = jnp.minimum(RMAX, NPC - p * RMAX)
    my_lo = sid * RPT

    def init_ck(i, carry2):
      cs = pl.multiple_of(jnp.minimum(my_lo + i * CH, range_n - CH), 8)
      gs = pl.multiple_of(range_lo + cs, 8)
      ra = pltpu.async_copy(rp1.at[pl.ds(gs, CH)], rows_a0, sem_ga)
      rb = pltpu.async_copy(rp2.at[pl.ds(gs, CH)], rows_a1, sem_ga)
      ra.wait()
      rb.wait()

      def init_row(j, carry3):
        for v in range(DV):
          slc = pl.ds(v * L, L)
          rows_a0[j, slc] = rows_a0[j, slc] * decay_v
          rows_a1[j, slc] = rows_a1[j, slc] * decay2_v
        return carry3

      lax.fori_loop(0, CH, init_row, 0)
      wa = pltpu.async_copy(rows_a0, acc1.at[pl.ds(cs, CH)], sem_sa)
      wb = pltpu.async_copy(rows_a1, acc2.at[pl.ds(cs, CH)], sem_sa)
      wa.wait()
      wb.wait()
      return carry2

    lax.fori_loop(0, -(-RPT // CH), init_ck, 0)

    plsc.subcore_barrier()

    def drain(cnt):
      for k in range(CH // L):
        pidx = jnp.full((L,), cnt + k * L, jnp.int32) + lane16
        plsc.store_scatter(m_scat, [pidx], zi)
        plsc.store_scatter(m_gath, [pidx], zi)
        plsc.store_scatter(m_w, [pidx], zf)

      nch = (cnt + CH - 1) // CH

      def pair(q, carry2):
        for half in range(2):
          c = q * 2 + half
          sc_b, ga_b, r0, r1, sg, ss = sets[half]

          @pl.when((c < nch) & (c >= 2))
          def _():
            pltpu.make_async_copy(r0, acc1.at[sc_b], ss).wait()
            pltpu.make_async_copy(r1, acc2.at[sc_b], ss).wait()

          @pl.when(c < nch)
          def _():
            for k in range(CH // L):
              sc_b[pl.ds(k * L, L)] = m_scat[pl.ds(c * CH + k * L, L)]
              ga_b[pl.ds(k * L, L)] = m_gath[pl.ds(c * CH + k * L, L)]
            pltpu.async_copy(rp0.at[ga_b], r0, sg)
            pltpu.async_copy(rp1.at[ga_b], r1, sg)

        for half in range(2):
          c = q * 2 + half
          sc_b, ga_b, r0, r1, sg, ss = sets[half]

          @pl.when(c < nch)
          def _():
            pltpu.make_async_copy(rp0.at[ga_b], r0, sg).wait()
            pltpu.make_async_copy(rp1.at[ga_b], r1, sg).wait()

            def srow(j, carry3):
              w1 = jnp.full((L,), m_w[pl.ds(c * CH + j, L)][0], jnp.float32)
              w2 = w1 * decay_v
              for v in range(DV):
                slc = pl.ds(v * L, L)
                r0[j, slc] = r0[j, slc] * w1
                r1[j, slc] = r1[j, slc] * w2
              return carry3

            lax.fori_loop(0, CH, srow, 0)
            pltpu.async_copy(r0, acc1.at[sc_b], ss, add=True)
            pltpu.async_copy(r1, acc2.at[sc_b], ss, add=True)

        return carry2

      lax.fori_loop(0, (nch + 1) // 2, pair, 0)
      for half in range(2):
        sc_b, ga_b, r0, r1, sg, ss = sets[half]

        @pl.when(nch >= half + 1)
        def _():
          pltpu.make_async_copy(r0, acc1.at[sc_b], ss).wait()
          pltpu.make_async_copy(r1, acc2.at[sc_b], ss).wait()

    lo_v = jnp.full((L,), range_lo, jnp.int32)
    hi_v = lo_v + range_n

    def flt(k, cnt):
      o = k * L
      s16 = e_src[pl.ds(o, L)]
      d16 = e_dst[pl.ds(o, L)]
      w16 = e_tw[pl.ds(o, L)]
      for tg, sc in ((s16, d16), (d16, s16)):
        m = (tg >= lo_v) & (tg < hi_v)
        cs = plsc.cumsum(jnp.where(m, 1, 0))
        idx = jnp.where(m, cs - 1 + cnt, trash_v)
        plsc.store_scatter(m_scat, [idx], tg - lo_v)
        plsc.store_scatter(m_gath, [idx], sc)
        plsc.store_scatter(m_w, [idx], w16)
        cnt = cnt + cs[L - 1]

      @pl.when(cnt >= SEG)
      def _():
        drain(cnt)

      return jnp.where(cnt >= SEG, jnp.int32(0), cnt)

    cnt = lax.fori_loop(0, ESH // L, flt, jnp.int32(0))
    drain(cnt)

    plsc.subcore_barrier()

    wb_descs = []
    for i in range(-(-RPT // CH)):
      cs = pl.multiple_of(jnp.minimum(my_lo + i * CH, range_n - CH), 8)
      gs = pl.multiple_of(range_lo + cs, 8)
      wb_descs.append(
          pltpu.async_copy(acc1.at[pl.ds(cs, CH)], out.at[0, pl.ds(gs, CH)],
                           sem_sa))
      wb_descs.append(
          pltpu.async_copy(acc2.at[pl.ds(cs, CH)], out.at[1, pl.ds(gs, CH)],
                           sem_sb))
    for d in wb_descs:
      d.wait()

    plsc.subcore_barrier()
    return carry

  lax.fori_loop(0, NPASS, one_pass, 0)


_rp_update = functools.partial(
    pl.kernel,
    out_type=jax.ShapeDtypeStruct((2, N, D), jnp.float32),
    compiler_params=pltpu.CompilerParams(
        use_tc_tiling_on_sc=False, needs_layout_passes=False),
    mesh=plsc.VectorSubcoreMesh(
        core_axis_name="c", subcore_axis_name="s",
        num_cores=NC, num_subcores=NS),
    scratch_types=[
        pltpu.VMEM((ESH,), jnp.int32),
        pltpu.VMEM((ESH,), jnp.int32),
        pltpu.VMEM((ESH,), jnp.float32),
        pltpu.VMEM((MB,), jnp.int32),
        pltpu.VMEM((MB,), jnp.int32),
        pltpu.VMEM((MB,), jnp.float32),
        pltpu.VMEM((CH,), jnp.int32),
        pltpu.VMEM((CH,), jnp.int32),
        pltpu.VMEM((CH,), jnp.int32),
        pltpu.VMEM((CH,), jnp.int32),
        pltpu.VMEM((CH, D), jnp.float32),
        pltpu.VMEM((CH, D), jnp.float32),
        pltpu.VMEM((CH, D), jnp.float32),
        pltpu.VMEM((CH, D), jnp.float32),
        pltpu.VMEM((L,), jnp.float32),
        pltpu.MemorySpace.VMEM_SHARED((RMAX, D), jnp.float32),
        pltpu.MemorySpace.VMEM_SHARED((RMAX, D), jnp.float32),
        pltpu.SemaphoreType.DMA,
        pltpu.SemaphoreType.DMA,
        pltpu.SemaphoreType.DMA,
        pltpu.SemaphoreType.DMA,
    ],
)(_sc_update_body)


def kernel(src_node_ids, dst_node_ids, node_interact_times, rp0, rp1, rp2):
  return _rp_update(
      src_node_ids.astype(jnp.int32),
      dst_node_ids.astype(jnp.int32),
      node_interact_times.astype(jnp.float32),
      rp0, rp1, rp2)

# --- scband reference (transcript-rebuilt; emitter-appended) ---
"""Pipeline reference for scband-random-projection-module-16836271800994 (READ-ONLY COPY).

The authoritative reference and input builder live on the scoring server;
editing this copy changes nothing except your own understanding.
"""

import jax, jax.numpy as jnp
import numpy as np

NODE_NUM = 50000
DIM = 128
NUM_LAYER = 2
E_BATCH = 100000
TIME_DECAY_WEIGHT = 0.1
BEGINNING_TIME = 0.0


def setup_inputs(seed: int = 0) -> dict:
    key = jax.random.key(seed)
    k1, k2, k3, k4, k5, k6 = jax.random.split(key, 6)
    src_node_ids = jax.random.randint(k1, (E_BATCH,), 0, NODE_NUM)
    dst_node_ids = jax.random.randint(k2, (E_BATCH,), 0, NODE_NUM)
    node_interact_times = jax.random.uniform(k3, (E_BATCH,), dtype=jnp.float32)
    # layer-0 table: N(0, 1/sqrt(dim)) as in the torch __init__
    rp0 = jax.random.normal(k4, (NODE_NUM, DIM), dtype=jnp.float32) / jnp.sqrt(DIM)
    # higher layers start at zero in __init__; use small warm-started state so the
    # decay term is exercised (math identical to update())
    rp1 = jax.random.normal(k5, (NODE_NUM, DIM), dtype=jnp.float32) * 0.05
    rp2 = jax.random.normal(k6, (NODE_NUM, DIM), dtype=jnp.float32) * 0.05
    return {
        "src_node_ids": src_node_ids,
        "dst_node_ids": dst_node_ids,
        "node_interact_times": node_interact_times,
        "rp0": rp0,
        "rp1": rp1,
        "rp2": rp2,
    }


def reference(src_node_ids, dst_node_ids, node_interact_times, rp0, rp1, rp2):
    # Faithful translation of RandomProjectionModule.update():
    # time-decay the layer>=1 state, then scatter-add time-weighted messages
    # gathered from the layer below, symmetrically for src and dst.
    w = TIME_DECAY_WEIGHT
    now_time = BEGINNING_TIME
    next_time = node_interact_times[-1]
    time_weight = jnp.exp(-w * (next_time - node_interact_times))[:, None]
    rp = [rp0, rp1, rp2]
    decay = jnp.exp(-w * (next_time - now_time))
    for i in range(1, NUM_LAYER + 1):
        rp[i] = rp[i] * (decay ** i)
    for i in range(NUM_LAYER, 0, -1):
        src_update_messages = rp[i - 1][dst_node_ids] * time_weight
        dst_update_messages = rp[i - 1][src_node_ids] * time_weight
        rp[i] = rp[i].at[src_node_ids].add(src_update_messages)
        rp[i] = rp[i].at[dst_node_ids].add(dst_update_messages)
    return jnp.stack(rp[1:], axis=0)

if __name__ == "__main__":
    import jax
    _d = setup_inputs()
    print(jax.jit(kernel)(*tuple(_d.values())))

</pallas_src>

<mosaic_0001>
#map = affine_map<(d0, d1) -> (0)>
#map1 = affine_map<(d0, d1) -> (0, 0)>
#map2 = affine_map<(d0, d1) -> (0, 0, 0)>
module attributes {stable_mosaic.version = 14 : i64} {
  func.func @_sc_update_body(%arg0: i32, %arg1: i32, %arg2: memref<100000xi32, #tpu.memory_space<hbm>>, %arg3: memref<100000xi32, #tpu.memory_space<hbm>>, %arg4: memref<100000xf32, #tpu.memory_space<hbm>>, %arg5: memref<50000x128xf32, #tpu.memory_space<hbm>>, %arg6: memref<50000x128xf32, #tpu.memory_space<hbm>>, %arg7: memref<50000x128xf32, #tpu.memory_space<hbm>>, %arg8: memref<2x50000x128xf32, #tpu.memory_space<hbm>>, %arg9: memref<6256xi32, #tpu.memory_space<vmem>>, %arg10: memref<6256xi32, #tpu.memory_space<vmem>>, %arg11: memref<6256xf32, #tpu.memory_space<vmem>>, %arg12: memref<2224xi32, #tpu.memory_space<vmem>>, %arg13: memref<2224xi32, #tpu.memory_space<vmem>>, %arg14: memref<2224xf32, #tpu.memory_space<vmem>>, %arg15: memref<64xi32, #tpu.memory_space<vmem>>, %arg16: memref<64xi32, #tpu.memory_space<vmem>>, %arg17: memref<64xi32, #tpu.memory_space<vmem>>, %arg18: memref<64xi32, #tpu.memory_space<vmem>>, %arg19: memref<64x128xf32, #tpu.memory_space<vmem>>, %arg20: memref<64x128xf32, #tpu.memory_space<vmem>>, %arg21: memref<64x128xf32, #tpu.memory_space<vmem>>, %arg22: memref<64x128xf32, #tpu.memory_space<vmem>>, %arg23: memref<16xf32, #tpu.memory_space<vmem>>, %arg24: memref<4200x128xf32, #tpu.memory_space<vmem_shared>>, %arg25: memref<4200x128xf32, #tpu.memory_space<vmem_shared>>, %arg26: memref<!tpu.dma_semaphore, #tpu.memory_space<semaphore_mem>>, %arg27: memref<!tpu.dma_semaphore, #tpu.memory_space<semaphore_mem>>, %arg28: memref<!tpu.dma_semaphore, #tpu.memory_space<semaphore_mem>>, %arg29: memref<!tpu.dma_semaphore, #tpu.memory_space<semaphore_mem>>) attributes {dimension_semantics = [#tpu.dimension_semantics<core_parallel>, #tpu.dimension_semantics<subcore_parallel>], iteration_bounds = array<i64: 2, 16>, scalar_prefetch = 0 : i64, scratch_operands = 21 : i64, tpu.core_type = #tpu.core_type<sc_vector_subcore>, window_params = [{transform_indices = #map}, {transform_indices = #map}, {transform_indices = #map}, {transform_indices = #map1}, {transform_indices = #map1}, {transform_indices = #map1}, {transform_indices = #map2}]} {
    %mul3A = arith.constant 6256 : i32
    %mul3A_0 = arith.muli %arg1, %mul3A : i32
    %min3A = arith.constant 93744 : i32
    %min3A_1 = arith.minsi %mul3A_0, %min3A : i32
    %mul3A_2 = arith.constant 6256 : i32
    %mul3A_3 = arith.muli %arg1, %mul3A_2 : i32
    %sub3A = arith.subi %mul3A_3, %min3A_1 : i32
    "tpu.region"() ({
      %run_scoped3A = tpu.sem_alloc : memref<!tpu.dma_semaphore, #tpu.memory_space<semaphore_mem>>
      %dma_start3A = tpu.memref_slice %arg2[%min3A_1] : memref<100000xi32, #tpu.memory_space<hbm>> -> memref<6256xi32, #tpu.memory_space<hbm>>
      %dma_start3A_55 = tpu.memref_slice %arg2[%min3A_1] : memref<100000xi32, #tpu.memory_space<hbm>> -> memref<6256xi32, #tpu.memory_space<hbm>>
      tpu.enqueue_dma source(%dma_start3A_55 : memref<6256xi32, #tpu.memory_space<hbm>>) target(%arg9 : memref<6256xi32, #tpu.memory_space<vmem>>) target_semaphore(%run_scoped3A : memref<!tpu.dma_semaphore, #tpu.memory_space<semaphore_mem>>)
      %dma_wait3A = tpu.memref_slice %arg2[%min3A_1] : memref<100000xi32, #tpu.memory_space<hbm>> -> memref<6256xi32, #tpu.memory_space<hbm>>
      %dma_wait3A_56 = tpu.memref_slice %arg2[%min3A_1] : memref<100000xi32, #tpu.memory_space<hbm>> -> memref<6256xi32, #tpu.memory_space<hbm>>
      tpu.wait_dma2 semaphore(%run_scoped3A : memref<!tpu.dma_semaphore, #tpu.memory_space<semaphore_mem>>) src(%dma_wait3A_56 : memref<6256xi32, #tpu.memory_space<hbm>>) dst(%arg9 : memref<6256xi32, #tpu.memory_space<vmem>>)
      tpu.yield
    }) : () -> ()
    "tpu.region"() ({
      %run_scoped3A = tpu.sem_alloc : memref<!tpu.dma_semaphore, #tpu.memory_space<semaphore_mem>>
      %dma_start3A = tpu.memref_slice %arg3[%min3A_1] : memref<100000xi32, #tpu.memory_space<hbm>> -> memref<6256xi32, #tpu.memory_space<hbm>>
      %dma_start3A_55 = tpu.memref_slice %arg3[%min3A_1] : memref<100000xi32, #tpu.memory_space<hbm>> -> memref<6256xi32, #tpu.memory_space<hbm>>
      tpu.enqueue_dma source(%dma_start3A_55 : memref<6256xi32, #tpu.memory_space<hbm>>) target(%arg10 : memref<6256xi32, #tpu.memory_space<vmem>>) target_semaphore(%run_scoped3A : memref<!tpu.dma_semaphore, #tpu.memory_space<semaphore_mem>>)
      %dma_wait3A = tpu.memref_slice %arg3[%min3A_1] : memref<100000xi32, #tpu.memory_space<hbm>> -> memref<6256xi32, #tpu.memory_space<hbm>>
      %dma_wait3A_56 = tpu.memref_slice %arg3[%min3A_1] : memref<100000xi32, #tpu.memory_space<hbm>> -> memref<6256xi32, #tpu.memory_space<hbm>>
      tpu.wait_dma2 semaphore(%run_scoped3A : memref<!tpu.dma_semaphore, #tpu.memory_space<semaphore_mem>>) src(%dma_wait3A_56 : memref<6256xi32, #tpu.memory_space<hbm>>) dst(%arg10 : memref<6256xi32, #tpu.memory_space<vmem>>)
      tpu.yield
    }) : () -> ()
    "tpu.region"() ({
      %run_scoped3A = tpu.sem_alloc : memref<!tpu.dma_semaphore, #tpu.memory_space<semaphore_mem>>
      %dma_start3A = tpu.memref_slice %arg4[%min3A_1] : memref<100000xf32, #tpu.memory_space<hbm>> -> memref<6256xf32, #tpu.memory_space<hbm>>
      %dma_start3A_55 = tpu.memref_slice %arg4[%min3A_1] : memref<100000xf32, #tpu.memory_space<hbm>> -> memref<6256xf32, #tpu.memory_space<hbm>>
      tpu.enqueue_dma source(%dma_start3A_55 : memref<6256xf32, #tpu.memory_space<hbm>>) target(%arg11 : memref<6256xf32, #tpu.memory_space<vmem>>) target_semaphore(%run_scoped3A : memref<!tpu.dma_semaphore, #tpu.memory_space<semaphore_mem>>)
      %dma_wait3A = tpu.memref_slice %arg4[%min3A_1] : memref<100000xf32, #tpu.memory_space<hbm>> -> memref<6256xf32, #tpu.memory_space<hbm>>
      %dma_wait3A_56 = tpu.memref_slice %arg4[%min3A_1] : memref<100000xf32, #tpu.memory_space<hbm>> -> memref<6256xf32, #tpu.memory_space<hbm>>
      tpu.wait_dma2 semaphore(%run_scoped3A : memref<!tpu.dma_semaphore, #tpu.memory_space<semaphore_mem>>) src(%dma_wait3A_56 : memref<6256xf32, #tpu.memory_space<hbm>>) dst(%arg11 : memref<6256xf32, #tpu.memory_space<vmem>>)
      tpu.yield
    }) : () -> ()
    "tpu.region"() ({
      %run_scoped3A = tpu.sem_alloc : memref<!tpu.dma_semaphore, #tpu.memory_space<semaphore_mem>>
      %dma_start3A = arith.constant 99984 : i32
      %dma_start3A_55 = tpu.memref_slice %arg4[%dma_start3A] : memref<100000xf32, #tpu.memory_space<hbm>> -> memref<16xf32, #tpu.memory_space<hbm>>
      %dma_start3A_56 = arith.constant 99984 : i32
      %dma_start3A_57 = tpu.memref_slice %arg4[%dma_start3A_56] : memref<100000xf32, #tpu.memory_space<hbm>> -> memref<16xf32, #tpu.memory_space<hbm>>
      tpu.enqueue_dma source(%dma_start3A_57 : memref<16xf32, #tpu.memory_space<hbm>>) target(%arg23 : memref<16xf32, #tpu.memory_space<vmem>>) target_semaphore(%run_scoped3A : memref<!tpu.dma_semaphore, #tpu.memory_space<semaphore_mem>>)
      %dma_wait3A = arith.constant 99984 : i32
      %dma_wait3A_58 = tpu.memref_slice %arg4[%dma_wait3A] : memref<100000xf32, #tpu.memory_space<hbm>> -> memref<16xf32, #tpu.memory_space<hbm>>
      %dma_wait3A_59 = arith.constant 99984 : i32
      %dma_wait3A_60 = tpu.memref_slice %arg4[%dma_wait3A_59] : memref<100000xf32, #tpu.memory_space<hbm>> -> memref<16xf32, #tpu.memory_space<hbm>>
      tpu.wait_dma2 semaphore(%run_scoped3A : memref<!tpu.dma_semaphore, #tpu.memory_space<semaphore_mem>>) src(%dma_wait3A_60 : memref<16xf32, #tpu.memory_space<hbm>>) dst(%arg23 : memref<16xf32, #tpu.memory_space<vmem>>)
      tpu.yield
    }) : () -> ()
    %iota3A = tpu.iota {dimensions = array<i32: 0>} : vector<16xi32>
    %get3A = arith.constant 0 : index
    %get3A_4 = tpu.vector_load %arg23[%get3A] {strides = array<i32>} : memref<16xf32, #tpu.memory_space<vmem>>, vector<16xf32>,
    %slice3A = vector.extract_strided_slice %get3A_4 {offsets = [15], sizes = [1], strides = [1]} : vector<16xf32> to vector<1xf32>
    %squeeze3A = vector.extract %slice3A[0] : f32 from vector<1xf32>
    %broadcast_in_dim3A = vector.broadcast %squeeze3A : f32 to vector<16xf32>
    %mul3A_5 = arith.constant -1.000000e-01 : f32
    %mul3A_6 = vector.broadcast %mul3A_5 : f32 to vector<16xf32>
    %mul3A_7 = arith.mulf %mul3A_6, %broadcast_in_dim3A : vector<16xf32>
    %exp3A = math.exp %mul3A_7 : vector<16xf32>
    %mul3A_8 = arith.mulf %exp3A, %exp3A : vector<16xf32>
    %broadcast_in_dim3A_9 = arith.constant -1 : i32
    %broadcast_in_dim3A_10 = vector.broadcast %broadcast_in_dim3A_9 : i32 to vector<16xi32>
    %broadcast_in_dim3A_11 = arith.constant 0.000000e+00 : f32
    %broadcast_in_dim3A_12 = vector.broadcast %broadcast_in_dim3A_11 : f32 to vector<16xf32>
    %broadcast_in_dim3A_13 = arith.constant 0 : i32
    %broadcast_in_dim3A_14 = vector.broadcast %broadcast_in_dim3A_13 : i32 to vector<16xi32>
    %gt3A = arith.constant 0 : i32
    %gt3A_15 = arith.cmpi sgt, %sub3A, %gt3A : i32
    %convert_element_type3A = arith.extui %gt3A_15 : i1 to i32
    %cond3A = arith.constant 0 : i32
    %cond3A_16 = arith.cmpi ne, %convert_element_type3A, %cond3A : i32
    scf.if %cond3A_16 {
      %swap3A = arith.constant 0 : index
      %swap3A_55 = tpu.vector_load %arg9[%swap3A] {strides = array<i32>} : memref<6256xi32, #tpu.memory_space<vmem>>, vector<16xi32>,
      tpu.vector_store %arg9[%swap3A], %broadcast_in_dim3A_10 {strides = array<i32>} : memref<6256xi32, #tpu.memory_space<vmem>>, vector<16xi32>,
      %swap3A_56 = arith.constant 0 : index
      %swap3A_57 = tpu.vector_load %arg10[%swap3A_56] {strides = array<i32>} : memref<6256xi32, #tpu.memory_space<vmem>>, vector<16xi32>,
      tpu.vector_store %arg10[%swap3A_56], %broadcast_in_dim3A_10 {strides = array<i32>} : memref<6256xi32, #tpu.memory_space<vmem>>, vector<16xi32>,
    } else {
    }
    %gt3A_17 = arith.constant 16 : i32
    %gt3A_18 = arith.cmpi sgt, %sub3A, %gt3A_17 : i32
    %convert_element_type3A_19 = arith.extui %gt3A_18 : i1 to i32
    %cond3A_20 = arith.constant 0 : i32
    %cond3A_21 = arith.cmpi ne, %convert_element_type3A_19, %cond3A_20 : i32
    scf.if %cond3A_21 {
      %swap3A = arith.constant 16 : index
      %swap3A_55 = tpu.vector_load %arg9[%swap3A] {strides = array<i32>} : memref<6256xi32, #tpu.memory_space<vmem>>, vector<16xi32>,
      tpu.vector_store %arg9[%swap3A], %broadcast_in_dim3A_10 {strides = array<i32>} : memref<6256xi32, #tpu.memory_space<vmem>>, vector<16xi32>,
      %swap3A_56 = arith.constant 16 : index
      %swap3A_57 = tpu.vector_load %arg10[%swap3A_56] {strides = array<i32>} : memref<6256xi32, #tpu.memory_space<vmem>>, vector<16xi32>,
      tpu.vector_store %arg10[%swap3A_56], %broadcast_in_dim3A_10 {strides = array<i32>} : memref<6256xi32, #tpu.memory_space<vmem>>, vector<16xi32>,
    } else {
    }
    %gt3A_22 = arith.constant 32 : i32
    %gt3A_23 = arith.cmpi sgt, %sub3A, %gt3A_22 : i32
    %convert_element_type3A_24 = arith.extui %gt3A_23 : i1 to i32
    %cond3A_25 = arith.constant 0 : i32
    %cond3A_26 = arith.cmpi ne, %convert_element_type3A_24, %cond3A_25 : i32
    scf.if %cond3A_26 {
      %swap3A = arith.constant 32 : index
      %swap3A_55 = tpu.vector_load %arg9[%swap3A] {strides = array<i32>} : memref<6256xi32, #tpu.memory_space<vmem>>, vector<16xi32>,
      tpu.vector_store %arg9[%swap3A], %broadcast_in_dim3A_10 {strides = array<i32>} : memref<6256xi32, #tpu.memory_space<vmem>>, vector<16xi32>,
      %swap3A_56 = arith.constant 32 : index
      %swap3A_57 = tpu.vector_load %arg10[%swap3A_56] {strides = array<i32>} : memref<6256xi32, #tpu.memory_space<vmem>>, vector<16xi32>,
      tpu.vector_store %arg10[%swap3A_56], %broadcast_in_dim3A_10 {strides = array<i32>} : memref<6256xi32, #tpu.memory_space<vmem>>, vector<16xi32>,
    } else {
    }
    %gt3A_27 = arith.constant 48 : i32
    %gt3A_28 = arith.cmpi sgt, %sub3A, %gt3A_27 : i32
    %convert_element_type3A_29 = arith.extui %gt3A_28 : i1 to i32
    %cond3A_30 = arith.constant 0 : i32
    %cond3A_31 = arith.cmpi ne, %convert_element_type3A_29, %cond3A_30 : i32
    scf.if %cond3A_31 {
      %swap3A = arith.constant 48 : index
      %swap3A_55 = tpu.vector_load %arg9[%swap3A] {strides = array<i32>} : memref<6256xi32, #tpu.memory_space<vmem>>, vector<16xi32>,
      tpu.vector_store %arg9[%swap3A], %broadcast_in_dim3A_10 {strides = array<i32>} : memref<6256xi32, #tpu.memory_space<vmem>>, vector<16xi32>,
      %swap3A_56 = arith.constant 48 : index
      %swap3A_57 = tpu.vector_load %arg10[%swap3A_56] {strides = array<i32>} : memref<6256xi32, #tpu.memory_space<vmem>>, vector<16xi32>,
      tpu.vector_store %arg10[%swap3A_56], %broadcast_in_dim3A_10 {strides = array<i32>} : memref<6256xi32, #tpu.memory_space<vmem>>, vector<16xi32>,
    } else {
    }
    %gt3A_32 = arith.constant 64 : i32
    %gt3A_33 = arith.cmpi sgt, %sub3A, %gt3A_32 : i32
    %convert_element_type3A_34 = arith.extui %gt3A_33 : i1 to i32
    %cond3A_35 = arith.constant 0 : i32
    %cond3A_36 = arith.cmpi ne, %convert_element_type3A_34, %cond3A_35 : i32
    scf.if %cond3A_36 {
      %swap3A = arith.constant 64 : index
      %swap3A_55 = tpu.vector_load %arg9[%swap3A] {strides = array<i32>} : memref<6256xi32, #tpu.memory_space<vmem>>, vector<16xi32>,
      tpu.vector_store %arg9[%swap3A], %broadcast_in_dim3A_10 {strides = array<i32>} : memref<6256xi32, #tpu.memory_space<vmem>>, vector<16xi32>,
      %swap3A_56 = arith.constant 64 : index
      %swap3A_57 = tpu.vector_load %arg10[%swap3A_56] {strides = array<i32>} : memref<6256xi32, #tpu.memory_space<vmem>>, vector<16xi32>,
      tpu.vector_store %arg10[%swap3A_56], %broadcast_in_dim3A_10 {strides = array<i32>} : memref<6256xi32, #tpu.memory_space<vmem>>, vector<16xi32>,
    } else {
    }
    %gt3A_37 = arith.constant 80 : i32
    %gt3A_38 = arith.cmpi sgt, %sub3A, %gt3A_37 : i32
    %convert_element_type3A_39 = arith.extui %gt3A_38 : i1 to i32
    %cond3A_40 = arith.constant 0 : i32
    %cond3A_41 = arith.cmpi ne, %convert_element_type3A_39, %cond3A_40 : i32
    scf.if %cond3A_41 {
      %swap3A = arith.constant 80 : index
      %swap3A_55 = tpu.vector_load %arg9[%swap3A] {strides = array<i32>} : memref<6256xi32, #tpu.memory_space<vmem>>, vector<16xi32>,
      tpu.vector_store %arg9[%swap3A], %broadcast_in_dim3A_10 {strides = array<i32>} : memref<6256xi32, #tpu.memory_space<vmem>>, vector<16xi32>,
      %swap3A_56 = arith.constant 80 : index
      %swap3A_57 = tpu.vector_load %arg10[%swap3A_56] {strides = array<i32>} : memref<6256xi32, #tpu.memory_space<vmem>>, vector<16xi32>,
      tpu.vector_store %arg10[%swap3A_56], %broadcast_in_dim3A_10 {strides = array<i32>} : memref<6256xi32, #tpu.memory_space<vmem>>, vector<16xi32>,
    } else {
    }
    %scan3A = arith.constant 0 : i32
    %scan3A_42 = arith.constant 0 : i32
    %scan3A_43 = arith.constant 391 : i32
    %scan3A_44 = arith.addi %scan3A_42, %scan3A_43 : i32
    %scan3A_45 = arith.constant 1 : i32
    scf.for %scan3A_55 = %scan3A_42 to %scan3A_44 step %scan3A_45  : i32 {
      %mul3A_56 = arith.constant 16 : i32
      %mul3A_57 = arith.muli %scan3A_55, %mul3A_56 : i32
      %get3A_58 = arith.index_cast %mul3A_57 : i32 to index
      %get3A_59 = tpu.vector_load %arg11[%get3A_58] {strides = array<i32>} : memref<6256xf32, #tpu.memory_space<vmem>>, vector<16xf32>,
      %sub3A_60 = arith.subf %get3A_59, %broadcast_in_dim3A : vector<16xf32>
      %mul3A_61 = arith.constant 1.000000e-01 : f32
      %mul3A_62 = vector.broadcast %mul3A_61 : f32 to vector<16xf32>
      %mul3A_63 = arith.mulf %sub3A_60, %mul3A_62 : vector<16xf32>
      %exp3A_64 = math.exp %mul3A_63 : vector<16xf32>
      %swap3A = arith.index_cast %mul3A_57 : i32 to index
      %swap3A_65 = tpu.vector_load %arg11[%swap3A] {strides = array<i32>} : memref<6256xf32, #tpu.memory_space<vmem>>, vector<16xf32>,
      tpu.vector_store %arg11[%swap3A], %exp3A_64 {strides = array<i32>} : memref<6256xf32, #tpu.memory_space<vmem>>, vector<16xf32>,
    }
    %scan3A_46 = arith.constant 391 : i32
    %broadcast_in_dim3A_47 = arith.constant 2208 : i32
    %broadcast_in_dim3A_48 = vector.broadcast %broadcast_in_dim3A_47 : i32 to vector<16xi32>
    %add3A = arith.addi %broadcast_in_dim3A_48, %iota3A : vector<16xi32>
    %scan3A_49 = arith.constant 0 : i32
    %scan3A_50 = arith.constant 0 : i32
    %scan3A_51 = arith.constant 6 : i32
    %scan3A_52 = arith.addi %scan3A_50, %scan3A_51 : i32
    %scan3A_53 = arith.constant 1 : i32
    scf.for %scan3A_55 = %scan3A_50 to %scan3A_52 step %scan3A_53  : i32 {
      %mul3A_56 = arith.constant 25000 : i32
      %mul3A_57 = arith.muli %arg0, %mul3A_56 : i32
      %mul3A_58 = arith.constant 4200 : i32
      %mul3A_59 = arith.muli %scan3A_55, %mul3A_58 : i32
      %add3A_60 = arith.addi %mul3A_57, %mul3A_59 : i32
      %mul3A_61 = arith.constant 4200 : i32
      %mul3A_62 = arith.muli %scan3A_55, %mul3A_61 : i32
      %sub3A_63 = arith.constant 25000 : i32
      %sub3A_64 = arith.subi %sub3A_63, %mul3A_62 : i32
      %min3A_65 = arith.constant 4200 : i32
      %min3A_66 = arith.minsi %min3A_65, %sub3A_64 : i32
      %mul3A_67 = arith.constant 264 : i32
      %mul3A_68 = arith.muli %arg1, %mul3A_67 : i32
      %scan3A_69 = arith.constant 0 : i32
      %scan3A_70 = arith.constant 0 : i32
      %scan3A_71 = arith.constant 5 : i32
      %scan3A_72 = arith.addi %scan3A_70, %scan3A_71 : i32
      %scan3A_73 = arith.constant 1 : i32
      scf.for %scan3A_325 = %scan3A_70 to %scan3A_72 step %scan3A_73  : i32 {
        %mul3A_326 = arith.constant 64 : i32
        %mul3A_327 = arith.muli %scan3A_325, %mul3A_326 : i32
        %add3A_328 = arith.addi %mul3A_68, %mul3A_327 : i32
        %sub3A_329 = arith.constant 64 : i32
        %sub3A_330 = arith.subi %min3A_66, %sub3A_329 : i32
        %min3A_331 = arith.minsi %add3A_328, %sub3A_330 : i32
        %multiple_of3A_332 = tpu.assume_multiple %min3A_331, 8 : i32
        %add3A_333 = arith.addi %add3A_60, %multiple_of3A_332 : i32
        %multiple_of3A_334 = tpu.assume_multiple %add3A_333, 8 : i32
        %dma_start3A_335 = arith.constant 0 : i32
        %dma_start3A_336 = tpu.memref_slice %arg6[%multiple_of3A_334, %dma_start3A_335] : memref<50000x128xf32, #tpu.memory_space<hbm>> -> memref<64x128xf32, #tpu.memory_space<hbm>>
        %dma_start3A_337 = arith.constant 0 : i32
        %dma_start3A_338 = tpu.memref_slice %arg6[%multiple_of3A_334, %dma_start3A_337] : memref<50000x128xf32, #tpu.memory_space<hbm>> -> memref<64x128xf32, #tpu.memory_space<hbm>>
        tpu.enqueue_dma source(%dma_start3A_338 : memref<64x128xf32, #tpu.memory_space<hbm>>) target(%arg19 : memref<64x128xf32, #tpu.memory_space<vmem>>) target_semaphore(%arg26 : memref<!tpu.dma_semaphore, #tpu.memory_space<semaphore_mem>>)
        %dma_start3A_339 = arith.constant 0 : i32
        %dma_start3A_340 = tpu.memref_slice %arg7[%multiple_of3A_334, %dma_start3A_339] : memref<50000x128xf32, #tpu.memory_space<hbm>> -> memref<64x128xf32, #tpu.memory_space<hbm>>
        %dma_start3A_341 = arith.constant 0 : i32
        %dma_start3A_342 = tpu.memref_slice %arg7[%multiple_of3A_334, %dma_start3A_341] : memref<50000x128xf32, #tpu.memory_space<hbm>> -> memref<64x128xf32, #tpu.memory_space<hbm>>
        tpu.enqueue_dma source(%dma_start3A_342 : memref<64x128xf32, #tpu.memory_space<hbm>>) target(%arg20 : memref<64x128xf32, #tpu.memory_space<vmem>>) target_semaphore(%arg26 : memref<!tpu.dma_semaphore, #tpu.memory_space<semaphore_mem>>)
        %dma_wait3A_343 = arith.constant 0 : i32
        %dma_wait3A_344 = tpu.memref_slice %arg6[%multiple_of3A_334, %dma_wait3A_343] : memref<50000x128xf32, #tpu.memory_space<hbm>> -> memref<64x128xf32, #tpu.memory_space<hbm>>
        %dma_wait3A_345 = arith.constant 0 : i32
        %dma_wait3A_346 = tpu.memref_slice %arg6[%multiple_of3A_334, %dma_wait3A_345] : memref<50000x128xf32, #tpu.memory_space<hbm>> -> memref<64x128xf32, #tpu.memory_space<hbm>>
        tpu.wait_dma2 semaphore(%arg26 : memref<!tpu.dma_semaphore, #tpu.memory_space<semaphore_mem>>) src(%dma_wait3A_346 : memref<64x128xf32, #tpu.memory_space<hbm>>) dst(%arg19 : memref<64x128xf32, #tpu.memory_space<vmem>>)
        %dma_wait3A_347 = arith.constant 0 : i32
        %dma_wait3A_348 = tpu.memref_slice %arg7[%multiple_of3A_334, %dma_wait3A_347] : memref<50000x128xf32, #tpu.memory_space<hbm>> -> memref<64x128xf32, #tpu.memory_space<hbm>>
        %dma_wait3A_349 = arith.constant 0 : i32
        %dma_wait3A_350 = tpu.memref_slice %arg7[%multiple_of3A_334, %dma_wait3A_349] : memref<50000x128xf32, #tpu.memory_space<hbm>> -> memref<64x128xf32, #tpu.memory_space<hbm>>
        tpu.wait_dma2 semaphore(%arg26 : memref<!tpu.dma_semaphore, #tpu.memory_space<semaphore_mem>>) src(%dma_wait3A_350 : memref<64x128xf32, #tpu.memory_space<hbm>>) dst(%arg20 : memref<64x128xf32, #tpu.memory_space<vmem>>)
        %scan3A_351 = arith.constant 0 : i32
        %scan3A_352 = arith.constant 0 : i32
        %scan3A_353 = arith.constant 64 : i32
        %scan3A_354 = arith.addi %scan3A_352, %scan3A_353 : i32
        %scan3A_355 = arith.constant 1 : i32
        scf.for %scan3A_373 = %scan3A_352 to %scan3A_354 step %scan3A_355  : i32 {
          %get3A_374 = arith.index_cast %scan3A_373 : i32 to index
          %get3A_375 = arith.constant 0 : index
          %get3A_376 = tpu.vector_load %arg19[%get3A_374, %get3A_375] {strides = array<i32>} : memref<64x128xf32, #tpu.memory_space<vmem>>, vector<16xf32>,
          %mul3A_377 = arith.mulf %get3A_376, %exp3A : vector<16xf32>
          %swap3A = arith.index_cast %scan3A_373 : i32 to index
          %swap3A_378 = arith.constant 0 : index
          %swap3A_379 = tpu.vector_load %arg19[%swap3A, %swap3A_378] {strides = array<i32>} : memref<64x128xf32, #tpu.memory_space<vmem>>, vector<16xf32>,
          tpu.vector_store %arg19[%swap3A, %swap3A_378], %mul3A_377 {strides = array<i32>} : memref<64x128xf32, #tpu.memory_space<vmem>>, vector<16xf32>,
          %get3A_380 = arith.index_cast %scan3A_373 : i32 to index
          %get3A_381 = arith.constant 0 : index
          %get3A_382 = tpu.vector_load %arg20[%get3A_380, %get3A_381] {strides = array<i32>} : memref<64x128xf32, #tpu.memory_space<vmem>>, vector<16xf32>,
          %mul3A_383 = arith.mulf %get3A_382, %mul3A_8 : vector<16xf32>
          %swap3A_384 = arith.index_cast %scan3A_373 : i32 to index
          %swap3A_385 = arith.constant 0 : index
          %swap3A_386 = tpu.vector_load %arg20[%swap3A_384, %swap3A_385] {strides = array<i32>} : memref<64x128xf32, #tpu.memory_space<vmem>>, vector<16xf32>,
          tpu.vector_store %arg20[%swap3A_384, %swap3A_385], %mul3A_383 {strides = array<i32>} : memref<64x128xf32, #tpu.memory_space<vmem>>, vector<16xf32>,
          %get3A_387 = arith.index_cast %scan3A_373 : i32 to index
          %get3A_388 = arith.constant 16 : index
          %get3A_389 = tpu.vector_load %arg19[%get3A_387, %get3A_388] {strides = array<i32>} : memref<64x128xf32, #tpu.memory_space<vmem>>, vector<16xf32>,
          %mul3A_390 = arith.mulf %get3A_389, %exp3A : vector<16xf32>
          %swap3A_391 = arith.index_cast %scan3A_373 : i32 to index
          %swap3A_392 = arith.constant 16 : index
          %swap3A_393 = tpu.vector_load %arg19[%swap3A_391, %swap3A_392] {strides = array<i32>} : memref<64x128xf32, #tpu.memory_space<vmem>>, vector<16xf32>,
          tpu.vector_store %arg19[%swap3A_391, %swap3A_392], %mul3A_390 {strides = array<i32>} : memref<64x128xf32, #tpu.memory_space<vmem>>, vector<16xf32>,
          %get3A_394 = arith.index_cast %scan3A_373 : i32 to index
          %get3A_395 = arith.constant 16 : index
          %get3A_396 = tpu.vector_load %arg20[%get3A_394, %get3A_395] {strides = array<i32>} : memref<64x128xf32, #tpu.memory_space<vmem>>, vector<16xf32>,
          %mul3A_397 = arith.mulf %get3A_396, %mul3A_8 : vector<16xf32>
          %swap3A_398 = arith.index_cast %scan3A_373 : i32 to index
          %swap3A_399 = arith.constant 16 : index
          %swap3A_400 = tpu.vector_load %arg20[%swap3A_398, %swap3A_399] {strides = array<i32>} : memref<64x128xf32, #tpu.memory_space<vmem>>, vector<16xf32>,
          tpu.vector_store %arg20[%swap3A_398, %swap3A_399], %mul3A_397 {strides = array<i32>} : memref<64x128xf32, #tpu.memory_space<vmem>>, vector<16xf32>,
          %get3A_401 = arith.index_cast %scan3A_373 : i32 to index
          %get3A_402 = arith.constant 32 : index
          %get3A_403 = tpu.vector_load %arg19[%get3A_401, %get3A_402] {strides = array<i32>} : memref<64x128xf32, #tpu.memory_space<vmem>>, vector<16xf32>,
          %mul3A_404 = arith.mulf %get3A_403, %exp3A : vector<16xf32>
          %swap3A_405 = arith.index_cast %scan3A_373 : i32 to index
          %swap3A_406 = arith.constant 32 : index
          %swap3A_407 = tpu.vector_load %arg19[%swap3A_405, %swap3A_406] {strides = array<i32>} : memref<64x128xf32, #tpu.memory_space<vmem>>, vector<16xf32>,
          tpu.vector_store %arg19[%swap3A_405, %swap3A_406], %mul3A_404 {strides = array<i32>} : memref<64x128xf32, #tpu.memory_space<vmem>>, vector<16xf32>,
          %get3A_408 = arith.index_cast %scan3A_373 : i32 to index
          %get3A_409 = arith.constant 32 : index
          %get3A_410 = tpu.vector_load %arg20[%get3A_408, %get3A_409] {strides = array<i32>} : memref<64x128xf32, #tpu.memory_space<vmem>>, vector<16xf32>,
          %mul3A_411 = arith.mulf %get3A_410, %mul3A_8 : vector<16xf32>
          %swap3A_412 = arith.index_cast %scan3A_373 : i32 to index
          %swap3A_413 = arith.constant 32 : index
          %swap3A_414 = tpu.vector_load %arg20[%swap3A_412, %swap3A_413] {strides = array<i32>} : memref<64x128xf32, #tpu.memory_space<vmem>>, vector<16xf32>,
          tpu.vector_store %arg20[%swap3A_412, %swap3A_413], %mul3A_411 {strides = array<i32>} : memref<64x128xf32, #tpu.memory_space<vmem>>, vector<16xf32>,
          %get3A_415 = arith.index_cast %scan3A_373 : i32 to index
          %get3A_416 = arith.constant 48 : index
          %get3A_417 = tpu.vector_load %arg19[%get3A_415, %get3A_416] {strides = array<i32>} : memref<64x128xf32, #tpu.memory_space<vmem>>, vector<16xf32>,
          %mul3A_418 = arith.mulf %get3A_417, %exp3A : vector<16xf32>
          %swap3A_419 = arith.index_cast %scan3A_373 : i32 to index
          %swap3A_420 = arith.constant 48 : index
          %swap3A_421 = tpu.vector_load %arg19[%swap3A_419, %swap3A_420] {strides = array<i32>} : memref<64x128xf32, #tpu.memory_space<vmem>>, vector<16xf32>,
          tpu.vector_store %arg19[%swap3A_419, %swap3A_420], %mul3A_418 {strides = array<i32>} : memref<64x128xf32, #tpu.memory_space<vmem>>, vector<16xf32>,
          %get3A_422 = arith.index_cast %scan3A_373 : i32 to index
          %get3A_423 = arith.constant 48 : index
          %get3A_424 = tpu.vector_load %arg20[%get3A_422, %get3A_423] {strides = array<i32>} : memref<64x128xf32, #tpu.memory_space<vmem>>, vector<16xf32>,
          %mul3A_425 = arith.mulf %get3A_424, %mul3A_8 : vector<16xf32>
          %swap3A_426 = arith.index_cast %scan3A_373 : i32 to index
          %swap3A_427 = arith.constant 48 : index
          %swap3A_428 = tpu.vector_load %arg20[%swap3A_426, %swap3A_427] {strides = array<i32>} : memref<64x128xf32, #tpu.memory_space<vmem>>, vector<16xf32>,
          tpu.vector_store %arg20[%swap3A_426, %swap3A_427], %mul3A_425 {strides = array<i32>} : memref<64x128xf32, #tpu.memory_space<vmem>>, vector<16xf32>,
          %get3A_429 = arith.index_cast %scan3A_373 : i32 to index
          %get3A_430 = arith.constant 64 : index
          %get3A_431 = tpu.vector_load %arg19[%get3A_429, %get3A_430] {strides = array<i32>} : memref<64x128xf32, #tpu.memory_space<vmem>>, vector<16xf32>,
          %mul3A_432 = arith.mulf %get3A_431, %exp3A : vector<16xf32>
          %swap3A_433 = arith.index_cast %scan3A_373 : i32 to index
          %swap3A_434 = arith.constant 64 : index
          %swap3A_435 = tpu.vector_load %arg19[%swap3A_433, %swap3A_434] {strides = array<i32>} : memref<64x128xf32, #tpu.memory_space<vmem>>, vector<16xf32>,
          tpu.vector_store %arg19[%swap3A_433, %swap3A_434], %mul3A_432 {strides = array<i32>} : memref<64x128xf32, #tpu.memory_space<vmem>>, vector<16xf32>,
          %get3A_436 = arith.index_cast %scan3A_373 : i32 to index
          %get3A_437 = arith.constant 64 : index
          %get3A_438 = tpu.vector_load %arg20[%get3A_436, %get3A_437] {strides = array<i32>} : memref<64x128xf32, #tpu.memory_space<vmem>>, vector<16xf32>,
          %mul3A_439 = arith.mulf %get3A_438, %mul3A_8 : vector<16xf32>
          %swap3A_440 = arith.index_cast %scan3A_373 : i32 to index
          %swap3A_441 = arith.constant 64 : index
          %swap3A_442 = tpu.vector_load %arg20[%swap3A_440, %swap3A_441] {strides = array<i32>} : memref<64x128xf32, #tpu.memory_space<vmem>>, vector<16xf32>,
          tpu.vector_store %arg20[%swap3A_440, %swap3A_441], %mul3A_439 {strides = array<i32>} : memref<64x128xf32, #tpu.memory_space<vmem>>, vector<16xf32>,
          %get3A_443 = arith.index_cast %scan3A_373 : i32 to index
          %get3A_444 = arith.constant 80 : index
          %get3A_445 = tpu.vector_load %arg19[%get3A_443, %get3A_444] {strides = array<i32>} : memref<64x128xf32, #tpu.memory_space<vmem>>, vector<16xf32>,
          %mul3A_446 = arith.mulf %get3A_445, %exp3A : vector<16xf32>
          %swap3A_447 = arith.index_cast %scan3A_373 : i32 to index
          %swap3A_448 = arith.constant 80 : index
          %swap3A_449 = tpu.vector_load %arg19[%swap3A_447, %swap3A_448] {strides = array<i32>} : memref<64x128xf32, #tpu.memory_space<vmem>>, vector<16xf32>,
          tpu.vector_store %arg19[%swap3A_447, %swap3A_448], %mul3A_446 {strides = array<i32>} : memref<64x128xf32, #tpu.memory_space<vmem>>, vector<16xf32>,
          %get3A_450 = arith.index_cast %scan3A_373 : i32 to index
          %get3A_451 = arith.constant 80 : index
          %get3A_452 = tpu.vector_load %arg20[%get3A_450, %get3A_451] {strides = array<i32>} : memref<64x128xf32, #tpu.memory_space<vmem>>, vector<16xf32>,
          %mul3A_453 = arith.mulf %get3A_452, %mul3A_8 : vector<16xf32>
          %swap3A_454 = arith.index_cast %scan3A_373 : i32 to index
          %swap3A_455 = arith.constant 80 : index
          %swap3A_456 = tpu.vector_load %arg20[%swap3A_454, %swap3A_455] {strides = array<i32>} : memref<64x128xf32, #tpu.memory_space<vmem>>, vector<16xf32>,
          tpu.vector_store %arg20[%swap3A_454, %swap3A_455], %mul3A_453 {strides = array<i32>} : memref<64x128xf32, #tpu.memory_space<vmem>>, vector<16xf32>,
          %get3A_457 = arith.index_cast %scan3A_373 : i32 to index
          %get3A_458 = arith.constant 96 : index
          %get3A_459 = tpu.vector_load %arg19[%get3A_457, %get3A_458] {strides = array<i32>} : memref<64x128xf32, #tpu.memory_space<vmem>>, vector<16xf32>,
          %mul3A_460 = arith.mulf %get3A_459, %exp3A : vector<16xf32>
          %swap3A_461 = arith.index_cast %scan3A_373 : i32 to index
          %swap3A_462 = arith.constant 96 : index
          %swap3A_463 = tpu.vector_load %arg19[%swap3A_461, %swap3A_462] {strides = array<i32>} : memref<64x128xf32, #tpu.memory_space<vmem>>, vector<16xf32>,
          tpu.vector_store %arg19[%swap3A_461, %swap3A_462], %mul3A_460 {strides = array<i32>} : memref<64x128xf32, #tpu.memory_space<vmem>>, vector<16xf32>,
          %get3A_464 = arith.index_cast %scan3A_373 : i32 to index
          %get3A_465 = arith.constant 96 : index
          %get3A_466 = tpu.vector_load %arg20[%get3A_464, %get3A_465] {strides = array<i32>} : memref<64x128xf32, #tpu.memory_space<vmem>>, vector<16xf32>,
          %mul3A_467 = arith.mulf %get3A_466, %mul3A_8 : vector<16xf32>
          %swap3A_468 = arith.index_cast %scan3A_373 : i32 to index
          %swap3A_469 = arith.constant 96 : index
          %swap3A_470 = tpu.vector_load %arg20[%swap3A_468, %swap3A_469] {strides = array<i32>} : memref<64x128xf32, #tpu.memory_space<vmem>>, vector<16xf32>,
          tpu.vector_store %arg20[%swap3A_468, %swap3A_469], %mul3A_467 {strides = array<i32>} : memref<64x128xf32, #tpu.memory_space<vmem>>, vector<16xf32>,
          %get3A_471 = arith.index_cast %scan3A_373 : i32 to index
          %get3A_472 = arith.constant 112 : index
          %get3A_473 = tpu.vector_load %arg19[%get3A_471, %get3A_472] {strides = array<i32>} : memref<64x128xf32, #tpu.memory_space<vmem>>, vector<16xf32>,
          %mul3A_474 = arith.mulf %get3A_473, %exp3A : vector<16xf32>
          %swap3A_475 = arith.index_cast %scan3A_373 : i32 to index
          %swap3A_476 = arith.constant 112 : index
          %swap3A_477 = tpu.vector_load %arg19[%swap3A_475, %swap3A_476] {strides = array<i32>} : memref<64x128xf32, #tpu.memory_space<vmem>>, vector<16xf32>,
          tpu.vector_store %arg19[%swap3A_475, %swap3A_476], %mul3A_474 {strides = array<i32>} : memref<64x128xf32, #tpu.memory_space<vmem>>, vector<16xf32>,
          %get3A_478 = arith.index_cast %scan3A_373 : i32 to index
          %get3A_479 = arith.constant 112 : index
          %get3A_480 = tpu.vector_load %arg20[%get3A_478, %get3A_479] {strides = array<i32>} : memref<64x128xf32, #tpu.memory_space<vmem>>, vector<16xf32>,
          %mul3A_481 = arith.mulf %get3A_480, %mul3A_8 : vector<16xf32>
          %swap3A_482 = arith.index_cast %scan3A_373 : i32 to index
          %swap3A_483 = arith.constant 112 : index
          %swap3A_484 = tpu.vector_load %arg20[%swap3A_482, %swap3A_483] {strides = array<i32>} : memref<64x128xf32, #tpu.memory_space<vmem>>, vector<16xf32>,
          tpu.vector_store %arg20[%swap3A_482, %swap3A_483], %mul3A_481 {strides = array<i32>} : memref<64x128xf32, #tpu.memory_space<vmem>>, vector<16xf32>,
        }
        %scan3A_356 = arith.constant 64 : i32
        %dma_start3A_357 = arith.constant 0 : i32
        %dma_start3A_358 = tpu.memref_slice %arg24[%multiple_of3A_332, %dma_start3A_357] : memref<4200x128xf32, #tpu.memory_space<vmem_shared>> -> memref<64x128xf32, #tpu.memory_space<vmem_shared>>
        %dma_start3A_359 = arith.constant 0 : i32
        %dma_start3A_360 = tpu.memref_slice %arg24[%multiple_of3A_332, %dma_start3A_359] : memref<4200x128xf32, #tpu.memory_space<vmem_shared>> -> memref<64x128xf32, #tpu.memory_space<vmem_shared>>
        tpu.enqueue_dma source(%arg19 : memref<64x128xf32, #tpu.memory_space<vmem>>) target(%dma_start3A_360 : memref<64x128xf32, #tpu.memory_space<vmem_shared>>) target_semaphore(%arg28 : memref<!tpu.dma_semaphore, #tpu.memory_space<semaphore_mem>>)
        %dma_start3A_361 = arith.constant 0 : i32
        %dma_start3A_362 = tpu.memref_slice %arg25[%multiple_of3A_332, %dma_start3A_361] : memref<4200x128xf32, #tpu.memory_space<vmem_shared>> -> memref<64x128xf32, #tpu.memory_space<vmem_shared>>
        %dma_start3A_363 = arith.constant 0 : i32
        %dma_start3A_364 = tpu.memref_slice %arg25[%multiple_of3A_332, %dma_start3A_363] : memref<4200x128xf32, #tpu.memory_space<vmem_shared>> -> memref<64x128xf32, #tpu.memory_space<vmem_shared>>
        tpu.enqueue_dma source(%arg20 : memref<64x128xf32, #tpu.memory_space<vmem>>) target(%dma_start3A_364 : memref<64x128xf32, #tpu.memory_space<vmem_shared>>) target_semaphore(%arg28 : memref<!tpu.dma_semaphore, #tpu.memory_space<semaphore_mem>>)
        %dma_wait3A_365 = arith.constant 0 : i32
        %dma_wait3A_366 = tpu.memref_slice %arg24[%multiple_of3A_332, %dma_wait3A_365] : memref<4200x128xf32, #tpu.memory_space<vmem_shared>> -> memref<64x128xf32, #tpu.memory_space<vmem_shared>>
        %dma_wait3A_367 = arith.constant 0 : i32
        %dma_wait3A_368 = tpu.memref_slice %arg24[%multiple_of3A_332, %dma_wait3A_367] : memref<4200x128xf32, #tpu.memory_space<vmem_shared>> -> memref<64x128xf32, #tpu.memory_space<vmem_shared>>
        tpu.wait_dma2 semaphore(%arg28 : memref<!tpu.dma_semaphore, #tpu.memory_space<semaphore_mem>>) src(%arg19 : memref<64x128xf32, #tpu.memory_space<vmem>>) dst(%dma_wait3A_368 : memref<64x128xf32, #tpu.memory_space<vmem_shared>>)
        %dma_wait3A_369 = arith.constant 0 : i32
        %dma_wait3A_370 = tpu.memref_slice %arg25[%multiple_of3A_332, %dma_wait3A_369] : memref<4200x128xf32, #tpu.memory_space<vmem_shared>> -> memref<64x128xf32, #tpu.memory_space<vmem_shared>>
        %dma_wait3A_371 = arith.constant 0 : i32
        %dma_wait3A_372 = tpu.memref_slice %arg25[%multiple_of3A_332, %dma_wait3A_371] : memref<4200x128xf32, #tpu.memory_space<vmem_shared>> -> memref<64x128xf32, #tpu.memory_space<vmem_shared>>
        tpu.wait_dma2 semaphore(%arg28 : memref<!tpu.dma_semaphore, #tpu.memory_space<semaphore_mem>>) src(%arg20 : memref<64x128xf32, #tpu.memory_space<vmem>>) dst(%dma_wait3A_372 : memref<64x128xf32, #tpu.memory_space<vmem_shared>>)
      }
      %scan3A_74 = arith.constant 5 : i32
      %barrier3A = arith.constant 0 : index
      tpu.barrier barrier_id(%barrier3A)
      %broadcast_in_dim3A_75 = vector.broadcast %add3A_60 : i32 to vector<16xi32>
      %add3A_76 = vector.broadcast %min3A_66 : i32 to vector<16xi32>
      %add3A_77 = arith.addi %broadcast_in_dim3A_75, %add3A_76 : vector<16xi32>
      %scan3A_78 = arith.constant 0 : i32
      %scan3A_79 = arith.constant 0 : i32
      %scan3A_80 = arith.constant 391 : i32
      %scan3A_81 = arith.addi %scan3A_79, %scan3A_80 : i32
      %scan3A_82 = arith.constant 1 : i32
      %scan3A_83 = scf.for %scan3A_325 = %scan3A_79 to %scan3A_81 step %scan3A_82 iter_args(%scan3A_326 = %scan3A_78) -> (i32)  : i32 {
        %mul3A_327 = arith.constant 16 : i32
        %mul3A_328 = arith.muli %scan3A_325, %mul3A_327 : i32
        %get3A_329 = arith.index_cast %mul3A_328 : i32 to index
        %get3A_330 = tpu.vector_load %arg9[%get3A_329] {strides = array<i32>} : memref<6256xi32, #tpu.memory_space<vmem>>, vector<16xi32>,
        %get3A_331 = arith.index_cast %mul3A_328 : i32 to index
        %get3A_332 = tpu.vector_load %arg10[%get3A_331] {strides = array<i32>} : memref<6256xi32, #tpu.memory_space<vmem>>, vector<16xi32>,
        %get3A_333 = arith.index_cast %mul3A_328 : i32 to index
        %get3A_334 = tpu.vector_load %arg11[%get3A_333] {strides = array<i32>} : memref<6256xf32, #tpu.memory_space<vmem>>, vector<16xf32>,
        %ge3A_335 = arith.cmpi sge, %get3A_330, %broadcast_in_dim3A_75 : vector<16xi32>
        %lt3A = arith.cmpi slt, %get3A_330, %add3A_77 : vector<16xi32>
        %and3A_336 = arith.andi %ge3A_335, %lt3A : vector<16xi1>
        %jit3A_337 = arith.constant 1 : i32
        %jit3A_338 = arith.constant 0 : i32
        %broadcast_in_dim3A_339 = vector.broadcast %jit3A_337 : i32 to vector<16xi32>
        %broadcast_in_dim3A_340 = vector.broadcast %jit3A_338 : i32 to vector<16xi32>
        %select_n3A_341 = arith.select %and3A_336, %broadcast_in_dim3A_339, %broadcast_in_dim3A_340 : vector<16xi1>, vector<16xi32>
        %broadcast_in_dim3A_342 = arith.constant true
        %broadcast_in_dim3A_343 = vector.broadcast %broadcast_in_dim3A_342 : i1 to vector<16xi1>
        %masked_cumsum3A = tpu.scan <sum>, %select_n3A_341 masked %broadcast_in_dim3A_343 : vector<16xi32>, vector<16xi1> -> vector<16xi32>
        %sub3A_344 = arith.constant 1 : i32
        %sub3A_345 = vector.broadcast %sub3A_344 : i32 to vector<16xi32>
        %sub3A_346 = arith.subi %masked_cumsum3A, %sub3A_345 : vector<16xi32>
        %add3A_347 = vector.broadcast %scan3A_326 : i32 to vector<16xi32>
        %add3A_348 = arith.addi %sub3A_346, %add3A_347 : vector<16xi32>
        %select_n3A_349 = arith.select %and3A_336, %add3A_348, %add3A : vector<16xi1>, vector<16xi32>
        %sub3A_350 = arith.subi %get3A_330, %broadcast_in_dim3A_75 : vector<16xi32>
        tpu.vector_store_idx %arg12[%select_n3A_349], %sub3A_350 : memref<2224xi32, #tpu.memory_space<vmem>>[vector<16xi32>], vector<16xi32>,
        tpu.vector_store_idx %arg13[%select_n3A_349], %get3A_332 : memref<2224xi32, #tpu.memory_space<vmem>>[vector<16xi32>], vector<16xi32>,
        tpu.vector_store_idx %arg14[%select_n3A_349], %get3A_334 : memref<2224xf32, #tpu.memory_space<vmem>>[vector<16xi32>], vector<16xf32>,
        %slice3A_351 = vector.extract_strided_slice %masked_cumsum3A {offsets = [15], sizes = [1], strides = [1]} : vector<16xi32> to vector<1xi32>
        %squeeze3A_352 = vector.extract %slice3A_351[0] : i32 from vector<1xi32>
        %add3A_353 = arith.addi %scan3A_326, %squeeze3A_352 : i32
        %ge3A_354 = arith.cmpi sge, %get3A_332, %broadcast_in_dim3A_75 : vector<16xi32>
        %lt3A_355 = arith.cmpi slt, %get3A_332, %add3A_77 : vector<16xi32>
        %and3A_356 = arith.andi %ge3A_354, %lt3A_355 : vector<16xi1>
        %jit3A_357 = arith.constant 1 : i32
        %jit3A_358 = arith.constant 0 : i32
        %broadcast_in_dim3A_359 = vector.broadcast %jit3A_357 : i32 to vector<16xi32>
        %broadcast_in_dim3A_360 = vector.broadcast %jit3A_358 : i32 to vector<16xi32>
        %select_n3A_361 = arith.select %and3A_356, %broadcast_in_dim3A_359, %broadcast_in_dim3A_360 : vector<16xi1>, vector<16xi32>
        %broadcast_in_dim3A_362 = arith.constant true
        %broadcast_in_dim3A_363 = vector.broadcast %broadcast_in_dim3A_362 : i1 to vector<16xi1>
        %masked_cumsum3A_364 = tpu.scan <sum>, %select_n3A_361 masked %broadcast_in_dim3A_363 : vector<16xi32>, vector<16xi1> -> vector<16xi32>
        %sub3A_365 = arith.constant 1 : i32
        %sub3A_366 = vector.broadcast %sub3A_365 : i32 to vector<16xi32>
        %sub3A_367 = arith.subi %masked_cumsum3A_364, %sub3A_366 : vector<16xi32>
        %add3A_368 = vector.broadcast %add3A_353 : i32 to vector<16xi32>
        %add3A_369 = arith.addi %sub3A_367, %add3A_368 : vector<16xi32>
        %select_n3A_370 = arith.select %and3A_356, %add3A_369, %add3A : vector<16xi1>, vector<16xi32>
        %sub3A_371 = arith.subi %get3A_332, %broadcast_in_dim3A_75 : vector<16xi32>
        tpu.vector_store_idx %arg12[%select_n3A_370], %sub3A_371 : memref<2224xi32, #tpu.memory_space<vmem>>[vector<16xi32>], vector<16xi32>,
        tpu.vector_store_idx %arg13[%select_n3A_370], %get3A_330 : memref<2224xi32, #tpu.memory_space<vmem>>[vector<16xi32>], vector<16xi32>,
        tpu.vector_store_idx %arg14[%select_n3A_370], %get3A_334 : memref<2224xf32, #tpu.memory_space<vmem>>[vector<16xi32>], vector<16xf32>,
        %slice3A_372 = vector.extract_strided_slice %masked_cumsum3A_364 {offsets = [15], sizes = [1], strides = [1]} : vector<16xi32> to vector<1xi32>
        %squeeze3A_373 = vector.extract %slice3A_372[0] : i32 from vector<1xi32>
        %add3A_374 = arith.addi %add3A_353, %squeeze3A_373 : i32
        %ge3A_375 = arith.constant 2048 : i32
        %ge3A_376 = arith.cmpi sge, %add3A_374, %ge3A_375 : i32
        %convert_element_type3A_377 = arith.extui %ge3A_376 : i1 to i32
        %cond3A_378 = arith.constant 0 : i32
        %cond3A_379 = arith.cmpi ne, %convert_element_type3A_377, %cond3A_378 : i32
        scf.if %cond3A_379 {
          %add3A_384 = arith.constant 0 : i32
          %add3A_385 = arith.addi %add3A_374, %add3A_384 : i32
          %broadcast_in_dim3A_386 = vector.broadcast %add3A_385 : i32 to vector<16xi32>
          %add3A_387 = arith.addi %broadcast_in_dim3A_386, %iota3A : vector<16xi32>
          tpu.vector_store_idx %arg12[%add3A_387], %broadcast_in_dim3A_14 : memref<2224xi32, #tpu.memory_space<vmem>>[vector<16xi32>], vector<16xi32>,
          tpu.vector_store_idx %arg13[%add3A_387], %broadcast_in_dim3A_14 : memref<2224xi32, #tpu.memory_space<vmem>>[vector<16xi32>], vector<16xi32>,
          tpu.vector_store_idx %arg14[%add3A_387], %broadcast_in_dim3A_12 : memref<2224xf32, #tpu.memory_space<vmem>>[vector<16xi32>], vector<16xf32>,
          %add3A_388 = arith.constant 16 : i32
          %add3A_389 = arith.addi %add3A_374, %add3A_388 : i32
          %broadcast_in_dim3A_390 = vector.broadcast %add3A_389 : i32 to vector<16xi32>
          %add3A_391 = arith.addi %broadcast_in_dim3A_390, %iota3A : vector<16xi32>
          tpu.vector_store_idx %arg12[%add3A_391], %broadcast_in_dim3A_14 : memref<2224xi32, #tpu.memory_space<vmem>>[vector<16xi32>], vector<16xi32>,
          tpu.vector_store_idx %arg13[%add3A_391], %broadcast_in_dim3A_14 : memref<2224xi32, #tpu.memory_space<vmem>>[vector<16xi32>], vector<16xi32>,
          tpu.vector_store_idx %arg14[%add3A_391], %broadcast_in_dim3A_12 : memref<2224xf32, #tpu.memory_space<vmem>>[vector<16xi32>], vector<16xf32>,
          %add3A_392 = arith.constant 32 : i32
          %add3A_393 = arith.addi %add3A_374, %add3A_392 : i32
          %broadcast_in_dim3A_394 = vector.broadcast %add3A_393 : i32 to vector<16xi32>
          %add3A_395 = arith.addi %broadcast_in_dim3A_394, %iota3A : vector<16xi32>
          tpu.vector_store_idx %arg12[%add3A_395], %broadcast_in_dim3A_14 : memref<2224xi32, #tpu.memory_space<vmem>>[vector<16xi32>], vector<16xi32>,
          tpu.vector_store_idx %arg13[%add3A_395], %broadcast_in_dim3A_14 : memref<2224xi32, #tpu.memory_space<vmem>>[vector<16xi32>], vector<16xi32>,
          tpu.vector_store_idx %arg14[%add3A_395], %broadcast_in_dim3A_12 : memref<2224xf32, #tpu.memory_space<vmem>>[vector<16xi32>], vector<16xf32>,
          %add3A_396 = arith.constant 48 : i32
          %add3A_397 = arith.addi %add3A_374, %add3A_396 : i32
          %broadcast_in_dim3A_398 = vector.broadcast %add3A_397 : i32 to vector<16xi32>
          %add3A_399 = arith.addi %broadcast_in_dim3A_398, %iota3A : vector<16xi32>
          tpu.vector_store_idx %arg12[%add3A_399], %broadcast_in_dim3A_14 : memref<2224xi32, #tpu.memory_space<vmem>>[vector<16xi32>], vector<16xi32>,
          tpu.vector_store_idx %arg13[%add3A_399], %broadcast_in_dim3A_14 : memref<2224xi32, #tpu.memory_space<vmem>>[vector<16xi32>], vector<16xi32>,
          tpu.vector_store_idx %arg14[%add3A_399], %broadcast_in_dim3A_12 : memref<2224xf32, #tpu.memory_space<vmem>>[vector<16xi32>], vector<16xf32>,
          %add3A_400 = arith.constant 64 : i32
          %add3A_401 = arith.addi %add3A_374, %add3A_400 : i32
          %sub3A_402 = arith.constant 1 : i32
          %sub3A_403 = arith.subi %add3A_401, %sub3A_402 : i32
          %jit3A_404 = arith.constant 64 : i32
          %div3A_405 = arith.divsi %sub3A_403, %jit3A_404 : i32
          %sign3A_406 = arith.constant 0 : i32
          %sign3A_407 = arith.cmpi sgt, %sub3A_403, %sign3A_406 : i32
          %sign3A_408 = arith.extui %sign3A_407 : i1 to i32
          %sign3A_409 = arith.constant 0 : i32
          %sign3A_410 = arith.cmpi slt, %sub3A_403, %sign3A_409 : i32
          %sign3A_411 = arith.extui %sign3A_410 : i1 to i32
          %sign3A_412 = arith.subi %sign3A_408, %sign3A_411 : i32
          %sign3A_413 = arith.constant 0 : i32
          %sign3A_414 = arith.cmpi sgt, %jit3A_404, %sign3A_413 : i32
          %sign3A_415 = arith.extui %sign3A_414 : i1 to i32
          %sign3A_416 = arith.constant 0 : i32
          %sign3A_417 = arith.cmpi slt, %jit3A_404, %sign3A_416 : i32
          %sign3A_418 = arith.extui %sign3A_417 : i1 to i32
          %sign3A_419 = arith.subi %sign3A_415, %sign3A_418 : i32
          %ne3A_420 = arith.cmpi ne, %sign3A_412, %sign3A_419 : i32
          %rem3A_421 = arith.remsi %sub3A_403, %jit3A_404 : i32
          %ne3A_422 = arith.constant 0 : i32
          %ne3A_423 = arith.cmpi ne, %rem3A_421, %ne3A_422 : i32
          %and3A_424 = arith.andi %ne3A_420, %ne3A_423 : i1
          %sub3A_425 = arith.constant 1 : i32
          %sub3A_426 = arith.subi %div3A_405, %sub3A_425 : i32
          %select_n3A_427 = arith.select %and3A_424, %sub3A_426, %div3A_405 : i32
          %add3A_428 = arith.constant 1 : i32
          %add3A_429 = arith.addi %select_n3A_427, %add3A_428 : i32
          %jit3A_430 = arith.constant 2 : i32
          %div3A_431 = arith.divsi %add3A_429, %jit3A_430 : i32
          %sign3A_432 = arith.constant 0 : i32
          %sign3A_433 = arith.cmpi sgt, %add3A_429, %sign3A_432 : i32
          %sign3A_434 = arith.extui %sign3A_433 : i1 to i32
          %sign3A_435 = arith.constant 0 : i32
          %sign3A_436 = arith.cmpi slt, %add3A_429, %sign3A_435 : i32
          %sign3A_437 = arith.extui %sign3A_436 : i1 to i32
          %sign3A_438 = arith.subi %sign3A_434, %sign3A_437 : i32
          %sign3A_439 = arith.constant 0 : i32
          %sign3A_440 = arith.cmpi sgt, %jit3A_430, %sign3A_439 : i32
          %sign3A_441 = arith.extui %sign3A_440 : i1 to i32
          %sign3A_442 = arith.constant 0 : i32
          %sign3A_443 = arith.cmpi slt, %jit3A_430, %sign3A_442 : i32
          %sign3A_444 = arith.extui %sign3A_443 : i1 to i32
          %sign3A_445 = arith.subi %sign3A_441, %sign3A_444 : i32
          %ne3A_446 = arith.cmpi ne, %sign3A_438, %sign3A_445 : i32
          %rem3A_447 = arith.remsi %add3A_429, %jit3A_430 : i32
          %ne3A_448 = arith.constant 0 : i32
          %ne3A_449 = arith.cmpi ne, %rem3A_447, %ne3A_448 : i32
          %and3A_450 = arith.andi %ne3A_446, %ne3A_449 : i1
          %sub3A_451 = arith.constant 1 : i32
          %sub3A_452 = arith.subi %div3A_431, %sub3A_451 : i32
          %select_n3A_453 = arith.select %and3A_450, %sub3A_452, %div3A_431 : i32
          %while3A_454 = arith.constant 0 : i32
          %while3A_455 = arith.constant 0 : i32
          %while3A_456 = arith.subi %select_n3A_453, %while3A_455 : i32
          %while3A_457 = arith.addi %while3A_455, %while3A_456 : i32
          %while3A_458 = arith.constant 1 : i32
          %while3A_459 = arith.divsi %while3A_456, %while3A_458 : i32
          %while3A_460 = arith.muli %while3A_459, %while3A_458 : i32
          %while3A_461 = arith.addi %while3A_455, %while3A_460 : i32
          %while3A_462 = arith.constant 1 : i32
          scf.for %while3A_474 = %while3A_455 to %while3A_461 step %while3A_462  : i32 {
            %mul3A_475 = arith.constant 2 : i32
            %mul3A_476 = arith.muli %while3A_474, %mul3A_475 : i32
            %add3A_477 = arith.constant 0 : i32
            %add3A_478 = arith.addi %mul3A_476, %add3A_477 : i32
            %lt3A_479 = arith.cmpi slt, %add3A_478, %select_n3A_427 : i32
            %ge3A_480 = arith.constant 2 : i32
            %ge3A_481 = arith.cmpi sge, %add3A_478, %ge3A_480 : i32
            %and3A_482 = arith.andi %lt3A_479, %ge3A_481 : i1
            %convert_element_type3A_483 = arith.extui %and3A_482 : i1 to i32
            %cond3A_484 = arith.constant 0 : i32
            %cond3A_485 = arith.cmpi ne, %convert_element_type3A_483, %cond3A_484 : i32
            scf.if %cond3A_485 {
              %dma_wait3A_521 = arith.constant 0 : i32
              %dma_wait3A_522 = arith.constant 0 : i32
              %dma_wait3A_523 = tpu.memref_slice %arg24[%dma_wait3A_521, %dma_wait3A_522] : memref<4200x128xf32, #tpu.memory_space<vmem_shared>> -> memref<4200x128xf32, #tpu.memory_space<vmem_shared>>
              tpu.wait_indirect_dma semaphore(%arg28 : memref<!tpu.dma_semaphore, #tpu.memory_space<semaphore_mem>>) src(%arg19 : memref<64x128xf32, #tpu.memory_space<vmem>>) dst(%dma_wait3A_523 : memref<4200x128xf32, #tpu.memory_space<vmem_shared>>)
              %dma_wait3A_524 = arith.constant 0 : i32
              %dma_wait3A_525 = arith.constant 0 : i32
              %dma_wait3A_526 = tpu.memref_slice %arg25[%dma_wait3A_524, %dma_wait3A_525] : memref<4200x128xf32, #tpu.memory_space<vmem_shared>> -> memref<4200x128xf32, #tpu.memory_space<vmem_shared>>
              tpu.wait_indirect_dma semaphore(%arg28 : memref<!tpu.dma_semaphore, #tpu.memory_space<semaphore_mem>>) src(%arg20 : memref<64x128xf32, #tpu.memory_space<vmem>>) dst(%dma_wait3A_526 : memref<4200x128xf32, #tpu.memory_space<vmem_shared>>)
            } else {
            }
            %lt3A_486 = arith.cmpi slt, %add3A_478, %select_n3A_427 : i32
            %convert_element_type3A_487 = arith.extui %lt3A_486 : i1 to i32
            %cond3A_488 = arith.constant 0 : i32
            %cond3A_489 = arith.cmpi ne, %convert_element_type3A_487, %cond3A_488 : i32
            scf.if %cond3A_489 {
              %mul3A_521 = arith.constant 64 : i32
              %mul3A_522 = arith.muli %add3A_478, %mul3A_521 : i32
              %add3A_523 = arith.constant 0 : i32
              %add3A_524 = arith.addi %mul3A_522, %add3A_523 : i32
              %get3A_525 = arith.index_cast %add3A_524 : i32 to index
              %get3A_526 = tpu.vector_load %arg12[%get3A_525] {strides = array<i32>} : memref<2224xi32, #tpu.memory_space<vmem>>, vector<16xi32>,
              %swap3A = arith.constant 0 : index
              %swap3A_527 = tpu.vector_load %arg15[%swap3A] {strides = array<i32>} : memref<64xi32, #tpu.memory_space<vmem>>, vector<16xi32>,
              tpu.vector_store %arg15[%swap3A], %get3A_526 {strides = array<i32>} : memref<64xi32, #tpu.memory_space<vmem>>, vector<16xi32>,
              %mul3A_528 = arith.constant 64 : i32
              %mul3A_529 = arith.muli %add3A_478, %mul3A_528 : i32
              %add3A_530 = arith.constant 0 : i32
              %add3A_531 = arith.addi %mul3A_529, %add3A_530 : i32
              %get3A_532 = arith.index_cast %add3A_531 : i32 to index
              %get3A_533 = tpu.vector_load %arg13[%get3A_532] {strides = array<i32>} : memref<2224xi32, #tpu.memory_space<vmem>>, vector<16xi32>,
              %swap3A_534 = arith.constant 0 : index
              %swap3A_535 = tpu.vector_load %arg16[%swap3A_534] {strides = array<i32>} : memref<64xi32, #tpu.memory_space<vmem>>, vector<16xi32>,
              tpu.vector_store %arg16[%swap3A_534], %get3A_533 {strides = array<i32>} : memref<64xi32, #tpu.memory_space<vmem>>, vector<16xi32>,
              %mul3A_536 = arith.constant 64 : i32
              %mul3A_537 = arith.muli %add3A_478, %mul3A_536 : i32
              %add3A_538 = arith.constant 16 : i32
              %add3A_539 = arith.addi %mul3A_537, %add3A_538 : i32
              %get3A_540 = arith.index_cast %add3A_539 : i32 to index
              %get3A_541 = tpu.vector_load %arg12[%get3A_540] {strides = array<i32>} : memref<2224xi32, #tpu.memory_space<vmem>>, vector<16xi32>,
              %swap3A_542 = arith.constant 16 : index
              %swap3A_543 = tpu.vector_load %arg15[%swap3A_542] {strides = array<i32>} : memref<64xi32, #tpu.memory_space<vmem>>, vector<16xi32>,
              tpu.vector_store %arg15[%swap3A_542], %get3A_541 {strides = array<i32>} : memref<64xi32, #tpu.memory_space<vmem>>, vector<16xi32>,
              %mul3A_544 = arith.constant 64 : i32
              %mul3A_545 = arith.muli %add3A_478, %mul3A_544 : i32
              %add3A_546 = arith.constant 16 : i32
              %add3A_547 = arith.addi %mul3A_545, %add3A_546 : i32
              %get3A_548 = arith.index_cast %add3A_547 : i32 to index
              %get3A_549 = tpu.vector_load %arg13[%get3A_548] {strides = array<i32>} : memref<2224xi32, #tpu.memory_space<vmem>>, vector<16xi32>,
              %swap3A_550 = arith.constant 16 : index
              %swap3A_551 = tpu.vector_load %arg16[%swap3A_550] {strides = array<i32>} : memref<64xi32, #tpu.memory_space<vmem>>, vector<16xi32>,
              tpu.vector_store %arg16[%swap3A_550], %get3A_549 {strides = array<i32>} : memref<64xi32, #tpu.memory_space<vmem>>, vector<16xi32>,
              %mul3A_552 = arith.constant 64 : i32
              %mul3A_553 = arith.muli %add3A_478, %mul3A_552 : i32
              %add3A_554 = arith.constant 32 : i32
              %add3A_555 = arith.addi %mul3A_553, %add3A_554 : i32
              %get3A_556 = arith.index_cast %add3A_555 : i32 to index
              %get3A_557 = tpu.vector_load %arg12[%get3A_556] {strides = array<i32>} : memref<2224xi32, #tpu.memory_space<vmem>>, vector<16xi32>,
              %swap3A_558 = arith.constant 32 : index
              %swap3A_559 = tpu.vector_load %arg15[%swap3A_558] {strides = array<i32>} : memref<64xi32, #tpu.memory_space<vmem>>, vector<16xi32>,
              tpu.vector_store %arg15[%swap3A_558], %get3A_557 {strides = array<i32>} : memref<64xi32, #tpu.memory_space<vmem>>, vector<16xi32>,
              %mul3A_560 = arith.constant 64 : i32
              %mul3A_561 = arith.muli %add3A_478, %mul3A_560 : i32
              %add3A_562 = arith.constant 32 : i32
              %add3A_563 = arith.addi %mul3A_561, %add3A_562 : i32
              %get3A_564 = arith.index_cast %add3A_563 : i32 to index
              %get3A_565 = tpu.vector_load %arg13[%get3A_564] {strides = array<i32>} : memref<2224xi32, #tpu.memory_space<vmem>>, vector<16xi32>,
              %swap3A_566 = arith.constant 32 : index
              %swap3A_567 = tpu.vector_load %arg16[%swap3A_566] {strides = array<i32>} : memref<64xi32, #tpu.memory_space<vmem>>, vector<16xi32>,
              tpu.vector_store %arg16[%swap3A_566], %get3A_565 {strides = array<i32>} : memref<64xi32, #tpu.memory_space<vmem>>, vector<16xi32>,
              %mul3A_568 = arith.constant 64 : i32
              %mul3A_569 = arith.muli %add3A_478, %mul3A_568 : i32
              %add3A_570 = arith.constant 48 : i32
              %add3A_571 = arith.addi %mul3A_569, %add3A_570 : i32
              %get3A_572 = arith.index_cast %add3A_571 : i32 to index
              %get3A_573 = tpu.vector_load %arg12[%get3A_572] {strides = array<i32>} : memref<2224xi32, #tpu.memory_space<vmem>>, vector<16xi32>,
              %swap3A_574 = arith.constant 48 : index
              %swap3A_575 = tpu.vector_load %arg15[%swap3A_574] {strides = array<i32>} : memref<64xi32, #tpu.memory_space<vmem>>, vector<16xi32>,
              tpu.vector_store %arg15[%swap3A_574], %get3A_573 {strides = array<i32>} : memref<64xi32, #tpu.memory_space<vmem>>, vector<16xi32>,
              %mul3A_576 = arith.constant 64 : i32
              %mul3A_577 = arith.muli %add3A_478, %mul3A_576 : i32
              %add3A_578 = arith.constant 48 : i32
              %add3A_579 = arith.addi %mul3A_577, %add3A_578 : i32
              %get3A_580 = arith.index_cast %add3A_579 : i32 to index
              %get3A_581 = tpu.vector_load %arg13[%get3A_580] {strides = array<i32>} : memref<2224xi32, #tpu.memory_space<vmem>>, vector<16xi32>,
              %swap3A_582 = arith.constant 48 : index
              %swap3A_583 = tpu.vector_load %arg16[%swap3A_582] {strides = array<i32>} : memref<64xi32, #tpu.memory_space<vmem>>, vector<16xi32>,
              tpu.vector_store %arg16[%swap3A_582], %get3A_581 {strides = array<i32>} : memref<64xi32, #tpu.memory_space<vmem>>, vector<16xi32>,
              %dma_start3A_584 = arith.constant 0 : i32
              %dma_start3A_585 = arith.constant 0 : i32
              %dma_start3A_586 = tpu.memref_slice %arg5[%dma_start3A_584, %dma_start3A_585] : memref<50000x128xf32, #tpu.memory_space<hbm>> -> memref<50000x128xf32, #tpu.memory_space<hbm>>
              tpu.enqueue_indirect_dma source(%dma_start3A_586 : memref<50000x128xf32, #tpu.memory_space<hbm>>) target(%arg19 : memref<64x128xf32, #tpu.memory_space<vmem>>) offsets(%arg16 : memref<64xi32, #tpu.memory_space<vmem>>) semaphore(%arg26 : memref<!tpu.dma_semaphore, #tpu.memory_space<semaphore_mem>>)
              %dma_start3A_587 = arith.constant 0 : i32
              %dma_start3A_588 = arith.constant 0 : i32
              %dma_start3A_589 = tpu.memref_slice %arg6[%dma_start3A_587, %dma_start3A_588] : memref<50000x128xf32, #tpu.memory_space<hbm>> -> memref<50000x128xf32, #tpu.memory_space<hbm>>
              tpu.enqueue_indirect_dma source(%dma_start3A_589 : memref<50000x128xf32, #tpu.memory_space<hbm>>) target(%arg20 : memref<64x128xf32, #tpu.memory_space<vmem>>) offsets(%arg16 : memref<64xi32, #tpu.memory_space<vmem>>) semaphore(%arg26 : memref<!tpu.dma_semaphore, #tpu.memory_space<semaphore_mem>>)
            } else {
            }
            %mul3A_490 = arith.constant 2 : i32
            %mul3A_491 = arith.muli %while3A_474, %mul3A_490 : i32
            %add3A_492 = arith.constant 1 : i32
            %add3A_493 = arith.addi %mul3A_491, %add3A_492 : i32
            %lt3A_494 = arith.cmpi slt, %add3A_493, %select_n3A_427 : i32
            %ge3A_495 = arith.constant 2 : i32
            %ge3A_496 = arith.cmpi sge, %add3A_493, %ge3A_495 : i32
            %and3A_497 = arith.andi %lt3A_494, %ge3A_496 : i1
            %convert_element_type3A_498 = arith.extui %and3A_497 : i1 to i32
            %cond3A_499 = arith.constant 0 : i32
            %cond3A_500 = arith.cmpi ne, %convert_element_type3A_498, %cond3A_499 : i32
            scf.if %cond3A_500 {
              %dma_wait3A_521 = arith.constant 0 : i32
              %dma_wait3A_522 = arith.constant 0 : i32
              %dma_wait3A_523 = tpu.memref_slice %arg24[%dma_wait3A_521, %dma_wait3A_522] : memref<4200x128xf32, #tpu.memory_space<vmem_shared>> -> memref<4200x128xf32, #tpu.memory_space<vmem_shared>>
              tpu.wait_indirect_dma semaphore(%arg29 : memref<!tpu.dma_semaphore, #tpu.memory_space<semaphore_mem>>) src(%arg21 : memref<64x128xf32, #tpu.memory_space<vmem>>) dst(%dma_wait3A_523 : memref<4200x128xf32, #tpu.memory_space<vmem_shared>>)
              %dma_wait3A_524 = arith.constant 0 : i32
              %dma_wait3A_525 = arith.constant 0 : i32
              %dma_wait3A_526 = tpu.memref_slice %arg25[%dma_wait3A_524, %dma_wait3A_525] : memref<4200x128xf32, #tpu.memory_space<vmem_shared>> -> memref<4200x128xf32, #tpu.memory_space<vmem_shared>>
              tpu.wait_indirect_dma semaphore(%arg29 : memref<!tpu.dma_semaphore, #tpu.memory_space<semaphore_mem>>) src(%arg22 : memref<64x128xf32, #tpu.memory_space<vmem>>) dst(%dma_wait3A_526 : memref<4200x128xf32, #tpu.memory_space<vmem_shared>>)
            } else {
            }
            %lt3A_501 = arith.cmpi slt, %add3A_493, %select_n3A_427 : i32
            %convert_element_type3A_502 = arith.extui %lt3A_501 : i1 to i32
            %cond3A_503 = arith.constant 0 : i32
            %cond3A_504 = arith.cmpi ne, %convert_element_type3A_502, %cond3A_503 : i32
            scf.if %cond3A_504 {
              %mul3A_521 = arith.constant 64 : i32
              %mul3A_522 = arith.muli %add3A_493, %mul3A_521 : i32
              %add3A_523 = arith.constant 0 : i32
              %add3A_524 = arith.addi %mul3A_522, %add3A_523 : i32
              %get3A_525 = arith.index_cast %add3A_524 : i32 to index
              %get3A_526 = tpu.vector_load %arg12[%get3A_525] {strides = array<i32>} : memref<2224xi32, #tpu.memory_space<vmem>>, vector<16xi32>,
              %swap3A = arith.constant 0 : index
              %swap3A_527 = tpu.vector_load %arg17[%swap3A] {strides = array<i32>} : memref<64xi32, #tpu.memory_space<vmem>>, vector<16xi32>,
              tpu.vector_store %arg17[%swap3A], %get3A_526 {strides = array<i32>} : memref<64xi32, #tpu.memory_space<vmem>>, vector<16xi32>,
              %mul3A_528 = arith.constant 64 : i32
              %mul3A_529 = arith.muli %add3A_493, %mul3A_528 : i32
              %add3A_530 = arith.constant 0 : i32
              %add3A_531 = arith.addi %mul3A_529, %add3A_530 : i32
              %get3A_532 = arith.index_cast %add3A_531 : i32 to index
              %get3A_533 = tpu.vector_load %arg13[%get3A_532] {strides = array<i32>} : memref<2224xi32, #tpu.memory_space<vmem>>, vector<16xi32>,
              %swap3A_534 = arith.constant 0 : index
              %swap3A_535 = tpu.vector_load %arg18[%swap3A_534] {strides = array<i32>} : memref<64xi32, #tpu.memory_space<vmem>>, vector<16xi32>,
              tpu.vector_store %arg18[%swap3A_534], %get3A_533 {strides = array<i32>} : memref<64xi32, #tpu.memory_space<vmem>>, vector<16xi32>,
              %mul3A_536 = arith.constant 64 : i32
              %mul3A_537 = arith.muli %add3A_493, %mul3A_536 : i32
              %add3A_538 = arith.constant 16 : i32
              %add3A_539 = arith.addi %mul3A_537, %add3A_538 : i32
              %get3A_540 = arith.index_cast %add3A_539 : i32 to index
              %get3A_541 = tpu.vector_load %arg12[%get3A_540] {strides = array<i32>} : memref<2224xi32, #tpu.memory_space<vmem>>, vector<16xi32>,
              %swap3A_542 = arith.constant 16 : index
              %swap3A_543 = tpu.vector_load %arg17[%swap3A_542] {strides = array<i32>} : memref<64xi32, #tpu.memory_space<vmem>>, vector<16xi32>,
              tpu.vector_store %arg17[%swap3A_542], %get3A_541 {strides = array<i32>} : memref<64xi32, #tpu.memory_space<vmem>>, vector<16xi32>,
              %mul3A_544 = arith.constant 64 : i32
              %mul3A_545 = arith.muli %add3A_493, %mul3A_544 : i32
              %add3A_546 = arith.constant 16 : i32
              %add3A_547 = arith.addi %mul3A_545, %add3A_546 : i32
              %get3A_548 = arith.index_cast %add3A_547 : i32 to index
              %get3A_549 = tpu.vector_load %arg13[%get3A_548] {strides = array<i32>} : memref<2224xi32, #tpu.memory_space<vmem>>, vector<16xi32>,
              %swap3A_550 = arith.constant 16 : index
              %swap3A_551 = tpu.vector_load %arg18[%swap3A_550] {strides = array<i32>} : memref<64xi32, #tpu.memory_space<vmem>>, vector<16xi32>,
              tpu.vector_store %arg18[%swap3A_550], %get3A_549 {strides = array<i32>} : memref<64xi32, #tpu.memory_space<vmem>>, vector<16xi32>,
              %mul3A_552 = arith.constant 64 : i32
              %mul3A_553 = arith.muli %add3A_493, %mul3A_552 : i32
              %add3A_554 = arith.constant 32 : i32
              %add3A_555 = arith.addi %mul3A_553, %add3A_554 : i32
              %get3A_556 = arith.index_cast %add3A_555 : i32 to index
              %get3A_557 = tpu.vector_load %arg12[%get3A_556] {strides = array<i32>} : memref<2224xi32, #tpu.memory_space<vmem>>, vector<16xi32>,
              %swap3A_558 = arith.constant 32 : index
              %swap3A_559 = tpu.vector_load %arg17[%swap3A_558] {strides = array<i32>} : memref<64xi32, #tpu.memory_space<vmem>>, vector<16xi32>,
              tpu.vector_store %arg17[%swap3A_558], %get3A_557 {strides = array<i32>} : memref<64xi32, #tpu.memory_space<vmem>>, vector<16xi32>,
              %mul3A_560 = arith.constant 64 : i32
              %mul3A_561 = arith.muli %add3A_493, %mul3A_560 : i32
              %add3A_562 = arith.constant 32 : i32
              %add3A_563 = arith.addi %mul3A_561, %add3A_562 : i32
              %get3A_564 = arith.index_cast %add3A_563 : i32 to index
              %get3A_565 = tpu.vector_load %arg13[%get3A_564] {strides = array<i32>} : memref<2224xi32, #tpu.memory_space<vmem>>, vector<16xi32>,
              %swap3A_566 = arith.constant 32 : index
              %swap3A_567 = tpu.vector_load %arg18[%swap3A_566] {strides = array<i32>} : memref<64xi32, #tpu.memory_space<vmem>>, vector<16xi32>,
              tpu.vector_store %arg18[%swap3A_566], %get3A_565 {strides = array<i32>} : memref<64xi32, #tpu.memory_space<vmem>>, vector<16xi32>,
              %mul3A_568 = arith.constant 64 : i32
              %mul3A_569 = arith.muli %add3A_493, %mul3A_568 : i32
              %add3A_570 = arith.constant 48 : i32
              %add3A_571 = arith.addi %mul3A_569, %add3A_570 : i32
              %get3A_572 = arith.index_cast %add3A_571 : i32 to index
              %get3A_573 = tpu.vector_load %arg12[%get3A_572] {strides = array<i32>} : memref<2224xi32, #tpu.memory_space<vmem>>, vector<16xi32>,
              %swap3A_574 = arith.constant 48 : index
              %swap3A_575 = tpu.vector_load %arg17[%swap3A_574] {strides = array<i32>} : memref<64xi32, #tpu.memory_space<vmem>>, vector<16xi32>,
              tpu.vector_store %arg17[%swap3A_574], %get3A_573 {strides = array<i32>} : memref<64xi32, #tpu.memory_space<vmem>>, vector<16xi32>,
              %mul3A_576 = arith.constant 64 : i32
              %mul3A_577 = arith.muli %add3A_493, %mul3A_576 : i32
              %add3A_578 = arith.constant 48 : i32
              %add3A_579 = arith.addi %mul3A_577, %add3A_578 : i32
              %get3A_580 = arith.index_cast %add3A_579 : i32 to index
              %get3A_581 = tpu.vector_load %arg13[%get3A_580] {strides = array<i32>} : memref<2224xi32, #tpu.memory_space<vmem>>, vector<16xi32>,
              %swap3A_582 = arith.constant 48 : index
              %swap3A_583 = tpu.vector_load %arg18[%swap3A_582] {strides = array<i32>} : memref<64xi32, #tpu.memory_space<vmem>>, vector<16xi32>,
              tpu.vector_store %arg18[%swap3A_582], %get3A_581 {strides = array<i32>} : memref<64xi32, #tpu.memory_space<vmem>>, vector<16xi32>,
              %dma_start3A_584 = arith.constant 0 : i32
              %dma_start3A_585 = arith.constant 0 : i32
              %dma_start3A_586 = tpu.memref_slice %arg5[%dma_start3A_584, %dma_start3A_585] : memref<50000x128xf32, #tpu.memory_space<hbm>> -> memref<50000x128xf32, #tpu.memory_space<hbm>>
              tpu.enqueue_indirect_dma source(%dma_start3A_586 : memref<50000x128xf32, #tpu.memory_space<hbm>>) target(%arg21 : memref<64x128xf32, #tpu.memory_space<vmem>>) offsets(%arg18 : memref<64xi32, #tpu.memory_space<vmem>>) semaphore(%arg27 : memref<!tpu.dma_semaphore, #tpu.memory_space<semaphore_mem>>)
              %dma_start3A_587 = arith.constant 0 : i32
              %dma_start3A_588 = arith.constant 0 : i32
              %dma_start3A_589 = tpu.memref_slice %arg6[%dma_start3A_587, %dma_start3A_588] : memref<50000x128xf32, #tpu.memory_space<hbm>> -> memref<50000x128xf32, #tpu.memory_space<hbm>>
              tpu.enqueue_indirect_dma source(%dma_start3A_589 : memref<50000x128xf32, #tpu.memory_space<hbm>>) target(%arg22 : memref<64x128xf32, #tpu.memory_space<vmem>>) offsets(%arg18 : memref<64xi32, #tpu.memory_space<vmem>>) semaphore(%arg27 : memref<!tpu.dma_semaphore, #tpu.memory_space<semaphore_mem>>)
            } else {
            }
            %mul3A_505 = arith.constant 2 : i32
            %mul3A_506 = arith.muli %while3A_474, %mul3A_505 : i32
            %add3A_507 = arith.constant 0 : i32
            %add3A_508 = arith.addi %mul3A_506, %add3A_507 : i32
            %lt3A_509 = arith.cmpi slt, %add3A_508, %select_n3A_427 : i32
            %convert_element_type3A_510 = arith.extui %lt3A_509 : i1 to i32
            %cond3A_511 = arith.constant 0 : i32
            %cond3A_512 = arith.cmpi ne, %convert_element_type3A_510, %cond3A_511 : i32
            scf.if %cond3A_512 {
              %dma_wait3A_521 = arith.constant 0 : i32
              %dma_wait3A_522 = arith.constant 0 : i32
              %dma_wait3A_523 = tpu.memref_slice %arg5[%dma_wait3A_521, %dma_wait3A_522] : memref<50000x128xf32, #tpu.memory_space<hbm>> -> memref<50000x128xf32, #tpu.memory_space<hbm>>
              tpu.wait_indirect_dma semaphore(%arg26 : memref<!tpu.dma_semaphore, #tpu.memory_space<semaphore_mem>>) src(%dma_wait3A_523 : memref<50000x128xf32, #tpu.memory_space<hbm>>) dst(%arg19 : memref<64x128xf32, #tpu.memory_space<vmem>>)
              %dma_wait3A_524 = arith.constant 0 : i32
              %dma_wait3A_525 = arith.constant 0 : i32
              %dma_wait3A_526 = tpu.memref_slice %arg6[%dma_wait3A_524, %dma_wait3A_525] : memref<50000x128xf32, #tpu.memory_space<hbm>> -> memref<50000x128xf32, #tpu.memory_space<hbm>>
              tpu.wait_indirect_dma semaphore(%arg26 : memref<!tpu.dma_semaphore, #tpu.memory_space<semaphore_mem>>) src(%dma_wait3A_526 : memref<50000x128xf32, #tpu.memory_space<hbm>>) dst(%arg20 : memref<64x128xf32, #tpu.memory_space<vmem>>)
              %scan3A_527 = arith.constant 0 : i32
              %scan3A_528 = arith.constant 0 : i32
              %scan3A_529 = arith.constant 64 : i32
              %scan3A_530 = arith.addi %scan3A_528, %scan3A_529 : i32
              %scan3A_531 = arith.constant 1 : i32
              scf.for %scan3A_539 = %scan3A_528 to %scan3A_530 step %scan3A_531  : i32 {
                %mul3A_540 = arith.constant 64 : i32
                %mul3A_541 = arith.muli %add3A_508, %mul3A_540 : i32
                %add3A_542 = arith.addi %mul3A_541, %scan3A_539 : i32
                %get3A_543 = arith.index_cast %add3A_542 : i32 to index
                %get3A_544 = tpu.vector_load %arg14[%get3A_543] {strides = array<i32>} : memref<2224xf32, #tpu.memory_space<vmem>>, vector<16xf32>,
                %slice3A_545 = vector.extract_strided_slice %get3A_544 {offsets = [0], sizes = [1], strides = [1]} : vector<16xf32> to vector<1xf32>
                %squeeze3A_546 = vector.extract %slice3A_545[0] : f32 from vector<1xf32>
                %broadcast_in_dim3A_547 = vector.broadcast %squeeze3A_546 : f32 to vector<16xf32>
                %mul3A_548 = arith.mulf %broadcast_in_dim3A_547, %exp3A : vector<16xf32>
                %get3A_549 = arith.index_cast %scan3A_539 : i32 to index
                %get3A_550 = arith.constant 0 : index
                %get3A_551 = tpu.vector_load %arg19[%get3A_549, %get3A_550] {strides = array<i32>} : memref<64x128xf32, #tpu.memory_space<vmem>>, vector<16xf32>,
                %mul3A_552 = arith.mulf %get3A_551, %broadcast_in_dim3A_547 : vector<16xf32>
                %swap3A = arith.index_cast %scan3A_539 : i32 to index
                %swap3A_553 = arith.constant 0 : index
                %swap3A_554 = tpu.vector_load %arg19[%swap3A, %swap3A_553] {strides = array<i32>} : memref<64x128xf32, #tpu.memory_space<vmem>>, vector<16xf32>,
                tpu.vector_store %arg19[%swap3A, %swap3A_553], %mul3A_552 {strides = array<i32>} : memref<64x128xf32, #tpu.memory_space<vmem>>, vector<16xf32>,
                %get3A_555 = arith.index_cast %scan3A_539 : i32 to index
                %get3A_556 = arith.constant 0 : index
                %get3A_557 = tpu.vector_load %arg20[%get3A_555, %get3A_556] {strides = array<i32>} : memref<64x128xf32, #tpu.memory_space<vmem>>, vector<16xf32>,
                %mul3A_558 = arith.mulf %get3A_557, %mul3A_548 : vector<16xf32>
                %swap3A_559 = arith.index_cast %scan3A_539 : i32 to index
                %swap3A_560 = arith.constant 0 : index
                %swap3A_561 = tpu.vector_load %arg20[%swap3A_559, %swap3A_560] {strides = array<i32>} : memref<64x128xf32, #tpu.memory_space<vmem>>, vector<16xf32>,
                tpu.vector_store %arg20[%swap3A_559, %swap3A_560], %mul3A_558 {strides = array<i32>} : memref<64x128xf32, #tpu.memory_space<vmem>>, vector<16xf32>,
                %get3A_562 = arith.index_cast %scan3A_539 : i32 to index
                %get3A_563 = arith.constant 16 : index
                %get3A_564 = tpu.vector_load %arg19[%get3A_562, %get3A_563] {strides = array<i32>} : memref<64x128xf32, #tpu.memory_space<vmem>>, vector<16xf32>,
                %mul3A_565 = arith.mulf %get3A_564, %broadcast_in_dim3A_547 : vector<16xf32>
                %swap3A_566 = arith.index_cast %scan3A_539 : i32 to index
                %swap3A_567 = arith.constant 16 : index
                %swap3A_568 = tpu.vector_load %arg19[%swap3A_566, %swap3A_567] {strides = array<i32>} : memref<64x128xf32, #tpu.memory_space<vmem>>, vector<16xf32>,
                tpu.vector_store %arg19[%swap3A_566, %swap3A_567], %mul3A_565 {strides = array<i32>} : memref<64x128xf32, #tpu.memory_space<vmem>>, vector<16xf32>,
                %get3A_569 = arith.index_cast %scan3A_539 : i32 to index
                %get3A_570 = arith.constant 16 : index
                %get3A_571 = tpu.vector_load %arg20[%get3A_569, %get3A_570] {strides = array<i32>} : memref<64x128xf32, #tpu.memory_space<vmem>>, vector<16xf32>,
                %mul3A_572 = arith.mulf %get3A_571, %mul3A_548 : vector<16xf32>
                %swap3A_573 = arith.index_cast %scan3A_539 : i32 to index
                %swap3A_574 = arith.constant 16 : index
                %swap3A_575 = tpu.vector_load %arg20[%swap3A_573, %swap3A_574] {strides = array<i32>} : memref<64x128xf32, #tpu.memory_space<vmem>>, vector<16xf32>,
                tpu.vector_store %arg20[%swap3A_573, %swap3A_574], %mul3A_572 {strides = array<i32>} : memref<64x128xf32, #tpu.memory_space<vmem>>, vector<16xf32>,
                %get3A_576 = arith.index_cast %scan3A_539 : i32 to index
                %get3A_577 = arith.constant 32 : index
                %get3A_578 = tpu.vector_load %arg19[%get3A_576, %get3A_577] {strides = array<i32>} : memref<64x128xf32, #tpu.memory_space<vmem>>, vector<16xf32>,
                %mul3A_579 = arith.mulf %get3A_578, %broadcast_in_dim3A_547 : vector<16xf32>
                %swap3A_580 = arith.index_cast %scan3A_539 : i32 to index
                %swap3A_581 = arith.constant 32 : index
                %swap3A_582 = tpu.vector_load %arg19[%swap3A_580, %swap3A_581] {strides = array<i32>} : memref<64x128xf32, #tpu.memory_space<vmem>>, vector<16xf32>,
                tpu.vector_store %arg19[%swap3A_580, %swap3A_581], %mul3A_579 {strides = array<i32>} : memref<64x128xf32, #tpu.memory_space<vmem>>, vector<16xf32>,
                %get3A_583 = arith.index_cast %scan3A_539 : i32 to index
                %get3A_584 = arith.constant 32 : index
                %get3A_585 = tpu.vector_load %arg20[%get3A_583, %get3A_584] {strides = array<i32>} : memref<64x128xf32, #tpu.memory_space<vmem>>, vector<16xf32>,
                %mul3A_586 = arith.mulf %get3A_585, %mul3A_548 : vector<16xf32>
                %swap3A_587 = arith.index_cast %scan3A_539 : i32 to index
                %swap3A_588 = arith.constant 32 : index
                %swap3A_589 = tpu.vector_load %arg20[%swap3A_587, %swap3A_588] {strides = array<i32>} : memref<64x128xf32, #tpu.memory_space<vmem>>, vector<16xf32>,
                tpu.vector_store %arg20[%swap3A_587, %swap3A_588], %mul3A_586 {strides = array<i32>} : memref<64x128xf32, #tpu.memory_space<vmem>>, vector<16xf32>,
                %get3A_590 = arith.index_cast %scan3A_539 : i32 to index
                %get3A_591 = arith.constant 48 : index
                %get3A_592 = tpu.vector_load %arg19[%get3A_590, %get3A_591] {strides = array<i32>} : memref<64x128xf32, #tpu.memory_space<vmem>>, vector<16xf32>,
                %mul3A_593 = arith.mulf %get3A_592, %broadcast_in_dim3A_547 : vector<16xf32>
                %swap3A_594 = arith.index_cast %scan3A_539 : i32 to index
                %swap3A_595 = arith.constant 48 : index
                %swap3A_596 = tpu.vector_load %arg19[%swap3A_594, %swap3A_595] {strides = array<i32>} : memref<64x128xf32, #tpu.memory_space<vmem>>, vector<16xf32>,
                tpu.vector_store %arg19[%swap3A_594, %swap3A_595], %mul3A_593 {strides = array<i32>} : memref<64x128xf32, #tpu.memory_space<vmem>>, vector<16xf32>,
                %get3A_597 = arith.index_cast %scan3A_539 : i32 to index
                %get3A_598 = arith.constant 48 : index
                %get3A_599 = tpu.vector_load %arg20[%get3A_597, %get3A_598] {strides = array<i32>} : memref<64x128xf32, #tpu.memory_space<vmem>>, vector<16xf32>,
                %mul3A_600 = arith.mulf %get3A_599, %mul3A_548 : vector<16xf32>
                %swap3A_601 = arith.index_cast %scan3A_539 : i32 to index
                %swap3A_602 = arith.constant 48 : index
                %swap3A_603 = tpu.vector_load %arg20[%swap3A_601, %swap3A_602] {strides = array<i32>} : memref<64x128xf32, #tpu.memory_space<vmem>>, vector<16xf32>,
                tpu.vector_store %arg20[%swap3A_601, %swap3A_602], %mul3A_600 {strides = array<i32>} : memref<64x128xf32, #tpu.memory_space<vmem>>, vector<16xf32>,
                %get3A_604 = arith.index_cast %scan3A_539 : i32 to index
                %get3A_605 = arith.constant 64 : index
                %get3A_606 = tpu.vector_load %arg19[%get3A_604, %get3A_605] {strides = array<i32>} : memref<64x128xf32, #tpu.memory_space<vmem>>, vector<16xf32>,
                %mul3A_607 = arith.mulf %get3A_606, %broadcast_in_dim3A_547 : vector<16xf32>
                %swap3A_608 = arith.index_cast %scan3A_539 : i32 to index
                %swap3A_609 = arith.constant 64 : index
                %swap3A_610 = tpu.vector_load %arg19[%swap3A_608, %swap3A_609] {strides = array<i32>} : memref<64x128xf32, #tpu.memory_space<vmem>>, vector<16xf32>,
                tpu.vector_store %arg19[%swap3A_608, %swap3A_609], %mul3A_607 {strides = array<i32>} : memref<64x128xf32, #tpu.memory_space<vmem>>, vector<16xf32>,
                %get3A_611 = arith.index_cast %scan3A_539 : i32 to index
                %get3A_612 = arith.constant 64 : index
                %get3A_613 = tpu.vector_load %arg20[%get3A_611, %get3A_612] {strides = array<i32>} : memref<64x128xf32, #tpu.memory_space<vmem>>, vector<16xf32>,
                %mul3A_614 = arith.mulf %get3A_613, %mul3A_548 : vector<16xf32>
                %swap3A_615 = arith.index_cast %scan3A_539 : i32 to index
                %swap3A_616 = arith.constant 64 : index
                %swap3A_617 = tpu.vector_load %arg20[%swap3A_615, %swap3A_616] {strides = array<i32>} : memref<64x128xf32, #tpu.memory_space<vmem>>, vector<16xf32>,
                tpu.vector_store %arg20[%swap3A_615, %swap3A_616], %mul3A_614 {strides = array<i32>} : memref<64x128xf32, #tpu.memory_space<vmem>>, vector<16xf32>,
                %get3A_618 = arith.index_cast %scan3A_539 : i32 to index
                %get3A_619 = arith.constant 80 : index
                %get3A_620 = tpu.vector_load %arg19[%get3A_618, %get3A_619] {strides = array<i32>} : memref<64x128xf32, #tpu.memory_space<vmem>>, vector<16xf32>,
                %mul3A_621 = arith.mulf %get3A_620, %broadcast_in_dim3A_547 : vector<16xf32>
                %swap3A_622 = arith.index_cast %scan3A_539 : i32 to index
                %swap3A_623 = arith.constant 80 : index
                %swap3A_624 = tpu.vector_load %arg19[%swap3A_622, %swap3A_623] {strides = array<i32>} : memref<64x128xf32, #tpu.memory_space<vmem>>, vector<16xf32>,
                tpu.vector_store %arg19[%swap3A_622, %swap3A_623], %mul3A_621 {strides = array<i32>} : memref<64x128xf32, #tpu.memory_space<vmem>>, vector<16xf32>,
                %get3A_625 = arith.index_cast %scan3A_539 : i32 to index
                %get3A_626 = arith.constant 80 : index
                %get3A_627 = tpu.vector_load %arg20[%get3A_625, %get3A_626] {strides = array<i32>} : memref<64x128xf32, #tpu.memory_space<vmem>>, vector<16xf32>,
                %mul3A_628 = arith.mulf %get3A_627, %mul3A_548 : vector<16xf32>
                %swap3A_629 = arith.index_cast %scan3A_539 : i32 to index
                %swap3A_630 = arith.constant 80 : index
                %swap3A_631 = tpu.vector_load %arg20[%swap3A_629, %swap3A_630] {strides = array<i32>} : memref<64x128xf32, #tpu.memory_space<vmem>>, vector<16xf32>,
                tpu.vector_store %arg20[%swap3A_629, %swap3A_630], %mul3A_628 {strides = array<i32>} : memref<64x128xf32, #tpu.memory_space<vmem>>, vector<16xf32>,
                %get3A_632 = arith.index_cast %scan3A_539 : i32 to index
                %get3A_633 = arith.constant 96 : index
                %get3A_634 = tpu.vector_load %arg19[%get3A_632, %get3A_633] {strides = array<i32>} : memref<64x128xf32, #tpu.memory_space<vmem>>, vector<16xf32>,
                %mul3A_635 = arith.mulf %get3A_634, %broadcast_in_dim3A_547 : vector<16xf32>
                %swap3A_636 = arith.index_cast %scan3A_539 : i32 to index
                %swap3A_637 = arith.constant 96 : index
                %swap3A_638 = tpu.vector_load %arg19[%swap3A_636, %swap3A_637] {strides = array<i32>} : memref<64x128xf32, #tpu.memory_space<vmem>>, vector<16xf32>,
                tpu.vector_store %arg19[%swap3A_636, %swap3A_637], %mul3A_635 {strides = array<i32>} : memref<64x128xf32, #tpu.memory_space<vmem>>, vector<16xf32>,
                %get3A_639 = arith.index_cast %scan3A_539 : i32 to index
                %get3A_640 = arith.constant 96 : index
                %get3A_641 = tpu.vector_load %arg20[%get3A_639, %get3A_640] {strides = array<i32>} : memref<64x128xf32, #tpu.memory_space<vmem>>, vector<16xf32>,
                %mul3A_642 = arith.mulf %get3A_641, %mul3A_548 : vector<16xf32>
                %swap3A_643 = arith.index_cast %scan3A_539 : i32 to index
                %swap3A_644 = arith.constant 96 : index
                %swap3A_645 = tpu.vector_load %arg20[%swap3A_643, %swap3A_644] {strides = array<i32>} : memref<64x128xf32, #tpu.memory_space<vmem>>, vector<16xf32>,
                tpu.vector_store %arg20[%swap3A_643, %swap3A_644], %mul3A_642 {strides = array<i32>} : memref<64x128xf32, #tpu.memory_space<vmem>>, vector<16xf32>,
                %get3A_646 = arith.index_cast %scan3A_539 : i32 to index
                %get3A_647 = arith.constant 112 : index
                %get3A_648 = tpu.vector_load %arg19[%get3A_646, %get3A_647] {strides = array<i32>} : memref<64x128xf32, #tpu.memory_space<vmem>>, vector<16xf32>,
                %mul3A_649 = arith.mulf %get3A_648, %broadcast_in_dim3A_547 : vector<16xf32>
                %swap3A_650 = arith.index_cast %scan3A_539 : i32 to index
                %swap3A_651 = arith.constant 112 : index
                %swap3A_652 = tpu.vector_load %arg19[%swap3A_650, %swap3A_651] {strides = array<i32>} : memref<64x128xf32, #tpu.memory_space<vmem>>, vector<16xf32>,
                tpu.vector_store %arg19[%swap3A_650, %swap3A_651], %mul3A_649 {strides = array<i32>} : memref<64x128xf32, #tpu.memory_space<vmem>>, vector<16xf32>,
                %get3A_653 = arith.index_cast %scan3A_539 : i32 to index
                %get3A_654 = arith.constant 112 : index
                %get3A_655 = tpu.vector_load %arg20[%get3A_653, %get3A_654] {strides = array<i32>} : memref<64x128xf32, #tpu.memory_space<vmem>>, vector<16xf32>,
                %mul3A_656 = arith.mulf %get3A_655, %mul3A_548 : vector<16xf32>
                %swap3A_657 = arith.index_cast %scan3A_539 : i32 to index
                %swap3A_658 = arith.constant 112 : index
                %swap3A_659 = tpu.vector_load %arg20[%swap3A_657, %swap3A_658] {strides = array<i32>} : memref<64x128xf32, #tpu.memory_space<vmem>>, vector<16xf32>,
                tpu.vector_store %arg20[%swap3A_657, %swap3A_658], %mul3A_656 {strides = array<i32>} : memref<64x128xf32, #tpu.memory_space<vmem>>, vector<16xf32>,
              }
              %scan3A_532 = arith.constant 64 : i32
              %dma_start3A_533 = arith.constant 0 : i32
              %dma_start3A_534 = arith.constant 0 : i32
              %dma_start3A_535 = tpu.memref_slice %arg24[%dma_start3A_533, %dma_start3A_534] : memref<4200x128xf32, #tpu.memory_space<vmem_shared>> -> memref<4200x128xf32, #tpu.memory_space<vmem_shared>>
              tpu.enqueue_indirect_dma source(%arg19 : memref<64x128xf32, #tpu.memory_space<vmem>>) target(%dma_start3A_535 : memref<4200x128xf32, #tpu.memory_space<vmem_shared>>) offsets(%arg15 : memref<64xi32, #tpu.memory_space<vmem>>) semaphore(%arg28 : memref<!tpu.dma_semaphore, #tpu.memory_space<semaphore_mem>>) {add = true}
              %dma_start3A_536 = arith.constant 0 : i32
              %dma_start3A_537 = arith.constant 0 : i32
              %dma_start3A_538 = tpu.memref_slice %arg25[%dma_start3A_536, %dma_start3A_537] : memref<4200x128xf32, #tpu.memory_space<vmem_shared>> -> memref<4200x128xf32, #tpu.memory_space<vmem_shared>>
              tpu.enqueue_indirect_dma source(%arg20 : memref<64x128xf32, #tpu.memory_space<vmem>>) target(%dma_start3A_538 : memref<4200x128xf32, #tpu.memory_space<vmem_shared>>) offsets(%arg15 : memref<64xi32, #tpu.memory_space<vmem>>) semaphore(%arg28 : memref<!tpu.dma_semaphore, #tpu.memory_space<semaphore_mem>>) {add = true}
            } else {
            }
            %mul3A_513 = arith.constant 2 : i32
            %mul3A_514 = arith.muli %while3A_474, %mul3A_513 : i32
            %add3A_515 = arith.constant 1 : i32
            %add3A_516 = arith.addi %mul3A_514, %add3A_515 : i32
            %lt3A_517 = arith.cmpi slt, %add3A_516, %select_n3A_427 : i32
            %convert_element_type3A_518 = arith.extui %lt3A_517 : i1 to i32
            %cond3A_519 = arith.constant 0 : i32
            %cond3A_520 = arith.cmpi ne, %convert_element_type3A_518, %cond3A_519 : i32
            scf.if %cond3A_520 {
              %dma_wait3A_521 = arith.constant 0 : i32
              %dma_wait3A_522 = arith.constant 0 : i32
              %dma_wait3A_523 = tpu.memref_slice %arg5[%dma_wait3A_521, %dma_wait3A_522] : memref<50000x128xf32, #tpu.memory_space<hbm>> -> memref<50000x128xf32, #tpu.memory_space<hbm>>
              tpu.wait_indirect_dma semaphore(%arg27 : memref<!tpu.dma_semaphore, #tpu.memory_space<semaphore_mem>>) src(%dma_wait3A_523 : memref<50000x128xf32, #tpu.memory_space<hbm>>) dst(%arg21 : memref<64x128xf32, #tpu.memory_space<vmem>>)
              %dma_wait3A_524 = arith.constant 0 : i32
              %dma_wait3A_525 = arith.constant 0 : i32
              %dma_wait3A_526 = tpu.memref_slice %arg6[%dma_wait3A_524, %dma_wait3A_525] : memref<50000x128xf32, #tpu.memory_space<hbm>> -> memref<50000x128xf32, #tpu.memory_space<hbm>>
              tpu.wait_indirect_dma semaphore(%arg27 : memref<!tpu.dma_semaphore, #tpu.memory_space<semaphore_mem>>) src(%dma_wait3A_526 : memref<50000x128xf32, #tpu.memory_space<hbm>>) dst(%arg22 : memref<64x128xf32, #tpu.memory_space<vmem>>)
              %scan3A_527 = arith.constant 0 : i32
              %scan3A_528 = arith.constant 0 : i32
              %scan3A_529 = arith.constant 64 : i32
              %scan3A_530 = arith.addi %scan3A_528, %scan3A_529 : i32
              %scan3A_531 = arith.constant 1 : i32
              scf.for %scan3A_539 = %scan3A_528 to %scan3A_530 step %scan3A_531  : i32 {
                %mul3A_540 = arith.constant 64 : i32
                %mul3A_541 = arith.muli %add3A_516, %mul3A_540 : i32
                %add3A_542 = arith.addi %mul3A_541, %scan3A_539 : i32
                %get3A_543 = arith.index_cast %add3A_542 : i32 to index
                %get3A_544 = tpu.vector_load %arg14[%get3A_543] {strides = array<i32>} : memref<2224xf32, #tpu.memory_space<vmem>>, vector<16xf32>,
                %slice3A_545 = vector.extract_strided_slice %get3A_544 {offsets = [0], sizes = [1], strides = [1]} : vector<16xf32> to vector<1xf32>
                %squeeze3A_546 = vector.extract %slice3A_545[0] : f32 from vector<1xf32>
                %broadcast_in_dim3A_547 = vector.broadcast %squeeze3A_546 : f32 to vector<16xf32>
                %mul3A_548 = arith.mulf %broadcast_in_dim3A_547, %exp3A : vector<16xf32>
                %get3A_549 = arith.index_cast %scan3A_539 : i32 to index
                %get3A_550 = arith.constant 0 : index
                %get3A_551 = tpu.vector_load %arg21[%get3A_549, %get3A_550] {strides = array<i32>} : memref<64x128xf32, #tpu.memory_space<vmem>>, vector<16xf32>,
                %mul3A_552 = arith.mulf %get3A_551, %broadcast_in_dim3A_547 : vector<16xf32>
                %swap3A = arith.index_cast %scan3A_539 : i32 to index
                %swap3A_553 = arith.constant 0 : index
                %swap3A_554 = tpu.vector_load %arg21[%swap3A, %swap3A_553] {strides = array<i32>} : memref<64x128xf32, #tpu.memory_space<vmem>>, vector<16xf32>,
                tpu.vector_store %arg21[%swap3A, %swap3A_553], %mul3A_552 {strides = array<i32>} : memref<64x128xf32, #tpu.memory_space<vmem>>, vector<16xf32>,
                %get3A_555 = arith.index_cast %scan3A_539 : i32 to index
                %get3A_556 = arith.constant 0 : index
                %get3A_557 = tpu.vector_load %arg22[%get3A_555, %get3A_556] {strides = array<i32>} : memref<64x128xf32, #tpu.memory_space<vmem>>, vector<16xf32>,
                %mul3A_558 = arith.mulf %get3A_557, %mul3A_548 : vector<16xf32>
                %swap3A_559 = arith.index_cast %scan3A_539 : i32 to index
                %swap3A_560 = arith.constant 0 : index
                %swap3A_561 = tpu.vector_load %arg22[%swap3A_559, %swap3A_560] {strides = array<i32>} : memref<64x128xf32, #tpu.memory_space<vmem>>, vector<16xf32>,
                tpu.vector_store %arg22[%swap3A_559, %swap3A_560], %mul3A_558 {strides = array<i32>} : memref<64x128xf32, #tpu.memory_space<vmem>>, vector<16xf32>,
                %get3A_562 = arith.index_cast %scan3A_539 : i32 to index
                %get3A_563 = arith.constant 16 : index
                %get3A_564 = tpu.vector_load %arg21[%get3A_562, %get3A_563] {strides = array<i32>} : memref<64x128xf32, #tpu.memory_space<vmem>>, vector<16xf32>,
                %mul3A_565 = arith.mulf %get3A_564, %broadcast_in_dim3A_547 : vector<16xf32>
                %swap3A_566 = arith.index_cast %scan3A_539 : i32 to index
                %swap3A_567 = arith.constant 16 : index
                %swap3A_568 = tpu.vector_load %arg21[%swap3A_566, %swap3A_567] {strides = array<i32>} : memref<64x128xf32, #tpu.memory_space<vmem>>, vector<16xf32>,
                tpu.vector_store %arg21[%swap3A_566, %swap3A_567], %mul3A_565 {strides = array<i32>} : memref<64x128xf32, #tpu.memory_space<vmem>>, vector<16xf32>,
                %get3A_569 = arith.index_cast %scan3A_539 : i32 to index
                %get3A_570 = arith.constant 16 : index
                %get3A_571 = tpu.vector_load %arg22[%get3A_569, %get3A_570] {strides = array<i32>} : memref<64x128xf32, #tpu.memory_space<vmem>>, vector<16xf32>,
                %mul3A_572 = arith.mulf %get3A_571, %mul3A_548 : vector<16xf32>
                %swap3A_573 = arith.index_cast %scan3A_539 : i32 to index
                %swap3A_574 = arith.constant 16 : index
                %swap3A_575 = tpu.vector_load %arg22[%swap3A_573, %swap3A_574] {strides = array<i32>} : memref<64x128xf32, #tpu.memory_space<vmem>>, vector<16xf32>,
                tpu.vector_store %arg22[%swap3A_573, %swap3A_574], %mul3A_572 {strides = array<i32>} : memref<64x128xf32, #tpu.memory_space<vmem>>, vector<16xf32>,
                %get3A_576 = arith.index_cast %scan3A_539 : i32 to index
                %get3A_577 = arith.constant 32 : index
                %get3A_578 = tpu.vector_load %arg21[%get3A_576, %get3A_577] {strides = array<i32>} : memref<64x128xf32, #tpu.memory_space<vmem>>, vector<16xf32>,
                %mul3A_579 = arith.mulf %get3A_578, %broadcast_in_dim3A_547 : vector<16xf32>
                %swap3A_580 = arith.index_cast %scan3A_539 : i32 to index
                %swap3A_581 = arith.constant 32 : index
                %swap3A_582 = tpu.vector_load %arg21[%swap3A_580, %swap3A_581] {strides = array<i32>} : memref<64x128xf32, #tpu.memory_space<vmem>>, vector<16xf32>,
                tpu.vector_store %arg21[%swap3A_580, %swap3A_581], %mul3A_579 {strides = array<i32>} : memref<64x128xf32, #tpu.memory_space<vmem>>, vector<16xf32>,
                %get3A_583 = arith.index_cast %scan3A_539 : i32 to index
                %get3A_584 = arith.constant 32 : index
                %get3A_585 = tpu.vector_load %arg22[%get3A_583, %get3A_584] {strides = array<i32>} : memref<64x128xf32, #tpu.memory_space<vmem>>, vector<16xf32>,
                %mul3A_586 = arith.mulf %get3A_585, %mul3A_548 : vector<16xf32>
                %swap3A_587 = arith.index_cast %scan3A_539 : i32 to index
                %swap3A_588 = arith.constant 32 : index
                %swap3A_589 = tpu.vector_load %arg22[%swap3A_587, %swap3A_588] {strides = array<i32>} : memref<64x128xf32, #tpu.memory_space<vmem>>, vector<16xf32>,
                tpu.vector_store %arg22[%swap3A_587, %swap3A_588], %mul3A_586 {strides = array<i32>} : memref<64x128xf32, #tpu.memory_space<vmem>>, vector<16xf32>,
                %get3A_590 = arith.index_cast %scan3A_539 : i32 to index
                %get3A_591 = arith.constant 48 : index
                %get3A_592 = tpu.vector_load %arg21[%get3A_590, %get3A_591] {strides = array<i32>} : memref<64x128xf32, #tpu.memory_space<vmem>>, vector<16xf32>,
                %mul3A_593 = arith.mulf %get3A_592, %broadcast_in_dim3A_547 : vector<16xf32>
                %swap3A_594 = arith.index_cast %scan3A_539 : i32 to index
                %swap3A_595 = arith.constant 48 : index
                %swap3A_596 = tpu.vector_load %arg21[%swap3A_594, %swap3A_595] {strides = array<i32>} : memref<64x128xf32, #tpu.memory_space<vmem>>, vector<16xf32>,
                tpu.vector_store %arg21[%swap3A_594, %swap3A_595], %mul3A_593 {strides = array<i32>} : memref<64x128xf32, #tpu.memory_space<vmem>>, vector<16xf32>,
                %get3A_597 = arith.index_cast %scan3A_539 : i32 to index
                %get3A_598 = arith.constant 48 : index
                %get3A_599 = tpu.vector_load %arg22[%get3A_597, %get3A_598] {strides = array<i32>} : memref<64x128xf32, #tpu.memory_space<vmem>>, vector<16xf32>,
                %mul3A_600 = arith.mulf %get3A_599, %mul3A_548 : vector<16xf32>
                %swap3A_601 = arith.index_cast %scan3A_539 : i32 to index
                %swap3A_602 = arith.constant 48 : index
                %swap3A_603 = tpu.vector_load %arg22[%swap3A_601, %swap3A_602] {strides = array<i32>} : memref<64x128xf32, #tpu.memory_space<vmem>>, vector<16xf32>,
                tpu.vector_store %arg22[%swap3A_601, %swap3A_602], %mul3A_600 {strides = array<i32>} : memref<64x128xf32, #tpu.memory_space<vmem>>, vector<16xf32>,
                %get3A_604 = arith.index_cast %scan3A_539 : i32 to index
                %get3A_605 = arith.constant 64 : index
                %get3A_606 = tpu.vector_load %arg21[%get3A_604, %get3A_605] {strides = array<i32>} : memref<64x128xf32, #tpu.memory_space<vmem>>, vector<16xf32>,
                %mul3A_607 = arith.mulf %get3A_606, %broadcast_in_dim3A_547 : vector<16xf32>
                %swap3A_608 = arith.index_cast %scan3A_539 : i32 to index
                %swap3A_609 = arith.constant 64 : index
                %swap3A_610 = tpu.vector_load %arg21[%swap3A_608, %swap3A_609] {strides = array<i32>} : memref<64x128xf32, #tpu.memory_space<vmem>>, vector<16xf32>,
                tpu.vector_store %arg21[%swap3A_608, %swap3A_609], %mul3A_607 {strides = array<i32>} : memref<64x128xf32, #tpu.memory_space<vmem>>, vector<16xf32>,
                %get3A_611 = arith.index_cast %scan3A_539 : i32 to index
                %get3A_612 = arith.constant 64 : index
                %get3A_613 = tpu.vector_load %arg22[%get3A_611, %get3A_612] {strides = array<i32>} : memref<64x128xf32, #tpu.memory_space<vmem>>, vector<16xf32>,
                %mul3A_614 = arith.mulf %get3A_613, %mul3A_548 : vector<16xf32>
                %swap3A_615 = arith.index_cast %scan3A_539 : i32 to index
                %swap3A_616 = arith.constant 64 : index
                %swap3A_617 = tpu.vector_load %arg22[%swap3A_615, %swap3A_616] {strides = array<i32>} : memref<64x128xf32, #tpu.memory_space<vmem>>, vector<16xf32>,
                tpu.vector_store %arg22[%swap3A_615, %swap3A_616], %mul3A_614 {strides = array<i32>} : memref<64x128xf32, #tpu.memory_space<vmem>>, vector<16xf32>,
                %get3A_618 = arith.index_cast %scan3A_539 : i32 to index
                %get3A_619 = arith.constant 80 : index
                %get3A_620 = tpu.vector_load %arg21[%get3A_618, %get3A_619] {strides = array<i32>} : memref<64x128xf32, #tpu.memory_space<vmem>>, vector<16xf32>,
                %mul3A_621 = arith.mulf %get3A_620, %broadcast_in_dim3A_547 : vector<16xf32>
                %swap3A_622 = arith.index_cast %scan3A_539 : i32 to index
                %swap3A_623 = arith.constant 80 : index
                %swap3A_624 = tpu.vector_load %arg21[%swap3A_622, %swap3A_623] {strides = array<i32>} : memref<64x128xf32, #tpu.memory_space<vmem>>, vector<16xf32>,
                tpu.vector_store %arg21[%swap3A_622, %swap3A_623], %mul3A_621 {strides = array<i32>} : memref<64x128xf32, #tpu.memory_space<vmem>>, vector<16xf32>,
                %get3A_625 = arith.index_cast %scan3A_539 : i32 to index
                %get3A_626 = arith.constant 80 : index
                %get3A_627 = tpu.vector_load %arg22[%get3A_625, %get3A_626] {strides = array<i32>} : memref<64x128xf32, #tpu.memory_space<vmem>>, vector<16xf32>,
                %mul3A_628 = arith.mulf %get3A_627, %mul3A_548 : vector<16xf32>
                %swap3A_629 = arith.index_cast %scan3A_539 : i32 to index
                %swap3A_630 = arith.constant 80 : index
                %swap3A_631 = tpu.vector_load %arg22[%swap3A_629, %swap3A_630] {strides = array<i32>} : memref<64x128xf32, #tpu.memory_space<vmem>>, vector<16xf32>,
                tpu.vector_store %arg22[%swap3A_629, %swap3A_630], %mul3A_628 {strides = array<i32>} : memref<64x128xf32, #tpu.memory_space<vmem>>, vector<16xf32>,
                %get3A_632 = arith.index_cast %scan3A_539 : i32 to index
                %get3A_633 = arith.constant 96 : index
                %get3A_634 = tpu.vector_load %arg21[%get3A_632, %get3A_633] {strides = array<i32>} : memref<64x128xf32, #tpu.memory_space<vmem>>, vector<16xf32>,
                %mul3A_635 = arith.mulf %get3A_634, %broadcast_in_dim3A_547 : vector<16xf32>
                %swap3A_636 = arith.index_cast %scan3A_539 : i32 to index
                %swap3A_637 = arith.constant 96 : index
                %swap3A_638 = tpu.vector_load %arg21[%swap3A_636, %swap3A_637] {strides = array<i32>} : memref<64x128xf32, #tpu.memory_space<vmem>>, vector<16xf32>,
                tpu.vector_store %arg21[%swap3A_636, %swap3A_637], %mul3A_635 {strides = array<i32>} : memref<64x128xf32, #tpu.memory_space<vmem>>, vector<16xf32>,
                %get3A_639 = arith.index_cast %scan3A_539 : i32 to index
                %get3A_640 = arith.constant 96 : index
                %get3A_641 = tpu.vector_load %arg22[%get3A_639, %get3A_640] {strides = array<i32>} : memref<64x128xf32, #tpu.memory_space<vmem>>, vector<16xf32>,
                %mul3A_642 = arith.mulf %get3A_641, %mul3A_548 : vector<16xf32>
                %swap3A_643 = arith.index_cast %scan3A_539 : i32 to index
                %swap3A_644 = arith.constant 96 : index
                %swap3A_645 = tpu.vector_load %arg22[%swap3A_643, %swap3A_644] {strides = array<i32>} : memref<64x128xf32, #tpu.memory_space<vmem>>, vector<16xf32>,
                tpu.vector_store %arg22[%swap3A_643, %swap3A_644], %mul3A_642 {strides = array<i32>} : memref<64x128xf32, #tpu.memory_space<vmem>>, vector<16xf32>,
                %get3A_646 = arith.index_cast %scan3A_539 : i32 to index
                %get3A_647 = arith.constant 112 : index
                %get3A_648 = tpu.vector_load %arg21[%get3A_646, %get3A_647] {strides = array<i32>} : memref<64x128xf32, #tpu.memory_space<vmem>>, vector<16xf32>,
                %mul3A_649 = arith.mulf %get3A_648, %broadcast_in_dim3A_547 : vector<16xf32>
                %swap3A_650 = arith.index_cast %scan3A_539 : i32 to index
                %swap3A_651 = arith.constant 112 : index
                %swap3A_652 = tpu.vector_load %arg21[%swap3A_650, %swap3A_651] {strides = array<i32>} : memref<64x128xf32, #tpu.memory_space<vmem>>, vector<16xf32>,
                tpu.vector_store %arg21[%swap3A_650, %swap3A_651], %mul3A_649 {strides = array<i32>} : memref<64x128xf32, #tpu.memory_space<vmem>>, vector<16xf32>,
                %get3A_653 = arith.index_cast %scan3A_539 : i32 to index
                %get3A_654 = arith.constant 112 : index
                %get3A_655 = tpu.vector_load %arg22[%get3A_653, %get3A_654] {strides = array<i32>} : memref<64x128xf32, #tpu.memory_space<vmem>>, vector<16xf32>,
                %mul3A_656 = arith.mulf %get3A_655, %mul3A_548 : vector<16xf32>
                %swap3A_657 = arith.index_cast %scan3A_539 : i32 to index
                %swap3A_658 = arith.constant 112 : index
                %swap3A_659 = tpu.vector_load %arg22[%swap3A_657, %swap3A_658] {strides = array<i32>} : memref<64x128xf32, #tpu.memory_space<vmem>>, vector<16xf32>,
                tpu.vector_store %arg22[%swap3A_657, %swap3A_658], %mul3A_656 {strides = array<i32>} : memref<64x128xf32, #tpu.memory_space<vmem>>, vector<16xf32>,
              }
              %scan3A_532 = arith.constant 64 : i32
              %dma_start3A_533 = arith.constant 0 : i32
              %dma_start3A_534 = arith.constant 0 : i32
              %dma_start3A_535 = tpu.memref_slice %arg24[%dma_start3A_533, %dma_start3A_534] : memref<4200x128xf32, #tpu.memory_space<vmem_shared>> -> memref<4200x128xf32, #tpu.memory_space<vmem_shared>>
              tpu.enqueue_indirect_dma source(%arg21 : memref<64x128xf32, #tpu.memory_space<vmem>>) target(%dma_start3A_535 : memref<4200x128xf32, #tpu.memory_space<vmem_shared>>) offsets(%arg17 : memref<64xi32, #tpu.memory_space<vmem>>) semaphore(%arg29 : memref<!tpu.dma_semaphore, #tpu.memory_space<semaphore_mem>>) {add = true}
              %dma_start3A_536 = arith.constant 0 : i32
              %dma_start3A_537 = arith.constant 0 : i32
              %dma_start3A_538 = tpu.memref_slice %arg25[%dma_start3A_536, %dma_start3A_537] : memref<4200x128xf32, #tpu.memory_space<vmem_shared>> -> memref<4200x128xf32, #tpu.memory_space<vmem_shared>>
              tpu.enqueue_indirect_dma source(%arg22 : memref<64x128xf32, #tpu.memory_space<vmem>>) target(%dma_start3A_538 : memref<4200x128xf32, #tpu.memory_space<vmem_shared>>) offsets(%arg17 : memref<64xi32, #tpu.memory_space<vmem>>) semaphore(%arg29 : memref<!tpu.dma_semaphore, #tpu.memory_space<semaphore_mem>>) {add = true}
            } else {
            }
          }
          %while3A_463 = arith.constant 1 : i32
          scf.for %while3A_474 = %while3A_461 to %while3A_457 step %while3A_463  : i32 {
            %mul3A_475 = arith.constant 2 : i32
            %mul3A_476 = arith.muli %while3A_474, %mul3A_475 : i32
            %add3A_477 = arith.constant 0 : i32
            %add3A_478 = arith.addi %mul3A_476, %add3A_477 : i32
            %lt3A_479 = arith.cmpi slt, %add3A_478, %select_n3A_427 : i32
            %ge3A_480 = arith.constant 2 : i32
            %ge3A_481 = arith.cmpi sge, %add3A_478, %ge3A_480 : i32
            %and3A_482 = arith.andi %lt3A_479, %ge3A_481 : i1
            %convert_element_type3A_483 = arith.extui %and3A_482 : i1 to i32
            %cond3A_484 = arith.constant 0 : i32
            %cond3A_485 = arith.cmpi ne, %convert_element_type3A_483, %cond3A_484 : i32
            scf.if %cond3A_485 {
              %dma_wait3A_521 = arith.constant 0 : i32
              %dma_wait3A_522 = arith.constant 0 : i32
              %dma_wait3A_523 = tpu.memref_slice %arg24[%dma_wait3A_521, %dma_wait3A_522] : memref<4200x128xf32, #tpu.memory_space<vmem_shared>> -> memref<4200x128xf32, #tpu.memory_space<vmem_shared>>
              tpu.wait_indirect_dma semaphore(%arg28 : memref<!tpu.dma_semaphore, #tpu.memory_space<semaphore_mem>>) src(%arg19 : memref<64x128xf32, #tpu.memory_space<vmem>>) dst(%dma_wait3A_523 : memref<4200x128xf32, #tpu.memory_space<vmem_shared>>)
              %dma_wait3A_524 = arith.constant 0 : i32
              %dma_wait3A_525 = arith.constant 0 : i32
              %dma_wait3A_526 = tpu.memref_slice %arg25[%dma_wait3A_524, %dma_wait3A_525] : memref<4200x128xf32, #tpu.memory_space<vmem_shared>> -> memref<4200x128xf32, #tpu.memory_space<vmem_shared>>
              tpu.wait_indirect_dma semaphore(%arg28 : memref<!tpu.dma_semaphore, #tpu.memory_space<semaphore_mem>>) src(%arg20 : memref<64x128xf32, #tpu.memory_space<vmem>>) dst(%dma_wait3A_526 : memref<4200x128xf32, #tpu.memory_space<vmem_shared>>)
            } else {
            }
            %lt3A_486 = arith.cmpi slt, %add3A_478, %select_n3A_427 : i32
            %convert_element_type3A_487 = arith.extui %lt3A_486 : i1 to i32
            %cond3A_488 = arith.constant 0 : i32
            %cond3A_489 = arith.cmpi ne, %convert_element_type3A_487, %cond3A_488 : i32
            scf.if %cond3A_489 {
              %mul3A_521 = arith.constant 64 : i32
              %mul3A_522 = arith.muli %add3A_478, %mul3A_521 : i32
              %add3A_523 = arith.constant 0 : i32
              %add3A_524 = arith.addi %mul3A_522, %add3A_523 : i32
              %get3A_525 = arith.index_cast %add3A_524 : i32 to index
              %get3A_526 = tpu.vector_load %arg12[%get3A_525] {strides = array<i32>} : memref<2224xi32, #tpu.memory_space<vmem>>, vector<16xi32>,
              %swap3A = arith.constant 0 : index
              %swap3A_527 = tpu.vector_load %arg15[%swap3A] {strides = array<i32>} : memref<64xi32, #tpu.memory_space<vmem>>, vector<16xi32>,
              tpu.vector_store %arg15[%swap3A], %get3A_526 {strides = array<i32>} : memref<64xi32, #tpu.memory_space<vmem>>, vector<16xi32>,
              %mul3A_528 = arith.constant 64 : i32
              %mul3A_529 = arith.muli %add3A_478, %mul3A_528 : i32
              %add3A_530 = arith.constant 0 : i32
              %add3A_531 = arith.addi %mul3A_529, %add3A_530 : i32
              %get3A_532 = arith.index_cast %add3A_531 : i32 to index
              %get3A_533 = tpu.vector_load %arg13[%get3A_532] {strides = array<i32>} : memref<2224xi32, #tpu.memory_space<vmem>>, vector<16xi32>,
              %swap3A_534 = arith.constant 0 : index
              %swap3A_535 = tpu.vector_load %arg16[%swap3A_534] {strides = array<i32>} : memref<64xi32, #tpu.memory_space<vmem>>, vector<16xi32>,
              tpu.vector_store %arg16[%swap3A_534], %get3A_533 {strides = array<i32>} : memref<64xi32, #tpu.memory_space<vmem>>, vector<16xi32>,
              %mul3A_536 = arith.constant 64 : i32
              %mul3A_537 = arith.muli %add3A_478, %mul3A_536 : i32
              %add3A_538 = arith.constant 16 : i32
              %add3A_539 = arith.addi %mul3A_537, %add3A_538 : i32
              %get3A_540 = arith.index_cast %add3A_539 : i32 to index
              %get3A_541 = tpu.vector_load %arg12[%get3A_540] {strides = array<i32>} : memref<2224xi32, #tpu.memory_space<vmem>>, vector<16xi32>,
              %swap3A_542 = arith.constant 16 : index
              %swap3A_543 = tpu.vector_load %arg15[%swap3A_542] {strides = array<i32>} : memref<64xi32, #tpu.memory_space<vmem>>, vector<16xi32>,
              tpu.vector_store %arg15[%swap3A_542], %get3A_541 {strides = array<i32>} : memref<64xi32, #tpu.memory_space<vmem>>, vector<16xi32>,
              %mul3A_544 = arith.constant 64 : i32
              %mul3A_545 = arith.muli %add3A_478, %mul3A_544 : i32
              %add3A_546 = arith.constant 16 : i32
              %add3A_547 = arith.addi %mul3A_545, %add3A_546 : i32
              %get3A_548 = arith.index_cast %add3A_547 : i32 to index
              %get3A_549 = tpu.vector_load %arg13[%get3A_548] {strides = array<i32>} : memref<2224xi32, #tpu.memory_space<vmem>>, vector<16xi32>,
              %swap3A_550 = arith.constant 16 : index
              %swap3A_551 = tpu.vector_load %arg16[%swap3A_550] {strides = array<i32>} : memref<64xi32, #tpu.memory_space<vmem>>, vector<16xi32>,
              tpu.vector_store %arg16[%swap3A_550], %get3A_549 {strides = array<i32>} : memref<64xi32, #tpu.memory_space<vmem>>, vector<16xi32>,
              %mul3A_552 = arith.constant 64 : i32
              %mul3A_553 = arith.muli %add3A_478, %mul3A_552 : i32
              %add3A_554 = arith.constant 32 : i32
              %add3A_555 = arith.addi %mul3A_553, %add3A_554 : i32
              %get3A_556 = arith.index_cast %add3A_555 : i32 to index
              %get3A_557 = tpu.vector_load %arg12[%get3A_556] {strides = array<i32>} : memref<2224xi32, #tpu.memory_space<vmem>>, vector<16xi32>,
              %swap3A_558 = arith.constant 32 : index
              %swap3A_559 = tpu.vector_load %arg15[%swap3A_558] {strides = array<i32>} : memref<64xi32, #tpu.memory_space<vmem>>, vector<16xi32>,
              tpu.vector_store %arg15[%swap3A_558], %get3A_557 {strides = array<i32>} : memref<64xi32, #tpu.memory_space<vmem>>, vector<16xi32>,
              %mul3A_560 = arith.constant 64 : i32
              %mul3A_561 = arith.muli %add3A_478, %mul3A_560 : i32
              %add3A_562 = arith.constant 32 : i32
              %add3A_563 = arith.addi %mul3A_561, %add3A_562 : i32
              %get3A_564 = arith.index_cast %add3A_563 : i32 to index
              %get3A_565 = tpu.vector_load %arg13[%get3A_564] {strides = array<i32>} : memref<2224xi32, #tpu.memory_space<vmem>>, vector<16xi32>,
              %swap3A_566 = arith.constant 32 : index
              %swap3A_567 = tpu.vector_load %arg16[%swap3A_566] {strides = array<i32>} : memref<64xi32, #tpu.memory_space<vmem>>, vector<16xi32>,
              tpu.vector_store %arg16[%swap3A_566], %get3A_565 {strides = array<i32>} : memref<64xi32, #tpu.memory_space<vmem>>, vector<16xi32>,
              %mul3A_568 = arith.constant 64 : i32
              %mul3A_569 = arith.muli %add3A_478, %mul3A_568 : i32
              %add3A_570 = arith.constant 48 : i32
              %add3A_571 = arith.addi %mul3A_569, %add3A_570 : i32
              %get3A_572 = arith.index_cast %add3A_571 : i32 to index
              %get3A_573 = tpu.vector_load %arg12[%get3A_572] {strides = array<i32>} : memref<2224xi32, #tpu.memory_space<vmem>>, vector<16xi32>,
              %swap3A_574 = arith.constant 48 : index
              %swap3A_575 = tpu.vector_load %arg15[%swap3A_574] {strides = array<i32>} : memref<64xi32, #tpu.memory_space<vmem>>, vector<16xi32>,
              tpu.vector_store %arg15[%swap3A_574], %get3A_573 {strides = array<i32>} : memref<64xi32, #tpu.memory_space<vmem>>, vector<16xi32>,
              %mul3A_576 = arith.constant 64 : i32
              %mul3A_577 = arith.muli %add3A_478, %mul3A_576 : i32
              %add3A_578 = arith.constant 48 : i32
              %add3A_579 = arith.addi %mul3A_577, %add3A_578 : i32
              %get3A_580 = arith.index_cast %add3A_579 : i32 to index
              %get3A_581 = tpu.vector_load %arg13[%get3A_580] {strides = array<i32>} : memref<2224xi32, #tpu.memory_space<vmem>>, vector<16xi32>,
              %swap3A_582 = arith.constant 48 : index
              %swap3A_583 = tpu.vector_load %arg16[%swap3A_582] {strides = array<i32>} : memref<64xi32, #tpu.memory_space<vmem>>, vector<16xi32>,
              tpu.vector_store %arg16[%swap3A_582], %get3A_581 {strides = array<i32>} : memref<64xi32, #tpu.memory_space<vmem>>, vector<16xi32>,
              %dma_start3A_584 = arith.constant 0 : i32
              %dma_start3A_585 = arith.constant 0 : i32
              %dma_start3A_586 = tpu.memref_slice %arg5[%dma_start3A_584, %dma_start3A_585] : memref<50000x128xf32, #tpu.memory_space<hbm>> -> memref<50000x128xf32, #tpu.memory_space<hbm>>
              tpu.enqueue_indirect_dma source(%dma_start3A_586 : memref<50000x128xf32, #tpu.memory_space<hbm>>) target(%arg19 : memref<64x128xf32, #tpu.memory_space<vmem>>) offsets(%arg16 : memref<64xi32, #tpu.memory_space<vmem>>) semaphore(%arg26 : memref<!tpu.dma_semaphore, #tpu.memory_space<semaphore_mem>>)
              %dma_start3A_587 = arith.constant 0 : i32
              %dma_start3A_588 = arith.constant 0 : i32
              %dma_start3A_589 = tpu.memref_slice %arg6[%dma_start3A_587, %dma_start3A_588] : memref<50000x128xf32, #tpu.memory_space<hbm>> -> memref<50000x128xf32, #tpu.memory_space<hbm>>
              tpu.enqueue_indirect_dma source(%dma_start3A_589 : memref<50000x128xf32, #tpu.memory_space<hbm>>) target(%arg20 : memref<64x128xf32, #tpu.memory_space<vmem>>) offsets(%arg16 : memref<64xi32, #tpu.memory_space<vmem>>) semaphore(%arg26 : memref<!tpu.dma_semaphore, #tpu.memory_space<semaphore_mem>>)
            } else {
            }
            %mul3A_490 = arith.constant 2 : i32
            %mul3A_491 = arith.muli %while3A_474, %mul3A_490 : i32
            %add3A_492 = arith.constant 1 : i32
            %add3A_493 = arith.addi %mul3A_491, %add3A_492 : i32
            %lt3A_494 = arith.cmpi slt, %add3A_493, %select_n3A_427 : i32
            %ge3A_495 = arith.constant 2 : i32
            %ge3A_496 = arith.cmpi sge, %add3A_493, %ge3A_495 : i32
            %and3A_497 = arith.andi %lt3A_494, %ge3A_496 : i1
            %convert_element_type3A_498 = arith.extui %and3A_497 : i1 to i32
            %cond3A_499 = arith.constant 0 : i32
            %cond3A_500 = arith.cmpi ne, %convert_element_type3A_498, %cond3A_499 : i32
            scf.if %cond3A_500 {
              %dma_wait3A_521 = arith.constant 0 : i32
              %dma_wait3A_522 = arith.constant 0 : i32
              %dma_wait3A_523 = tpu.memref_slice %arg24[%dma_wait3A_521, %dma_wait3A_522] : memref<4200x128xf32, #tpu.memory_space<vmem_shared>> -> memref<4200x128xf32, #tpu.memory_space<vmem_shared>>
              tpu.wait_indirect_dma semaphore(%arg29 : memref<!tpu.dma_semaphore, #tpu.memory_space<semaphore_mem>>) src(%arg21 : memref<64x128xf32, #tpu.memory_space<vmem>>) dst(%dma_wait3A_523 : memref<4200x128xf32, #tpu.memory_space<vmem_shared>>)
              %dma_wait3A_524 = arith.constant 0 : i32
              %dma_wait3A_525 = arith.constant 0 : i32
              %dma_wait3A_526 = tpu.memref_slice %arg25[%dma_wait3A_524, %dma_wait3A_525] : memref<4200x128xf32, #tpu.memory_space<vmem_shared>> -> memref<4200x128xf32, #tpu.memory_space<vmem_shared>>
              tpu.wait_indirect_dma semaphore(%arg29 : memref<!tpu.dma_semaphore, #tpu.memory_space<semaphore_mem>>) src(%arg22 : memref<64x128xf32, #tpu.memory_space<vmem>>) dst(%dma_wait3A_526 : memref<4200x128xf32, #tpu.memory_space<vmem_shared>>)
            } else {
            }
            %lt3A_501 = arith.cmpi slt, %add3A_493, %select_n3A_427 : i32
            %convert_element_type3A_502 = arith.extui %lt3A_501 : i1 to i32
            %cond3A_503 = arith.constant 0 : i32
            %cond3A_504 = arith.cmpi ne, %convert_element_type3A_502, %cond3A_503 : i32
            scf.if %cond3A_504 {
              %mul3A_521 = arith.constant 64 : i32
              %mul3A_522 = arith.muli %add3A_493, %mul3A_521 : i32
              %add3A_523 = arith.constant 0 : i32
              %add3A_524 = arith.addi %mul3A_522, %add3A_523 : i32
              %get3A_525 = arith.index_cast %add3A_524 : i32 to index
              %get3A_526 = tpu.vector_load %arg12[%get3A_525] {strides = array<i32>} : memref<2224xi32, #tpu.memory_space<vmem>>, vector<16xi32>,
              %swap3A = arith.constant 0 : index
              %swap3A_527 = tpu.vector_load %arg17[%swap3A] {strides = array<i32>} : memref<64xi32, #tpu.memory_space<vmem>>, vector<16xi32>,
              tpu.vector_store %arg17[%swap3A], %get3A_526 {strides = array<i32>} : memref<64xi32, #tpu.memory_space<vmem>>, vector<16xi32>,
              %mul3A_528 = arith.constant 64 : i32
              %mul3A_529 = arith.muli %add3A_493, %mul3A_528 : i32
              %add3A_530 = arith.constant 0 : i32
              %add3A_531 = arith.addi %mul3A_529, %add3A_530 : i32
              %get3A_532 = arith.index_cast %add3A_531 : i32 to index
              %get3A_533 = tpu.vector_load %arg13[%get3A_532] {strides = array<i32>} : memref<2224xi32, #tpu.memory_space<vmem>>, vector<16xi32>,
              %swap3A_534 = arith.constant 0 : index
              %swap3A_535 = tpu.vector_load %arg18[%swap3A_534] {strides = array<i32>} : memref<64xi32, #tpu.memory_space<vmem>>, vector<16xi32>,
              tpu.vector_store %arg18[%swap3A_534], %get3A_533 {strides = array<i32>} : memref<64xi32, #tpu.memory_space<vmem>>, vector<16xi32>,
              %mul3A_536 = arith.constant 64 : i32
              %mul3A_537 = arith.muli %add3A_493, %mul3A_536 : i32
              %add3A_538 = arith.constant 16 : i32
              %add3A_539 = arith.addi %mul3A_537, %add3A_538 : i32
              %get3A_540 = arith.index_cast %add3A_539 : i32 to index
              %get3A_541 = tpu.vector_load %arg12[%get3A_540] {strides = array<i32>} : memref<2224xi32, #tpu.memory_space<vmem>>, vector<16xi32>,
              %swap3A_542 = arith.constant 16 : index
              %swap3A_543 = tpu.vector_load %arg17[%swap3A_542] {strides = array<i32>} : memref<64xi32, #tpu.memory_space<vmem>>, vector<16xi32>,
              tpu.vector_store %arg17[%swap3A_542], %get3A_541 {strides = array<i32>} : memref<64xi32, #tpu.memory_space<vmem>>, vector<16xi32>,
              %mul3A_544 = arith.constant 64 : i32
              %mul3A_545 = arith.muli %add3A_493, %mul3A_544 : i32
              %add3A_546 = arith.constant 16 : i32
              %add3A_547 = arith.addi %mul3A_545, %add3A_546 : i32
              %get3A_548 = arith.index_cast %add3A_547 : i32 to index
              %get3A_549 = tpu.vector_load %arg13[%get3A_548] {strides = array<i32>} : memref<2224xi32, #tpu.memory_space<vmem>>, vector<16xi32>,
              %swap3A_550 = arith.constant 16 : index
              %swap3A_551 = tpu.vector_load %arg18[%swap3A_550] {strides = array<i32>} : memref<64xi32, #tpu.memory_space<vmem>>, vector<16xi32>,
              tpu.vector_store %arg18[%swap3A_550], %get3A_549 {strides = array<i32>} : memref<64xi32, #tpu.memory_space<vmem>>, vector<16xi32>,
              %mul3A_552 = arith.constant 64 : i32
              %mul3A_553 = arith.muli %add3A_493, %mul3A_552 : i32
              %add3A_554 = arith.constant 32 : i32
              %add3A_555 = arith.addi %mul3A_553, %add3A_554 : i32
              %get3A_556 = arith.index_cast %add3A_555 : i32 to index
              %get3A_557 = tpu.vector_load %arg12[%get3A_556] {strides = array<i32>} : memref<2224xi32, #tpu.memory_space<vmem>>, vector<16xi32>,
              %swap3A_558 = arith.constant 32 : index
              %swap3A_559 = tpu.vector_load %arg17[%swap3A_558] {strides = array<i32>} : memref<64xi32, #tpu.memory_space<vmem>>, vector<16xi32>,
              tpu.vector_store %arg17[%swap3A_558], %get3A_557 {strides = array<i32>} : memref<64xi32, #tpu.memory_space<vmem>>, vector<16xi32>,
              %mul3A_560 = arith.constant 64 : i32
              %mul3A_561 = arith.muli %add3A_493, %mul3A_560 : i32
              %add3A_562 = arith.constant 32 : i32
              %add3A_563 = arith.addi %mul3A_561, %add3A_562 : i32
              %get3A_564 = arith.index_cast %add3A_563 : i32 to index
              %get3A_565 = tpu.vector_load %arg13[%get3A_564] {strides = array<i32>} : memref<2224xi32, #tpu.memory_space<vmem>>, vector<16xi32>,
              %swap3A_566 = arith.constant 32 : index
              %swap3A_567 = tpu.vector_load %arg18[%swap3A_566] {strides = array<i32>} : memref<64xi32, #tpu.memory_space<vmem>>, vector<16xi32>,
              tpu.vector_store %arg18[%swap3A_566], %get3A_565 {strides = array<i32>} : memref<64xi32, #tpu.memory_space<vmem>>, vector<16xi32>,
              %mul3A_568 = arith.constant 64 : i32
              %mul3A_569 = arith.muli %add3A_493, %mul3A_568 : i32
              %add3A_570 = arith.constant 48 : i32
              %add3A_571 = arith.addi %mul3A_569, %add3A_570 : i32
              %get3A_572 = arith.index_cast %add3A_571 : i32 to index
              %get3A_573 = tpu.vector_load %arg12[%get3A_572] {strides = array<i32>} : memref<2224xi32, #tpu.memory_space<vmem>>, vector<16xi32>,
              %swap3A_574 = arith.constant 48 : index
              %swap3A_575 = tpu.vector_load %arg17[%swap3A_574] {strides = array<i32>} : memref<64xi32, #tpu.memory_space<vmem>>, vector<16xi32>,
              tpu.vector_store %arg17[%swap3A_574], %get3A_573 {strides = array<i32>} : memref<64xi32, #tpu.memory_space<vmem>>, vector<16xi32>,
              %mul3A_576 = arith.constant 64 : i32
              %mul3A_577 = arith.muli %add3A_493, %mul3A_576 : i32
              %add3A_578 = arith.constant 48 : i32
              %add3A_579 = arith.addi %mul3A_577, %add3A_578 : i32
              %get3A_580 = arith.index_cast %add3A_579 : i32 to index
              %get3A_581 = tpu.vector_load %arg13[%get3A_580] {strides = array<i32>} : memref<2224xi32, #tpu.memory_space<vmem>>, vector<16xi32>,
              %swap3A_582 = arith.constant 48 : index
              %swap3A_583 = tpu.vector_load %arg18[%swap3A_582] {strides = array<i32>} : memref<64xi32, #tpu.memory_space<vmem>>, vector<16xi32>,
              tpu.vector_store %arg18[%swap3A_582], %get3A_581 {strides = array<i32>} : memref<64xi32, #tpu.memory_space<vmem>>, vector<16xi32>,
              %dma_start3A_584 = arith.constant 0 : i32
              %dma_start3A_585 = arith.constant 0 : i32
              %dma_start3A_586 = tpu.memref_slice %arg5[%dma_start3A_584, %dma_start3A_585] : memref<50000x128xf32, #tpu.memory_space<hbm>> -> memref<50000x128xf32, #tpu.memory_space<hbm>>
              tpu.enqueue_indirect_dma source(%dma_start3A_586 : memref<50000x128xf32, #tpu.memory_space<hbm>>) target(%arg21 : memref<64x128xf32, #tpu.memory_space<vmem>>) offsets(%arg18 : memref<64xi32, #tpu.memory_space<vmem>>) semaphore(%arg27 : memref<!tpu.dma_semaphore, #tpu.memory_space<semaphore_mem>>)
              %dma_start3A_587 = arith.constant 0 : i32
              %dma_start3A_588 = arith.constant 0 : i32
              %dma_start3A_589 = tpu.memref_slice %arg6[%dma_start3A_587, %dma_start3A_588] : memref<50000x128xf32, #tpu.memory_space<hbm>> -> memref<50000x128xf32, #tpu.memory_space<hbm>>
              tpu.enqueue_indirect_dma source(%dma_start3A_589 : memref<50000x128xf32, #tpu.memory_space<hbm>>) target(%arg22 : memref<64x128xf32, #tpu.memory_space<vmem>>) offsets(%arg18 : memref<64xi32, #tpu.memory_space<vmem>>) semaphore(%arg27 : memref<!tpu.dma_semaphore, #tpu.memory_space<semaphore_mem>>)
            } else {
            }
            %mul3A_505 = arith.constant 2 : i32
            %mul3A_506 = arith.muli %while3A_474, %mul3A_505 : i32
            %add3A_507 = arith.constant 0 : i32
            %add3A_508 = arith.addi %mul3A_506, %add3A_507 : i32
            %lt3A_509 = arith.cmpi slt, %add3A_508, %select_n3A_427 : i32
            %convert_element_type3A_510 = arith.extui %lt3A_509 : i1 to i32
            %cond3A_511 = arith.constant 0 : i32
            %cond3A_512 = arith.cmpi ne, %convert_element_type3A_510, %cond3A_511 : i32
            scf.if %cond3A_512 {
              %dma_wait3A_521 = arith.constant 0 : i32
              %dma_wait3A_522 = arith.constant 0 : i32
              %dma_wait3A_523 = tpu.memref_slice %arg5[%dma_wait3A_521, %dma_wait3A_522] : memref<50000x128xf32, #tpu.memory_space<hbm>> -> memref<50000x128xf32, #tpu.memory_space<hbm>>
              tpu.wait_indirect_dma semaphore(%arg26 : memref<!tpu.dma_semaphore, #tpu.memory_space<semaphore_mem>>) src(%dma_wait3A_523 : memref<50000x128xf32, #tpu.memory_space<hbm>>) dst(%arg19 : memref<64x128xf32, #tpu.memory_space<vmem>>)
              %dma_wait3A_524 = arith.constant 0 : i32
              %dma_wait3A_525 = arith.constant 0 : i32
              %dma_wait3A_526 = tpu.memref_slice %arg6[%dma_wait3A_524, %dma_wait3A_525] : memref<50000x128xf32, #tpu.memory_space<hbm>> -> memref<50000x128xf32, #tpu.memory_space<hbm>>
              tpu.wait_indirect_dma semaphore(%arg26 : memref<!tpu.dma_semaphore, #tpu.memory_space<semaphore_mem>>) src(%dma_wait3A_526 : memref<50000x128xf32, #tpu.memory_space<hbm>>) dst(%arg20 : memref<64x128xf32, #tpu.memory_space<vmem>>)
              %scan3A_527 = arith.constant 0 : i32
              %scan3A_528 = arith.constant 0 : i32
              %scan3A_529 = arith.constant 64 : i32
              %scan3A_530 = arith.addi %scan3A_528, %scan3A_529 : i32
              %scan3A_531 = arith.constant 1 : i32
              scf.for %scan3A_539 = %scan3A_528 to %scan3A_530 step %scan3A_531  : i32 {
                %mul3A_540 = arith.constant 64 : i32
                %mul3A_541 = arith.muli %add3A_508, %mul3A_540 : i32
                %add3A_542 = arith.addi %mul3A_541, %scan3A_539 : i32
                %get3A_543 = arith.index_cast %add3A_542 : i32 to index
                %get3A_544 = tpu.vector_load %arg14[%get3A_543] {strides = array<i32>} : memref<2224xf32, #tpu.memory_space<vmem>>, vector<16xf32>,
                %slice3A_545 = vector.extract_strided_slice %get3A_544 {offsets = [0], sizes = [1], strides = [1]} : vector<16xf32> to vector<1xf32>
                %squeeze3A_546 = vector.extract %slice3A_545[0] : f32 from vector<1xf32>
                %broadcast_in_dim3A_547 = vector.broadcast %squeeze3A_546 : f32 to vector<16xf32>
                %mul3A_548 = arith.mulf %broadcast_in_dim3A_547, %exp3A : vector<16xf32>
                %get3A_549 = arith.index_cast %scan3A_539 : i32 to index
                %get3A_550 = arith.constant 0 : index
                %get3A_551 = tpu.vector_load %arg19[%get3A_549, %get3A_550] {strides = array<i32>} : memref<64x128xf32, #tpu.memory_space<vmem>>, vector<16xf32>,
                %mul3A_552 = arith.mulf %get3A_551, %broadcast_in_dim3A_547 : vector<16xf32>
                %swap3A = arith.index_cast %scan3A_539 : i32 to index
                %swap3A_553 = arith.constant 0 : index
                %swap3A_554 = tpu.vector_load %arg19[%swap3A, %swap3A_553] {strides = array<i32>} : memref<64x128xf32, #tpu.memory_space<vmem>>, vector<16xf32>,
                tpu.vector_store %arg19[%swap3A, %swap3A_553], %mul3A_552 {strides = array<i32>} : memref<64x128xf32, #tpu.memory_space<vmem>>, vector<16xf32>,
                %get3A_555 = arith.index_cast %scan3A_539 : i32 to index
                %get3A_556 = arith.constant 0 : index
                %get3A_557 = tpu.vector_load %arg20[%get3A_555, %get3A_556] {strides = array<i32>} : memref<64x128xf32, #tpu.memory_space<vmem>>, vector<16xf32>,
                %mul3A_558 = arith.mulf %get3A_557, %mul3A_548 : vector<16xf32>
                %swap3A_559 = arith.index_cast %scan3A_539 : i32 to index
                %swap3A_560 = arith.constant 0 : index
                %swap3A_561 = tpu.vector_load %arg20[%swap3A_559, %swap3A_560] {strides = array<i32>} : memref<64x128xf32, #tpu.memory_space<vmem>>, vector<16xf32>,
                tpu.vector_store %arg20[%swap3A_559, %swap3A_560], %mul3A_558 {strides = array<i32>} : memref<64x128xf32, #tpu.memory_space<vmem>>, vector<16xf32>,
                %get3A_562 = arith.index_cast %scan3A_539 : i32 to index
                %get3A_563 = arith.constant 16 : index
                %get3A_564 = tpu.vector_load %arg19[%get3A_562, %get3A_563] {strides = array<i32>} : memref<64x128xf32, #tpu.memory_space<vmem>>, vector<16xf32>,
                %mul3A_565 = arith.mulf %get3A_564, %broadcast_in_dim3A_547 : vector<16xf32>
                %swap3A_566 = arith.index_cast %scan3A_539 : i32 to index
                %swap3A_567 = arith.constant 16 : index
                %swap3A_568 = tpu.vector_load %arg19[%swap3A_566, %swap3A_567] {strides = array<i32>} : memref<64x128xf32, #tpu.memory_space<vmem>>, vector<16xf32>,
                tpu.vector_store %arg19[%swap3A_566, %swap3A_567], %mul3A_565 {strides = array<i32>} : memref<64x128xf32, #tpu.memory_space<vmem>>, vector<16xf32>,
                %get3A_569 = arith.index_cast %scan3A_539 : i32 to index
                %get3A_570 = arith.constant 16 : index
                %get3A_571 = tpu.vector_load %arg20[%get3A_569, %get3A_570] {strides = array<i32>} : memref<64x128xf32, #tpu.memory_space<vmem>>, vector<16xf32>,
                %mul3A_572 = arith.mulf %get3A_571, %mul3A_548 : vector<16xf32>
                %swap3A_573 = arith.index_cast %scan3A_539 : i32 to index
                %swap3A_574 = arith.constant 16 : index
                %swap3A_575 = tpu.vector_load %arg20[%swap3A_573, %swap3A_574] {strides = array<i32>} : memref<64x128xf32, #tpu.memory_space<vmem>>, vector<16xf32>,
                tpu.vector_store %arg20[%swap3A_573, %swap3A_574], %mul3A_572 {strides = array<i32>} : memref<64x128xf32, #tpu.memory_space<vmem>>, vector<16xf32>,
                %get3A_576 = arith.index_cast %scan3A_539 : i32 to index
                %get3A_577 = arith.constant 32 : index
                %get3A_578 = tpu.vector_load %arg19[%get3A_576, %get3A_577] {strides = array<i32>} : memref<64x128xf32, #tpu.memory_space<vmem>>, vector<16xf32>,
                %mul3A_579 = arith.mulf %get3A_578, %broadcast_in_dim3A_547 : vector<16xf32>
                %swap3A_580 = arith.index_cast %scan3A_539 : i32 to index
                %swap3A_581 = arith.constant 32 : index
                %swap3A_582 = tpu.vector_load %arg19[%swap3A_580, %swap3A_581] {strides = array<i32>} : memref<64x128xf32, #tpu.memory_space<vmem>>, vector<16xf32>,
                tpu.vector_store %arg19[%swap3A_580, %swap3A_581], %mul3A_579 {strides = array<i32>} : memref<64x128xf32, #tpu.memory_space<vmem>>, vector<16xf32>,
                %get3A_583 = arith.index_cast %scan3A_539 : i32 to index
                %get3A_584 = arith.constant 32 : index
                %get3A_585 = tpu.vector_load %arg20[%get3A_583, %get3A_584] {strides = array<i32>} : memref<64x128xf32, #tpu.memory_space<vmem>>, vector<16xf32>,
                %mul3A_586 = arith.mulf %get3A_585, %mul3A_548 : vector<16xf32>
                %swap3A_587 = arith.index_cast %scan3A_539 : i32 to index
                %swap3A_588 = arith.constant 32 : index
                %swap3A_589 = tpu.vector_load %arg20[%swap3A_587, %swap3A_588] {strides = array<i32>} : memref<64x128xf32, #tpu.memory_space<vmem>>, vector<16xf32>,
                tpu.vector_store %arg20[%swap3A_587, %swap3A_588], %mul3A_586 {strides = array<i32>} : memref<64x128xf32, #tpu.memory_space<vmem>>, vector<16xf32>,
                %get3A_590 = arith.index_cast %scan3A_539 : i32 to index
                %get3A_591 = arith.constant 48 : index
                %get3A_592 = tpu.vector_load %arg19[%get3A_590, %get3A_591] {strides = array<i32>} : memref<64x128xf32, #tpu.memory_space<vmem>>, vector<16xf32>,
                %mul3A_593 = arith.mulf %get3A_592, %broadcast_in_dim3A_547 : vector<16xf32>
                %swap3A_594 = arith.index_cast %scan3A_539 : i32 to index
                %swap3A_595 = arith.constant 48 : index
                %swap3A_596 = tpu.vector_load %arg19[%swap3A_594, %swap3A_595] {strides = array<i32>} : memref<64x128xf32, #tpu.memory_space<vmem>>, vector<16xf32>,
                tpu.vector_store %arg19[%swap3A_594, %swap3A_595], %mul3A_593 {strides = array<i32>} : memref<64x128xf32, #tpu.memory_space<vmem>>, vector<16xf32>,
                %get3A_597 = arith.index_cast %scan3A_539 : i32 to index
                %get3A_598 = arith.constant 48 : index
                %get3A_599 = tpu.vector_load %arg20[%get3A_597, %get3A_598] {strides = array<i32>} : memref<64x128xf32, #tpu.memory_space<vmem>>, vector<16xf32>,
                %mul3A_600 = arith.mulf %get3A_599, %mul3A_548 : vector<16xf32>
                %swap3A_601 = arith.index_cast %scan3A_539 : i32 to index
                %swap3A_602 = arith.constant 48 : index
                %swap3A_603 = tpu.vector_load %arg20[%swap3A_601, %swap3A_602] {strides = array<i32>} : memref<64x128xf32, #tpu.memory_space<vmem>>, vector<16xf32>,
                tpu.vector_store %arg20[%swap3A_601, %swap3A_602], %mul3A_600 {strides = array<i32>} : memref<64x128xf32, #tpu.memory_space<vmem>>, vector<16xf32>,
                %get3A_604 = arith.index_cast %scan3A_539 : i32 to index
                %get3A_605 = arith.constant 64 : index
                %get3A_606 = tpu.vector_load %arg19[%get3A_604, %get3A_605] {strides = array<i32>} : memref<64x128xf32, #tpu.memory_space<vmem>>, vector<16xf32>,
                %mul3A_607 = arith.mulf %get3A_606, %broadcast_in_dim3A_547 : vector<16xf32>
                %swap3A_608 = arith.index_cast %scan3A_539 : i32 to index
                %swap3A_609 = arith.constant 64 : index
                %swap3A_610 = tpu.vector_load %arg19[%swap3A_608, %swap3A_609] {strides = array<i32>} : memref<64x128xf32, #tpu.memory_space<vmem>>, vector<16xf32>,
                tpu.vector_store %arg19[%swap3A_608, %swap3A_609], %mul3A_607 {strides = array<i32>} : memref<64x128xf32, #tpu.memory_space<vmem>>, vector<16xf32>,
                %get3A_611 = arith.index_cast %scan3A_539 : i32 to index
                %get3A_612 = arith.constant 64 : index
                %get3A_613 = tpu.vector_load %arg20[%get3A_611, %get3A_612] {strides = array<i32>} : memref<64x128xf32, #tpu.memory_space<vmem>>, vector<16xf32>,
                %mul3A_614 = arith.mulf %get3A_613, %mul3A_548 : vector<16xf32>
                %swap3A_615 = arith.index_cast %scan3A_539 : i32 to index
                %swap3A_616 = arith.constant 64 : index
                %swap3A_617 = tpu.vector_load %arg20[%swap3A_615, %swap3A_616] {strides = array<i32>} : memref<64x128xf32, #tpu.memory_space<vmem>>, vector<16xf32>,
                tpu.vector_store %arg20[%swap3A_615, %swap3A_616], %mul3A_614 {strides = array<i32>} : memref<64x128xf32, #tpu.memory_space<vmem>>, vector<16xf32>,
                %get3A_618 = arith.index_cast %scan3A_539 : i32 to index
                %get3A_619 = arith.constant 80 : index
                %get3A_620 = tpu.vector_load %arg19[%get3A_618, %get3A_619] {strides = array<i32>} : memref<64x128xf32, #tpu.memory_space<vmem>>, vector<16xf32>,
                %mul3A_621 = arith.mulf %get3A_620, %broadcast_in_dim3A_547 : vector<16xf32>
                %swap3A_622 = arith.index_cast %scan3A_539 : i32 to index
                %swap3A_623 = arith.constant 80 : index
                %swap3A_624 = tpu.vector_load %arg19[%swap3A_622, %swap3A_623] {strides = array<i32>} : memref<64x128xf32, #tpu.memory_space<vmem>>, vector<16xf32>,
                tpu.vector_store %arg19[%swap3A_622, %swap3A_623], %mul3A_621 {strides = array<i32>} : memref<64x128xf32, #tpu.memory_space<vmem>>, vector<16xf32>,
                %get3A_625 = arith.index_cast %scan3A_539 : i32 to index
                %get3A_626 = arith.constant 80 : index
                %get3A_627 = tpu.vector_load %arg20[%get3A_625, %get3A_626] {strides = array<i32>} : memref<64x128xf32, #tpu.memory_space<vmem>>, vector<16xf32>,
                %mul3A_628 = arith.mulf %get3A_627, %mul3A_548 : vector<16xf32>
                %swap3A_629 = arith.index_cast %scan3A_539 : i32 to index
                %swap3A_630 = arith.constant 80 : index
                %swap3A_631 = tpu.vector_load %arg20[%swap3A_629, %swap3A_630] {strides = array<i32>} : memref<64x128xf32, #tpu.memory_space<vmem>>, vector<16xf32>,
                tpu.vector_store %arg20[%swap3A_629, %swap3A_630], %mul3A_628 {strides = array<i32>} : memref<64x128xf32, #tpu.memory_space<vmem>>, vector<16xf32>,
                %get3A_632 = arith.index_cast %scan3A_539 : i32 to index
                %get3A_633 = arith.constant 96 : index
                %get3A_634 = tpu.vector_load %arg19[%get3A_632, %get3A_633] {strides = array<i32>} : memref<64x128xf32, #tpu.memory_space<vmem>>, vector<16xf32>,
                %mul3A_635 = arith.mulf %get3A_634, %broadcast_in_dim3A_547 : vector<16xf32>
                %swap3A_636 = arith.index_cast %scan3A_539 : i32 to index
                %swap3A_637 = arith.constant 96 : index
                %swap3A_638 = tpu.vector_load %arg19[%swap3A_636, %swap3A_637] {strides = array<i32>} : memref<64x128xf32, #tpu.memory_space<vmem>>, vector<16xf32>,
                tpu.vector_store %arg19[%swap3A_636, %swap3A_637], %mul3A_635 {strides = array<i32>} : memref<64x128xf32, #tpu.memory_space<vmem>>, vector<16xf32>,
                %get3A_639 = arith.index_cast %scan3A_539 : i32 to index
                %get3A_640 = arith.constant 96 : index
                %get3A_641 = tpu.vector_load %arg20[%get3A_639, %get3A_640] {strides = array<i32>} : memref<64x128xf32, #tpu.memory_space<vmem>>, vector<16xf32>,
                %mul3A_642 = arith.mulf %get3A_641, %mul3A_548 : vector<16xf32>
                %swap3A_643 = arith.index_cast %scan3A_539 : i32 to index
                %swap3A_644 = arith.constant 96 : index
                %swap3A_645 = tpu.vector_load %arg20[%swap3A_643, %swap3A_644] {strides = array<i32>} : memref<64x128xf32, #tpu.memory_space<vmem>>, vector<16xf32>,
                tpu.vector_store %arg20[%swap3A_643, %swap3A_644], %mul3A_642 {strides = array<i32>} : memref<64x128xf32, #tpu.memory_space<vmem>>, vector<16xf32>,
                %get3A_646 = arith.index_cast %scan3A_539 : i32 to index
                %get3A_647 = arith.constant 112 : index
                %get3A_648 = tpu.vector_load %arg19[%get3A_646, %get3A_647] {strides = array<i32>} : memref<64x128xf32, #tpu.memory_space<vmem>>, vector<16xf32>,
                %mul3A_649 = arith.mulf %get3A_648, %broadcast_in_dim3A_547 : vector<16xf32>
                %swap3A_650 = arith.index_cast %scan3A_539 : i32 to index
                %swap3A_651 = arith.constant 112 : index
                %swap3A_652 = tpu.vector_load %arg19[%swap3A_650, %swap3A_651] {strides = array<i32>} : memref<64x128xf32, #tpu.memory_space<vmem>>, vector<16xf32>,
                tpu.vector_store %arg19[%swap3A_650, %swap3A_651], %mul3A_649 {strides = array<i32>} : memref<64x128xf32, #tpu.memory_space<vmem>>, vector<16xf32>,
                %get3A_653 = arith.index_cast %scan3A_539 : i32 to index
                %get3A_654 = arith.constant 112 : index
                %get3A_655 = tpu.vector_load %arg20[%get3A_653, %get3A_654] {strides = array<i32>} : memref<64x128xf32, #tpu.memory_space<vmem>>, vector<16xf32>,
                %mul3A_656 = arith.mulf %get3A_655, %mul3A_548 : vector<16xf32>
                %swap3A_657 = arith.index_cast %scan3A_539 : i32 to index
                %swap3A_658 = arith.constant 112 : index
                %swap3A_659 = tpu.vector_load %arg20[%swap3A_657, %swap3A_658] {strides = array<i32>} : memref<64x128xf32, #tpu.memory_space<vmem>>, vector<16xf32>,
                tpu.vector_store %arg20[%swap3A_657, %swap3A_658], %mul3A_656 {strides = array<i32>} : memref<64x128xf32, #tpu.memory_space<vmem>>, vector<16xf32>,
              }
              %scan3A_532 = arith.constant 64 : i32
              %dma_start3A_533 = arith.constant 0 : i32
              %dma_start3A_534 = arith.constant 0 : i32
              %dma_start3A_535 = tpu.memref_slice %arg24[%dma_start3A_533, %dma_start3A_534] : memref<4200x128xf32, #tpu.memory_space<vmem_shared>> -> memref<4200x128xf32, #tpu.memory_space<vmem_shared>>
              tpu.enqueue_indirect_dma source(%arg19 : memref<64x128xf32, #tpu.memory_space<vmem>>) target(%dma_start3A_535 : memref<4200x128xf32, #tpu.memory_space<vmem_shared>>) offsets(%arg15 : memref<64xi32, #tpu.memory_space<vmem>>) semaphore(%arg28 : memref<!tpu.dma_semaphore, #tpu.memory_space<semaphore_mem>>) {add = true}
              %dma_start3A_536 = arith.constant 0 : i32
              %dma_start3A_537 = arith.constant 0 : i32
              %dma_start3A_538 = tpu.memref_slice %arg25[%dma_start3A_536, %dma_start3A_537] : memref<4200x128xf32, #tpu.memory_space<vmem_shared>> -> memref<4200x128xf32, #tpu.memory_space<vmem_shared>>
              tpu.enqueue_indirect_dma source(%arg20 : memref<64x128xf32, #tpu.memory_space<vmem>>) target(%dma_start3A_538 : memref<4200x128xf32, #tpu.memory_space<vmem_shared>>) offsets(%arg15 : memref<64xi32, #tpu.memory_space<vmem>>) semaphore(%arg28 : memref<!tpu.dma_semaphore, #tpu.memory_space<semaphore_mem>>) {add = true}
            } else {
            }
            %mul3A_513 = arith.constant 2 : i32
            %mul3A_514 = arith.muli %while3A_474, %mul3A_513 : i32
            %add3A_515 = arith.constant 1 : i32
            %add3A_516 = arith.addi %mul3A_514, %add3A_515 : i32
            %lt3A_517 = arith.cmpi slt, %add3A_516, %select_n3A_427 : i32
            %convert_element_type3A_518 = arith.extui %lt3A_517 : i1 to i32
            %cond3A_519 = arith.constant 0 : i32
            %cond3A_520 = arith.cmpi ne, %convert_element_type3A_518, %cond3A_519 : i32
            scf.if %cond3A_520 {
              %dma_wait3A_521 = arith.constant 0 : i32
              %dma_wait3A_522 = arith.constant 0 : i32
              %dma_wait3A_523 = tpu.memref_slice %arg5[%dma_wait3A_521, %dma_wait3A_522] : memref<50000x128xf32, #tpu.memory_space<hbm>> -> memref<50000x128xf32, #tpu.memory_space<hbm>>
              tpu.wait_indirect_dma semaphore(%arg27 : memref<!tpu.dma_semaphore, #tpu.memory_space<semaphore_mem>>) src(%dma_wait3A_523 : memref<50000x128xf32, #tpu.memory_space<hbm>>) dst(%arg21 : memref<64x128xf32, #tpu.memory_space<vmem>>)
              %dma_wait3A_524 = arith.constant 0 : i32
              %dma_wait3A_525 = arith.constant 0 : i32
              %dma_wait3A_526 = tpu.memref_slice %arg6[%dma_wait3A_524, %dma_wait3A_525] : memref<50000x128xf32, #tpu.memory_space<hbm>> -> memref<50000x128xf32, #tpu.memory_space<hbm>>
              tpu.wait_indirect_dma semaphore(%arg27 : memref<!tpu.dma_semaphore, #tpu.memory_space<semaphore_mem>>) src(%dma_wait3A_526 : memref<50000x128xf32, #tpu.memory_space<hbm>>) dst(%arg22 : memref<64x128xf32, #tpu.memory_space<vmem>>)
              %scan3A_527 = arith.constant 0 : i32
              %scan3A_528 = arith.constant 0 : i32
              %scan3A_529 = arith.constant 64 : i32
              %scan3A_530 = arith.addi %scan3A_528, %scan3A_529 : i32
              %scan3A_531 = arith.constant 1 : i32
              scf.for %scan3A_539 = %scan3A_528 to %scan3A_530 step %scan3A_531  : i32 {
                %mul3A_540 = arith.constant 64 : i32
                %mul3A_541 = arith.muli %add3A_516, %mul3A_540 : i32
                %add3A_542 = arith.addi %mul3A_541, %scan3A_539 : i32
                %get3A_543 = arith.index_cast %add3A_542 : i32 to index
                %get3A_544 = tpu.vector_load %arg14[%get3A_543] {strides = array<i32>} : memref<2224xf32, #tpu.memory_space<vmem>>, vector<16xf32>,
                %slice3A_545 = vector.extract_strided_slice %get3A_544 {offsets = [0], sizes = [1], strides = [1]} : vector<16xf32> to vector<1xf32>
                %squeeze3A_546 = vector.extract %slice3A_545[0] : f32 from vector<1xf32>
                %broadcast_in_dim3A_547 = vector.broadcast %squeeze3A_546 : f32 to vector<16xf32>
                %mul3A_548 = arith.mulf %broadcast_in_dim3A_547, %exp3A : vector<16xf32>
                %get3A_549 = arith.index_cast %scan3A_539 : i32 to index
                %get3A_550 = arith.constant 0 : index
                %get3A_551 = tpu.vector_load %arg21[%get3A_549, %get3A_550] {strides = array<i32>} : memref<64x128xf32, #tpu.memory_space<vmem>>, vector<16xf32>,
                %mul3A_552 = arith.mulf %get3A_551, %broadcast_in_dim3A_547 : vector<16xf32>
                %swap3A = arith.index_cast %scan3A_539 : i32 to index
                %swap3A_553 = arith.constant 0 : index
                %swap3A_554 = tpu.vector_load %arg21[%swap3A, %swap3A_553] {strides = array<i32>} : memref<64x128xf32, #tpu.memory_space<vmem>>, vector<16xf32>,
                tpu.vector_store %arg21[%swap3A, %swap3A_553], %mul3A_552 {strides = array<i32>} : memref<64x128xf32, #tpu.memory_space<vmem>>, vector<16xf32>,
                %get3A_555 = arith.index_cast %scan3A_539 : i32 to index
                %get3A_556 = arith.constant 0 : index
                %get3A_557 = tpu.vector_load %arg22[%get3A_555, %get3A_556] {strides = array<i32>} : memref<64x128xf32, #tpu.memory_space<vmem>>, vector<16xf32>,
                %mul3A_558 = arith.mulf %get3A_557, %mul3A_548 : vector<16xf32>
                %swap3A_559 = arith.index_cast %scan3A_539 : i32 to index
                %swap3A_560 = arith.constant 0 : index
                %swap3A_561 = tpu.vector_load %arg22[%swap3A_559, %swap3A_560] {strides = array<i32>} : memref<64x128xf32, #tpu.memory_space<vmem>>, vector<16xf32>,
                tpu.vector_store %arg22[%swap3A_559, %swap3A_560], %mul3A_558 {strides = array<i32>} : memref<64x128xf32, #tpu.memory_space<vmem>>, vector<16xf32>,
                %get3A_562 = arith.index_cast %scan3A_539 : i32 to index
                %get3A_563 = arith.constant 16 : index
                %get3A_564 = tpu.vector_load %arg21[%get3A_562, %get3A_563] {strides = array<i32>} : memref<64x128xf32, #tpu.memory_space<vmem>>, vector<16xf32>,
                %mul3A_565 = arith.mulf %get3A_564, %broadcast_in_dim3A_547 : vector<16xf32>
                %swap3A_566 = arith.index_cast %scan3A_539 : i32 to index
                %swap3A_567 = arith.constant 16 : index
                %swap3A_568 = tpu.vector_load %arg21[%swap3A_566, %swap3A_567] {strides = array<i32>} : memref<64x128xf32, #tpu.memory_space<vmem>>, vector<16xf32>,
                tpu.vector_store %arg21[%swap3A_566, %swap3A_567], %mul3A_565 {strides = array<i32>} : memref<64x128xf32, #tpu.memory_space<vmem>>, vector<16xf32>,
                %get3A_569 = arith.index_cast %scan3A_539 : i32 to index
                %get3A_570 = arith.constant 16 : index
                %get3A_571 = tpu.vector_load %arg22[%get3A_569, %get3A_570] {strides = array<i32>} : memref<64x128xf32, #tpu.memory_space<vmem>>, vector<16xf32>,
                %mul3A_572 = arith.mulf %get3A_571, %mul3A_548 : vector<16xf32>
                %swap3A_573 = arith.index_cast %scan3A_539 : i32 to index
                %swap3A_574 = arith.constant 16 : index
                %swap3A_575 = tpu.vector_load %arg22[%swap3A_573, %swap3A_574] {strides = array<i32>} : memref<64x128xf32, #tpu.memory_space<vmem>>, vector<16xf32>,
                tpu.vector_store %arg22[%swap3A_573, %swap3A_574], %mul3A_572 {strides = array<i32>} : memref<64x128xf32, #tpu.memory_space<vmem>>, vector<16xf32>,
                %get3A_576 = arith.index_cast %scan3A_539 : i32 to index
                %get3A_577 = arith.constant 32 : index
                %get3A_578 = tpu.vector_load %arg21[%get3A_576, %get3A_577] {strides = array<i32>} : memref<64x128xf32, #tpu.memory_space<vmem>>, vector<16xf32>,
                %mul3A_579 = arith.mulf %get3A_578, %broadcast_in_dim3A_547 : vector<16xf32>
                %swap3A_580 = arith.index_cast %scan3A_539 : i32 to index
                %swap3A_581 = arith.constant 32 : index
                %swap3A_582 = tpu.vector_load %arg21[%swap3A_580, %swap3A_581] {strides = array<i32>} : memref<64x128xf32, #tpu.memory_space<vmem>>, vector<16xf32>,
                tpu.vector_store %arg21[%swap3A_580, %swap3A_581], %mul3A_579 {strides = array<i32>} : memref<64x128xf32, #tpu.memory_space<vmem>>, vector<16xf32>,
                %get3A_583 = arith.index_cast %scan3A_539 : i32 to index
                %get3A_584 = arith.constant 32 : index
                %get3A_585 = tpu.vector_load %arg22[%get3A_583, %get3A_584] {strides = array<i32>} : memref<64x128xf32, #tpu.memory_space<vmem>>, vector<16xf32>,
                %mul3A_586 = arith.mulf %get3A_585, %mul3A_548 : vector<16xf32>
                %swap3A_587 = arith.index_cast %scan3A_539 : i32 to index
                %swap3A_588 = arith.constant 32 : index
                %swap3A_589 = tpu.vector_load %arg22[%swap3A_587, %swap3A_588] {strides = array<i32>} : memref<64x128xf32, #tpu.memory_space<vmem>>, vector<16xf32>,
                tpu.vector_store %arg22[%swap3A_587, %swap3A_588], %mul3A_586 {strides = array<i32>} : memref<64x128xf32, #tpu.memory_space<vmem>>, vector<16xf32>,
                %get3A_590 = arith.index_cast %scan3A_539 : i32 to index
                %get3A_591 = arith.constant 48 : index
                %get3A_592 = tpu.vector_load %arg21[%get3A_590, %get3A_591] {strides = array<i32>} : memref<64x128xf32, #tpu.memory_space<vmem>>, vector<16xf32>,
                %mul3A_593 = arith.mulf %get3A_592, %broadcast_in_dim3A_547 : vector<16xf32>
                %swap3A_594 = arith.index_cast %scan3A_539 : i32 to index
                %swap3A_595 = arith.constant 48 : index
                %swap3A_596 = tpu.vector_load %arg21[%swap3A_594, %swap3A_595] {strides = array<i32>} : memref<64x128xf32, #tpu.memory_space<vmem>>, vector<16xf32>,
                tpu.vector_store %arg21[%swap3A_594, %swap3A_595], %mul3A_593 {strides = array<i32>} : memref<64x128xf32, #tpu.memory_space<vmem>>, vector<16xf32>,
                %get3A_597 = arith.index_cast %scan3A_539 : i32 to index
                %get3A_598 = arith.constant 48 : index
                %get3A_599 = tpu.vector_load %arg22[%get3A_597, %get3A_598] {strides = array<i32>} : memref<64x128xf32, #tpu.memory_space<vmem>>, vector<16xf32>,
                %mul3A_600 = arith.mulf %get3A_599, %mul3A_548 : vector<16xf32>
                %swap3A_601 = arith.index_cast %scan3A_539 : i32 to index
                %swap3A_602 = arith.constant 48 : index
                %swap3A_603 = tpu.vector_load %arg22[%swap3A_601, %swap3A_602] {strides = array<i32>} : memref<64x128xf32, #tpu.memory_space<vmem>>, vector<16xf32>,
                tpu.vector_store %arg22[%swap3A_601, %swap3A_602], %mul3A_600 {strides = array<i32>} : memref<64x128xf32, #tpu.memory_space<vmem>>, vector<16xf32>,
                %get3A_604 = arith.index_cast %scan3A_539 : i32 to index
                %get3A_605 = arith.constant 64 : index
                %get3A_606 = tpu.vector_load %arg21[%get3A_604, %get3A_605] {strides = array<i32>} : memref<64x128xf32, #tpu.memory_space<vmem>>, vector<16xf32>,
                %mul3A_607 = arith.mulf %get3A_606, %broadcast_in_dim3A_547 : vector<16xf32>
                %swap3A_608 = arith.index_cast %scan3A_539 : i32 to index
                %swap3A_609 = arith.constant 64 : index
                %swap3A_610 = tpu.vector_load %arg21[%swap3A_608, %swap3A_609] {strides = array<i32>} : memref<64x128xf32, #tpu.memory_space<vmem>>, vector<16xf32>,
                tpu.vector_store %arg21[%swap3A_608, %swap3A_609], %mul3A_607 {strides = array<i32>} : memref<64x128xf32, #tpu.memory_space<vmem>>, vector<16xf32>,
                %get3A_611 = arith.index_cast %scan3A_539 : i32 to index
                %get3A_612 = arith.constant 64 : index
                %get3A_613 = tpu.vector_load %arg22[%get3A_611, %get3A_612] {strides = array<i32>} : memref<64x128xf32, #tpu.memory_space<vmem>>, vector<16xf32>,
                %mul3A_614 = arith.mulf %get3A_613, %mul3A_548 : vector<16xf32>
                %swap3A_615 = arith.index_cast %scan3A_539 : i32 to index
                %swap3A_616 = arith.constant 64 : index
                %swap3A_617 = tpu.vector_load %arg22[%swap3A_615, %swap3A_616] {strides = array<i32>} : memref<64x128xf32, #tpu.memory_space<vmem>>, vector<16xf32>,
                tpu.vector_store %arg22[%swap3A_615, %swap3A_616], %mul3A_614 {strides = array<i32>} : memref<64x128xf32, #tpu.memory_space<vmem>>, vector<16xf32>,
                %get3A_618 = arith.index_cast %scan3A_539 : i32 to index
                %get3A_619 = arith.constant 80 : index
                %get3A_620 = tpu.vector_load %arg21[%get3A_618, %get3A_619] {strides = array<i32>} : memref<64x128xf32, #tpu.memory_space<vmem>>, vector<16xf32>,
                %mul3A_621 = arith.mulf %get3A_620, %broadcast_in_dim3A_547 : vector<16xf32>
                %swap3A_622 = arith.index_cast %scan3A_539 : i32 to index
                %swap3A_623 = arith.constant 80 : index
                %swap3A_624 = tpu.vector_load %arg21[%swap3A_622, %swap3A_623] {strides = array<i32>} : memref<64x128xf32, #tpu.memory_space<vmem>>, vector<16xf32>,
                tpu.vector_store %arg21[%swap3A_622, %swap3A_623], %mul3A_621 {strides = array<i32>} : memref<64x128xf32, #tpu.memory_space<vmem>>, vector<16xf32>,
                %get3A_625 = arith.index_cast %scan3A_539 : i32 to index
                %get3A_626 = arith.constant 80 : index
                %get3A_627 = tpu.vector_load %arg22[%get3A_625, %get3A_626] {strides = array<i32>} : memref<64x128xf32, #tpu.memory_space<vmem>>, vector<16xf32>,
                %mul3A_628 = arith.mulf %get3A_627, %mul3A_548 : vector<16xf32>
                %swap3A_629 = arith.index_cast %scan3A_539 : i32 to index
                %swap3A_630 = arith.constant 80 : index
                %swap3A_631 = tpu.vector_load %arg22[%swap3A_629, %swap3A_630] {strides = array<i32>} : memref<64x128xf32, #tpu.memory_space<vmem>>, vector<16xf32>,
                tpu.vector_store %arg22[%swap3A_629, %swap3A_630], %mul3A_628 {strides = array<i32>} : memref<64x128xf32, #tpu.memory_space<vmem>>, vector<16xf32>,
                %get3A_632 = arith.index_cast %scan3A_539 : i32 to index
                %get3A_633 = arith.constant 96 : index
                %get3A_634 = tpu.vector_load %arg21[%get3A_632, %get3A_633] {strides = array<i32>} : memref<64x128xf32, #tpu.memory_space<vmem>>, vector<16xf32>,
                %mul3A_635 = arith.mulf %get3A_634, %broadcast_in_dim3A_547 : vector<16xf32>
                %swap3A_636 = arith.index_cast %scan3A_539 : i32 to index
                %swap3A_637 = arith.constant 96 : index
                %swap3A_638 = tpu.vector_load %arg21[%swap3A_636, %swap3A_637] {strides = array<i32>} : memref<64x128xf32, #tpu.memory_space<vmem>>, vector<16xf32>,
                tpu.vector_store %arg21[%swap3A_636, %swap3A_637], %mul3A_635 {strides = array<i32>} : memref<64x128xf32, #tpu.memory_space<vmem>>, vector<16xf32>,
                %get3A_639 = arith.index_cast %scan3A_539 : i32 to index
                %get3A_640 = arith.constant 96 : index
                %get3A_641 = tpu.vector_load %arg22[%get3A_639, %get3A_640] {strides = array<i32>} : memref<64x128xf32, #tpu.memory_space<vmem>>, vector<16xf32>,
                %mul3A_642 = arith.mulf %get3A_641, %mul3A_548 : vector<16xf32>
                %swap3A_643 = arith.index_cast %scan3A_539 : i32 to index
                %swap3A_644 = arith.constant 96 : index
                %swap3A_645 = tpu.vector_load %arg22[%swap3A_643, %swap3A_644] {strides = array<i32>} : memref<64x128xf32, #tpu.memory_space<vmem>>, vector<16xf32>,
                tpu.vector_store %arg22[%swap3A_643, %swap3A_644], %mul3A_642 {strides = array<i32>} : memref<64x128xf32, #tpu.memory_space<vmem>>, vector<16xf32>,
                %get3A_646 = arith.index_cast %scan3A_539 : i32 to index
                %get3A_647 = arith.constant 112 : index
                %get3A_648 = tpu.vector_load %arg21[%get3A_646, %get3A_647] {strides = array<i32>} : memref<64x128xf32, #tpu.memory_space<vmem>>, vector<16xf32>,
                %mul3A_649 = arith.mulf %get3A_648, %broadcast_in_dim3A_547 : vector<16xf32>
                %swap3A_650 = arith.index_cast %scan3A_539 : i32 to index
                %swap3A_651 = arith.constant 112 : index
                %swap3A_652 = tpu.vector_load %arg21[%swap3A_650, %swap3A_651] {strides = array<i32>} : memref<64x128xf32, #tpu.memory_space<vmem>>, vector<16xf32>,
                tpu.vector_store %arg21[%swap3A_650, %swap3A_651], %mul3A_649 {strides = array<i32>} : memref<64x128xf32, #tpu.memory_space<vmem>>, vector<16xf32>,
                %get3A_653 = arith.index_cast %scan3A_539 : i32 to index
                %get3A_654 = arith.constant 112 : index
                %get3A_655 = tpu.vector_load %arg22[%get3A_653, %get3A_654] {strides = array<i32>} : memref<64x128xf32, #tpu.memory_space<vmem>>, vector<16xf32>,
                %mul3A_656 = arith.mulf %get3A_655, %mul3A_548 : vector<16xf32>
                %swap3A_657 = arith.index_cast %scan3A_539 : i32 to index
                %swap3A_658 = arith.constant 112 : index
                %swap3A_659 = tpu.vector_load %arg22[%swap3A_657, %swap3A_658] {strides = array<i32>} : memref<64x128xf32, #tpu.memory_space<vmem>>, vector<16xf32>,
                tpu.vector_store %arg22[%swap3A_657, %swap3A_658], %mul3A_656 {strides = array<i32>} : memref<64x128xf32, #tpu.memory_space<vmem>>, vector<16xf32>,
              }
              %scan3A_532 = arith.constant 64 : i32
              %dma_start3A_533 = arith.constant 0 : i32
              %dma_start3A_534 = arith.constant 0 : i32
              %dma_start3A_535 = tpu.memref_slice %arg24[%dma_start3A_533, %dma_start3A_534] : memref<4200x128xf32, #tpu.memory_space<vmem_shared>> -> memref<4200x128xf32, #tpu.memory_space<vmem_shared>>
              tpu.enqueue_indirect_dma source(%arg21 : memref<64x128xf32, #tpu.memory_space<vmem>>) target(%dma_start3A_535 : memref<4200x128xf32, #tpu.memory_space<vmem_shared>>) offsets(%arg17 : memref<64xi32, #tpu.memory_space<vmem>>) semaphore(%arg29 : memref<!tpu.dma_semaphore, #tpu.memory_space<semaphore_mem>>) {add = true}
              %dma_start3A_536 = arith.constant 0 : i32
              %dma_start3A_537 = arith.constant 0 : i32
              %dma_start3A_538 = tpu.memref_slice %arg25[%dma_start3A_536, %dma_start3A_537] : memref<4200x128xf32, #tpu.memory_space<vmem_shared>> -> memref<4200x128xf32, #tpu.memory_space<vmem_shared>>
              tpu.enqueue_indirect_dma source(%arg22 : memref<64x128xf32, #tpu.memory_space<vmem>>) target(%dma_start3A_538 : memref<4200x128xf32, #tpu.memory_space<vmem_shared>>) offsets(%arg17 : memref<64xi32, #tpu.memory_space<vmem>>) semaphore(%arg29 : memref<!tpu.dma_semaphore, #tpu.memory_space<semaphore_mem>>) {add = true}
            } else {
            }
          }
          %ge3A_464 = arith.constant 1 : i32
          %ge3A_465 = arith.cmpi sge, %select_n3A_427, %ge3A_464 : i32
          %convert_element_type3A_466 = arith.extui %ge3A_465 : i1 to i32
          %cond3A_467 = arith.constant 0 : i32
          %cond3A_468 = arith.cmpi ne, %convert_element_type3A_466, %cond3A_467 : i32
          scf.if %cond3A_468 {
            %dma_wait3A_474 = arith.constant 0 : i32
            %dma_wait3A_475 = arith.constant 0 : i32
            %dma_wait3A_476 = tpu.memref_slice %arg24[%dma_wait3A_474, %dma_wait3A_475] : memref<4200x128xf32, #tpu.memory_space<vmem_shared>> -> memref<4200x128xf32, #tpu.memory_space<vmem_shared>>
            tpu.wait_indirect_dma semaphore(%arg28 : memref<!tpu.dma_semaphore, #tpu.memory_space<semaphore_mem>>) src(%arg19 : memref<64x128xf32, #tpu.memory_space<vmem>>) dst(%dma_wait3A_476 : memref<4200x128xf32, #tpu.memory_space<vmem_shared>>)
            %dma_wait3A_477 = arith.constant 0 : i32
            %dma_wait3A_478 = arith.constant 0 : i32
            %dma_wait3A_479 = tpu.memref_slice %arg25[%dma_wait3A_477, %dma_wait3A_478] : memref<4200x128xf32, #tpu.memory_space<vmem_shared>> -> memref<4200x128xf32, #tpu.memory_space<vmem_shared>>
            tpu.wait_indirect_dma semaphore(%arg28 : memref<!tpu.dma_semaphore, #tpu.memory_space<semaphore_mem>>) src(%arg20 : memref<64x128xf32, #tpu.memory_space<vmem>>) dst(%dma_wait3A_479 : memref<4200x128xf32, #tpu.memory_space<vmem_shared>>)
          } else {
          }
          %ge3A_469 = arith.constant 2 : i32
          %ge3A_470 = arith.cmpi sge, %select_n3A_427, %ge3A_469 : i32
          %convert_element_type3A_471 = arith.extui %ge3A_470 : i1 to i32
          %cond3A_472 = arith.constant 0 : i32
          %cond3A_473 = arith.cmpi ne, %convert_element_type3A_471, %cond3A_472 : i32
          scf.if %cond3A_473 {
            %dma_wait3A_474 = arith.constant 0 : i32
            %dma_wait3A_475 = arith.constant 0 : i32
            %dma_wait3A_476 = tpu.memref_slice %arg24[%dma_wait3A_474, %dma_wait3A_475] : memref<4200x128xf32, #tpu.memory_space<vmem_shared>> -> memref<4200x128xf32, #tpu.memory_space<vmem_shared>>
            tpu.wait_indirect_dma semaphore(%arg29 : memref<!tpu.dma_semaphore, #tpu.memory_space<semaphore_mem>>) src(%arg21 : memref<64x128xf32, #tpu.memory_space<vmem>>) dst(%dma_wait3A_476 : memref<4200x128xf32, #tpu.memory_space<vmem_shared>>)
            %dma_wait3A_477 = arith.constant 0 : i32
            %dma_wait3A_478 = arith.constant 0 : i32
            %dma_wait3A_479 = tpu.memref_slice %arg25[%dma_wait3A_477, %dma_wait3A_478] : memref<4200x128xf32, #tpu.memory_space<vmem_shared>> -> memref<4200x128xf32, #tpu.memory_space<vmem_shared>>
            tpu.wait_indirect_dma semaphore(%arg29 : memref<!tpu.dma_semaphore, #tpu.memory_space<semaphore_mem>>) src(%arg22 : memref<64x128xf32, #tpu.memory_space<vmem>>) dst(%dma_wait3A_479 : memref<4200x128xf32, #tpu.memory_space<vmem_shared>>)
          } else {
          }
        } else {
        }
        %ge3A_380 = arith.constant 2048 : i32
        %ge3A_381 = arith.cmpi sge, %add3A_374, %ge3A_380 : i32
        %jit3A_382 = arith.constant 0 : i32
        %select_n3A_383 = arith.select %ge3A_381, %jit3A_382, %add3A_374 : i32
        scf.yield %select_n3A_383 : i32
      }
      %scan3A_84 = arith.constant 391 : i32
      %add3A_85 = arith.constant 0 : i32
      %add3A_86 = arith.addi %scan3A_83, %add3A_85 : i32
      %broadcast_in_dim3A_87 = vector.broadcast %add3A_86 : i32 to vector<16xi32>
      %add3A_88 = arith.addi %broadcast_in_dim3A_87, %iota3A : vector<16xi32>
      tpu.vector_store_idx %arg12[%add3A_88], %broadcast_in_dim3A_14 : memref<2224xi32, #tpu.memory_space<vmem>>[vector<16xi32>], vector<16xi32>,
      tpu.vector_store_idx %arg13[%add3A_88], %broadcast_in_dim3A_14 : memref<2224xi32, #tpu.memory_space<vmem>>[vector<16xi32>], vector<16xi32>,
      tpu.vector_store_idx %arg14[%add3A_88], %broadcast_in_dim3A_12 : memref<2224xf32, #tpu.memory_space<vmem>>[vector<16xi32>], vector<16xf32>,
      %add3A_89 = arith.constant 16 : i32
      %add3A_90 = arith.addi %scan3A_83, %add3A_89 : i32
      %broadcast_in_dim3A_91 = vector.broadcast %add3A_90 : i32 to vector<16xi32>
      %add3A_92 = arith.addi %broadcast_in_dim3A_91, %iota3A : vector<16xi32>
      tpu.vector_store_idx %arg12[%add3A_92], %broadcast_in_dim3A_14 : memref<2224xi32, #tpu.memory_space<vmem>>[vector<16xi32>], vector<16xi32>,
      tpu.vector_store_idx %arg13[%add3A_92], %broadcast_in_dim3A_14 : memref<2224xi32, #tpu.memory_space<vmem>>[vector<16xi32>], vector<16xi32>,
      tpu.vector_store_idx %arg14[%add3A_92], %broadcast_in_dim3A_12 : memref<2224xf32, #tpu.memory_space<vmem>>[vector<16xi32>], vector<16xf32>,
      %add3A_93 = arith.constant 32 : i32
      %add3A_94 = arith.addi %scan3A_83, %add3A_93 : i32
      %broadcast_in_dim3A_95 = vector.broadcast %add3A_94 : i32 to vector<16xi32>
      %add3A_96 = arith.addi %broadcast_in_dim3A_95, %iota3A : vector<16xi32>
      tpu.vector_store_idx %arg12[%add3A_96], %broadcast_in_dim3A_14 : memref<2224xi32, #tpu.memory_space<vmem>>[vector<16xi32>], vector<16xi32>,
      tpu.vector_store_idx %arg13[%add3A_96], %broadcast_in_dim3A_14 : memref<2224xi32, #tpu.memory_space<vmem>>[vector<16xi32>], vector<16xi32>,
      tpu.vector_store_idx %arg14[%add3A_96], %broadcast_in_dim3A_12 : memref<2224xf32, #tpu.memory_space<vmem>>[vector<16xi32>], vector<16xf32>,
      %add3A_97 = arith.constant 48 : i32
      %add3A_98 = arith.addi %scan3A_83, %add3A_97 : i32
      %broadcast_in_dim3A_99 = vector.broadcast %add3A_98 : i32 to vector<16xi32>
      %add3A_100 = arith.addi %broadcast_in_dim3A_99, %iota3A : vector<16xi32>
      tpu.vector_store_idx %arg12[%add3A_100], %broadcast_in_dim3A_14 : memref<2224xi32, #tpu.memory_space<vmem>>[vector<16xi32>], vector<16xi32>,
      tpu.vector_store_idx %arg13[%add3A_100], %broadcast_in_dim3A_14 : memref<2224xi32, #tpu.memory_space<vmem>>[vector<16xi32>], vector<16xi32>,
      tpu.vector_store_idx %arg14[%add3A_100], %broadcast_in_dim3A_12 : memref<2224xf32, #tpu.memory_space<vmem>>[vector<16xi32>], vector<16xf32>,
      %add3A_101 = arith.constant 64 : i32
      %add3A_102 = arith.addi %scan3A_83, %add3A_101 : i32
      %sub3A_103 = arith.constant 1 : i32
      %sub3A_104 = arith.subi %add3A_102, %sub3A_103 : i32
      %jit3A = arith.constant 64 : i32
      %div3A = arith.divsi %sub3A_104, %jit3A : i32
      %sign3A = arith.constant 0 : i32
      %sign3A_105 = arith.cmpi sgt, %sub3A_104, %sign3A : i32
      %sign3A_106 = arith.extui %sign3A_105 : i1 to i32
      %sign3A_107 = arith.constant 0 : i32
      %sign3A_108 = arith.cmpi slt, %sub3A_104, %sign3A_107 : i32
      %sign3A_109 = arith.extui %sign3A_108 : i1 to i32
      %sign3A_110 = arith.subi %sign3A_106, %sign3A_109 : i32
      %sign3A_111 = arith.constant 0 : i32
      %sign3A_112 = arith.cmpi sgt, %jit3A, %sign3A_111 : i32
      %sign3A_113 = arith.extui %sign3A_112 : i1 to i32
      %sign3A_114 = arith.constant 0 : i32
      %sign3A_115 = arith.cmpi slt, %jit3A, %sign3A_114 : i32
      %sign3A_116 = arith.extui %sign3A_115 : i1 to i32
      %sign3A_117 = arith.subi %sign3A_113, %sign3A_116 : i32
      %ne3A = arith.cmpi ne, %sign3A_110, %sign3A_117 : i32
      %rem3A = arith.remsi %sub3A_104, %jit3A : i32
      %ne3A_118 = arith.constant 0 : i32
      %ne3A_119 = arith.cmpi ne, %rem3A, %ne3A_118 : i32
      %and3A = arith.andi %ne3A, %ne3A_119 : i1
      %sub3A_120 = arith.constant 1 : i32
      %sub3A_121 = arith.subi %div3A, %sub3A_120 : i32
      %select_n3A = arith.select %and3A, %sub3A_121, %div3A : i32
      %add3A_122 = arith.constant 1 : i32
      %add3A_123 = arith.addi %select_n3A, %add3A_122 : i32
      %jit3A_124 = arith.constant 2 : i32
      %div3A_125 = arith.divsi %add3A_123, %jit3A_124 : i32
      %sign3A_126 = arith.constant 0 : i32
      %sign3A_127 = arith.cmpi sgt, %add3A_123, %sign3A_126 : i32
      %sign3A_128 = arith.extui %sign3A_127 : i1 to i32
      %sign3A_129 = arith.constant 0 : i32
      %sign3A_130 = arith.cmpi slt, %add3A_123, %sign3A_129 : i32
      %sign3A_131 = arith.extui %sign3A_130 : i1 to i32
      %sign3A_132 = arith.subi %sign3A_128, %sign3A_131 : i32
      %sign3A_133 = arith.constant 0 : i32
      %sign3A_134 = arith.cmpi sgt, %jit3A_124, %sign3A_133 : i32
      %sign3A_135 = arith.extui %sign3A_134 : i1 to i32
      %sign3A_136 = arith.constant 0 : i32
      %sign3A_137 = arith.cmpi slt, %jit3A_124, %sign3A_136 : i32
      %sign3A_138 = arith.extui %sign3A_137 : i1 to i32
      %sign3A_139 = arith.subi %sign3A_135, %sign3A_138 : i32
      %ne3A_140 = arith.cmpi ne, %sign3A_132, %sign3A_139 : i32
      %rem3A_141 = arith.remsi %add3A_123, %jit3A_124 : i32
      %ne3A_142 = arith.constant 0 : i32
      %ne3A_143 = arith.cmpi ne, %rem3A_141, %ne3A_142 : i32
      %and3A_144 = arith.andi %ne3A_140, %ne3A_143 : i1
      %sub3A_145 = arith.constant 1 : i32
      %sub3A_146 = arith.subi %div3A_125, %sub3A_145 : i32
      %select_n3A_147 = arith.select %and3A_144, %sub3A_146, %div3A_125 : i32
      %while3A = arith.constant 0 : i32
      %while3A_148 = arith.constant 0 : i32
      %while3A_149 = arith.subi %select_n3A_147, %while3A_148 : i32
      %while3A_150 = arith.addi %while3A_148, %while3A_149 : i32
      %while3A_151 = arith.constant 1 : i32
      %while3A_152 = arith.divsi %while3A_149, %while3A_151 : i32
      %while3A_153 = arith.muli %while3A_152, %while3A_151 : i32
      %while3A_154 = arith.addi %while3A_148, %while3A_153 : i32
      %while3A_155 = arith.constant 1 : i32
      scf.for %while3A_325 = %while3A_148 to %while3A_154 step %while3A_155  : i32 {
        %mul3A_326 = arith.constant 2 : i32
        %mul3A_327 = arith.muli %while3A_325, %mul3A_326 : i32
        %add3A_328 = arith.constant 0 : i32
        %add3A_329 = arith.addi %mul3A_327, %add3A_328 : i32
        %lt3A = arith.cmpi slt, %add3A_329, %select_n3A : i32
        %ge3A_330 = arith.constant 2 : i32
        %ge3A_331 = arith.cmpi sge, %add3A_329, %ge3A_330 : i32
        %and3A_332 = arith.andi %lt3A, %ge3A_331 : i1
        %convert_element_type3A_333 = arith.extui %and3A_332 : i1 to i32
        %cond3A_334 = arith.constant 0 : i32
        %cond3A_335 = arith.cmpi ne, %convert_element_type3A_333, %cond3A_334 : i32
        scf.if %cond3A_335 {
          %dma_wait3A_371 = arith.constant 0 : i32
          %dma_wait3A_372 = arith.constant 0 : i32
          %dma_wait3A_373 = tpu.memref_slice %arg24[%dma_wait3A_371, %dma_wait3A_372] : memref<4200x128xf32, #tpu.memory_space<vmem_shared>> -> memref<4200x128xf32, #tpu.memory_space<vmem_shared>>
          tpu.wait_indirect_dma semaphore(%arg28 : memref<!tpu.dma_semaphore, #tpu.memory_space<semaphore_mem>>) src(%arg19 : memref<64x128xf32, #tpu.memory_space<vmem>>) dst(%dma_wait3A_373 : memref<4200x128xf32, #tpu.memory_space<vmem_shared>>)
          %dma_wait3A_374 = arith.constant 0 : i32
          %dma_wait3A_375 = arith.constant 0 : i32
          %dma_wait3A_376 = tpu.memref_slice %arg25[%dma_wait3A_374, %dma_wait3A_375] : memref<4200x128xf32, #tpu.memory_space<vmem_shared>> -> memref<4200x128xf32, #tpu.memory_space<vmem_shared>>
          tpu.wait_indirect_dma semaphore(%arg28 : memref<!tpu.dma_semaphore, #tpu.memory_space<semaphore_mem>>) src(%arg20 : memref<64x128xf32, #tpu.memory_space<vmem>>) dst(%dma_wait3A_376 : memref<4200x128xf32, #tpu.memory_space<vmem_shared>>)
        } else {
        }
        %lt3A_336 = arith.cmpi slt, %add3A_329, %select_n3A : i32
        %convert_element_type3A_337 = arith.extui %lt3A_336 : i1 to i32
        %cond3A_338 = arith.constant 0 : i32
        %cond3A_339 = arith.cmpi ne, %convert_element_type3A_337, %cond3A_338 : i32
        scf.if %cond3A_339 {
          %mul3A_371 = arith.constant 64 : i32
          %mul3A_372 = arith.muli %add3A_329, %mul3A_371 : i32
          %add3A_373 = arith.constant 0 : i32
          %add3A_374 = arith.addi %mul3A_372, %add3A_373 : i32
          %get3A_375 = arith.index_cast %add3A_374 : i32 to index
          %get3A_376 = tpu.vector_load %arg12[%get3A_375] {strides = array<i32>} : memref<2224xi32, #tpu.memory_space<vmem>>, vector<16xi32>,
          %swap3A = arith.constant 0 : index
          %swap3A_377 = tpu.vector_load %arg15[%swap3A] {strides = array<i32>} : memref<64xi32, #tpu.memory_space<vmem>>, vector<16xi32>,
          tpu.vector_store %arg15[%swap3A], %get3A_376 {strides = array<i32>} : memref<64xi32, #tpu.memory_space<vmem>>, vector<16xi32>,
          %mul3A_378 = arith.constant 64 : i32
          %mul3A_379 = arith.muli %add3A_329, %mul3A_378 : i32
          %add3A_380 = arith.constant 0 : i32
          %add3A_381 = arith.addi %mul3A_379, %add3A_380 : i32
          %get3A_382 = arith.index_cast %add3A_381 : i32 to index
          %get3A_383 = tpu.vector_load %arg13[%get3A_382] {strides = array<i32>} : memref<2224xi32, #tpu.memory_space<vmem>>, vector<16xi32>,
          %swap3A_384 = arith.constant 0 : index
          %swap3A_385 = tpu.vector_load %arg16[%swap3A_384] {strides = array<i32>} : memref<64xi32, #tpu.memory_space<vmem>>, vector<16xi32>,
          tpu.vector_store %arg16[%swap3A_384], %get3A_383 {strides = array<i32>} : memref<64xi32, #tpu.memory_space<vmem>>, vector<16xi32>,
          %mul3A_386 = arith.constant 64 : i32
          %mul3A_387 = arith.muli %add3A_329, %mul3A_386 : i32
          %add3A_388 = arith.constant 16 : i32
          %add3A_389 = arith.addi %mul3A_387, %add3A_388 : i32
          %get3A_390 = arith.index_cast %add3A_389 : i32 to index
          %get3A_391 = tpu.vector_load %arg12[%get3A_390] {strides = array<i32>} : memref<2224xi32, #tpu.memory_space<vmem>>, vector<16xi32>,
          %swap3A_392 = arith.constant 16 : index
          %swap3A_393 = tpu.vector_load %arg15[%swap3A_392] {strides = array<i32>} : memref<64xi32, #tpu.memory_space<vmem>>, vector<16xi32>,
          tpu.vector_store %arg15[%swap3A_392], %get3A_391 {strides = array<i32>} : memref<64xi32, #tpu.memory_space<vmem>>, vector<16xi32>,
          %mul3A_394 = arith.constant 64 : i32
          %mul3A_395 = arith.muli %add3A_329, %mul3A_394 : i32
          %add3A_396 = arith.constant 16 : i32
          %add3A_397 = arith.addi %mul3A_395, %add3A_396 : i32
          %get3A_398 = arith.index_cast %add3A_397 : i32 to index
          %get3A_399 = tpu.vector_load %arg13[%get3A_398] {strides = array<i32>} : memref<2224xi32, #tpu.memory_space<vmem>>, vector<16xi32>,
          %swap3A_400 = arith.constant 16 : index
          %swap3A_401 = tpu.vector_load %arg16[%swap3A_400] {strides = array<i32>} : memref<64xi32, #tpu.memory_space<vmem>>, vector<16xi32>,
          tpu.vector_store %arg16[%swap3A_400], %get3A_399 {strides = array<i32>} : memref<64xi32, #tpu.memory_space<vmem>>, vector<16xi32>,
          %mul3A_402 = arith.constant 64 : i32
          %mul3A_403 = arith.muli %add3A_329, %mul3A_402 : i32
          %add3A_404 = arith.constant 32 : i32
          %add3A_405 = arith.addi %mul3A_403, %add3A_404 : i32
          %get3A_406 = arith.index_cast %add3A_405 : i32 to index
          %get3A_407 = tpu.vector_load %arg12[%get3A_406] {strides = array<i32>} : memref<2224xi32, #tpu.memory_space<vmem>>, vector<16xi32>,
          %swap3A_408 = arith.constant 32 : index
          %swap3A_409 = tpu.vector_load %arg15[%swap3A_408] {strides = array<i32>} : memref<64xi32, #tpu.memory_space<vmem>>, vector<16xi32>,
          tpu.vector_store %arg15[%swap3A_408], %get3A_407 {strides = array<i32>} : memref<64xi32, #tpu.memory_space<vmem>>, vector<16xi32>,
          %mul3A_410 = arith.constant 64 : i32
          %mul3A_411 = arith.muli %add3A_329, %mul3A_410 : i32
          %add3A_412 = arith.constant 32 : i32
          %add3A_413 = arith.addi %mul3A_411, %add3A_412 : i32
          %get3A_414 = arith.index_cast %add3A_413 : i32 to index
          %get3A_415 = tpu.vector_load %arg13[%get3A_414] {strides = array<i32>} : memref<2224xi32, #tpu.memory_space<vmem>>, vector<16xi32>,
          %swap3A_416 = arith.constant 32 : index
          %swap3A_417 = tpu.vector_load %arg16[%swap3A_416] {strides = array<i32>} : memref<64xi32, #tpu.memory_space<vmem>>, vector<16xi32>,
          tpu.vector_store %arg16[%swap3A_416], %get3A_415 {strides = array<i32>} : memref<64xi32, #tpu.memory_space<vmem>>, vector<16xi32>,
          %mul3A_418 = arith.constant 64 : i32
          %mul3A_419 = arith.muli %add3A_329, %mul3A_418 : i32
          %add3A_420 = arith.constant 48 : i32
          %add3A_421 = arith.addi %mul3A_419, %add3A_420 : i32
          %get3A_422 = arith.index_cast %add3A_421 : i32 to index
          %get3A_423 = tpu.vector_load %arg12[%get3A_422] {strides = array<i32>} : memref<2224xi32, #tpu.memory_space<vmem>>, vector<16xi32>,
          %swap3A_424 = arith.constant 48 : index
          %swap3A_425 = tpu.vector_load %arg15[%swap3A_424] {strides = array<i32>} : memref<64xi32, #tpu.memory_space<vmem>>, vector<16xi32>,
          tpu.vector_store %arg15[%swap3A_424], %get3A_423 {strides = array<i32>} : memref<64xi32, #tpu.memory_space<vmem>>, vector<16xi32>,
          %mul3A_426 = arith.constant 64 : i32
          %mul3A_427 = arith.muli %add3A_329, %mul3A_426 : i32
          %add3A_428 = arith.constant 48 : i32
          %add3A_429 = arith.addi %mul3A_427, %add3A_428 : i32
          %get3A_430 = arith.index_cast %add3A_429 : i32 to index
          %get3A_431 = tpu.vector_load %arg13[%get3A_430] {strides = array<i32>} : memref<2224xi32, #tpu.memory_space<vmem>>, vector<16xi32>,
          %swap3A_432 = arith.constant 48 : index
          %swap3A_433 = tpu.vector_load %arg16[%swap3A_432] {strides = array<i32>} : memref<64xi32, #tpu.memory_space<vmem>>, vector<16xi32>,
          tpu.vector_store %arg16[%swap3A_432], %get3A_431 {strides = array<i32>} : memref<64xi32, #tpu.memory_space<vmem>>, vector<16xi32>,
          %dma_start3A_434 = arith.constant 0 : i32
          %dma_start3A_435 = arith.constant 0 : i32
          %dma_start3A_436 = tpu.memref_slice %arg5[%dma_start3A_434, %dma_start3A_435] : memref<50000x128xf32, #tpu.memory_space<hbm>> -> memref<50000x128xf32, #tpu.memory_space<hbm>>
          tpu.enqueue_indirect_dma source(%dma_start3A_436 : memref<50000x128xf32, #tpu.memory_space<hbm>>) target(%arg19 : memref<64x128xf32, #tpu.memory_space<vmem>>) offsets(%arg16 : memref<64xi32, #tpu.memory_space<vmem>>) semaphore(%arg26 : memref<!tpu.dma_semaphore, #tpu.memory_space<semaphore_mem>>)
          %dma_start3A_437 = arith.constant 0 : i32
          %dma_start3A_438 = arith.constant 0 : i32
          %dma_start3A_439 = tpu.memref_slice %arg6[%dma_start3A_437, %dma_start3A_438] : memref<50000x128xf32, #tpu.memory_space<hbm>> -> memref<50000x128xf32, #tpu.memory_space<hbm>>
          tpu.enqueue_indirect_dma source(%dma_start3A_439 : memref<50000x128xf32, #tpu.memory_space<hbm>>) target(%arg20 : memref<64x128xf32, #tpu.memory_space<vmem>>) offsets(%arg16 : memref<64xi32, #tpu.memory_space<vmem>>) semaphore(%arg26 : memref<!tpu.dma_semaphore, #tpu.memory_space<semaphore_mem>>)
        } else {
        }
        %mul3A_340 = arith.constant 2 : i32
        %mul3A_341 = arith.muli %while3A_325, %mul3A_340 : i32
        %add3A_342 = arith.constant 1 : i32
        %add3A_343 = arith.addi %mul3A_341, %add3A_342 : i32
        %lt3A_344 = arith.cmpi slt, %add3A_343, %select_n3A : i32
        %ge3A_345 = arith.constant 2 : i32
        %ge3A_346 = arith.cmpi sge, %add3A_343, %ge3A_345 : i32
        %and3A_347 = arith.andi %lt3A_344, %ge3A_346 : i1
        %convert_element_type3A_348 = arith.extui %and3A_347 : i1 to i32
        %cond3A_349 = arith.constant 0 : i32
        %cond3A_350 = arith.cmpi ne, %convert_element_type3A_348, %cond3A_349 : i32
        scf.if %cond3A_350 {
          %dma_wait3A_371 = arith.constant 0 : i32
          %dma_wait3A_372 = arith.constant 0 : i32
          %dma_wait3A_373 = tpu.memref_slice %arg24[%dma_wait3A_371, %dma_wait3A_372] : memref<4200x128xf32, #tpu.memory_space<vmem_shared>> -> memref<4200x128xf32, #tpu.memory_space<vmem_shared>>
          tpu.wait_indirect_dma semaphore(%arg29 : memref<!tpu.dma_semaphore, #tpu.memory_space<semaphore_mem>>) src(%arg21 : memref<64x128xf32, #tpu.memory_space<vmem>>) dst(%dma_wait3A_373 : memref<4200x128xf32, #tpu.memory_space<vmem_shared>>)
          %dma_wait3A_374 = arith.constant 0 : i32
          %dma_wait3A_375 = arith.constant 0 : i32
          %dma_wait3A_376 = tpu.memref_slice %arg25[%dma_wait3A_374, %dma_wait3A_375] : memref<4200x128xf32, #tpu.memory_space<vmem_shared>> -> memref<4200x128xf32, #tpu.memory_space<vmem_shared>>
          tpu.wait_indirect_dma semaphore(%arg29 : memref<!tpu.dma_semaphore, #tpu.memory_space<semaphore_mem>>) src(%arg22 : memref<64x128xf32, #tpu.memory_space<vmem>>) dst(%dma_wait3A_376 : memref<4200x128xf32, #tpu.memory_space<vmem_shared>>)
        } else {
        }
        %lt3A_351 = arith.cmpi slt, %add3A_343, %select_n3A : i32
        %convert_element_type3A_352 = arith.extui %lt3A_351 : i1 to i32
        %cond3A_353 = arith.constant 0 : i32
        %cond3A_354 = arith.cmpi ne, %convert_element_type3A_352, %cond3A_353 : i32
        scf.if %cond3A_354 {
          %mul3A_371 = arith.constant 64 : i32
          %mul3A_372 = arith.muli %add3A_343, %mul3A_371 : i32
          %add3A_373 = arith.constant 0 : i32
          %add3A_374 = arith.addi %mul3A_372, %add3A_373 : i32
          %get3A_375 = arith.index_cast %add3A_374 : i32 to index
          %get3A_376 = tpu.vector_load %arg12[%get3A_375] {strides = array<i32>} : memref<2224xi32, #tpu.memory_space<vmem>>, vector<16xi32>,
          %swap3A = arith.constant 0 : index
          %swap3A_377 = tpu.vector_load %arg17[%swap3A] {strides = array<i32>} : memref<64xi32, #tpu.memory_space<vmem>>, vector<16xi32>,
          tpu.vector_store %arg17[%swap3A], %get3A_376 {strides = array<i32>} : memref<64xi32, #tpu.memory_space<vmem>>, vector<16xi32>,
          %mul3A_378 = arith.constant 64 : i32
          %mul3A_379 = arith.muli %add3A_343, %mul3A_378 : i32
          %add3A_380 = arith.constant 0 : i32
          %add3A_381 = arith.addi %mul3A_379, %add3A_380 : i32
          %get3A_382 = arith.index_cast %add3A_381 : i32 to index
          %get3A_383 = tpu.vector_load %arg13[%get3A_382] {strides = array<i32>} : memref<2224xi32, #tpu.memory_space<vmem>>, vector<16xi32>,
          %swap3A_384 = arith.constant 0 : index
          %swap3A_385 = tpu.vector_load %arg18[%swap3A_384] {strides = array<i32>} : memref<64xi32, #tpu.memory_space<vmem>>, vector<16xi32>,
          tpu.vector_store %arg18[%swap3A_384], %get3A_383 {strides = array<i32>} : memref<64xi32, #tpu.memory_space<vmem>>, vector<16xi32>,
          %mul3A_386 = arith.constant 64 : i32
          %mul3A_387 = arith.muli %add3A_343, %mul3A_386 : i32
          %add3A_388 = arith.constant 16 : i32
          %add3A_389 = arith.addi %mul3A_387, %add3A_388 : i32
          %get3A_390 = arith.index_cast %add3A_389 : i32 to index
          %get3A_391 = tpu.vector_load %arg12[%get3A_390] {strides = array<i32>} : memref<2224xi32, #tpu.memory_space<vmem>>, vector<16xi32>,
          %swap3A_392 = arith.constant 16 : index
          %swap3A_393 = tpu.vector_load %arg17[%swap3A_392] {strides = array<i32>} : memref<64xi32, #tpu.memory_space<vmem>>, vector<16xi32>,
          tpu.vector_store %arg17[%swap3A_392], %get3A_391 {strides = array<i32>} : memref<64xi32, #tpu.memory_space<vmem>>, vector<16xi32>,
          %mul3A_394 = arith.constant 64 : i32
          %mul3A_395 = arith.muli %add3A_343, %mul3A_394 : i32
          %add3A_396 = arith.constant 16 : i32
          %add3A_397 = arith.addi %mul3A_395, %add3A_396 : i32
          %get3A_398 = arith.index_cast %add3A_397 : i32 to index
          %get3A_399 = tpu.vector_load %arg13[%get3A_398] {strides = array<i32>} : memref<2224xi32, #tpu.memory_space<vmem>>, vector<16xi32>,
          %swap3A_400 = arith.constant 16 : index
          %swap3A_401 = tpu.vector_load %arg18[%swap3A_400] {strides = array<i32>} : memref<64xi32, #tpu.memory_space<vmem>>, vector<16xi32>,
          tpu.vector_store %arg18[%swap3A_400], %get3A_399 {strides = array<i32>} : memref<64xi32, #tpu.memory_space<vmem>>, vector<16xi32>,
          %mul3A_402 = arith.constant 64 : i32
          %mul3A_403 = arith.muli %add3A_343, %mul3A_402 : i32
          %add3A_404 = arith.constant 32 : i32
          %add3A_405 = arith.addi %mul3A_403, %add3A_404 : i32
          %get3A_406 = arith.index_cast %add3A_405 : i32 to index
          %get3A_407 = tpu.vector_load %arg12[%get3A_406] {strides = array<i32>} : memref<2224xi32, #tpu.memory_space<vmem>>, vector<16xi32>,
          %swap3A_408 = arith.constant 32 : index
          %swap3A_409 = tpu.vector_load %arg17[%swap3A_408] {strides = array<i32>} : memref<64xi32, #tpu.memory_space<vmem>>, vector<16xi32>,
          tpu.vector_store %arg17[%swap3A_408], %get3A_407 {strides = array<i32>} : memref<64xi32, #tpu.memory_space<vmem>>, vector<16xi32>,
          %mul3A_410 = arith.constant 64 : i32
          %mul3A_411 = arith.muli %add3A_343, %mul3A_410 : i32
          %add3A_412 = arith.constant 32 : i32
          %add3A_413 = arith.addi %mul3A_411, %add3A_412 : i32
          %get3A_414 = arith.index_cast %add3A_413 : i32 to index
          %get3A_415 = tpu.vector_load %arg13[%get3A_414] {strides = array<i32>} : memref<2224xi32, #tpu.memory_space<vmem>>, vector<16xi32>,
          %swap3A_416 = arith.constant 32 : index
          %swap3A_417 = tpu.vector_load %arg18[%swap3A_416] {strides = array<i32>} : memref<64xi32, #tpu.memory_space<vmem>>, vector<16xi32>,
          tpu.vector_store %arg18[%swap3A_416], %get3A_415 {strides = array<i32>} : memref<64xi32, #tpu.memory_space<vmem>>, vector<16xi32>,
          %mul3A_418 = arith.constant 64 : i32
          %mul3A_419 = arith.muli %add3A_343, %mul3A_418 : i32
          %add3A_420 = arith.constant 48 : i32
          %add3A_421 = arith.addi %mul3A_419, %add3A_420 : i32
          %get3A_422 = arith.index_cast %add3A_421 : i32 to index
          %get3A_423 = tpu.vector_load %arg12[%get3A_422] {strides = array<i32>} : memref<2224xi32, #tpu.memory_space<vmem>>, vector<16xi32>,
          %swap3A_424 = arith.constant 48 : index
          %swap3A_425 = tpu.vector_load %arg17[%swap3A_424] {strides = array<i32>} : memref<64xi32, #tpu.memory_space<vmem>>, vector<16xi32>,
          tpu.vector_store %arg17[%swap3A_424], %get3A_423 {strides = array<i32>} : memref<64xi32, #tpu.memory_space<vmem>>, vector<16xi32>,
          %mul3A_426 = arith.constant 64 : i32
          %mul3A_427 = arith.muli %add3A_343, %mul3A_426 : i32
          %add3A_428 = arith.constant 48 : i32
          %add3A_429 = arith.addi %mul3A_427, %add3A_428 : i32
          %get3A_430 = arith.index_cast %add3A_429 : i32 to index
          %get3A_431 = tpu.vector_load %arg13[%get3A_430] {strides = array<i32>} : memref<2224xi32, #tpu.memory_space<vmem>>, vector<16xi32>,
          %swap3A_432 = arith.constant 48 : index
          %swap3A_433 = tpu.vector_load %arg18[%swap3A_432] {strides = array<i32>} : memref<64xi32, #tpu.memory_space<vmem>>, vector<16xi32>,
          tpu.vector_store %arg18[%swap3A_432], %get3A_431 {strides = array<i32>} : memref<64xi32, #tpu.memory_space<vmem>>, vector<16xi32>,
          %dma_start3A_434 = arith.constant 0 : i32
          %dma_start3A_435 = arith.constant 0 : i32
          %dma_start3A_436 = tpu.memref_slice %arg5[%dma_start3A_434, %dma_start3A_435] : memref<50000x128xf32, #tpu.memory_space<hbm>> -> memref<50000x128xf32, #tpu.memory_space<hbm>>
          tpu.enqueue_indirect_dma source(%dma_start3A_436 : memref<50000x128xf32, #tpu.memory_space<hbm>>) target(%arg21 : memref<64x128xf32, #tpu.memory_space<vmem>>) offsets(%arg18 : memref<64xi32, #tpu.memory_space<vmem>>) semaphore(%arg27 : memref<!tpu.dma_semaphore, #tpu.memory_space<semaphore_mem>>)
          %dma_start3A_437 = arith.constant 0 : i32
          %dma_start3A_438 = arith.constant 0 : i32
          %dma_start3A_439 = tpu.memref_slice %arg6[%dma_start3A_437, %dma_start3A_438] : memref<50000x128xf32, #tpu.memory_space<hbm>> -> memref<50000x128xf32, #tpu.memory_space<hbm>>
          tpu.enqueue_indirect_dma source(%dma_start3A_439 : memref<50000x128xf32, #tpu.memory_space<hbm>>) target(%arg22 : memref<64x128xf32, #tpu.memory_space<vmem>>) offsets(%arg18 : memref<64xi32, #tpu.memory_space<vmem>>) semaphore(%arg27 : memref<!tpu.dma_semaphore, #tpu.memory_space<semaphore_mem>>)
        } else {
        }
        %mul3A_355 = arith.constant 2 : i32
        %mul3A_356 = arith.muli %while3A_325, %mul3A_355 : i32
        %add3A_357 = arith.constant 0 : i32
        %add3A_358 = arith.addi %mul3A_356, %add3A_357 : i32
        %lt3A_359 = arith.cmpi slt, %add3A_358, %select_n3A : i32
        %convert_element_type3A_360 = arith.extui %lt3A_359 : i1 to i32
        %cond3A_361 = arith.constant 0 : i32
        %cond3A_362 = arith.cmpi ne, %convert_element_type3A_360, %cond3A_361 : i32
        scf.if %cond3A_362 {
          %dma_wait3A_371 = arith.constant 0 : i32
          %dma_wait3A_372 = arith.constant 0 : i32
          %dma_wait3A_373 = tpu.memref_slice %arg5[%dma_wait3A_371, %dma_wait3A_372] : memref<50000x128xf32, #tpu.memory_space<hbm>> -> memref<50000x128xf32, #tpu.memory_space<hbm>>
          tpu.wait_indirect_dma semaphore(%arg26 : memref<!tpu.dma_semaphore, #tpu.memory_space<semaphore_mem>>) src(%dma_wait3A_373 : memref<50000x128xf32, #tpu.memory_space<hbm>>) dst(%arg19 : memref<64x128xf32, #tpu.memory_space<vmem>>)
          %dma_wait3A_374 = arith.constant 0 : i32
          %dma_wait3A_375 = arith.constant 0 : i32
          %dma_wait3A_376 = tpu.memref_slice %arg6[%dma_wait3A_374, %dma_wait3A_375] : memref<50000x128xf32, #tpu.memory_space<hbm>> -> memref<50000x128xf32, #tpu.memory_space<hbm>>
          tpu.wait_indirect_dma semaphore(%arg26 : memref<!tpu.dma_semaphore, #tpu.memory_space<semaphore_mem>>) src(%dma_wait3A_376 : memref<50000x128xf32, #tpu.memory_space<hbm>>) dst(%arg20 : memref<64x128xf32, #tpu.memory_space<vmem>>)
          %scan3A_377 = arith.constant 0 : i32
          %scan3A_378 = arith.constant 0 : i32
          %scan3A_379 = arith.constant 64 : i32
          %scan3A_380 = arith.addi %scan3A_378, %scan3A_379 : i32
          %scan3A_381 = arith.constant 1 : i32
          scf.for %scan3A_389 = %scan3A_378 to %scan3A_380 step %scan3A_381  : i32 {
            %mul3A_390 = arith.constant 64 : i32
            %mul3A_391 = arith.muli %add3A_358, %mul3A_390 : i32
            %add3A_392 = arith.addi %mul3A_391, %scan3A_389 : i32
            %get3A_393 = arith.index_cast %add3A_392 : i32 to index
            %get3A_394 = tpu.vector_load %arg14[%get3A_393] {strides = array<i32>} : memref<2224xf32, #tpu.memory_space<vmem>>, vector<16xf32>,
            %slice3A_395 = vector.extract_strided_slice %get3A_394 {offsets = [0], sizes = [1], strides = [1]} : vector<16xf32> to vector<1xf32>
            %squeeze3A_396 = vector.extract %slice3A_395[0] : f32 from vector<1xf32>
            %broadcast_in_dim3A_397 = vector.broadcast %squeeze3A_396 : f32 to vector<16xf32>
            %mul3A_398 = arith.mulf %broadcast_in_dim3A_397, %exp3A : vector<16xf32>
            %get3A_399 = arith.index_cast %scan3A_389 : i32 to index
            %get3A_400 = arith.constant 0 : index
            %get3A_401 = tpu.vector_load %arg19[%get3A_399, %get3A_400] {strides = array<i32>} : memref<64x128xf32, #tpu.memory_space<vmem>>, vector<16xf32>,
            %mul3A_402 = arith.mulf %get3A_401, %broadcast_in_dim3A_397 : vector<16xf32>
            %swap3A = arith.index_cast %scan3A_389 : i32 to index
            %swap3A_403 = arith.constant 0 : index
            %swap3A_404 = tpu.vector_load %arg19[%swap3A, %swap3A_403] {strides = array<i32>} : memref<64x128xf32, #tpu.memory_space<vmem>>, vector<16xf32>,
            tpu.vector_store %arg19[%swap3A, %swap3A_403], %mul3A_402 {strides = array<i32>} : memref<64x128xf32, #tpu.memory_space<vmem>>, vector<16xf32>,
            %get3A_405 = arith.index_cast %scan3A_389 : i32 to index
            %get3A_406 = arith.constant 0 : index
            %get3A_407 = tpu.vector_load %arg20[%get3A_405, %get3A_406] {strides = array<i32>} : memref<64x128xf32, #tpu.memory_space<vmem>>, vector<16xf32>,
            %mul3A_408 = arith.mulf %get3A_407, %mul3A_398 : vector<16xf32>
            %swap3A_409 = arith.index_cast %scan3A_389 : i32 to index
            %swap3A_410 = arith.constant 0 : index
            %swap3A_411 = tpu.vector_load %arg20[%swap3A_409, %swap3A_410] {strides = array<i32>} : memref<64x128xf32, #tpu.memory_space<vmem>>, vector<16xf32>,
            tpu.vector_store %arg20[%swap3A_409, %swap3A_410], %mul3A_408 {strides = array<i32>} : memref<64x128xf32, #tpu.memory_space<vmem>>, vector<16xf32>,
            %get3A_412 = arith.index_cast %scan3A_389 : i32 to index
            %get3A_413 = arith.constant 16 : index
            %get3A_414 = tpu.vector_load %arg19[%get3A_412, %get3A_413] {strides = array<i32>} : memref<64x128xf32, #tpu.memory_space<vmem>>, vector<16xf32>,
            %mul3A_415 = arith.mulf %get3A_414, %broadcast_in_dim3A_397 : vector<16xf32>
            %swap3A_416 = arith.index_cast %scan3A_389 : i32 to index
            %swap3A_417 = arith.constant 16 : index
            %swap3A_418 = tpu.vector_load %arg19[%swap3A_416, %swap3A_417] {strides = array<i32>} : memref<64x128xf32, #tpu.memory_space<vmem>>, vector<16xf32>,
            tpu.vector_store %arg19[%swap3A_416, %swap3A_417], %mul3A_415 {strides = array<i32>} : memref<64x128xf32, #tpu.memory_space<vmem>>, vector<16xf32>,
            %get3A_419 = arith.index_cast %scan3A_389 : i32 to index
            %get3A_420 = arith.constant 16 : index
            %get3A_421 = tpu.vector_load %arg20[%get3A_419, %get3A_420] {strides = array<i32>} : memref<64x128xf32, #tpu.memory_space<vmem>>, vector<16xf32>,
            %mul3A_422 = arith.mulf %get3A_421, %mul3A_398 : vector<16xf32>
            %swap3A_423 = arith.index_cast %scan3A_389 : i32 to index
            %swap3A_424 = arith.constant 16 : index
            %swap3A_425 = tpu.vector_load %arg20[%swap3A_423, %swap3A_424] {strides = array<i32>} : memref<64x128xf32, #tpu.memory_space<vmem>>, vector<16xf32>,
            tpu.vector_store %arg20[%swap3A_423, %swap3A_424], %mul3A_422 {strides = array<i32>} : memref<64x128xf32, #tpu.memory_space<vmem>>, vector<16xf32>,
            %get3A_426 = arith.index_cast %scan3A_389 : i32 to index
            %get3A_427 = arith.constant 32 : index
            %get3A_428 = tpu.vector_load %arg19[%get3A_426, %get3A_427] {strides = array<i32>} : memref<64x128xf32, #tpu.memory_space<vmem>>, vector<16xf32>,
            %mul3A_429 = arith.mulf %get3A_428, %broadcast_in_dim3A_397 : vector<16xf32>
            %swap3A_430 = arith.index_cast %scan3A_389 : i32 to index
            %swap3A_431 = arith.constant 32 : index
            %swap3A_432 = tpu.vector_load %arg19[%swap3A_430, %swap3A_431] {strides = array<i32>} : memref<64x128xf32, #tpu.memory_space<vmem>>, vector<16xf32>,
            tpu.vector_store %arg19[%swap3A_430, %swap3A_431], %mul3A_429 {strides = array<i32>} : memref<64x128xf32, #tpu.memory_space<vmem>>, vector<16xf32>,
            %get3A_433 = arith.index_cast %scan3A_389 : i32 to index
            %get3A_434 = arith.constant 32 : index
            %get3A_435 = tpu.vector_load %arg20[%get3A_433, %get3A_434] {strides = array<i32>} : memref<64x128xf32, #tpu.memory_space<vmem>>, vector<16xf32>,
            %mul3A_436 = arith.mulf %get3A_435, %mul3A_398 : vector<16xf32>
            %swap3A_437 = arith.index_cast %scan3A_389 : i32 to index
            %swap3A_438 = arith.constant 32 : index
            %swap3A_439 = tpu.vector_load %arg20[%swap3A_437, %swap3A_438] {strides = array<i32>} : memref<64x128xf32, #tpu.memory_space<vmem>>, vector<16xf32>,
            tpu.vector_store %arg20[%swap3A_437, %swap3A_438], %mul3A_436 {strides = array<i32>} : memref<64x128xf32, #tpu.memory_space<vmem>>, vector<16xf32>,
            %get3A_440 = arith.index_cast %scan3A_389 : i32 to index
            %get3A_441 = arith.constant 48 : index
            %get3A_442 = tpu.vector_load %arg19[%get3A_440, %get3A_441] {strides = array<i32>} : memref<64x128xf32, #tpu.memory_space<vmem>>, vector<16xf32>,
            %mul3A_443 = arith.mulf %get3A_442, %broadcast_in_dim3A_397 : vector<16xf32>
            %swap3A_444 = arith.index_cast %scan3A_389 : i32 to index
            %swap3A_445 = arith.constant 48 : index
            %swap3A_446 = tpu.vector_load %arg19[%swap3A_444, %swap3A_445] {strides = array<i32>} : memref<64x128xf32, #tpu.memory_space<vmem>>, vector<16xf32>,
            tpu.vector_store %arg19[%swap3A_444, %swap3A_445], %mul3A_443 {strides = array<i32>} : memref<64x128xf32, #tpu.memory_space<vmem>>, vector<16xf32>,
            %get3A_447 = arith.index_cast %scan3A_389 : i32 to index
            %get3A_448 = arith.constant 48 : index
            %get3A_449 = tpu.vector_load %arg20[%get3A_447, %get3A_448] {strides = array<i32>} : memref<64x128xf32, #tpu.memory_space<vmem>>, vector<16xf32>,
            %mul3A_450 = arith.mulf %get3A_449, %mul3A_398 : vector<16xf32>
            %swap3A_451 = arith.index_cast %scan3A_389 : i32 to index
            %swap3A_452 = arith.constant 48 : index
            %swap3A_453 = tpu.vector_load %arg20[%swap3A_451, %swap3A_452] {strides = array<i32>} : memref<64x128xf32, #tpu.memory_space<vmem>>, vector<16xf32>,
            tpu.vector_store %arg20[%swap3A_451, %swap3A_452], %mul3A_450 {strides = array<i32>} : memref<64x128xf32, #tpu.memory_space<vmem>>, vector<16xf32>,
            %get3A_454 = arith.index_cast %scan3A_389 : i32 to index
            %get3A_455 = arith.constant 64 : index
            %get3A_456 = tpu.vector_load %arg19[%get3A_454, %get3A_455] {strides = array<i32>} : memref<64x128xf32, #tpu.memory_space<vmem>>, vector<16xf32>,
            %mul3A_457 = arith.mulf %get3A_456, %broadcast_in_dim3A_397 : vector<16xf32>
            %swap3A_458 = arith.index_cast %scan3A_389 : i32 to index
            %swap3A_459 = arith.constant 64 : index
            %swap3A_460 = tpu.vector_load %arg19[%swap3A_458, %swap3A_459] {strides = array<i32>} : memref<64x128xf32, #tpu.memory_space<vmem>>, vector<16xf32>,
            tpu.vector_store %arg19[%swap3A_458, %swap3A_459], %mul3A_457 {strides = array<i32>} : memref<64x128xf32, #tpu.memory_space<vmem>>, vector<16xf32>,
            %get3A_461 = arith.index_cast %scan3A_389 : i32 to index
            %get3A_462 = arith.constant 64 : index
            %get3A_463 = tpu.vector_load %arg20[%get3A_461, %get3A_462] {strides = array<i32>} : memref<64x128xf32, #tpu.memory_space<vmem>>, vector<16xf32>,
            %mul3A_464 = arith.mulf %get3A_463, %mul3A_398 : vector<16xf32>
            %swap3A_465 = arith.index_cast %scan3A_389 : i32 to index
            %swap3A_466 = arith.constant 64 : index
            %swap3A_467 = tpu.vector_load %arg20[%swap3A_465, %swap3A_466] {strides = array<i32>} : memref<64x128xf32, #tpu.memory_space<vmem>>, vector<16xf32>,
            tpu.vector_store %arg20[%swap3A_465, %swap3A_466], %mul3A_464 {strides = array<i32>} : memref<64x128xf32, #tpu.memory_space<vmem>>, vector<16xf32>,
            %get3A_468 = arith.index_cast %scan3A_389 : i32 to index
            %get3A_469 = arith.constant 80 : index
            %get3A_470 = tpu.vector_load %arg19[%get3A_468, %get3A_469] {strides = array<i32>} : memref<64x128xf32, #tpu.memory_space<vmem>>, vector<16xf32>,
            %mul3A_471 = arith.mulf %get3A_470, %broadcast_in_dim3A_397 : vector<16xf32>
            %swap3A_472 = arith.index_cast %scan3A_389 : i32 to index
            %swap3A_473 = arith.constant 80 : index
            %swap3A_474 = tpu.vector_load %arg19[%swap3A_472, %swap3A_473] {strides = array<i32>} : memref<64x128xf32, #tpu.memory_space<vmem>>, vector<16xf32>,
            tpu.vector_store %arg19[%swap3A_472, %swap3A_473], %mul3A_471 {strides = array<i32>} : memref<64x128xf32, #tpu.memory_space<vmem>>, vector<16xf32>,
            %get3A_475 = arith.index_cast %scan3A_389 : i32 to index
            %get3A_476 = arith.constant 80 : index
            %get3A_477 = tpu.vector_load %arg20[%get3A_475, %get3A_476] {strides = array<i32>} : memref<64x128xf32, #tpu.memory_space<vmem>>, vector<16xf32>,
            %mul3A_478 = arith.mulf %get3A_477, %mul3A_398 : vector<16xf32>
            %swap3A_479 = arith.index_cast %scan3A_389 : i32 to index
            %swap3A_480 = arith.constant 80 : index
            %swap3A_481 = tpu.vector_load %arg20[%swap3A_479, %swap3A_480] {strides = array<i32>} : memref<64x128xf32, #tpu.memory_space<vmem>>, vector<16xf32>,
            tpu.vector_store %arg20[%swap3A_479, %swap3A_480], %mul3A_478 {strides = array<i32>} : memref<64x128xf32, #tpu.memory_space<vmem>>, vector<16xf32>,
            %get3A_482 = arith.index_cast %scan3A_389 : i32 to index
            %get3A_483 = arith.constant 96 : index
            %get3A_484 = tpu.vector_load %arg19[%get3A_482, %get3A_483] {strides = array<i32>} : memref<64x128xf32, #tpu.memory_space<vmem>>, vector<16xf32>,
            %mul3A_485 = arith.mulf %get3A_484, %broadcast_in_dim3A_397 : vector<16xf32>
            %swap3A_486 = arith.index_cast %scan3A_389 : i32 to index
            %swap3A_487 = arith.constant 96 : index
            %swap3A_488 = tpu.vector_load %arg19[%swap3A_486, %swap3A_487] {strides = array<i32>} : memref<64x128xf32, #tpu.memory_space<vmem>>, vector<16xf32>,
            tpu.vector_store %arg19[%swap3A_486, %swap3A_487], %mul3A_485 {strides = array<i32>} : memref<64x128xf32, #tpu.memory_space<vmem>>, vector<16xf32>,
            %get3A_489 = arith.index_cast %scan3A_389 : i32 to index
            %get3A_490 = arith.constant 96 : index
            %get3A_491 = tpu.vector_load %arg20[%get3A_489, %get3A_490] {strides = array<i32>} : memref<64x128xf32, #tpu.memory_space<vmem>>, vector<16xf32>,
            %mul3A_492 = arith.mulf %get3A_491, %mul3A_398 : vector<16xf32>
            %swap3A_493 = arith.index_cast %scan3A_389 : i32 to index
            %swap3A_494 = arith.constant 96 : index
            %swap3A_495 = tpu.vector_load %arg20[%swap3A_493, %swap3A_494] {strides = array<i32>} : memref<64x128xf32, #tpu.memory_space<vmem>>, vector<16xf32>,
            tpu.vector_store %arg20[%swap3A_493, %swap3A_494], %mul3A_492 {strides = array<i32>} : memref<64x128xf32, #tpu.memory_space<vmem>>, vector<16xf32>,
            %get3A_496 = arith.index_cast %scan3A_389 : i32 to index
            %get3A_497 = arith.constant 112 : index
            %get3A_498 = tpu.vector_load %arg19[%get3A_496, %get3A_497] {strides = array<i32>} : memref<64x128xf32, #tpu.memory_space<vmem>>, vector<16xf32>,
            %mul3A_499 = arith.mulf %get3A_498, %broadcast_in_dim3A_397 : vector<16xf32>
            %swap3A_500 = arith.index_cast %scan3A_389 : i32 to index
            %swap3A_501 = arith.constant 112 : index
            %swap3A_502 = tpu.vector_load %arg19[%swap3A_500, %swap3A_501] {strides = array<i32>} : memref<64x128xf32, #tpu.memory_space<vmem>>, vector<16xf32>,
            tpu.vector_store %arg19[%swap3A_500, %swap3A_501], %mul3A_499 {strides = array<i32>} : memref<64x128xf32, #tpu.memory_space<vmem>>, vector<16xf32>,
            %get3A_503 = arith.index_cast %scan3A_389 : i32 to index
            %get3A_504 = arith.constant 112 : index
            %get3A_505 = tpu.vector_load %arg20[%get3A_503, %get3A_504] {strides = array<i32>} : memref<64x128xf32, #tpu.memory_space<vmem>>, vector<16xf32>,
            %mul3A_506 = arith.mulf %get3A_505, %mul3A_398 : vector<16xf32>
            %swap3A_507 = arith.index_cast %scan3A_389 : i32 to index
            %swap3A_508 = arith.constant 112 : index
            %swap3A_509 = tpu.vector_load %arg20[%swap3A_507, %swap3A_508] {strides = array<i32>} : memref<64x128xf32, #tpu.memory_space<vmem>>, vector<16xf32>,
            tpu.vector_store %arg20[%swap3A_507, %swap3A_508], %mul3A_506 {strides = array<i32>} : memref<64x128xf32, #tpu.memory_space<vmem>>, vector<16xf32>,
          }
          %scan3A_382 = arith.constant 64 : i32
          %dma_start3A_383 = arith.constant 0 : i32
          %dma_start3A_384 = arith.constant 0 : i32
          %dma_start3A_385 = tpu.memref_slice %arg24[%dma_start3A_383, %dma_start3A_384] : memref<4200x128xf32, #tpu.memory_space<vmem_shared>> -> memref<4200x128xf32, #tpu.memory_space<vmem_shared>>
          tpu.enqueue_indirect_dma source(%arg19 : memref<64x128xf32, #tpu.memory_space<vmem>>) target(%dma_start3A_385 : memref<4200x128xf32, #tpu.memory_space<vmem_shared>>) offsets(%arg15 : memref<64xi32, #tpu.memory_space<vmem>>) semaphore(%arg28 : memref<!tpu.dma_semaphore, #tpu.memory_space<semaphore_mem>>) {add = true}
          %dma_start3A_386 = arith.constant 0 : i32
          %dma_start3A_387 = arith.constant 0 : i32
          %dma_start3A_388 = tpu.memref_slice %arg25[%dma_start3A_386, %dma_start3A_387] : memref<4200x128xf32, #tpu.memory_space<vmem_shared>> -> memref<4200x128xf32, #tpu.memory_space<vmem_shared>>
          tpu.enqueue_indirect_dma source(%arg20 : memref<64x128xf32, #tpu.memory_space<vmem>>) target(%dma_start3A_388 : memref<4200x128xf32, #tpu.memory_space<vmem_shared>>) offsets(%arg15 : memref<64xi32, #tpu.memory_space<vmem>>) semaphore(%arg28 : memref<!tpu.dma_semaphore, #tpu.memory_space<semaphore_mem>>) {add = true}
        } else {
        }
        %mul3A_363 = arith.constant 2 : i32
        %mul3A_364 = arith.muli %while3A_325, %mul3A_363 : i32
        %add3A_365 = arith.constant 1 : i32
        %add3A_366 = arith.addi %mul3A_364, %add3A_365 : i32
        %lt3A_367 = arith.cmpi slt, %add3A_366, %select_n3A : i32
        %convert_element_type3A_368 = arith.extui %lt3A_367 : i1 to i32
        %cond3A_369 = arith.constant 0 : i32
        %cond3A_370 = arith.cmpi ne, %convert_element_type3A_368, %cond3A_369 : i32
        scf.if %cond3A_370 {
          %dma_wait3A_371 = arith.constant 0 : i32
          %dma_wait3A_372 = arith.constant 0 : i32
          %dma_wait3A_373 = tpu.memref_slice %arg5[%dma_wait3A_371, %dma_wait3A_372] : memref<50000x128xf32, #tpu.memory_space<hbm>> -> memref<50000x128xf32, #tpu.memory_space<hbm>>
          tpu.wait_indirect_dma semaphore(%arg27 : memref<!tpu.dma_semaphore, #tpu.memory_space<semaphore_mem>>) src(%dma_wait3A_373 : memref<50000x128xf32, #tpu.memory_space<hbm>>) dst(%arg21 : memref<64x128xf32, #tpu.memory_space<vmem>>)
          %dma_wait3A_374 = arith.constant 0 : i32
          %dma_wait3A_375 = arith.constant 0 : i32
          %dma_wait3A_376 = tpu.memref_slice %arg6[%dma_wait3A_374, %dma_wait3A_375] : memref<50000x128xf32, #tpu.memory_space<hbm>> -> memref<50000x128xf32, #tpu.memory_space<hbm>>
          tpu.wait_indirect_dma semaphore(%arg27 : memref<!tpu.dma_semaphore, #tpu.memory_space<semaphore_mem>>) src(%dma_wait3A_376 : memref<50000x128xf32, #tpu.memory_space<hbm>>) dst(%arg22 : memref<64x128xf32, #tpu.memory_space<vmem>>)
          %scan3A_377 = arith.constant 0 : i32
          %scan3A_378 = arith.constant 0 : i32
          %scan3A_379 = arith.constant 64 : i32
          %scan3A_380 = arith.addi %scan3A_378, %scan3A_379 : i32
          %scan3A_381 = arith.constant 1 : i32
          scf.for %scan3A_389 = %scan3A_378 to %scan3A_380 step %scan3A_381  : i32 {
            %mul3A_390 = arith.constant 64 : i32
            %mul3A_391 = arith.muli %add3A_366, %mul3A_390 : i32
            %add3A_392 = arith.addi %mul3A_391, %scan3A_389 : i32
            %get3A_393 = arith.index_cast %add3A_392 : i32 to index
            %get3A_394 = tpu.vector_load %arg14[%get3A_393] {strides = array<i32>} : memref<2224xf32, #tpu.memory_space<vmem>>, vector<16xf32>,
            %slice3A_395 = vector.extract_strided_slice %get3A_394 {offsets = [0], sizes = [1], strides = [1]} : vector<16xf32> to vector<1xf32>
            %squeeze3A_396 = vector.extract %slice3A_395[0] : f32 from vector<1xf32>
            %broadcast_in_dim3A_397 = vector.broadcast %squeeze3A_396 : f32 to vector<16xf32>
            %mul3A_398 = arith.mulf %broadcast_in_dim3A_397, %exp3A : vector<16xf32>
            %get3A_399 = arith.index_cast %scan3A_389 : i32 to index
            %get3A_400 = arith.constant 0 : index
            %get3A_401 = tpu.vector_load %arg21[%get3A_399, %get3A_400] {strides = array<i32>} : memref<64x128xf32, #tpu.memory_space<vmem>>, vector<16xf32>,
            %mul3A_402 = arith.mulf %get3A_401, %broadcast_in_dim3A_397 : vector<16xf32>
            %swap3A = arith.index_cast %scan3A_389 : i32 to index
            %swap3A_403 = arith.constant 0 : index
            %swap3A_404 = tpu.vector_load %arg21[%swap3A, %swap3A_403] {strides = array<i32>} : memref<64x128xf32, #tpu.memory_space<vmem>>, vector<16xf32>,
            tpu.vector_store %arg21[%swap3A, %swap3A_403], %mul3A_402 {strides = array<i32>} : memref<64x128xf32, #tpu.memory_space<vmem>>, vector<16xf32>,
            %get3A_405 = arith.index_cast %scan3A_389 : i32 to index
            %get3A_406 = arith.constant 0 : index
            %get3A_407 = tpu.vector_load %arg22[%get3A_405, %get3A_406] {strides = array<i32>} : memref<64x128xf32, #tpu.memory_space<vmem>>, vector<16xf32>,
            %mul3A_408 = arith.mulf %get3A_407, %mul3A_398 : vector<16xf32>
            %swap3A_409 = arith.index_cast %scan3A_389 : i32 to index
            %swap3A_410 = arith.constant 0 : index
            %swap3A_411 = tpu.vector_load %arg22[%swap3A_409, %swap3A_410] {strides = array<i32>} : memref<64x128xf32, #tpu.memory_space<vmem>>, vector<16xf32>,
            tpu.vector_store %arg22[%swap3A_409, %swap3A_410], %mul3A_408 {strides = array<i32>} : memref<64x128xf32, #tpu.memory_space<vmem>>, vector<16xf32>,
            %get3A_412 = arith.index_cast %scan3A_389 : i32 to index
            %get3A_413 = arith.constant 16 : index
            %get3A_414 = tpu.vector_load %arg21[%get3A_412, %get3A_413] {strides = array<i32>} : memref<64x128xf32, #tpu.memory_space<vmem>>, vector<16xf32>,
            %mul3A_415 = arith.mulf %get3A_414, %broadcast_in_dim3A_397 : vector<16xf32>
            %swap3A_416 = arith.index_cast %scan3A_389 : i32 to index
            %swap3A_417 = arith.constant 16 : index
            %swap3A_418 = tpu.vector_load %arg21[%swap3A_416, %swap3A_417] {strides = array<i32>} : memref<64x128xf32, #tpu.memory_space<vmem>>, vector<16xf32>,
            tpu.vector_store %arg21[%swap3A_416, %swap3A_417], %mul3A_415 {strides = array<i32>} : memref<64x128xf32, #tpu.memory_space<vmem>>, vector<16xf32>,
            %get3A_419 = arith.index_cast %scan3A_389 : i32 to index
            %get3A_420 = arith.constant 16 : index
            %get3A_421 = tpu.vector_load %arg22[%get3A_419, %get3A_420] {strides = array<i32>} : memref<64x128xf32, #tpu.memory_space<vmem>>, vector<16xf32>,
            %mul3A_422 = arith.mulf %get3A_421, %mul3A_398 : vector<16xf32>
            %swap3A_423 = arith.index_cast %scan3A_389 : i32 to index
            %swap3A_424 = arith.constant 16 : index
            %swap3A_425 = tpu.vector_load %arg22[%swap3A_423, %swap3A_424] {strides = array<i32>} : memref<64x128xf32, #tpu.memory_space<vmem>>, vector<16xf32>,
            tpu.vector_store %arg22[%swap3A_423, %swap3A_424], %mul3A_422 {strides = array<i32>} : memref<64x128xf32, #tpu.memory_space<vmem>>, vector<16xf32>,
            %get3A_426 = arith.index_cast %scan3A_389 : i32 to index
            %get3A_427 = arith.constant 32 : index
            %get3A_428 = tpu.vector_load %arg21[%get3A_426, %get3A_427] {strides = array<i32>} : memref<64x128xf32, #tpu.memory_space<vmem>>, vector<16xf32>,
            %mul3A_429 = arith.mulf %get3A_428, %broadcast_in_dim3A_397 : vector<16xf32>
            %swap3A_430 = arith.index_cast %scan3A_389 : i32 to index
            %swap3A_431 = arith.constant 32 : index
            %swap3A_432 = tpu.vector_load %arg21[%swap3A_430, %swap3A_431] {strides = array<i32>} : memref<64x128xf32, #tpu.memory_space<vmem>>, vector<16xf32>,
            tpu.vector_store %arg21[%swap3A_430, %swap3A_431], %mul3A_429 {strides = array<i32>} : memref<64x128xf32, #tpu.memory_space<vmem>>, vector<16xf32>,
            %get3A_433 = arith.index_cast %scan3A_389 : i32 to index
            %get3A_434 = arith.constant 32 : index
            %get3A_435 = tpu.vector_load %arg22[%get3A_433, %get3A_434] {strides = array<i32>} : memref<64x128xf32, #tpu.memory_space<vmem>>, vector<16xf32>,
            %mul3A_436 = arith.mulf %get3A_435, %mul3A_398 : vector<16xf32>
            %swap3A_437 = arith.index_cast %scan3A_389 : i32 to index
            %swap3A_438 = arith.constant 32 : index
            %swap3A_439 = tpu.vector_load %arg22[%swap3A_437, %swap3A_438] {strides = array<i32>} : memref<64x128xf32, #tpu.memory_space<vmem>>, vector<16xf32>,
            tpu.vector_store %arg22[%swap3A_437, %swap3A_438], %mul3A_436 {strides = array<i32>} : memref<64x128xf32, #tpu.memory_space<vmem>>, vector<16xf32>,
            %get3A_440 = arith.index_cast %scan3A_389 : i32 to index
            %get3A_441 = arith.constant 48 : index
            %get3A_442 = tpu.vector_load %arg21[%get3A_440, %get3A_441] {strides = array<i32>} : memref<64x128xf32, #tpu.memory_space<vmem>>, vector<16xf32>,
            %mul3A_443 = arith.mulf %get3A_442, %broadcast_in_dim3A_397 : vector<16xf32>
            %swap3A_444 = arith.index_cast %scan3A_389 : i32 to index
            %swap3A_445 = arith.constant 48 : index
            %swap3A_446 = tpu.vector_load %arg21[%swap3A_444, %swap3A_445] {strides = array<i32>} : memref<64x128xf32, #tpu.memory_space<vmem>>, vector<16xf32>,
            tpu.vector_store %arg21[%swap3A_444, %swap3A_445], %mul3A_443 {strides = array<i32>} : memref<64x128xf32, #tpu.memory_space<vmem>>, vector<16xf32>,
            %get3A_447 = arith.index_cast %scan3A_389 : i32 to index
            %get3A_448 = arith.constant 48 : index
            %get3A_449 = tpu.vector_load %arg22[%get3A_447, %get3A_448] {strides = array<i32>} : memref<64x128xf32, #tpu.memory_space<vmem>>, vector<16xf32>,
            %mul3A_450 = arith.mulf %get3A_449, %mul3A_398 : vector<16xf32>
            %swap3A_451 = arith.index_cast %scan3A_389 : i32 to index
            %swap3A_452 = arith.constant 48 : index
            %swap3A_453 = tpu.vector_load %arg22[%swap3A_451, %swap3A_452] {strides = array<i32>} : memref<64x128xf32, #tpu.memory_space<vmem>>, vector<16xf32>,
            tpu.vector_store %arg22[%swap3A_451, %swap3A_452], %mul3A_450 {strides = array<i32>} : memref<64x128xf32, #tpu.memory_space<vmem>>, vector<16xf32>,
            %get3A_454 = arith.index_cast %scan3A_389 : i32 to index
            %get3A_455 = arith.constant 64 : index
            %get3A_456 = tpu.vector_load %arg21[%get3A_454, %get3A_455] {strides = array<i32>} : memref<64x128xf32, #tpu.memory_space<vmem>>, vector<16xf32>,
            %mul3A_457 = arith.mulf %get3A_456, %broadcast_in_dim3A_397 : vector<16xf32>
            %swap3A_458 = arith.index_cast %scan3A_389 : i32 to index
            %swap3A_459 = arith.constant 64 : index
            %swap3A_460 = tpu.vector_load %arg21[%swap3A_458, %swap3A_459] {strides = array<i32>} : memref<64x128xf32, #tpu.memory_space<vmem>>, vector<16xf32>,
            tpu.vector_store %arg21[%swap3A_458, %swap3A_459], %mul3A_457 {strides = array<i32>} : memref<64x128xf32, #tpu.memory_space<vmem>>, vector<16xf32>,
            %get3A_461 = arith.index_cast %scan3A_389 : i32 to index
            %get3A_462 = arith.constant 64 : index
            %get3A_463 = tpu.vector_load %arg22[%get3A_461, %get3A_462] {strides = array<i32>} : memref<64x128xf32, #tpu.memory_space<vmem>>, vector<16xf32>,
            %mul3A_464 = arith.mulf %get3A_463, %mul3A_398 : vector<16xf32>
            %swap3A_465 = arith.index_cast %scan3A_389 : i32 to index
            %swap3A_466 = arith.constant 64 : index
            %swap3A_467 = tpu.vector_load %arg22[%swap3A_465, %swap3A_466] {strides = array<i32>} : memref<64x128xf32, #tpu.memory_space<vmem>>, vector<16xf32>,
            tpu.vector_store %arg22[%swap3A_465, %swap3A_466], %mul3A_464 {strides = array<i32>} : memref<64x128xf32, #tpu.memory_space<vmem>>, vector<16xf32>,
            %get3A_468 = arith.index_cast %scan3A_389 : i32 to index
            %get3A_469 = arith.constant 80 : index
            %get3A_470 = tpu.vector_load %arg21[%get3A_468, %get3A_469] {strides = array<i32>} : memref<64x128xf32, #tpu.memory_space<vmem>>, vector<16xf32>,
            %mul3A_471 = arith.mulf %get3A_470, %broadcast_in_dim3A_397 : vector<16xf32>
            %swap3A_472 = arith.index_cast %scan3A_389 : i32 to index
            %swap3A_473 = arith.constant 80 : index
            %swap3A_474 = tpu.vector_load %arg21[%swap3A_472, %swap3A_473] {strides = array<i32>} : memref<64x128xf32, #tpu.memory_space<vmem>>, vector<16xf32>,
            tpu.vector_store %arg21[%swap3A_472, %swap3A_473], %mul3A_471 {strides = array<i32>} : memref<64x128xf32, #tpu.memory_space<vmem>>, vector<16xf32>,
            %get3A_475 = arith.index_cast %scan3A_389 : i32 to index
            %get3A_476 = arith.constant 80 : index
            %get3A_477 = tpu.vector_load %arg22[%get3A_475, %get3A_476] {strides = array<i32>} : memref<64x128xf32, #tpu.memory_space<vmem>>, vector<16xf32>,
            %mul3A_478 = arith.mulf %get3A_477, %mul3A_398 : vector<16xf32>
            %swap3A_479 = arith.index_cast %scan3A_389 : i32 to index
            %swap3A_480 = arith.constant 80 : index
            %swap3A_481 = tpu.vector_load %arg22[%swap3A_479, %swap3A_480] {strides = array<i32>} : memref<64x128xf32, #tpu.memory_space<vmem>>, vector<16xf32>,
            tpu.vector_store %arg22[%swap3A_479, %swap3A_480], %mul3A_478 {strides = array<i32>} : memref<64x128xf32, #tpu.memory_space<vmem>>, vector<16xf32>,
            %get3A_482 = arith.index_cast %scan3A_389 : i32 to index
            %get3A_483 = arith.constant 96 : index
            %get3A_484 = tpu.vector_load %arg21[%get3A_482, %get3A_483] {strides = array<i32>} : memref<64x128xf32, #tpu.memory_space<vmem>>, vector<16xf32>,
            %mul3A_485 = arith.mulf %get3A_484, %broadcast_in_dim3A_397 : vector<16xf32>
            %swap3A_486 = arith.index_cast %scan3A_389 : i32 to index
            %swap3A_487 = arith.constant 96 : index
            %swap3A_488 = tpu.vector_load %arg21[%swap3A_486, %swap3A_487] {strides = array<i32>} : memref<64x128xf32, #tpu.memory_space<vmem>>, vector<16xf32>,
            tpu.vector_store %arg21[%swap3A_486, %swap3A_487], %mul3A_485 {strides = array<i32>} : memref<64x128xf32, #tpu.memory_space<vmem>>, vector<16xf32>,
            %get3A_489 = arith.index_cast %scan3A_389 : i32 to index
            %get3A_490 = arith.constant 96 : index
            %get3A_491 = tpu.vector_load %arg22[%get3A_489, %get3A_490] {strides = array<i32>} : memref<64x128xf32, #tpu.memory_space<vmem>>, vector<16xf32>,
            %mul3A_492 = arith.mulf %get3A_491, %mul3A_398 : vector<16xf32>
            %swap3A_493 = arith.index_cast %scan3A_389 : i32 to index
            %swap3A_494 = arith.constant 96 : index
            %swap3A_495 = tpu.vector_load %arg22[%swap3A_493, %swap3A_494] {strides = array<i32>} : memref<64x128xf32, #tpu.memory_space<vmem>>, vector<16xf32>,
            tpu.vector_store %arg22[%swap3A_493, %swap3A_494], %mul3A_492 {strides = array<i32>} : memref<64x128xf32, #tpu.memory_space<vmem>>, vector<16xf32>,
            %get3A_496 = arith.index_cast %scan3A_389 : i32 to index
            %get3A_497 = arith.constant 112 : index
            %get3A_498 = tpu.vector_load %arg21[%get3A_496, %get3A_497] {strides = array<i32>} : memref<64x128xf32, #tpu.memory_space<vmem>>, vector<16xf32>,
            %mul3A_499 = arith.mulf %get3A_498, %broadcast_in_dim3A_397 : vector<16xf32>
            %swap3A_500 = arith.index_cast %scan3A_389 : i32 to index
            %swap3A_501 = arith.constant 112 : index
            %swap3A_502 = tpu.vector_load %arg21[%swap3A_500, %swap3A_501] {strides = array<i32>} : memref<64x128xf32, #tpu.memory_space<vmem>>, vector<16xf32>,
            tpu.vector_store %arg21[%swap3A_500, %swap3A_501], %mul3A_499 {strides = array<i32>} : memref<64x128xf32, #tpu.memory_space<vmem>>, vector<16xf32>,
            %get3A_503 = arith.index_cast %scan3A_389 : i32 to index
            %get3A_504 = arith.constant 112 : index
            %get3A_505 = tpu.vector_load %arg22[%get3A_503, %get3A_504] {strides = array<i32>} : memref<64x128xf32, #tpu.memory_space<vmem>>, vector<16xf32>,
            %mul3A_506 = arith.mulf %get3A_505, %mul3A_398 : vector<16xf32>
            %swap3A_507 = arith.index_cast %scan3A_389 : i32 to index
            %swap3A_508 = arith.constant 112 : index
            %swap3A_509 = tpu.vector_load %arg22[%swap3A_507, %swap3A_508] {strides = array<i32>} : memref<64x128xf32, #tpu.memory_space<vmem>>, vector<16xf32>,
            tpu.vector_store %arg22[%swap3A_507, %swap3A_508], %mul3A_506 {strides = array<i32>} : memref<64x128xf32, #tpu.memory_space<vmem>>, vector<16xf32>,
          }
          %scan3A_382 = arith.constant 64 : i32
          %dma_start3A_383 = arith.constant 0 : i32
          %dma_start3A_384 = arith.constant 0 : i32
          %dma_start3A_385 = tpu.memref_slice %arg24[%dma_start3A_383, %dma_start3A_384] : memref<4200x128xf32, #tpu.memory_space<vmem_shared>> -> memref<4200x128xf32, #tpu.memory_space<vmem_shared>>
          tpu.enqueue_indirect_dma source(%arg21 : memref<64x128xf32, #tpu.memory_space<vmem>>) target(%dma_start3A_385 : memref<4200x128xf32, #tpu.memory_space<vmem_shared>>) offsets(%arg17 : memref<64xi32, #tpu.memory_space<vmem>>) semaphore(%arg29 : memref<!tpu.dma_semaphore, #tpu.memory_space<semaphore_mem>>) {add = true}
          %dma_start3A_386 = arith.constant 0 : i32
          %dma_start3A_387 = arith.constant 0 : i32
          %dma_start3A_388 = tpu.memref_slice %arg25[%dma_start3A_386, %dma_start3A_387] : memref<4200x128xf32, #tpu.memory_space<vmem_shared>> -> memref<4200x128xf32, #tpu.memory_space<vmem_shared>>
          tpu.enqueue_indirect_dma source(%arg22 : memref<64x128xf32, #tpu.memory_space<vmem>>) target(%dma_start3A_388 : memref<4200x128xf32, #tpu.memory_space<vmem_shared>>) offsets(%arg17 : memref<64xi32, #tpu.memory_space<vmem>>) semaphore(%arg29 : memref<!tpu.dma_semaphore, #tpu.memory_space<semaphore_mem>>) {add = true}
        } else {
        }
      }
      %while3A_156 = arith.constant 1 : i32
      scf.for %while3A_325 = %while3A_154 to %while3A_150 step %while3A_156  : i32 {
        %mul3A_326 = arith.constant 2 : i32
        %mul3A_327 = arith.muli %while3A_325, %mul3A_326 : i32
        %add3A_328 = arith.constant 0 : i32
        %add3A_329 = arith.addi %mul3A_327, %add3A_328 : i32
        %lt3A = arith.cmpi slt, %add3A_329, %select_n3A : i32
        %ge3A_330 = arith.constant 2 : i32
        %ge3A_331 = arith.cmpi sge, %add3A_329, %ge3A_330 : i32
        %and3A_332 = arith.andi %lt3A, %ge3A_331 : i1
        %convert_element_type3A_333 = arith.extui %and3A_332 : i1 to i32
        %cond3A_334 = arith.constant 0 : i32
        %cond3A_335 = arith.cmpi ne, %convert_element_type3A_333, %cond3A_334 : i32
        scf.if %cond3A_335 {
          %dma_wait3A_371 = arith.constant 0 : i32
          %dma_wait3A_372 = arith.constant 0 : i32
          %dma_wait3A_373 = tpu.memref_slice %arg24[%dma_wait3A_371, %dma_wait3A_372] : memref<4200x128xf32, #tpu.memory_space<vmem_shared>> -> memref<4200x128xf32, #tpu.memory_space<vmem_shared>>
          tpu.wait_indirect_dma semaphore(%arg28 : memref<!tpu.dma_semaphore, #tpu.memory_space<semaphore_mem>>) src(%arg19 : memref<64x128xf32, #tpu.memory_space<vmem>>) dst(%dma_wait3A_373 : memref<4200x128xf32, #tpu.memory_space<vmem_shared>>)
          %dma_wait3A_374 = arith.constant 0 : i32
          %dma_wait3A_375 = arith.constant 0 : i32
          %dma_wait3A_376 = tpu.memref_slice %arg25[%dma_wait3A_374, %dma_wait3A_375] : memref<4200x128xf32, #tpu.memory_space<vmem_shared>> -> memref<4200x128xf32, #tpu.memory_space<vmem_shared>>
          tpu.wait_indirect_dma semaphore(%arg28 : memref<!tpu.dma_semaphore, #tpu.memory_space<semaphore_mem>>) src(%arg20 : memref<64x128xf32, #tpu.memory_space<vmem>>) dst(%dma_wait3A_376 : memref<4200x128xf32, #tpu.memory_space<vmem_shared>>)
        } else {
        }
        %lt3A_336 = arith.cmpi slt, %add3A_329, %select_n3A : i32
        %convert_element_type3A_337 = arith.extui %lt3A_336 : i1 to i32
        %cond3A_338 = arith.constant 0 : i32
        %cond3A_339 = arith.cmpi ne, %convert_element_type3A_337, %cond3A_338 : i32
        scf.if %cond3A_339 {
          %mul3A_371 = arith.constant 64 : i32
          %mul3A_372 = arith.muli %add3A_329, %mul3A_371 : i32
          %add3A_373 = arith.constant 0 : i32
          %add3A_374 = arith.addi %mul3A_372, %add3A_373 : i32
          %get3A_375 = arith.index_cast %add3A_374 : i32 to index
          %get3A_376 = tpu.vector_load %arg12[%get3A_375] {strides = array<i32>} : memref<2224xi32, #tpu.memory_space<vmem>>, vector<16xi32>,
          %swap3A = arith.constant 0 : index
          %swap3A_377 = tpu.vector_load %arg15[%swap3A] {strides = array<i32>} : memref<64xi32, #tpu.memory_space<vmem>>, vector<16xi32>,
          tpu.vector_store %arg15[%swap3A], %get3A_376 {strides = array<i32>} : memref<64xi32, #tpu.memory_space<vmem>>, vector<16xi32>,
          %mul3A_378 = arith.constant 64 : i32
          %mul3A_379 = arith.muli %add3A_329, %mul3A_378 : i32
          %add3A_380 = arith.constant 0 : i32
          %add3A_381 = arith.addi %mul3A_379, %add3A_380 : i32
          %get3A_382 = arith.index_cast %add3A_381 : i32 to index
          %get3A_383 = tpu.vector_load %arg13[%get3A_382] {strides = array<i32>} : memref<2224xi32, #tpu.memory_space<vmem>>, vector<16xi32>,
          %swap3A_384 = arith.constant 0 : index
          %swap3A_385 = tpu.vector_load %arg16[%swap3A_384] {strides = array<i32>} : memref<64xi32, #tpu.memory_space<vmem>>, vector<16xi32>,
          tpu.vector_store %arg16[%swap3A_384], %get3A_383 {strides = array<i32>} : memref<64xi32, #tpu.memory_space<vmem>>, vector<16xi32>,
          %mul3A_386 = arith.constant 64 : i32
          %mul3A_387 = arith.muli %add3A_329, %mul3A_386 : i32
          %add3A_388 = arith.constant 16 : i32
          %add3A_389 = arith.addi %mul3A_387, %add3A_388 : i32
          %get3A_390 = arith.index_cast %add3A_389 : i32 to index
          %get3A_391 = tpu.vector_load %arg12[%get3A_390] {strides = array<i32>} : memref<2224xi32, #tpu.memory_space<vmem>>, vector<16xi32>,
          %swap3A_392 = arith.constant 16 : index
          %swap3A_393 = tpu.vector_load %arg15[%swap3A_392] {strides = array<i32>} : memref<64xi32, #tpu.memory_space<vmem>>, vector<16xi32>,
          tpu.vector_store %arg15[%swap3A_392], %get3A_391 {strides = array<i32>} : memref<64xi32, #tpu.memory_space<vmem>>, vector<16xi32>,
          %mul3A_394 = arith.constant 64 : i32
          %mul3A_395 = arith.muli %add3A_329, %mul3A_394 : i32
          %add3A_396 = arith.constant 16 : i32
          %add3A_397 = arith.addi %mul3A_395, %add3A_396 : i32
          %get3A_398 = arith.index_cast %add3A_397 : i32 to index
          %get3A_399 = tpu.vector_load %arg13[%get3A_398] {strides = array<i32>} : memref<2224xi32, #tpu.memory_space<vmem>>, vector<16xi32>,
          %swap3A_400 = arith.constant 16 : index
          %swap3A_401 = tpu.vector_load %arg16[%swap3A_400] {strides = array<i32>} : memref<64xi32, #tpu.memory_space<vmem>>, vector<16xi32>,
          tpu.vector_store %arg16[%swap3A_400], %get3A_399 {strides = array<i32>} : memref<64xi32, #tpu.memory_space<vmem>>, vector<16xi32>,
          %mul3A_402 = arith.constant 64 : i32
          %mul3A_403 = arith.muli %add3A_329, %mul3A_402 : i32
          %add3A_404 = arith.constant 32 : i32
          %add3A_405 = arith.addi %mul3A_403, %add3A_404 : i32
          %get3A_406 = arith.index_cast %add3A_405 : i32 to index
          %get3A_407 = tpu.vector_load %arg12[%get3A_406] {strides = array<i32>} : memref<2224xi32, #tpu.memory_space<vmem>>, vector<16xi32>,
          %swap3A_408 = arith.constant 32 : index
          %swap3A_409 = tpu.vector_load %arg15[%swap3A_408] {strides = array<i32>} : memref<64xi32, #tpu.memory_space<vmem>>, vector<16xi32>,
          tpu.vector_store %arg15[%swap3A_408], %get3A_407 {strides = array<i32>} : memref<64xi32, #tpu.memory_space<vmem>>, vector<16xi32>,
          %mul3A_410 = arith.constant 64 : i32
          %mul3A_411 = arith.muli %add3A_329, %mul3A_410 : i32
          %add3A_412 = arith.constant 32 : i32
          %add3A_413 = arith.addi %mul3A_411, %add3A_412 : i32
          %get3A_414 = arith.index_cast %add3A_413 : i32 to index
          %get3A_415 = tpu.vector_load %arg13[%get3A_414] {strides = array<i32>} : memref<2224xi32, #tpu.memory_space<vmem>>, vector<16xi32>,
          %swap3A_416 = arith.constant 32 : index
          %swap3A_417 = tpu.vector_load %arg16[%swap3A_416] {strides = array<i32>} : memref<64xi32, #tpu.memory_space<vmem>>, vector<16xi32>,
          tpu.vector_store %arg16[%swap3A_416], %get3A_415 {strides = array<i32>} : memref<64xi32, #tpu.memory_space<vmem>>, vector<16xi32>,
          %mul3A_418 = arith.constant 64 : i32
          %mul3A_419 = arith.muli %add3A_329, %mul3A_418 : i32
          %add3A_420 = arith.constant 48 : i32
          %add3A_421 = arith.addi %mul3A_419, %add3A_420 : i32
          %get3A_422 = arith.index_cast %add3A_421 : i32 to index
          %get3A_423 = tpu.vector_load %arg12[%get3A_422] {strides = array<i32>} : memref<2224xi32, #tpu.memory_space<vmem>>, vector<16xi32>,
          %swap3A_424 = arith.constant 48 : index
          %swap3A_425 = tpu.vector_load %arg15[%swap3A_424] {strides = array<i32>} : memref<64xi32, #tpu.memory_space<vmem>>, vector<16xi32>,
          tpu.vector_store %arg15[%swap3A_424], %get3A_423 {strides = array<i32>} : memref<64xi32, #tpu.memory_space<vmem>>, vector<16xi32>,
          %mul3A_426 = arith.constant 64 : i32
          %mul3A_427 = arith.muli %add3A_329, %mul3A_426 : i32
          %add3A_428 = arith.constant 48 : i32
          %add3A_429 = arith.addi %mul3A_427, %add3A_428 : i32
          %get3A_430 = arith.index_cast %add3A_429 : i32 to index
          %get3A_431 = tpu.vector_load %arg13[%get3A_430] {strides = array<i32>} : memref<2224xi32, #tpu.memory_space<vmem>>, vector<16xi32>,
          %swap3A_432 = arith.constant 48 : index
          %swap3A_433 = tpu.vector_load %arg16[%swap3A_432] {strides = array<i32>} : memref<64xi32, #tpu.memory_space<vmem>>, vector<16xi32>,
          tpu.vector_store %arg16[%swap3A_432], %get3A_431 {strides = array<i32>} : memref<64xi32, #tpu.memory_space<vmem>>, vector<16xi32>,
          %dma_start3A_434 = arith.constant 0 : i32
          %dma_start3A_435 = arith.constant 0 : i32
          %dma_start3A_436 = tpu.memref_slice %arg5[%dma_start3A_434, %dma_start3A_435] : memref<50000x128xf32, #tpu.memory_space<hbm>> -> memref<50000x128xf32, #tpu.memory_space<hbm>>
          tpu.enqueue_indirect_dma source(%dma_start3A_436 : memref<50000x128xf32, #tpu.memory_space<hbm>>) target(%arg19 : memref<64x128xf32, #tpu.memory_space<vmem>>) offsets(%arg16 : memref<64xi32, #tpu.memory_space<vmem>>) semaphore(%arg26 : memref<!tpu.dma_semaphore, #tpu.memory_space<semaphore_mem>>)
          %dma_start3A_437 = arith.constant 0 : i32
          %dma_start3A_438 = arith.constant 0 : i32
          %dma_start3A_439 = tpu.memref_slice %arg6[%dma_start3A_437, %dma_start3A_438] : memref<50000x128xf32, #tpu.memory_space<hbm>> -> memref<50000x128xf32, #tpu.memory_space<hbm>>
          tpu.enqueue_indirect_dma source(%dma_start3A_439 : memref<50000x128xf32, #tpu.memory_space<hbm>>) target(%arg20 : memref<64x128xf32, #tpu.memory_space<vmem>>) offsets(%arg16 : memref<64xi32, #tpu.memory_space<vmem>>) semaphore(%arg26 : memref<!tpu.dma_semaphore, #tpu.memory_space<semaphore_mem>>)
        } else {
        }
        %mul3A_340 = arith.constant 2 : i32
        %mul3A_341 = arith.muli %while3A_325, %mul3A_340 : i32
        %add3A_342 = arith.constant 1 : i32
        %add3A_343 = arith.addi %mul3A_341, %add3A_342 : i32
        %lt3A_344 = arith.cmpi slt, %add3A_343, %select_n3A : i32
        %ge3A_345 = arith.constant 2 : i32
        %ge3A_346 = arith.cmpi sge, %add3A_343, %ge3A_345 : i32
        %and3A_347 = arith.andi %lt3A_344, %ge3A_346 : i1
        %convert_element_type3A_348 = arith.extui %and3A_347 : i1 to i32
        %cond3A_349 = arith.constant 0 : i32
        %cond3A_350 = arith.cmpi ne, %convert_element_type3A_348, %cond3A_349 : i32
        scf.if %cond3A_350 {
          %dma_wait3A_371 = arith.constant 0 : i32
          %dma_wait3A_372 = arith.constant 0 : i32
          %dma_wait3A_373 = tpu.memref_slice %arg24[%dma_wait3A_371, %dma_wait3A_372] : memref<4200x128xf32, #tpu.memory_space<vmem_shared>> -> memref<4200x128xf32, #tpu.memory_space<vmem_shared>>
          tpu.wait_indirect_dma semaphore(%arg29 : memref<!tpu.dma_semaphore, #tpu.memory_space<semaphore_mem>>) src(%arg21 : memref<64x128xf32, #tpu.memory_space<vmem>>) dst(%dma_wait3A_373 : memref<4200x128xf32, #tpu.memory_space<vmem_shared>>)
          %dma_wait3A_374 = arith.constant 0 : i32
          %dma_wait3A_375 = arith.constant 0 : i32
          %dma_wait3A_376 = tpu.memref_slice %arg25[%dma_wait3A_374, %dma_wait3A_375] : memref<4200x128xf32, #tpu.memory_space<vmem_shared>> -> memref<4200x128xf32, #tpu.memory_space<vmem_shared>>
          tpu.wait_indirect_dma semaphore(%arg29 : memref<!tpu.dma_semaphore, #tpu.memory_space<semaphore_mem>>) src(%arg22 : memref<64x128xf32, #tpu.memory_space<vmem>>) dst(%dma_wait3A_376 : memref<4200x128xf32, #tpu.memory_space<vmem_shared>>)
        } else {
        }
        %lt3A_351 = arith.cmpi slt, %add3A_343, %select_n3A : i32
        %convert_element_type3A_352 = arith.extui %lt3A_351 : i1 to i32
        %cond3A_353 = arith.constant 0 : i32
        %cond3A_354 = arith.cmpi ne, %convert_element_type3A_352, %cond3A_353 : i32
        scf.if %cond3A_354 {
          %mul3A_371 = arith.constant 64 : i32
          %mul3A_372 = arith.muli %add3A_343, %mul3A_371 : i32
          %add3A_373 = arith.constant 0 : i32
          %add3A_374 = arith.addi %mul3A_372, %add3A_373 : i32
          %get3A_375 = arith.index_cast %add3A_374 : i32 to index
          %get3A_376 = tpu.vector_load %arg12[%get3A_375] {strides = array<i32>} : memref<2224xi32, #tpu.memory_space<vmem>>, vector<16xi32>,
          %swap3A = arith.constant 0 : index
          %swap3A_377 = tpu.vector_load %arg17[%swap3A] {strides = array<i32>} : memref<64xi32, #tpu.memory_space<vmem>>, vector<16xi32>,
          tpu.vector_store %arg17[%swap3A], %get3A_376 {strides = array<i32>} : memref<64xi32, #tpu.memory_space<vmem>>, vector<16xi32>,
          %mul3A_378 = arith.constant 64 : i32
          %mul3A_379 = arith.muli %add3A_343, %mul3A_378 : i32
          %add3A_380 = arith.constant 0 : i32
          %add3A_381 = arith.addi %mul3A_379, %add3A_380 : i32
          %get3A_382 = arith.index_cast %add3A_381 : i32 to index
          %get3A_383 = tpu.vector_load %arg13[%get3A_382] {strides = array<i32>} : memref<2224xi32, #tpu.memory_space<vmem>>, vector<16xi32>,
          %swap3A_384 = arith.constant 0 : index
          %swap3A_385 = tpu.vector_load %arg18[%swap3A_384] {strides = array<i32>} : memref<64xi32, #tpu.memory_space<vmem>>, vector<16xi32>,
          tpu.vector_store %arg18[%swap3A_384], %get3A_383 {strides = array<i32>} : memref<64xi32, #tpu.memory_space<vmem>>, vector<16xi32>,
          %mul3A_386 = arith.constant 64 : i32
          %mul3A_387 = arith.muli %add3A_343, %mul3A_386 : i32
          %add3A_388 = arith.constant 16 : i32
          %add3A_389 = arith.addi %mul3A_387, %add3A_388 : i32
          %get3A_390 = arith.index_cast %add3A_389 : i32 to index
          %get3A_391 = tpu.vector_load %arg12[%get3A_390] {strides = array<i32>} : memref<2224xi32, #tpu.memory_space<vmem>>, vector<16xi32>,
          %swap3A_392 = arith.constant 16 : index
          %swap3A_393 = tpu.vector_load %arg17[%swap3A_392] {strides = array<i32>} : memref<64xi32, #tpu.memory_space<vmem>>, vector<16xi32>,
          tpu.vector_store %arg17[%swap3A_392], %get3A_391 {strides = array<i32>} : memref<64xi32, #tpu.memory_space<vmem>>, vector<16xi32>,
          %mul3A_394 = arith.constant 64 : i32
          %mul3A_395 = arith.muli %add3A_343, %mul3A_394 : i32
          %add3A_396 = arith.constant 16 : i32
          %add3A_397 = arith.addi %mul3A_395, %add3A_396 : i32
          %get3A_398 = arith.index_cast %add3A_397 : i32 to index
          %get3A_399 = tpu.vector_load %arg13[%get3A_398] {strides = array<i32>} : memref<2224xi32, #tpu.memory_space<vmem>>, vector<16xi32>,
          %swap3A_400 = arith.constant 16 : index
          %swap3A_401 = tpu.vector_load %arg18[%swap3A_400] {strides = array<i32>} : memref<64xi32, #tpu.memory_space<vmem>>, vector<16xi32>,
          tpu.vector_store %arg18[%swap3A_400], %get3A_399 {strides = array<i32>} : memref<64xi32, #tpu.memory_space<vmem>>, vector<16xi32>,
          %mul3A_402 = arith.constant 64 : i32
          %mul3A_403 = arith.muli %add3A_343, %mul3A_402 : i32
          %add3A_404 = arith.constant 32 : i32
          %add3A_405 = arith.addi %mul3A_403, %add3A_404 : i32
          %get3A_406 = arith.index_cast %add3A_405 : i32 to index
          %get3A_407 = tpu.vector_load %arg12[%get3A_406] {strides = array<i32>} : memref<2224xi32, #tpu.memory_space<vmem>>, vector<16xi32>,
          %swap3A_408 = arith.constant 32 : index
          %swap3A_409 = tpu.vector_load %arg17[%swap3A_408] {strides = array<i32>} : memref<64xi32, #tpu.memory_space<vmem>>, vector<16xi32>,
          tpu.vector_store %arg17[%swap3A_408], %get3A_407 {strides = array<i32>} : memref<64xi32, #tpu.memory_space<vmem>>, vector<16xi32>,
          %mul3A_410 = arith.constant 64 : i32
          %mul3A_411 = arith.muli %add3A_343, %mul3A_410 : i32
          %add3A_412 = arith.constant 32 : i32
          %add3A_413 = arith.addi %mul3A_411, %add3A_412 : i32
          %get3A_414 = arith.index_cast %add3A_413 : i32 to index
          %get3A_415 = tpu.vector_load %arg13[%get3A_414] {strides = array<i32>} : memref<2224xi32, #tpu.memory_space<vmem>>, vector<16xi32>,
          %swap3A_416 = arith.constant 32 : index
          %swap3A_417 = tpu.vector_load %arg18[%swap3A_416] {strides = array<i32>} : memref<64xi32, #tpu.memory_space<vmem>>, vector<16xi32>,
          tpu.vector_store %arg18[%swap3A_416], %get3A_415 {strides = array<i32>} : memref<64xi32, #tpu.memory_space<vmem>>, vector<16xi32>,
          %mul3A_418 = arith.constant 64 : i32
          %mul3A_419 = arith.muli %add3A_343, %mul3A_418 : i32
          %add3A_420 = arith.constant 48 : i32
          %add3A_421 = arith.addi %mul3A_419, %add3A_420 : i32
          %get3A_422 = arith.index_cast %add3A_421 : i32 to index
          %get3A_423 = tpu.vector_load %arg12[%get3A_422] {strides = array<i32>} : memref<2224xi32, #tpu.memory_space<vmem>>, vector<16xi32>,
          %swap3A_424 = arith.constant 48 : index
          %swap3A_425 = tpu.vector_load %arg17[%swap3A_424] {strides = array<i32>} : memref<64xi32, #tpu.memory_space<vmem>>, vector<16xi32>,
          tpu.vector_store %arg17[%swap3A_424], %get3A_423 {strides = array<i32>} : memref<64xi32, #tpu.memory_space<vmem>>, vector<16xi32>,
          %mul3A_426 = arith.constant 64 : i32
          %mul3A_427 = arith.muli %add3A_343, %mul3A_426 : i32
          %add3A_428 = arith.constant 48 : i32
          %add3A_429 = arith.addi %mul3A_427, %add3A_428 : i32
          %get3A_430 = arith.index_cast %add3A_429 : i32 to index
          %get3A_431 = tpu.vector_load %arg13[%get3A_430] {strides = array<i32>} : memref<2224xi32, #tpu.memory_space<vmem>>, vector<16xi32>,
          %swap3A_432 = arith.constant 48 : index
          %swap3A_433 = tpu.vector_load %arg18[%swap3A_432] {strides = array<i32>} : memref<64xi32, #tpu.memory_space<vmem>>, vector<16xi32>,
          tpu.vector_store %arg18[%swap3A_432], %get3A_431 {strides = array<i32>} : memref<64xi32, #tpu.memory_space<vmem>>, vector<16xi32>,
          %dma_start3A_434 = arith.constant 0 : i32
          %dma_start3A_435 = arith.constant 0 : i32
          %dma_start3A_436 = tpu.memref_slice %arg5[%dma_start3A_434, %dma_start3A_435] : memref<50000x128xf32, #tpu.memory_space<hbm>> -> memref<50000x128xf32, #tpu.memory_space<hbm>>
          tpu.enqueue_indirect_dma source(%dma_start3A_436 : memref<50000x128xf32, #tpu.memory_space<hbm>>) target(%arg21 : memref<64x128xf32, #tpu.memory_space<vmem>>) offsets(%arg18 : memref<64xi32, #tpu.memory_space<vmem>>) semaphore(%arg27 : memref<!tpu.dma_semaphore, #tpu.memory_space<semaphore_mem>>)
          %dma_start3A_437 = arith.constant 0 : i32
          %dma_start3A_438 = arith.constant 0 : i32
          %dma_start3A_439 = tpu.memref_slice %arg6[%dma_start3A_437, %dma_start3A_438] : memref<50000x128xf32, #tpu.memory_space<hbm>> -> memref<50000x128xf32, #tpu.memory_space<hbm>>
          tpu.enqueue_indirect_dma source(%dma_start3A_439 : memref<50000x128xf32, #tpu.memory_space<hbm>>) target(%arg22 : memref<64x128xf32, #tpu.memory_space<vmem>>) offsets(%arg18 : memref<64xi32, #tpu.memory_space<vmem>>) semaphore(%arg27 : memref<!tpu.dma_semaphore, #tpu.memory_space<semaphore_mem>>)
        } else {
        }
        %mul3A_355 = arith.constant 2 : i32
        %mul3A_356 = arith.muli %while3A_325, %mul3A_355 : i32
        %add3A_357 = arith.constant 0 : i32
        %add3A_358 = arith.addi %mul3A_356, %add3A_357 : i32
        %lt3A_359 = arith.cmpi slt, %add3A_358, %select_n3A : i32
        %convert_element_type3A_360 = arith.extui %lt3A_359 : i1 to i32
        %cond3A_361 = arith.constant 0 : i32
        %cond3A_362 = arith.cmpi ne, %convert_element_type3A_360, %cond3A_361 : i32
        scf.if %cond3A_362 {
          %dma_wait3A_371 = arith.constant 0 : i32
          %dma_wait3A_372 = arith.constant 0 : i32
          %dma_wait3A_373 = tpu.memref_slice %arg5[%dma_wait3A_371, %dma_wait3A_372] : memref<50000x128xf32, #tpu.memory_space<hbm>> -> memref<50000x128xf32, #tpu.memory_space<hbm>>
          tpu.wait_indirect_dma semaphore(%arg26 : memref<!tpu.dma_semaphore, #tpu.memory_space<semaphore_mem>>) src(%dma_wait3A_373 : memref<50000x128xf32, #tpu.memory_space<hbm>>) dst(%arg19 : memref<64x128xf32, #tpu.memory_space<vmem>>)
          %dma_wait3A_374 = arith.constant 0 : i32
          %dma_wait3A_375 = arith.constant 0 : i32
          %dma_wait3A_376 = tpu.memref_slice %arg6[%dma_wait3A_374, %dma_wait3A_375] : memref<50000x128xf32, #tpu.memory_space<hbm>> -> memref<50000x128xf32, #tpu.memory_space<hbm>>
          tpu.wait_indirect_dma semaphore(%arg26 : memref<!tpu.dma_semaphore, #tpu.memory_space<semaphore_mem>>) src(%dma_wait3A_376 : memref<50000x128xf32, #tpu.memory_space<hbm>>) dst(%arg20 : memref<64x128xf32, #tpu.memory_space<vmem>>)
          %scan3A_377 = arith.constant 0 : i32
          %scan3A_378 = arith.constant 0 : i32
          %scan3A_379 = arith.constant 64 : i32
          %scan3A_380 = arith.addi %scan3A_378, %scan3A_379 : i32
          %scan3A_381 = arith.constant 1 : i32
          scf.for %scan3A_389 = %scan3A_378 to %scan3A_380 step %scan3A_381  : i32 {
            %mul3A_390 = arith.constant 64 : i32
            %mul3A_391 = arith.muli %add3A_358, %mul3A_390 : i32
            %add3A_392 = arith.addi %mul3A_391, %scan3A_389 : i32
            %get3A_393 = arith.index_cast %add3A_392 : i32 to index
            %get3A_394 = tpu.vector_load %arg14[%get3A_393] {strides = array<i32>} : memref<2224xf32, #tpu.memory_space<vmem>>, vector<16xf32>,
            %slice3A_395 = vector.extract_strided_slice %get3A_394 {offsets = [0], sizes = [1], strides = [1]} : vector<16xf32> to vector<1xf32>
            %squeeze3A_396 = vector.extract %slice3A_395[0] : f32 from vector<1xf32>
            %broadcast_in_dim3A_397 = vector.broadcast %squeeze3A_396 : f32 to vector<16xf32>
            %mul3A_398 = arith.mulf %broadcast_in_dim3A_397, %exp3A : vector<16xf32>
            %get3A_399 = arith.index_cast %scan3A_389 : i32 to index
            %get3A_400 = arith.constant 0 : index
            %get3A_401 = tpu.vector_load %arg19[%get3A_399, %get3A_400] {strides = array<i32>} : memref<64x128xf32, #tpu.memory_space<vmem>>, vector<16xf32>,
            %mul3A_402 = arith.mulf %get3A_401, %broadcast_in_dim3A_397 : vector<16xf32>
            %swap3A = arith.index_cast %scan3A_389 : i32 to index
            %swap3A_403 = arith.constant 0 : index
            %swap3A_404 = tpu.vector_load %arg19[%swap3A, %swap3A_403] {strides = array<i32>} : memref<64x128xf32, #tpu.memory_space<vmem>>, vector<16xf32>,
            tpu.vector_store %arg19[%swap3A, %swap3A_403], %mul3A_402 {strides = array<i32>} : memref<64x128xf32, #tpu.memory_space<vmem>>, vector<16xf32>,
            %get3A_405 = arith.index_cast %scan3A_389 : i32 to index
            %get3A_406 = arith.constant 0 : index
            %get3A_407 = tpu.vector_load %arg20[%get3A_405, %get3A_406] {strides = array<i32>} : memref<64x128xf32, #tpu.memory_space<vmem>>, vector<16xf32>,
            %mul3A_408 = arith.mulf %get3A_407, %mul3A_398 : vector<16xf32>
            %swap3A_409 = arith.index_cast %scan3A_389 : i32 to index
            %swap3A_410 = arith.constant 0 : index
            %swap3A_411 = tpu.vector_load %arg20[%swap3A_409, %swap3A_410] {strides = array<i32>} : memref<64x128xf32, #tpu.memory_space<vmem>>, vector<16xf32>,
            tpu.vector_store %arg20[%swap3A_409, %swap3A_410], %mul3A_408 {strides = array<i32>} : memref<64x128xf32, #tpu.memory_space<vmem>>, vector<16xf32>,
            %get3A_412 = arith.index_cast %scan3A_389 : i32 to index
            %get3A_413 = arith.constant 16 : index
            %get3A_414 = tpu.vector_load %arg19[%get3A_412, %get3A_413] {strides = array<i32>} : memref<64x128xf32, #tpu.memory_space<vmem>>, vector<16xf32>,
            %mul3A_415 = arith.mulf %get3A_414, %broadcast_in_dim3A_397 : vector<16xf32>
            %swap3A_416 = arith.index_cast %scan3A_389 : i32 to index
            %swap3A_417 = arith.constant 16 : index
            %swap3A_418 = tpu.vector_load %arg19[%swap3A_416, %swap3A_417] {strides = array<i32>} : memref<64x128xf32, #tpu.memory_space<vmem>>, vector<16xf32>,
            tpu.vector_store %arg19[%swap3A_416, %swap3A_417], %mul3A_415 {strides = array<i32>} : memref<64x128xf32, #tpu.memory_space<vmem>>, vector<16xf32>,
            %get3A_419 = arith.index_cast %scan3A_389 : i32 to index
            %get3A_420 = arith.constant 16 : index
            %get3A_421 = tpu.vector_load %arg20[%get3A_419, %get3A_420] {strides = array<i32>} : memref<64x128xf32, #tpu.memory_space<vmem>>, vector<16xf32>,
            %mul3A_422 = arith.mulf %get3A_421, %mul3A_398 : vector<16xf32>
            %swap3A_423 = arith.index_cast %scan3A_389 : i32 to index
            %swap3A_424 = arith.constant 16 : index
            %swap3A_425 = tpu.vector_load %arg20[%swap3A_423, %swap3A_424] {strides = array<i32>} : memref<64x128xf32, #tpu.memory_space<vmem>>, vector<16xf32>,
            tpu.vector_store %arg20[%swap3A_423, %swap3A_424], %mul3A_422 {strides = array<i32>} : memref<64x128xf32, #tpu.memory_space<vmem>>, vector<16xf32>,
            %get3A_426 = arith.index_cast %scan3A_389 : i32 to index
            %get3A_427 = arith.constant 32 : index
            %get3A_428 = tpu.vector_load %arg19[%get3A_426, %get3A_427] {strides = array<i32>} : memref<64x128xf32, #tpu.memory_space<vmem>>, vector<16xf32>,
            %mul3A_429 = arith.mulf %get3A_428, %broadcast_in_dim3A_397 : vector<16xf32>
            %swap3A_430 = arith.index_cast %scan3A_389 : i32 to index
            %swap3A_431 = arith.constant 32 : index
            %swap3A_432 = tpu.vector_load %arg19[%swap3A_430, %swap3A_431] {strides = array<i32>} : memref<64x128xf32, #tpu.memory_space<vmem>>, vector<16xf32>,
            tpu.vector_store %arg19[%swap3A_430, %swap3A_431], %mul3A_429 {strides = array<i32>} : memref<64x128xf32, #tpu.memory_space<vmem>>, vector<16xf32>,
            %get3A_433 = arith.index_cast %scan3A_389 : i32 to index
            %get3A_434 = arith.constant 32 : index
            %get3A_435 = tpu.vector_load %arg20[%get3A_433, %get3A_434] {strides = array<i32>} : memref<64x128xf32, #tpu.memory_space<vmem>>, vector<16xf32>,
            %mul3A_436 = arith.mulf %get3A_435, %mul3A_398 : vector<16xf32>
            %swap3A_437 = arith.index_cast %scan3A_389 : i32 to index
            %swap3A_438 = arith.constant 32 : index
            %swap3A_439 = tpu.vector_load %arg20[%swap3A_437, %swap3A_438] {strides = array<i32>} : memref<64x128xf32, #tpu.memory_space<vmem>>, vector<16xf32>,
            tpu.vector_store %arg20[%swap3A_437, %swap3A_438], %mul3A_436 {strides = array<i32>} : memref<64x128xf32, #tpu.memory_space<vmem>>, vector<16xf32>,
            %get3A_440 = arith.index_cast %scan3A_389 : i32 to index
            %get3A_441 = arith.constant 48 : index
            %get3A_442 = tpu.vector_load %arg19[%get3A_440, %get3A_441] {strides = array<i32>} : memref<64x128xf32, #tpu.memory_space<vmem>>, vector<16xf32>,
            %mul3A_443 = arith.mulf %get3A_442, %broadcast_in_dim3A_397 : vector<16xf32>
            %swap3A_444 = arith.index_cast %scan3A_389 : i32 to index
            %swap3A_445 = arith.constant 48 : index
            %swap3A_446 = tpu.vector_load %arg19[%swap3A_444, %swap3A_445] {strides = array<i32>} : memref<64x128xf32, #tpu.memory_space<vmem>>, vector<16xf32>,
            tpu.vector_store %arg19[%swap3A_444, %swap3A_445], %mul3A_443 {strides = array<i32>} : memref<64x128xf32, #tpu.memory_space<vmem>>, vector<16xf32>,
            %get3A_447 = arith.index_cast %scan3A_389 : i32 to index
            %get3A_448 = arith.constant 48 : index
            %get3A_449 = tpu.vector_load %arg20[%get3A_447, %get3A_448] {strides = array<i32>} : memref<64x128xf32, #tpu.memory_space<vmem>>, vector<16xf32>,
            %mul3A_450 = arith.mulf %get3A_449, %mul3A_398 : vector<16xf32>
            %swap3A_451 = arith.index_cast %scan3A_389 : i32 to index
            %swap3A_452 = arith.constant 48 : index
            %swap3A_453 = tpu.vector_load %arg20[%swap3A_451, %swap3A_452] {strides = array<i32>} : memref<64x128xf32, #tpu.memory_space<vmem>>, vector<16xf32>,
            tpu.vector_store %arg20[%swap3A_451, %swap3A_452], %mul3A_450 {strides = array<i32>} : memref<64x128xf32, #tpu.memory_space<vmem>>, vector<16xf32>,
            %get3A_454 = arith.index_cast %scan3A_389 : i32 to index
            %get3A_455 = arith.constant 64 : index
            %get3A_456 = tpu.vector_load %arg19[%get3A_454, %get3A_455] {strides = array<i32>} : memref<64x128xf32, #tpu.memory_space<vmem>>, vector<16xf32>,
            %mul3A_457 = arith.mulf %get3A_456, %broadcast_in_dim3A_397 : vector<16xf32>
            %swap3A_458 = arith.index_cast %scan3A_389 : i32 to index
            %swap3A_459 = arith.constant 64 : index
            %swap3A_460 = tpu.vector_load %arg19[%swap3A_458, %swap3A_459] {strides = array<i32>} : memref<64x128xf32, #tpu.memory_space<vmem>>, vector<16xf32>,
            tpu.vector_store %arg19[%swap3A_458, %swap3A_459], %mul3A_457 {strides = array<i32>} : memref<64x128xf32, #tpu.memory_space<vmem>>, vector<16xf32>,
            %get3A_461 = arith.index_cast %scan3A_389 : i32 to index
            %get3A_462 = arith.constant 64 : index
            %get3A_463 = tpu.vector_load %arg20[%get3A_461, %get3A_462] {strides = array<i32>} : memref<64x128xf32, #tpu.memory_space<vmem>>, vector<16xf32>,
            %mul3A_464 = arith.mulf %get3A_463, %mul3A_398 : vector<16xf32>
            %swap3A_465 = arith.index_cast %scan3A_389 : i32 to index
            %swap3A_466 = arith.constant 64 : index
            %swap3A_467 = tpu.vector_load %arg20[%swap3A_465, %swap3A_466] {strides = array<i32>} : memref<64x128xf32, #tpu.memory_space<vmem>>, vector<16xf32>,
            tpu.vector_store %arg20[%swap3A_465, %swap3A_466], %mul3A_464 {strides = array<i32>} : memref<64x128xf32, #tpu.memory_space<vmem>>, vector<16xf32>,
            %get3A_468 = arith.index_cast %scan3A_389 : i32 to index
            %get3A_469 = arith.constant 80 : index
            %get3A_470 = tpu.vector_load %arg19[%get3A_468, %get3A_469] {strides = array<i32>} : memref<64x128xf32, #tpu.memory_space<vmem>>, vector<16xf32>,
            %mul3A_471 = arith.mulf %get3A_470, %broadcast_in_dim3A_397 : vector<16xf32>
            %swap3A_472 = arith.index_cast %scan3A_389 : i32 to index
            %swap3A_473 = arith.constant 80 : index
            %swap3A_474 = tpu.vector_load %arg19[%swap3A_472, %swap3A_473] {strides = array<i32>} : memref<64x128xf32, #tpu.memory_space<vmem>>, vector<16xf32>,
            tpu.vector_store %arg19[%swap3A_472, %swap3A_473], %mul3A_471 {strides = array<i32>} : memref<64x128xf32, #tpu.memory_space<vmem>>, vector<16xf32>,
            %get3A_475 = arith.index_cast %scan3A_389 : i32 to index
            %get3A_476 = arith.constant 80 : index
            %get3A_477 = tpu.vector_load %arg20[%get3A_475, %get3A_476] {strides = array<i32>} : memref<64x128xf32, #tpu.memory_space<vmem>>, vector<16xf32>,
            %mul3A_478 = arith.mulf %get3A_477, %mul3A_398 : vector<16xf32>
            %swap3A_479 = arith.index_cast %scan3A_389 : i32 to index
            %swap3A_480 = arith.constant 80 : index
            %swap3A_481 = tpu.vector_load %arg20[%swap3A_479, %swap3A_480] {strides = array<i32>} : memref<64x128xf32, #tpu.memory_space<vmem>>, vector<16xf32>,
            tpu.vector_store %arg20[%swap3A_479, %swap3A_480], %mul3A_478 {strides = array<i32>} : memref<64x128xf32, #tpu.memory_space<vmem>>, vector<16xf32>,
            %get3A_482 = arith.index_cast %scan3A_389 : i32 to index
            %get3A_483 = arith.constant 96 : index
            %get3A_484 = tpu.vector_load %arg19[%get3A_482, %get3A_483] {strides = array<i32>} : memref<64x128xf32, #tpu.memory_space<vmem>>, vector<16xf32>,
            %mul3A_485 = arith.mulf %get3A_484, %broadcast_in_dim3A_397 : vector<16xf32>
            %swap3A_486 = arith.index_cast %scan3A_389 : i32 to index
            %swap3A_487 = arith.constant 96 : index
            %swap3A_488 = tpu.vector_load %arg19[%swap3A_486, %swap3A_487] {strides = array<i32>} : memref<64x128xf32, #tpu.memory_space<vmem>>, vector<16xf32>,
            tpu.vector_store %arg19[%swap3A_486, %swap3A_487], %mul3A_485 {strides = array<i32>} : memref<64x128xf32, #tpu.memory_space<vmem>>, vector<16xf32>,
            %get3A_489 = arith.index_cast %scan3A_389 : i32 to index
            %get3A_490 = arith.constant 96 : index
            %get3A_491 = tpu.vector_load %arg20[%get3A_489, %get3A_490] {strides = array<i32>} : memref<64x128xf32, #tpu.memory_space<vmem>>, vector<16xf32>,
            %mul3A_492 = arith.mulf %get3A_491, %mul3A_398 : vector<16xf32>
            %swap3A_493 = arith.index_cast %scan3A_389 : i32 to index
            %swap3A_494 = arith.constant 96 : index
            %swap3A_495 = tpu.vector_load %arg20[%swap3A_493, %swap3A_494] {strides = array<i32>} : memref<64x128xf32, #tpu.memory_space<vmem>>, vector<16xf32>,
            tpu.vector_store %arg20[%swap3A_493, %swap3A_494], %mul3A_492 {strides = array<i32>} : memref<64x128xf32, #tpu.memory_space<vmem>>, vector<16xf32>,
            %get3A_496 = arith.index_cast %scan3A_389 : i32 to index
            %get3A_497 = arith.constant 112 : index
            %get3A_498 = tpu.vector_load %arg19[%get3A_496, %get3A_497] {strides = array<i32>} : memref<64x128xf32, #tpu.memory_space<vmem>>, vector<16xf32>,
            %mul3A_499 = arith.mulf %get3A_498, %broadcast_in_dim3A_397 : vector<16xf32>
            %swap3A_500 = arith.index_cast %scan3A_389 : i32 to index
            %swap3A_501 = arith.constant 112 : index
            %swap3A_502 = tpu.vector_load %arg19[%swap3A_500, %swap3A_501] {strides = array<i32>} : memref<64x128xf32, #tpu.memory_space<vmem>>, vector<16xf32>,
            tpu.vector_store %arg19[%swap3A_500, %swap3A_501], %mul3A_499 {strides = array<i32>} : memref<64x128xf32, #tpu.memory_space<vmem>>, vector<16xf32>,
            %get3A_503 = arith.index_cast %scan3A_389 : i32 to index
            %get3A_504 = arith.constant 112 : index
            %get3A_505 = tpu.vector_load %arg20[%get3A_503, %get3A_504] {strides = array<i32>} : memref<64x128xf32, #tpu.memory_space<vmem>>, vector<16xf32>,
            %mul3A_506 = arith.mulf %get3A_505, %mul3A_398 : vector<16xf32>
            %swap3A_507 = arith.index_cast %scan3A_389 : i32 to index
            %swap3A_508 = arith.constant 112 : index
            %swap3A_509 = tpu.vector_load %arg20[%swap3A_507, %swap3A_508] {strides = array<i32>} : memref<64x128xf32, #tpu.memory_space<vmem>>, vector<16xf32>,
            tpu.vector_store %arg20[%swap3A_507, %swap3A_508], %mul3A_506 {strides = array<i32>} : memref<64x128xf32, #tpu.memory_space<vmem>>, vector<16xf32>,
          }
          %scan3A_382 = arith.constant 64 : i32
          %dma_start3A_383 = arith.constant 0 : i32
          %dma_start3A_384 = arith.constant 0 : i32
          %dma_start3A_385 = tpu.memref_slice %arg24[%dma_start3A_383, %dma_start3A_384] : memref<4200x128xf32, #tpu.memory_space<vmem_shared>> -> memref<4200x128xf32, #tpu.memory_space<vmem_shared>>
          tpu.enqueue_indirect_dma source(%arg19 : memref<64x128xf32, #tpu.memory_space<vmem>>) target(%dma_start3A_385 : memref<4200x128xf32, #tpu.memory_space<vmem_shared>>) offsets(%arg15 : memref<64xi32, #tpu.memory_space<vmem>>) semaphore(%arg28 : memref<!tpu.dma_semaphore, #tpu.memory_space<semaphore_mem>>) {add = true}
          %dma_start3A_386 = arith.constant 0 : i32
          %dma_start3A_387 = arith.constant 0 : i32
          %dma_start3A_388 = tpu.memref_slice %arg25[%dma_start3A_386, %dma_start3A_387] : memref<4200x128xf32, #tpu.memory_space<vmem_shared>> -> memref<4200x128xf32, #tpu.memory_space<vmem_shared>>
          tpu.enqueue_indirect_dma source(%arg20 : memref<64x128xf32, #tpu.memory_space<vmem>>) target(%dma_start3A_388 : memref<4200x128xf32, #tpu.memory_space<vmem_shared>>) offsets(%arg15 : memref<64xi32, #tpu.memory_space<vmem>>) semaphore(%arg28 : memref<!tpu.dma_semaphore, #tpu.memory_space<semaphore_mem>>) {add = true}
        } else {
        }
        %mul3A_363 = arith.constant 2 : i32
        %mul3A_364 = arith.muli %while3A_325, %mul3A_363 : i32
        %add3A_365 = arith.constant 1 : i32
        %add3A_366 = arith.addi %mul3A_364, %add3A_365 : i32
        %lt3A_367 = arith.cmpi slt, %add3A_366, %select_n3A : i32
        %convert_element_type3A_368 = arith.extui %lt3A_367 : i1 to i32
        %cond3A_369 = arith.constant 0 : i32
        %cond3A_370 = arith.cmpi ne, %convert_element_type3A_368, %cond3A_369 : i32
        scf.if %cond3A_370 {
          %dma_wait3A_371 = arith.constant 0 : i32
          %dma_wait3A_372 = arith.constant 0 : i32
          %dma_wait3A_373 = tpu.memref_slice %arg5[%dma_wait3A_371, %dma_wait3A_372] : memref<50000x128xf32, #tpu.memory_space<hbm>> -> memref<50000x128xf32, #tpu.memory_space<hbm>>
          tpu.wait_indirect_dma semaphore(%arg27 : memref<!tpu.dma_semaphore, #tpu.memory_space<semaphore_mem>>) src(%dma_wait3A_373 : memref<50000x128xf32, #tpu.memory_space<hbm>>) dst(%arg21 : memref<64x128xf32, #tpu.memory_space<vmem>>)
          %dma_wait3A_374 = arith.constant 0 : i32
          %dma_wait3A_375 = arith.constant 0 : i32
          %dma_wait3A_376 = tpu.memref_slice %arg6[%dma_wait3A_374, %dma_wait3A_375] : memref<50000x128xf32, #tpu.memory_space<hbm>> -> memref<50000x128xf32, #tpu.memory_space<hbm>>
          tpu.wait_indirect_dma semaphore(%arg27 : memref<!tpu.dma_semaphore, #tpu.memory_space<semaphore_mem>>) src(%dma_wait3A_376 : memref<50000x128xf32, #tpu.memory_space<hbm>>) dst(%arg22 : memref<64x128xf32, #tpu.memory_space<vmem>>)
          %scan3A_377 = arith.constant 0 : i32
          %scan3A_378 = arith.constant 0 : i32
          %scan3A_379 = arith.constant 64 : i32
          %scan3A_380 = arith.addi %scan3A_378, %scan3A_379 : i32
          %scan3A_381 = arith.constant 1 : i32
          scf.for %scan3A_389 = %scan3A_378 to %scan3A_380 step %scan3A_381  : i32 {
            %mul3A_390 = arith.constant 64 : i32
            %mul3A_391 = arith.muli %add3A_366, %mul3A_390 : i32
            %add3A_392 = arith.addi %mul3A_391, %scan3A_389 : i32
            %get3A_393 = arith.index_cast %add3A_392 : i32 to index
            %get3A_394 = tpu.vector_load %arg14[%get3A_393] {strides = array<i32>} : memref<2224xf32, #tpu.memory_space<vmem>>, vector<16xf32>,
            %slice3A_395 = vector.extract_strided_slice %get3A_394 {offsets = [0], sizes = [1], strides = [1]} : vector<16xf32> to vector<1xf32>
            %squeeze3A_396 = vector.extract %slice3A_395[0] : f32 from vector<1xf32>
            %broadcast_in_dim3A_397 = vector.broadcast %squeeze3A_396 : f32 to vector<16xf32>
            %mul3A_398 = arith.mulf %broadcast_in_dim3A_397, %exp3A : vector<16xf32>
            %get3A_399 = arith.index_cast %scan3A_389 : i32 to index
            %get3A_400 = arith.constant 0 : index
            %get3A_401 = tpu.vector_load %arg21[%get3A_399, %get3A_400] {strides = array<i32>} : memref<64x128xf32, #tpu.memory_space<vmem>>, vector<16xf32>,
            %mul3A_402 = arith.mulf %get3A_401, %broadcast_in_dim3A_397 : vector<16xf32>
            %swap3A = arith.index_cast %scan3A_389 : i32 to index
            %swap3A_403 = arith.constant 0 : index
            %swap3A_404 = tpu.vector_load %arg21[%swap3A, %swap3A_403] {strides = array<i32>} : memref<64x128xf32, #tpu.memory_space<vmem>>, vector<16xf32>,
            tpu.vector_store %arg21[%swap3A, %swap3A_403], %mul3A_402 {strides = array<i32>} : memref<64x128xf32, #tpu.memory_space<vmem>>, vector<16xf32>,
            %get3A_405 = arith.index_cast %scan3A_389 : i32 to index
            %get3A_406 = arith.constant 0 : index
            %get3A_407 = tpu.vector_load %arg22[%get3A_405, %get3A_406] {strides = array<i32>} : memref<64x128xf32, #tpu.memory_space<vmem>>, vector<16xf32>,
            %mul3A_408 = arith.mulf %get3A_407, %mul3A_398 : vector<16xf32>
            %swap3A_409 = arith.index_cast %scan3A_389 : i32 to index
            %swap3A_410 = arith.constant 0 : index
            %swap3A_411 = tpu.vector_load %arg22[%swap3A_409, %swap3A_410] {strides = array<i32>} : memref<64x128xf32, #tpu.memory_space<vmem>>, vector<16xf32>,
            tpu.vector_store %arg22[%swap3A_409, %swap3A_410], %mul3A_408 {strides = array<i32>} : memref<64x128xf32, #tpu.memory_space<vmem>>, vector<16xf32>,
            %get3A_412 = arith.index_cast %scan3A_389 : i32 to index
            %get3A_413 = arith.constant 16 : index
            %get3A_414 = tpu.vector_load %arg21[%get3A_412, %get3A_413] {strides = array<i32>} : memref<64x128xf32, #tpu.memory_space<vmem>>, vector<16xf32>,
            %mul3A_415 = arith.mulf %get3A_414, %broadcast_in_dim3A_397 : vector<16xf32>
            %swap3A_416 = arith.index_cast %scan3A_389 : i32 to index
            %swap3A_417 = arith.constant 16 : index
            %swap3A_418 = tpu.vector_load %arg21[%swap3A_416, %swap3A_417] {strides = array<i32>} : memref<64x128xf32, #tpu.memory_space<vmem>>, vector<16xf32>,
            tpu.vector_store %arg21[%swap3A_416, %swap3A_417], %mul3A_415 {strides = array<i32>} : memref<64x128xf32, #tpu.memory_space<vmem>>, vector<16xf32>,
            %get3A_419 = arith.index_cast %scan3A_389 : i32 to index
            %get3A_420 = arith.constant 16 : index
            %get3A_421 = tpu.vector_load %arg22[%get3A_419, %get3A_420] {strides = array<i32>} : memref<64x128xf32, #tpu.memory_space<vmem>>, vector<16xf32>,
            %mul3A_422 = arith.mulf %get3A_421, %mul3A_398 : vector<16xf32>
            %swap3A_423 = arith.index_cast %scan3A_389 : i32 to index
            %swap3A_424 = arith.constant 16 : index
            %swap3A_425 = tpu.vector_load %arg22[%swap3A_423, %swap3A_424] {strides = array<i32>} : memref<64x128xf32, #tpu.memory_space<vmem>>, vector<16xf32>,
            tpu.vector_store %arg22[%swap3A_423, %swap3A_424], %mul3A_422 {strides = array<i32>} : memref<64x128xf32, #tpu.memory_space<vmem>>, vector<16xf32>,
            %get3A_426 = arith.index_cast %scan3A_389 : i32 to index
            %get3A_427 = arith.constant 32 : index
            %get3A_428 = tpu.vector_load %arg21[%get3A_426, %get3A_427] {strides = array<i32>} : memref<64x128xf32, #tpu.memory_space<vmem>>, vector<16xf32>,
            %mul3A_429 = arith.mulf %get3A_428, %broadcast_in_dim3A_397 : vector<16xf32>
            %swap3A_430 = arith.index_cast %scan3A_389 : i32 to index
            %swap3A_431 = arith.constant 32 : index
            %swap3A_432 = tpu.vector_load %arg21[%swap3A_430, %swap3A_431] {strides = array<i32>} : memref<64x128xf32, #tpu.memory_space<vmem>>, vector<16xf32>,
            tpu.vector_store %arg21[%swap3A_430, %swap3A_431], %mul3A_429 {strides = array<i32>} : memref<64x128xf32, #tpu.memory_space<vmem>>, vector<16xf32>,
            %get3A_433 = arith.index_cast %scan3A_389 : i32 to index
            %get3A_434 = arith.constant 32 : index
            %get3A_435 = tpu.vector_load %arg22[%get3A_433, %get3A_434] {strides = array<i32>} : memref<64x128xf32, #tpu.memory_space<vmem>>, vector<16xf32>,
            %mul3A_436 = arith.mulf %get3A_435, %mul3A_398 : vector<16xf32>
            %swap3A_437 = arith.index_cast %scan3A_389 : i32 to index
            %swap3A_438 = arith.constant 32 : index
            %swap3A_439 = tpu.vector_load %arg22[%swap3A_437, %swap3A_438] {strides = array<i32>} : memref<64x128xf32, #tpu.memory_space<vmem>>, vector<16xf32>,
            tpu.vector_store %arg22[%swap3A_437, %swap3A_438], %mul3A_436 {strides = array<i32>} : memref<64x128xf32, #tpu.memory_space<vmem>>, vector<16xf32>,
            %get3A_440 = arith.index_cast %scan3A_389 : i32 to index
            %get3A_441 = arith.constant 48 : index
            %get3A_442 = tpu.vector_load %arg21[%get3A_440, %get3A_441] {strides = array<i32>} : memref<64x128xf32, #tpu.memory_space<vmem>>, vector<16xf32>,
            %mul3A_443 = arith.mulf %get3A_442, %broadcast_in_dim3A_397 : vector<16xf32>
            %swap3A_444 = arith.index_cast %scan3A_389 : i32 to index
            %swap3A_445 = arith.constant 48 : index
            %swap3A_446 = tpu.vector_load %arg21[%swap3A_444, %swap3A_445] {strides = array<i32>} : memref<64x128xf32, #tpu.memory_space<vmem>>, vector<16xf32>,
            tpu.vector_store %arg21[%swap3A_444, %swap3A_445], %mul3A_443 {strides = array<i32>} : memref<64x128xf32, #tpu.memory_space<vmem>>, vector<16xf32>,
            %get3A_447 = arith.index_cast %scan3A_389 : i32 to index
            %get3A_448 = arith.constant 48 : index
            %get3A_449 = tpu.vector_load %arg22[%get3A_447, %get3A_448] {strides = array<i32>} : memref<64x128xf32, #tpu.memory_space<vmem>>, vector<16xf32>,
            %mul3A_450 = arith.mulf %get3A_449, %mul3A_398 : vector<16xf32>
            %swap3A_451 = arith.index_cast %scan3A_389 : i32 to index
            %swap3A_452 = arith.constant 48 : index
            %swap3A_453 = tpu.vector_load %arg22[%swap3A_451, %swap3A_452] {strides = array<i32>} : memref<64x128xf32, #tpu.memory_space<vmem>>, vector<16xf32>,
            tpu.vector_store %arg22[%swap3A_451, %swap3A_452], %mul3A_450 {strides = array<i32>} : memref<64x128xf32, #tpu.memory_space<vmem>>, vector<16xf32>,
            %get3A_454 = arith.index_cast %scan3A_389 : i32 to index
            %get3A_455 = arith.constant 64 : index
            %get3A_456 = tpu.vector_load %arg21[%get3A_454, %get3A_455] {strides = array<i32>} : memref<64x128xf32, #tpu.memory_space<vmem>>, vector<16xf32>,
            %mul3A_457 = arith.mulf %get3A_456, %broadcast_in_dim3A_397 : vector<16xf32>
            %swap3A_458 = arith.index_cast %scan3A_389 : i32 to index
            %swap3A_459 = arith.constant 64 : index
            %swap3A_460 = tpu.vector_load %arg21[%swap3A_458, %swap3A_459] {strides = array<i32>} : memref<64x128xf32, #tpu.memory_space<vmem>>, vector<16xf32>,
            tpu.vector_store %arg21[%swap3A_458, %swap3A_459], %mul3A_457 {strides = array<i32>} : memref<64x128xf32, #tpu.memory_space<vmem>>, vector<16xf32>,
            %get3A_461 = arith.index_cast %scan3A_389 : i32 to index
            %get3A_462 = arith.constant 64 : index
            %get3A_463 = tpu.vector_load %arg22[%get3A_461, %get3A_462] {strides = array<i32>} : memref<64x128xf32, #tpu.memory_space<vmem>>, vector<16xf32>,
            %mul3A_464 = arith.mulf %get3A_463, %mul3A_398 : vector<16xf32>
            %swap3A_465 = arith.index_cast %scan3A_389 : i32 to index
            %swap3A_466 = arith.constant 64 : index
            %swap3A_467 = tpu.vector_load %arg22[%swap3A_465, %swap3A_466] {strides = array<i32>} : memref<64x128xf32, #tpu.memory_space<vmem>>, vector<16xf32>,
            tpu.vector_store %arg22[%swap3A_465, %swap3A_466], %mul3A_464 {strides = array<i32>} : memref<64x128xf32, #tpu.memory_space<vmem>>, vector<16xf32>,
            %get3A_468 = arith.index_cast %scan3A_389 : i32 to index
            %get3A_469 = arith.constant 80 : index
            %get3A_470 = tpu.vector_load %arg21[%get3A_468, %get3A_469] {strides = array<i32>} : memref<64x128xf32, #tpu.memory_space<vmem>>, vector<16xf32>,
            %mul3A_471 = arith.mulf %get3A_470, %broadcast_in_dim3A_397 : vector<16xf32>
            %swap3A_472 = arith.index_cast %scan3A_389 : i32 to index
            %swap3A_473 = arith.constant 80 : index
            %swap3A_474 = tpu.vector_load %arg21[%swap3A_472, %swap3A_473] {strides = array<i32>} : memref<64x128xf32, #tpu.memory_space<vmem>>, vector<16xf32>,
            tpu.vector_store %arg21[%swap3A_472, %swap3A_473], %mul3A_471 {strides = array<i32>} : memref<64x128xf32, #tpu.memory_space<vmem>>, vector<16xf32>,
            %get3A_475 = arith.index_cast %scan3A_389 : i32 to index
            %get3A_476 = arith.constant 80 : index
            %get3A_477 = tpu.vector_load %arg22[%get3A_475, %get3A_476] {strides = array<i32>} : memref<64x128xf32, #tpu.memory_space<vmem>>, vector<16xf32>,
            %mul3A_478 = arith.mulf %get3A_477, %mul3A_398 : vector<16xf32>
            %swap3A_479 = arith.index_cast %scan3A_389 : i32 to index
            %swap3A_480 = arith.constant 80 : index
            %swap3A_481 = tpu.vector_load %arg22[%swap3A_479, %swap3A_480] {strides = array<i32>} : memref<64x128xf32, #tpu.memory_space<vmem>>, vector<16xf32>,
            tpu.vector_store %arg22[%swap3A_479, %swap3A_480], %mul3A_478 {strides = array<i32>} : memref<64x128xf32, #tpu.memory_space<vmem>>, vector<16xf32>,
            %get3A_482 = arith.index_cast %scan3A_389 : i32 to index
            %get3A_483 = arith.constant 96 : index
            %get3A_484 = tpu.vector_load %arg21[%get3A_482, %get3A_483] {strides = array<i32>} : memref<64x128xf32, #tpu.memory_space<vmem>>, vector<16xf32>,
            %mul3A_485 = arith.mulf %get3A_484, %broadcast_in_dim3A_397 : vector<16xf32>
            %swap3A_486 = arith.index_cast %scan3A_389 : i32 to index
            %swap3A_487 = arith.constant 96 : index
            %swap3A_488 = tpu.vector_load %arg21[%swap3A_486, %swap3A_487] {strides = array<i32>} : memref<64x128xf32, #tpu.memory_space<vmem>>, vector<16xf32>,
            tpu.vector_store %arg21[%swap3A_486, %swap3A_487], %mul3A_485 {strides = array<i32>} : memref<64x128xf32, #tpu.memory_space<vmem>>, vector<16xf32>,
            %get3A_489 = arith.index_cast %scan3A_389 : i32 to index
            %get3A_490 = arith.constant 96 : index
            %get3A_491 = tpu.vector_load %arg22[%get3A_489, %get3A_490] {strides = array<i32>} : memref<64x128xf32, #tpu.memory_space<vmem>>, vector<16xf32>,
            %mul3A_492 = arith.mulf %get3A_491, %mul3A_398 : vector<16xf32>
            %swap3A_493 = arith.index_cast %scan3A_389 : i32 to index
            %swap3A_494 = arith.constant 96 : index
            %swap3A_495 = tpu.vector_load %arg22[%swap3A_493, %swap3A_494] {strides = array<i32>} : memref<64x128xf32, #tpu.memory_space<vmem>>, vector<16xf32>,
            tpu.vector_store %arg22[%swap3A_493, %swap3A_494], %mul3A_492 {strides = array<i32>} : memref<64x128xf32, #tpu.memory_space<vmem>>, vector<16xf32>,
            %get3A_496 = arith.index_cast %scan3A_389 : i32 to index
            %get3A_497 = arith.constant 112 : index
            %get3A_498 = tpu.vector_load %arg21[%get3A_496, %get3A_497] {strides = array<i32>} : memref<64x128xf32, #tpu.memory_space<vmem>>, vector<16xf32>,
            %mul3A_499 = arith.mulf %get3A_498, %broadcast_in_dim3A_397 : vector<16xf32>
            %swap3A_500 = arith.index_cast %scan3A_389 : i32 to index
            %swap3A_501 = arith.constant 112 : index
            %swap3A_502 = tpu.vector_load %arg21[%swap3A_500, %swap3A_501] {strides = array<i32>} : memref<64x128xf32, #tpu.memory_space<vmem>>, vector<16xf32>,
            tpu.vector_store %arg21[%swap3A_500, %swap3A_501], %mul3A_499 {strides = array<i32>} : memref<64x128xf32, #tpu.memory_space<vmem>>, vector<16xf32>,
            %get3A_503 = arith.index_cast %scan3A_389 : i32 to index
            %get3A_504 = arith.constant 112 : index
            %get3A_505 = tpu.vector_load %arg22[%get3A_503, %get3A_504] {strides = array<i32>} : memref<64x128xf32, #tpu.memory_space<vmem>>, vector<16xf32>,
            %mul3A_506 = arith.mulf %get3A_505, %mul3A_398 : vector<16xf32>
            %swap3A_507 = arith.index_cast %scan3A_389 : i32 to index
            %swap3A_508 = arith.constant 112 : index
            %swap3A_509 = tpu.vector_load %arg22[%swap3A_507, %swap3A_508] {strides = array<i32>} : memref<64x128xf32, #tpu.memory_space<vmem>>, vector<16xf32>,
            tpu.vector_store %arg22[%swap3A_507, %swap3A_508], %mul3A_506 {strides = array<i32>} : memref<64x128xf32, #tpu.memory_space<vmem>>, vector<16xf32>,
          }
          %scan3A_382 = arith.constant 64 : i32
          %dma_start3A_383 = arith.constant 0 : i32
          %dma_start3A_384 = arith.constant 0 : i32
          %dma_start3A_385 = tpu.memref_slice %arg24[%dma_start3A_383, %dma_start3A_384] : memref<4200x128xf32, #tpu.memory_space<vmem_shared>> -> memref<4200x128xf32, #tpu.memory_space<vmem_shared>>
          tpu.enqueue_indirect_dma source(%arg21 : memref<64x128xf32, #tpu.memory_space<vmem>>) target(%dma_start3A_385 : memref<4200x128xf32, #tpu.memory_space<vmem_shared>>) offsets(%arg17 : memref<64xi32, #tpu.memory_space<vmem>>) semaphore(%arg29 : memref<!tpu.dma_semaphore, #tpu.memory_space<semaphore_mem>>) {add = true}
          %dma_start3A_386 = arith.constant 0 : i32
          %dma_start3A_387 = arith.constant 0 : i32
          %dma_start3A_388 = tpu.memref_slice %arg25[%dma_start3A_386, %dma_start3A_387] : memref<4200x128xf32, #tpu.memory_space<vmem_shared>> -> memref<4200x128xf32, #tpu.memory_space<vmem_shared>>
          tpu.enqueue_indirect_dma source(%arg22 : memref<64x128xf32, #tpu.memory_space<vmem>>) target(%dma_start3A_388 : memref<4200x128xf32, #tpu.memory_space<vmem_shared>>) offsets(%arg17 : memref<64xi32, #tpu.memory_space<vmem>>) semaphore(%arg29 : memref<!tpu.dma_semaphore, #tpu.memory_space<semaphore_mem>>) {add = true}
        } else {
        }
      }
      %ge3A = arith.constant 1 : i32
      %ge3A_157 = arith.cmpi sge, %select_n3A, %ge3A : i32
      %convert_element_type3A_158 = arith.extui %ge3A_157 : i1 to i32
      %cond3A_159 = arith.constant 0 : i32
      %cond3A_160 = arith.cmpi ne, %convert_element_type3A_158, %cond3A_159 : i32
      scf.if %cond3A_160 {
        %dma_wait3A_325 = arith.constant 0 : i32
        %dma_wait3A_326 = arith.constant 0 : i32
        %dma_wait3A_327 = tpu.memref_slice %arg24[%dma_wait3A_325, %dma_wait3A_326] : memref<4200x128xf32, #tpu.memory_space<vmem_shared>> -> memref<4200x128xf32, #tpu.memory_space<vmem_shared>>
        tpu.wait_indirect_dma semaphore(%arg28 : memref<!tpu.dma_semaphore, #tpu.memory_space<semaphore_mem>>) src(%arg19 : memref<64x128xf32, #tpu.memory_space<vmem>>) dst(%dma_wait3A_327 : memref<4200x128xf32, #tpu.memory_space<vmem_shared>>)
        %dma_wait3A_328 = arith.constant 0 : i32
        %dma_wait3A_329 = arith.constant 0 : i32
        %dma_wait3A_330 = tpu.memref_slice %arg25[%dma_wait3A_328, %dma_wait3A_329] : memref<4200x128xf32, #tpu.memory_space<vmem_shared>> -> memref<4200x128xf32, #tpu.memory_space<vmem_shared>>
        tpu.wait_indirect_dma semaphore(%arg28 : memref<!tpu.dma_semaphore, #tpu.memory_space<semaphore_mem>>) src(%arg20 : memref<64x128xf32, #tpu.memory_space<vmem>>) dst(%dma_wait3A_330 : memref<4200x128xf32, #tpu.memory_space<vmem_shared>>)
      } else {
      }
      %ge3A_161 = arith.constant 2 : i32
      %ge3A_162 = arith.cmpi sge, %select_n3A, %ge3A_161 : i32
      %convert_element_type3A_163 = arith.extui %ge3A_162 : i1 to i32
      %cond3A_164 = arith.constant 0 : i32
      %cond3A_165 = arith.cmpi ne, %convert_element_type3A_163, %cond3A_164 : i32
      scf.if %cond3A_165 {
        %dma_wait3A_325 = arith.constant 0 : i32
        %dma_wait3A_326 = arith.constant 0 : i32
        %dma_wait3A_327 = tpu.memref_slice %arg24[%dma_wait3A_325, %dma_wait3A_326] : memref<4200x128xf32, #tpu.memory_space<vmem_shared>> -> memref<4200x128xf32, #tpu.memory_space<vmem_shared>>
        tpu.wait_indirect_dma semaphore(%arg29 : memref<!tpu.dma_semaphore, #tpu.memory_space<semaphore_mem>>) src(%arg21 : memref<64x128xf32, #tpu.memory_space<vmem>>) dst(%dma_wait3A_327 : memref<4200x128xf32, #tpu.memory_space<vmem_shared>>)
        %dma_wait3A_328 = arith.constant 0 : i32
        %dma_wait3A_329 = arith.constant 0 : i32
        %dma_wait3A_330 = tpu.memref_slice %arg25[%dma_wait3A_328, %dma_wait3A_329] : memref<4200x128xf32, #tpu.memory_space<vmem_shared>> -> memref<4200x128xf32, #tpu.memory_space<vmem_shared>>
        tpu.wait_indirect_dma semaphore(%arg29 : memref<!tpu.dma_semaphore, #tpu.memory_space<semaphore_mem>>) src(%arg22 : memref<64x128xf32, #tpu.memory_space<vmem>>) dst(%dma_wait3A_330 : memref<4200x128xf32, #tpu.memory_space<vmem_shared>>)
      } else {
      }
      %barrier3A_166 = arith.constant 0 : index
      tpu.barrier barrier_id(%barrier3A_166)
      %add3A_167 = arith.constant 0 : i32
      %add3A_168 = arith.addi %mul3A_68, %add3A_167 : i32
      %sub3A_169 = arith.constant 64 : i32
      %sub3A_170 = arith.subi %min3A_66, %sub3A_169 : i32
      %min3A_171 = arith.minsi %add3A_168, %sub3A_170 : i32
      %multiple_of3A = tpu.assume_multiple %min3A_171, 8 : i32
      %add3A_172 = arith.addi %add3A_60, %multiple_of3A : i32
      %multiple_of3A_173 = tpu.assume_multiple %add3A_172, 8 : i32
      %dma_start3A = arith.constant 0 : i32
      %dma_start3A_174 = arith.constant 0 : i32
      %dma_start3A_175 = tpu.memref_slice %arg8[%dma_start3A, %multiple_of3A_173, %dma_start3A_174] : memref<2x50000x128xf32, #tpu.memory_space<hbm>> -> memref<1x64x128xf32, #tpu.memory_space<hbm>>
      %dma_start3A_176 = tpu.memref_squeeze %dma_start3A_175 : memref<1x64x128xf32, #tpu.memory_space<hbm>> -> memref<64x128xf32, #tpu.memory_space<hbm>>
      %dma_start3A_177 = arith.constant 0 : i32
      %dma_start3A_178 = tpu.memref_slice %arg24[%multiple_of3A, %dma_start3A_177] : memref<4200x128xf32, #tpu.memory_space<vmem_shared>> -> memref<64x128xf32, #tpu.memory_space<vmem_shared>>
      tpu.enqueue_dma source(%dma_start3A_178 : memref<64x128xf32, #tpu.memory_space<vmem_shared>>) target(%dma_start3A_176 : memref<64x128xf32, #tpu.memory_space<hbm>>) target_semaphore(%arg28 : memref<!tpu.dma_semaphore, #tpu.memory_space<semaphore_mem>>)
      %dma_start3A_179 = arith.constant 1 : i32
      %dma_start3A_180 = arith.constant 0 : i32
      %dma_start3A_181 = tpu.memref_slice %arg8[%dma_start3A_179, %multiple_of3A_173, %dma_start3A_180] : memref<2x50000x128xf32, #tpu.memory_space<hbm>> -> memref<1x64x128xf32, #tpu.memory_space<hbm>>
      %dma_start3A_182 = tpu.memref_squeeze %dma_start3A_181 : memref<1x64x128xf32, #tpu.memory_space<hbm>> -> memref<64x128xf32, #tpu.memory_space<hbm>>
      %dma_start3A_183 = arith.constant 0 : i32
      %dma_start3A_184 = tpu.memref_slice %arg25[%multiple_of3A, %dma_start3A_183] : memref<4200x128xf32, #tpu.memory_space<vmem_shared>> -> memref<64x128xf32, #tpu.memory_space<vmem_shared>>
      tpu.enqueue_dma source(%dma_start3A_184 : memref<64x128xf32, #tpu.memory_space<vmem_shared>>) target(%dma_start3A_182 : memref<64x128xf32, #tpu.memory_space<hbm>>) target_semaphore(%arg29 : memref<!tpu.dma_semaphore, #tpu.memory_space<semaphore_mem>>)
      %add3A_185 = arith.constant 64 : i32
      %add3A_186 = arith.addi %mul3A_68, %add3A_185 : i32
      %sub3A_187 = arith.constant 64 : i32
      %sub3A_188 = arith.subi %min3A_66, %sub3A_187 : i32
      %min3A_189 = arith.minsi %add3A_186, %sub3A_188 : i32
      %multiple_of3A_190 = tpu.assume_multiple %min3A_189, 8 : i32
      %add3A_191 = arith.addi %add3A_60, %multiple_of3A_190 : i32
      %multiple_of3A_192 = tpu.assume_multiple %add3A_191, 8 : i32
      %dma_start3A_193 = arith.constant 0 : i32
      %dma_start3A_194 = arith.constant 0 : i32
      %dma_start3A_195 = tpu.memref_slice %arg8[%dma_start3A_193, %multiple_of3A_192, %dma_start3A_194] : memref<2x50000x128xf32, #tpu.memory_space<hbm>> -> memref<1x64x128xf32, #tpu.memory_space<hbm>>
      %dma_start3A_196 = tpu.memref_squeeze %dma_start3A_195 : memref<1x64x128xf32, #tpu.memory_space<hbm>> -> memref<64x128xf32, #tpu.memory_space<hbm>>
      %dma_start3A_197 = arith.constant 0 : i32
      %dma_start3A_198 = tpu.memref_slice %arg24[%multiple_of3A_190, %dma_start3A_197] : memref<4200x128xf32, #tpu.memory_space<vmem_shared>> -> memref<64x128xf32, #tpu.memory_space<vmem_shared>>
      tpu.enqueue_dma source(%dma_start3A_198 : memref<64x128xf32, #tpu.memory_space<vmem_shared>>) target(%dma_start3A_196 : memref<64x128xf32, #tpu.memory_space<hbm>>) target_semaphore(%arg28 : memref<!tpu.dma_semaphore, #tpu.memory_space<semaphore_mem>>)
      %dma_start3A_199 = arith.constant 1 : i32
      %dma_start3A_200 = arith.constant 0 : i32
      %dma_start3A_201 = tpu.memref_slice %arg8[%dma_start3A_199, %multiple_of3A_192, %dma_start3A_200] : memref<2x50000x128xf32, #tpu.memory_space<hbm>> -> memref<1x64x128xf32, #tpu.memory_space<hbm>>
      %dma_start3A_202 = tpu.memref_squeeze %dma_start3A_201 : memref<1x64x128xf32, #tpu.memory_space<hbm>> -> memref<64x128xf32, #tpu.memory_space<hbm>>
      %dma_start3A_203 = arith.constant 0 : i32
      %dma_start3A_204 = tpu.memref_slice %arg25[%multiple_of3A_190, %dma_start3A_203] : memref<4200x128xf32, #tpu.memory_space<vmem_shared>> -> memref<64x128xf32, #tpu.memory_space<vmem_shared>>
      tpu.enqueue_dma source(%dma_start3A_204 : memref<64x128xf32, #tpu.memory_space<vmem_shared>>) target(%dma_start3A_202 : memref<64x128xf32, #tpu.memory_space<hbm>>) target_semaphore(%arg29 : memref<!tpu.dma_semaphore, #tpu.memory_space<semaphore_mem>>)
      %add3A_205 = arith.constant 128 : i32
      %add3A_206 = arith.addi %mul3A_68, %add3A_205 : i32
      %sub3A_207 = arith.constant 64 : i32
      %sub3A_208 = arith.subi %min3A_66, %sub3A_207 : i32
      %min3A_209 = arith.minsi %add3A_206, %sub3A_208 : i32
      %multiple_of3A_210 = tpu.assume_multiple %min3A_209, 8 : i32
      %add3A_211 = arith.addi %add3A_60, %multiple_of3A_210 : i32
      %multiple_of3A_212 = tpu.assume_multiple %add3A_211, 8 : i32
      %dma_start3A_213 = arith.constant 0 : i32
      %dma_start3A_214 = arith.constant 0 : i32
      %dma_start3A_215 = tpu.memref_slice %arg8[%dma_start3A_213, %multiple_of3A_212, %dma_start3A_214] : memref<2x50000x128xf32, #tpu.memory_space<hbm>> -> memref<1x64x128xf32, #tpu.memory_space<hbm>>
      %dma_start3A_216 = tpu.memref_squeeze %dma_start3A_215 : memref<1x64x128xf32, #tpu.memory_space<hbm>> -> memref<64x128xf32, #tpu.memory_space<hbm>>
      %dma_start3A_217 = arith.constant 0 : i32
      %dma_start3A_218 = tpu.memref_slice %arg24[%multiple_of3A_210, %dma_start3A_217] : memref<4200x128xf32, #tpu.memory_space<vmem_shared>> -> memref<64x128xf32, #tpu.memory_space<vmem_shared>>
      tpu.enqueue_dma source(%dma_start3A_218 : memref<64x128xf32, #tpu.memory_space<vmem_shared>>) target(%dma_start3A_216 : memref<64x128xf32, #tpu.memory_space<hbm>>) target_semaphore(%arg28 : memref<!tpu.dma_semaphore, #tpu.memory_space<semaphore_mem>>)
      %dma_start3A_219 = arith.constant 1 : i32
      %dma_start3A_220 = arith.constant 0 : i32
      %dma_start3A_221 = tpu.memref_slice %arg8[%dma_start3A_219, %multiple_of3A_212, %dma_start3A_220] : memref<2x50000x128xf32, #tpu.memory_space<hbm>> -> memref<1x64x128xf32, #tpu.memory_space<hbm>>
      %dma_start3A_222 = tpu.memref_squeeze %dma_start3A_221 : memref<1x64x128xf32, #tpu.memory_space<hbm>> -> memref<64x128xf32, #tpu.memory_space<hbm>>
      %dma_start3A_223 = arith.constant 0 : i32
      %dma_start3A_224 = tpu.memref_slice %arg25[%multiple_of3A_210, %dma_start3A_223] : memref<4200x128xf32, #tpu.memory_space<vmem_shared>> -> memref<64x128xf32, #tpu.memory_space<vmem_shared>>
      tpu.enqueue_dma source(%dma_start3A_224 : memref<64x128xf32, #tpu.memory_space<vmem_shared>>) target(%dma_start3A_222 : memref<64x128xf32, #tpu.memory_space<hbm>>) target_semaphore(%arg29 : memref<!tpu.dma_semaphore, #tpu.memory_space<semaphore_mem>>)
      %add3A_225 = arith.constant 192 : i32
      %add3A_226 = arith.addi %mul3A_68, %add3A_225 : i32
      %sub3A_227 = arith.constant 64 : i32
      %sub3A_228 = arith.subi %min3A_66, %sub3A_227 : i32
      %min3A_229 = arith.minsi %add3A_226, %sub3A_228 : i32
      %multiple_of3A_230 = tpu.assume_multiple %min3A_229, 8 : i32
      %add3A_231 = arith.addi %add3A_60, %multiple_of3A_230 : i32
      %multiple_of3A_232 = tpu.assume_multiple %add3A_231, 8 : i32
      %dma_start3A_233 = arith.constant 0 : i32
      %dma_start3A_234 = arith.constant 0 : i32
      %dma_start3A_235 = tpu.memref_slice %arg8[%dma_start3A_233, %multiple_of3A_232, %dma_start3A_234] : memref<2x50000x128xf32, #tpu.memory_space<hbm>> -> memref<1x64x128xf32, #tpu.memory_space<hbm>>
      %dma_start3A_236 = tpu.memref_squeeze %dma_start3A_235 : memref<1x64x128xf32, #tpu.memory_space<hbm>> -> memref<64x128xf32, #tpu.memory_space<hbm>>
      %dma_start3A_237 = arith.constant 0 : i32
      %dma_start3A_238 = tpu.memref_slice %arg24[%multiple_of3A_230, %dma_start3A_237] : memref<4200x128xf32, #tpu.memory_space<vmem_shared>> -> memref<64x128xf32, #tpu.memory_space<vmem_shared>>
      tpu.enqueue_dma source(%dma_start3A_238 : memref<64x128xf32, #tpu.memory_space<vmem_shared>>) target(%dma_start3A_236 : memref<64x128xf32, #tpu.memory_space<hbm>>) target_semaphore(%arg28 : memref<!tpu.dma_semaphore, #tpu.memory_space<semaphore_mem>>)
      %dma_start3A_239 = arith.constant 1 : i32
      %dma_start3A_240 = arith.constant 0 : i32
      %dma_start3A_241 = tpu.memref_slice %arg8[%dma_start3A_239, %multiple_of3A_232, %dma_start3A_240] : memref<2x50000x128xf32, #tpu.memory_space<hbm>> -> memref<1x64x128xf32, #tpu.memory_space<hbm>>
      %dma_start3A_242 = tpu.memref_squeeze %dma_start3A_241 : memref<1x64x128xf32, #tpu.memory_space<hbm>> -> memref<64x128xf32, #tpu.memory_space<hbm>>
      %dma_start3A_243 = arith.constant 0 : i32
      %dma_start3A_244 = tpu.memref_slice %arg25[%multiple_of3A_230, %dma_start3A_243] : memref<4200x128xf32, #tpu.memory_space<vmem_shared>> -> memref<64x128xf32, #tpu.memory_space<vmem_shared>>
      tpu.enqueue_dma source(%dma_start3A_244 : memref<64x128xf32, #tpu.memory_space<vmem_shared>>) target(%dma_start3A_242 : memref<64x128xf32, #tpu.memory_space<hbm>>) target_semaphore(%arg29 : memref<!tpu.dma_semaphore, #tpu.memory_space<semaphore_mem>>)
      %add3A_245 = arith.constant 256 : i32
      %add3A_246 = arith.addi %mul3A_68, %add3A_245 : i32
      %sub3A_247 = arith.constant 64 : i32
      %sub3A_248 = arith.subi %min3A_66, %sub3A_247 : i32
      %min3A_249 = arith.minsi %add3A_246, %sub3A_248 : i32
      %multiple_of3A_250 = tpu.assume_multiple %min3A_249, 8 : i32
      %add3A_251 = arith.addi %add3A_60, %multiple_of3A_250 : i32
      %multiple_of3A_252 = tpu.assume_multiple %add3A_251, 8 : i32
      %dma_start3A_253 = arith.constant 0 : i32
      %dma_start3A_254 = arith.constant 0 : i32
      %dma_start3A_255 = tpu.memref_slice %arg8[%dma_start3A_253, %multiple_of3A_252, %dma_start3A_254] : memref<2x50000x128xf32, #tpu.memory_space<hbm>> -> memref<1x64x128xf32, #tpu.memory_space<hbm>>
      %dma_start3A_256 = tpu.memref_squeeze %dma_start3A_255 : memref<1x64x128xf32, #tpu.memory_space<hbm>> -> memref<64x128xf32, #tpu.memory_space<hbm>>
      %dma_start3A_257 = arith.constant 0 : i32
      %dma_start3A_258 = tpu.memref_slice %arg24[%multiple_of3A_250, %dma_start3A_257] : memref<4200x128xf32, #tpu.memory_space<vmem_shared>> -> memref<64x128xf32, #tpu.memory_space<vmem_shared>>
      tpu.enqueue_dma source(%dma_start3A_258 : memref<64x128xf32, #tpu.memory_space<vmem_shared>>) target(%dma_start3A_256 : memref<64x128xf32, #tpu.memory_space<hbm>>) target_semaphore(%arg28 : memref<!tpu.dma_semaphore, #tpu.memory_space<semaphore_mem>>)
      %dma_start3A_259 = arith.constant 1 : i32
      %dma_start3A_260 = arith.constant 0 : i32
      %dma_start3A_261 = tpu.memref_slice %arg8[%dma_start3A_259, %multiple_of3A_252, %dma_start3A_260] : memref<2x50000x128xf32, #tpu.memory_space<hbm>> -> memref<1x64x128xf32, #tpu.memory_space<hbm>>
      %dma_start3A_262 = tpu.memref_squeeze %dma_start3A_261 : memref<1x64x128xf32, #tpu.memory_space<hbm>> -> memref<64x128xf32, #tpu.memory_space<hbm>>
      %dma_start3A_263 = arith.constant 0 : i32
      %dma_start3A_264 = tpu.memref_slice %arg25[%multiple_of3A_250, %dma_start3A_263] : memref<4200x128xf32, #tpu.memory_space<vmem_shared>> -> memref<64x128xf32, #tpu.memory_space<vmem_shared>>
      tpu.enqueue_dma source(%dma_start3A_264 : memref<64x128xf32, #tpu.memory_space<vmem_shared>>) target(%dma_start3A_262 : memref<64x128xf32, #tpu.memory_space<hbm>>) target_semaphore(%arg29 : memref<!tpu.dma_semaphore, #tpu.memory_space<semaphore_mem>>)
      %dma_wait3A = arith.constant 0 : i32
      %dma_wait3A_265 = arith.constant 0 : i32
      %dma_wait3A_266 = tpu.memref_slice %arg8[%dma_wait3A, %multiple_of3A_173, %dma_wait3A_265] : memref<2x50000x128xf32, #tpu.memory_space<hbm>> -> memref<1x64x128xf32, #tpu.memory_space<hbm>>
      %dma_wait3A_267 = tpu.memref_squeeze %dma_wait3A_266 : memref<1x64x128xf32, #tpu.memory_space<hbm>> -> memref<64x128xf32, #tpu.memory_space<hbm>>
      %dma_wait3A_268 = arith.constant 0 : i32
      %dma_wait3A_269 = tpu.memref_slice %arg24[%multiple_of3A, %dma_wait3A_268] : memref<4200x128xf32, #tpu.memory_space<vmem_shared>> -> memref<64x128xf32, #tpu.memory_space<vmem_shared>>
      tpu.wait_dma2 semaphore(%arg28 : memref<!tpu.dma_semaphore, #tpu.memory_space<semaphore_mem>>) src(%dma_wait3A_269 : memref<64x128xf32, #tpu.memory_space<vmem_shared>>) dst(%dma_wait3A_267 : memref<64x128xf32, #tpu.memory_space<hbm>>)
      %dma_wait3A_270 = arith.constant 1 : i32
      %dma_wait3A_271 = arith.constant 0 : i32
      %dma_wait3A_272 = tpu.memref_slice %arg8[%dma_wait3A_270, %multiple_of3A_173, %dma_wait3A_271] : memref<2x50000x128xf32, #tpu.memory_space<hbm>> -> memref<1x64x128xf32, #tpu.memory_space<hbm>>
      %dma_wait3A_273 = tpu.memref_squeeze %dma_wait3A_272 : memref<1x64x128xf32, #tpu.memory_space<hbm>> -> memref<64x128xf32, #tpu.memory_space<hbm>>
      %dma_wait3A_274 = arith.constant 0 : i32
      %dma_wait3A_275 = tpu.memref_slice %arg25[%multiple_of3A, %dma_wait3A_274] : memref<4200x128xf32, #tpu.memory_space<vmem_shared>> -> memref<64x128xf32, #tpu.memory_space<vmem_shared>>
      tpu.wait_dma2 semaphore(%arg29 : memref<!tpu.dma_semaphore, #tpu.memory_space<semaphore_mem>>) src(%dma_wait3A_275 : memref<64x128xf32, #tpu.memory_space<vmem_shared>>) dst(%dma_wait3A_273 : memref<64x128xf32, #tpu.memory_space<hbm>>)
      %dma_wait3A_276 = arith.constant 0 : i32
      %dma_wait3A_277 = arith.constant 0 : i32
      %dma_wait3A_278 = tpu.memref_slice %arg8[%dma_wait3A_276, %multiple_of3A_192, %dma_wait3A_277] : memref<2x50000x128xf32, #tpu.memory_space<hbm>> -> memref<1x64x128xf32, #tpu.memory_space<hbm>>
      %dma_wait3A_279 = tpu.memref_squeeze %dma_wait3A_278 : memref<1x64x128xf32, #tpu.memory_space<hbm>> -> memref<64x128xf32, #tpu.memory_space<hbm>>
      %dma_wait3A_280 = arith.constant 0 : i32
      %dma_wait3A_281 = tpu.memref_slice %arg24[%multiple_of3A_190, %dma_wait3A_280] : memref<4200x128xf32, #tpu.memory_space<vmem_shared>> -> memref<64x128xf32, #tpu.memory_space<vmem_shared>>
      tpu.wait_dma2 semaphore(%arg28 : memref<!tpu.dma_semaphore, #tpu.memory_space<semaphore_mem>>) src(%dma_wait3A_281 : memref<64x128xf32, #tpu.memory_space<vmem_shared>>) dst(%dma_wait3A_279 : memref<64x128xf32, #tpu.memory_space<hbm>>)
      %dma_wait3A_282 = arith.constant 1 : i32
      %dma_wait3A_283 = arith.constant 0 : i32
      %dma_wait3A_284 = tpu.memref_slice %arg8[%dma_wait3A_282, %multiple_of3A_192, %dma_wait3A_283] : memref<2x50000x128xf32, #tpu.memory_space<hbm>> -> memref<1x64x128xf32, #tpu.memory_space<hbm>>
      %dma_wait3A_285 = tpu.memref_squeeze %dma_wait3A_284 : memref<1x64x128xf32, #tpu.memory_space<hbm>> -> memref<64x128xf32, #tpu.memory_space<hbm>>
      %dma_wait3A_286 = arith.constant 0 : i32
      %dma_wait3A_287 = tpu.memref_slice %arg25[%multiple_of3A_190, %dma_wait3A_286] : memref<4200x128xf32, #tpu.memory_space<vmem_shared>> -> memref<64x128xf32, #tpu.memory_space<vmem_shared>>
      tpu.wait_dma2 semaphore(%arg29 : memref<!tpu.dma_semaphore, #tpu.memory_space<semaphore_mem>>) src(%dma_wait3A_287 : memref<64x128xf32, #tpu.memory_space<vmem_shared>>) dst(%dma_wait3A_285 : memref<64x128xf32, #tpu.memory_space<hbm>>)
      %dma_wait3A_288 = arith.constant 0 : i32
      %dma_wait3A_289 = arith.constant 0 : i32
      %dma_wait3A_290 = tpu.memref_slice %arg8[%dma_wait3A_288, %multiple_of3A_212, %dma_wait3A_289] : memref<2x50000x128xf32, #tpu.memory_space<hbm>> -> memref<1x64x128xf32, #tpu.memory_space<hbm>>
      %dma_wait3A_291 = tpu.memref_squeeze %dma_wait3A_290 : memref<1x64x128xf32, #tpu.memory_space<hbm>> -> memref<64x128xf32, #tpu.memory_space<hbm>>
      %dma_wait3A_292 = arith.constant 0 : i32
      %dma_wait3A_293 = tpu.memref_slice %arg24[%multiple_of3A_210, %dma_wait3A_292] : memref<4200x128xf32, #tpu.memory_space<vmem_shared>> -> memref<64x128xf32, #tpu.memory_space<vmem_shared>>
      tpu.wait_dma2 semaphore(%arg28 : memref<!tpu.dma_semaphore, #tpu.memory_space<semaphore_mem>>) src(%dma_wait3A_293 : memref<64x128xf32, #tpu.memory_space<vmem_shared>>) dst(%dma_wait3A_291 : memref<64x128xf32, #tpu.memory_space<hbm>>)
      %dma_wait3A_294 = arith.constant 1 : i32
      %dma_wait3A_295 = arith.constant 0 : i32
      %dma_wait3A_296 = tpu.memref_slice %arg8[%dma_wait3A_294, %multiple_of3A_212, %dma_wait3A_295] : memref<2x50000x128xf32, #tpu.memory_space<hbm>> -> memref<1x64x128xf32, #tpu.memory_space<hbm>>
      %dma_wait3A_297 = tpu.memref_squeeze %dma_wait3A_296 : memref<1x64x128xf32, #tpu.memory_space<hbm>> -> memref<64x128xf32, #tpu.memory_space<hbm>>
      %dma_wait3A_298 = arith.constant 0 : i32
      %dma_wait3A_299 = tpu.memref_slice %arg25[%multiple_of3A_210, %dma_wait3A_298] : memref<4200x128xf32, #tpu.memory_space<vmem_shared>> -> memref<64x128xf32, #tpu.memory_space<vmem_shared>>
      tpu.wait_dma2 semaphore(%arg29 : memref<!tpu.dma_semaphore, #tpu.memory_space<semaphore_mem>>) src(%dma_wait3A_299 : memref<64x128xf32, #tpu.memory_space<vmem_shared>>) dst(%dma_wait3A_297 : memref<64x128xf32, #tpu.memory_space<hbm>>)
      %dma_wait3A_300 = arith.constant 0 : i32
      %dma_wait3A_301 = arith.constant 0 : i32
      %dma_wait3A_302 = tpu.memref_slice %arg8[%dma_wait3A_300, %multiple_of3A_232, %dma_wait3A_301] : memref<2x50000x128xf32, #tpu.memory_space<hbm>> -> memref<1x64x128xf32, #tpu.memory_space<hbm>>
      %dma_wait3A_303 = tpu.memref_squeeze %dma_wait3A_302 : memref<1x64x128xf32, #tpu.memory_space<hbm>> -> memref<64x128xf32, #tpu.memory_space<hbm>>
      %dma_wait3A_304 = arith.constant 0 : i32
      %dma_wait3A_305 = tpu.memref_slice %arg24[%multiple_of3A_230, %dma_wait3A_304] : memref<4200x128xf32, #tpu.memory_space<vmem_shared>> -> memref<64x128xf32, #tpu.memory_space<vmem_shared>>
      tpu.wait_dma2 semaphore(%arg28 : memref<!tpu.dma_semaphore, #tpu.memory_space<semaphore_mem>>) src(%dma_wait3A_305 : memref<64x128xf32, #tpu.memory_space<vmem_shared>>) dst(%dma_wait3A_303 : memref<64x128xf32, #tpu.memory_space<hbm>>)
      %dma_wait3A_306 = arith.constant 1 : i32
      %dma_wait3A_307 = arith.constant 0 : i32
      %dma_wait3A_308 = tpu.memref_slice %arg8[%dma_wait3A_306, %multiple_of3A_232, %dma_wait3A_307] : memref<2x50000x128xf32, #tpu.memory_space<hbm>> -> memref<1x64x128xf32, #tpu.memory_space<hbm>>
      %dma_wait3A_309 = tpu.memref_squeeze %dma_wait3A_308 : memref<1x64x128xf32, #tpu.memory_space<hbm>> -> memref<64x128xf32, #tpu.memory_space<hbm>>
      %dma_wait3A_310 = arith.constant 0 : i32
      %dma_wait3A_311 = tpu.memref_slice %arg25[%multiple_of3A_230, %dma_wait3A_310] : memref<4200x128xf32, #tpu.memory_space<vmem_shared>> -> memref<64x128xf32, #tpu.memory_space<vmem_shared>>
      tpu.wait_dma2 semaphore(%arg29 : memref<!tpu.dma_semaphore, #tpu.memory_space<semaphore_mem>>) src(%dma_wait3A_311 : memref<64x128xf32, #tpu.memory_space<vmem_shared>>) dst(%dma_wait3A_309 : memref<64x128xf32, #tpu.memory_space<hbm>>)
      %dma_wait3A_312 = arith.constant 0 : i32
      %dma_wait3A_313 = arith.constant 0 : i32
      %dma_wait3A_314 = tpu.memref_slice %arg8[%dma_wait3A_312, %multiple_of3A_252, %dma_wait3A_313] : memref<2x50000x128xf32, #tpu.memory_space<hbm>> -> memref<1x64x128xf32, #tpu.memory_space<hbm>>
      %dma_wait3A_315 = tpu.memref_squeeze %dma_wait3A_314 : memref<1x64x128xf32, #tpu.memory_space<hbm>> -> memref<64x128xf32, #tpu.memory_space<hbm>>
      %dma_wait3A_316 = arith.constant 0 : i32
      %dma_wait3A_317 = tpu.memref_slice %arg24[%multiple_of3A_250, %dma_wait3A_316] : memref<4200x128xf32, #tpu.memory_space<vmem_shared>> -> memref<64x128xf32, #tpu.memory_space<vmem_shared>>
      tpu.wait_dma2 semaphore(%arg28 : memref<!tpu.dma_semaphore, #tpu.memory_space<semaphore_mem>>) src(%dma_wait3A_317 : memref<64x128xf32, #tpu.memory_space<vmem_shared>>) dst(%dma_wait3A_315 : memref<64x128xf32, #tpu.memory_space<hbm>>)
      %dma_wait3A_318 = arith.constant 1 : i32
      %dma_wait3A_319 = arith.constant 0 : i32
      %dma_wait3A_320 = tpu.memref_slice %arg8[%dma_wait3A_318, %multiple_of3A_252, %dma_wait3A_319] : memref<2x50000x128xf32, #tpu.memory_space<hbm>> -> memref<1x64x128xf32, #tpu.memory_space<hbm>>
      %dma_wait3A_321 = tpu.memref_squeeze %dma_wait3A_320 : memref<1x64x128xf32, #tpu.memory_space<hbm>> -> memref<64x128xf32, #tpu.memory_space<hbm>>
      %dma_wait3A_322 = arith.constant 0 : i32
      %dma_wait3A_323 = tpu.memref_slice %arg25[%multiple_of3A_250, %dma_wait3A_322] : memref<4200x128xf32, #tpu.memory_space<vmem_shared>> -> memref<64x128xf32, #tpu.memory_space<vmem_shared>>
      tpu.wait_dma2 semaphore(%arg29 : memref<!tpu.dma_semaphore, #tpu.memory_space<semaphore_mem>>) src(%dma_wait3A_323 : memref<64x128xf32, #tpu.memory_space<vmem_shared>>) dst(%dma_wait3A_321 : memref<64x128xf32, #tpu.memory_space<hbm>>)
      %barrier3A_324 = arith.constant 0 : index
      tpu.barrier barrier_id(%barrier3A_324)
    }
    %scan3A_54 = arith.constant 6 : i32
    return
  }
}

</mosaic_0001>

<sc_bundles>
// kernel: kernel.3.cloned.1.call-start
scs
__scs_entry_jumppad:
0x0: {  	(pc) =	sbr.rel $0x88, $3  }
0x1: {  	(tag) =	ssettag $0x0;
	lr =	simm.s32 $0x1  }
0x2: {  	[smem:$0x3F9B] =	sst lr;
	_ =	strace $0xD0000000  }
0x3: {  	_ = 	snop  }
0x4: {  	_ = 	snop  }
0x5: {  	_ = 	snop  }
0x6: {  	_ = 	snop  }
0x7: {  	_ = 	snop  }
__scs_overlays_trampoline_lowered:
0x8: {  	[smem:$0x3FAA] =	sst s0  }
0x9: {  	[smem:$0x3FAB] =	sst s1  }
0xa: {  	[smem:$0x3FAC] =	sst s2  }
0xb: {  	[smem:$0x3FAD] =	sst s3  }
0xc: {  	[smem:$0x3FAE] =	sst s4  }
0xd: {  	[smem:$0x3FAF] =	sst s5  }
0xe: {  	[smem:$0x3FB0] =	sst s6  }
0xf: {  	[smem:$0x3FB1] =	sst s7  }
0x10: {  	[smem:$0x3FB2] =	sst s8  }
0x11: {  	[smem:$0x3FB3] =	sst s9;
	s0 =	simm.s32 @!p0 $0x0  }
0x12: {  	s1 =	sld [smem:$0x3F99];
	s0 =	simm.s32 @p0 $0x1  }
0x13: {  	[smem:$0x3FB4] =	sst s0;
	s0 =	simm.s32 @!p1 $0x0  }
0x14: {  	s2 =	sld [smem:$0x3F98];
	s0 =	simm.s32 @p1 $0x1  }
0x15: {  	[smem:$0x3FB5] =	sst s0;
	s0 =	simm.s32 @!p2 $0x0  }
0x16: {  	s3 =	sld [smem:$0x3FDB];
	s0 =	simm.s32 @p2 $0x1  }
0x17: {  	s4 =	simm.s32 $0x1BF5;
	[smem:$0x3FB7] =	sst s0  }
0x18: {  	s0 =	sld [smem:$0x3F9A];
	_ =	swait.ge [sflag:s4], $0x0  }
0x19: {  	s7 =	sld [smem:$0x3F9B]  }
0x1a: {  	s8 =	sadd.s32 $0xFFFFE003, lr  }
0x1b: {  	s9 =	sadd.s32 $0xFFFFFEF7, lr;
	s5 =	simm.s32 $0xFFFFFFFF;
	p2 =	slt.u32 s8, $0xFFFFF086  }
0x1c: {  	p1 =	slt.u32 s9, $0xF7A;
	s5 =	simm.s32 @!p2 $0x0  }
0x1d: {  	s5 =	simm.s32 @p1 $0x1;
	p0 =	seq.s32 s7, s2  }
0x1e: {  	s7 =	smul.u32 @!p0 $0xF7A, s2;
	p2 =	seq.s32 @!p0 s5, $0x0  }
0x1f: {  	s9 =	smul.u32 $0xF7A, s1;
	s8 =	simm.s32 @!p0 $0x1BF5;
	p2 =	por !p2, p0  }
0x20: {  	[sflag:s8] =	ssyncset.s32 @!p0 $0xFFFFF086;
	s6 =	sadd.s32 @!p0 s3, s7;
	s7 =	simm.s32 @!p0 $0x108  }
0x21: {  	s3 =	sadd.s32 s3, s9;
	s6 =	sadd.s32 @!p0 $0x88, s6;
	s7 =	simm.s32 @p2 $0x1082  }
0x22: {  	[simem:s7], [sflag:s8] =	dma.local @!p0 [hbm:s6], $0xF7A  }
0x23: {  	s9 =	sor.u32 $0xD0000000, s2;
	s6 =	simm.s32 $0x108;
	_ =	swait.ge @!p0 [sflag:s8], $0x0  }
0x24: {  	s3 =	sadd.s32 $0x88, s3;
	s6 =	simm.s32 @!p1 $0x1082;
	[sflag:s4] =	ssyncset.s32 $0xFFFFF086  }
0x25: {  	[simem:s6], [sflag:s4] =	dma.local [hbm:s3], $0xF7A  }
0x26: {  	[smem:$0x3F9B] =	sst s1;
	(tag) =	ssettag s2;
	_ =	strace s9  }
0x27: {  	s1 =	sld [smem:$0x3FAB]  }
0x28: {  	s2 =	sld [smem:$0x3FAC]  }
0x29: {  	s4 =	sld [smem:$0x3FAE]  }
0x2a: {  	p0 =	seq.s32 s5, $0x0;
	s5 =	sld [smem:$0x3FAF]  }
0x2b: {  	s6 =	sld [smem:$0x3FB0]  }
0x2c: {  	s7 =	sld [smem:$0x3FB1]  }
0x2d: {  	s3 =	simm.s32 $0x108;
	s8 =	sld [smem:$0x3FB2]  }
0x2e: {  	s3 =	simm.s32 @!p0 $0x1082;
	s9 =	sld [smem:$0x3FB3]  }
0x2f: {  	lr =	sadd.s32 s0, s3;
	s0 =	sld [smem:$0x3FAA]  }
0x30: {  	s3 =	sld [smem:$0x3FAD]  }
0x31: {  	[smem:$0x3FB6] =	sst s10  }
0x32: {  	s10 =	sld [smem:$0x3FB4];
	_ =	sdelay $0x3  }
0x33: {  	p0 =	seq.s32 s10, $0x1;
	s10 =	sld [smem:$0x3FB6];
	_ =	sdelay $0x3  }
0x34: {  	[smem:$0x3FB6] =	sst s10  }
0x35: {  	s10 =	sld [smem:$0x3FB5];
	_ =	sdelay $0x3  }
0x36: {  	p1 =	seq.s32 s10, $0x1;
	s10 =	sld [smem:$0x3FB6];
	_ =	sdelay $0x3  }
0x37: {  	[smem:$0x3FB6] =	sst s10  }
0x38: {  	s10 =	sld [smem:$0x3FB7]  }
0x39: {  	_ = 	snop;
	(pc) =	sbr.ind lr, $3  }
0x3a: {  	_ = 	snop  }
0x3b: {  	_ = 	snop  }
0x3c: {  	p2 =	seq.s32 s10, $0x1;
	s10 =	sld [smem:$0x3FB6]  }
0x3d: {  	_ =	shalt  }
0x3e: {  	_ =	shalt  }
0x3f: {  	_ =	shalt  }
0x40: {  	_ =	shalt  }
0x41: {  	_ =	shalt  }
0x42: {  	_ =	shalt  }
0x43: {  	_ =	shalt  }
0x44: {  	_ =	shalt  }
0x45: {  	_ =	shalt  }
0x46: {  	_ =	shalt  }
0x47: {  	_ =	shalt  }
0x48: {  	_ =	shalt  }
0x49: {  	_ =	shalt  }
0x4a: {  	_ =	shalt  }
0x4b: {  	_ =	shalt  }
0x4c: {  	_ =	shalt  }
0x4d: {  	_ =	shalt  }
0x4e: {  	_ =	shalt  }
0x4f: {  	_ =	shalt  }
0x50: {  	_ =	shalt  }
0x51: {  	_ =	shalt  }
0x52: {  	_ =	shalt  }
0x53: {  	_ =	shalt  }
0x54: {  	_ =	shalt  }
0x55: {  	_ =	shalt  }
0x56: {  	_ =	shalt  }
0x57: {  	_ =	shalt  }
0x58: {  	_ =	shalt  }
0x59: {  	_ =	shalt  }
0x5a: {  	_ =	shalt  }
0x5b: {  	_ =	shalt  }
0x5c: {  	_ =	shalt  }
0x5d: {  	_ =	shalt  }
0x5e: {  	_ =	shalt  }
0x5f: {  	_ =	shalt  }
0x60: {  	_ =	shalt  }
0x61: {  	_ =	shalt  }
0x62: {  	_ =	shalt  }
0x63: {  	_ =	shalt  }
0x64: {  	_ =	shalt  }
0x65: {  	_ =	shalt  }
0x66: {  	_ =	shalt  }
0x67: {  	_ =	shalt  }
0x68: {  	_ =	shalt  }
0x69: {  	_ =	shalt  }
0x6a: {  	_ =	shalt  }
0x6b: {  	_ =	shalt  }
0x6c: {  	_ =	shalt  }
0x6d: {  	_ =	shalt  }
0x6e: {  	_ =	shalt  }
0x6f: {  	_ =	shalt  }
0x70: {  	_ =	shalt  }
0x71: {  	_ =	shalt  }
0x72: {  	_ =	shalt  }
0x73: {  	_ =	shalt  }
0x74: {  	_ =	shalt  }
0x75: {  	_ =	shalt  }
0x76: {  	_ =	shalt  }
0x77: {  	_ =	shalt  }
0x78: {  	_ =	shalt  }
0x79: {  	_ =	shalt  }
0x7a: {  	_ =	shalt  }
0x7b: {  	_ =	shalt  }
0x7c: {  	_ =	shalt  }
0x7d: {  	_ =	shalt  }
0x7e: {  	_ =	shalt  }
0x7f: {  	_ =	shalt  }
0x80: {  	_ =	shalt  }
0x81: {  	_ =	shalt  }
0x82: {  	_ =	shalt  }
0x83: {  	_ =	shalt  }
0x84: {  	_ =	shalt  }
0x85: {  	_ =	shalt  }
0x86: {  	_ =	shalt  }
0x87: {  	_ =	shalt  }
.Lfunc_end0:
.L_simem_size_0:
called_computation_lowered:
.L_overlay_start_0:
0x88: {  	s2 =	sld [smem:$0x3FD9]  }
0x89: {  	s3 =	sld [smem:$0x3FFE];
	_ =	sdelay $0x1  }
0x8a: {  	s1 =	srdreg.scid  }
0x8b: {  	s0 =	sand.u32 $0x1, s1  }
0x8c: {  	s18 =	sshll.u32 s0, $0xA;
	s2 =	sadd.s32 s3, s2  }
0x8d: {  	s2 =	sadd.s32 s2, s18  }
0x8e: {  	[smem:$0x3FC2] =	sst s2  }
0x8f: {  	_ = 	snop  }
0x90: {  	s2 =	sld [smem:$0x3FC9]  }
0x91: {  	s19 =	sld [smem:$0x3FC8]  }
0x92: {  	s4 =	sld [smem:$0x3FC7]  }
0x93: {  	s5 =	sld [smem:$0x3FC6]  }
0x94: {  	s6 =	sld [smem:$0x3FC5]  }
0x95: {  	s7 =	sld [smem:$0x3FC4]  }
0x96: {  	s8 =	sld [smem:$0x3FD0];
	(tm) =	ssettm $0x1  }
0x97: {  	s9 =	sld [smem:$0x3FFB];
	_ =	sdelay $0x3  }
0x98: {  	_ =	strace s9  }
0x99: {  	s9 =	sld [smem:$0x3FFC];
	_ =	sdelay $0x3  }
0x9a: {  	_ =	strace s9  }
0x9b: {  	s9 =	sld [smem:$0x3FFD];
	_ =	sdelay $0x3  }
0x9c: {  	_ =	strace s9  }
0x9d: {  	_ =	strace $0x8FFFFFFF  }
0x9e: {  	s20 =	sld [smem:$0x3FDB];
	_ =	sdelay $0x1  }
0x9f: {  	s10 =	simm.s32 $_scs_section_size  }
0xa0: {  	s11 =	simm.s32 $_size__tile_overlayer_lowered;
	s12 =	simm.s32 $_tile_overlayer_lowered  }
0xa1: {  	s23 =	simm.s32 $0x1BFF;
	s22 =	sshll.u32 s12, $0x1;
	s9 =	sadd.s32 s10, s20  }
0xa2: {  	s13 =	simm.s32 $0x0;
	s21 =	sshll.u32 s11, $0x1;
	s11 =	sadd.s32 s22, s9  }
0xa3: {  	[timem:s13], [sflag:s23] =	dma.local [hbm:s11], s21  }
0xa4: {  	_ =	swait.ge [sflag:s23], s21  }
0xa5: {  	s10 =	ssub.s32 $0x0, s21;
	[sflag:s23] =	ssyncset.done $0x0  }
0xa6: {  	[sflag:s23] =	ssyncadd.s32 s10;
	_ =	sdelay $0x1  }
0xa7: {  	s24 =	simm.s32 $0x1B8B  }
0xa8: {  	_ =	swait.ge [sflag:s24], $0x1  }
0xa9: {  	[sflag:s24] =	ssyncset.done $0x0  }
0xaa: {  	s25 =	simm.s32 $0x1B8E;
	[sflag:s24] =	ssyncadd.s32 $0xFFFFFFFF  }
0xab: {  	s26 =	simm.s32 $execute0_lowered;
	[smem:$0x3FD2] =	sst s25  }
0xac: {  	s10 =	sshll.u32 s26, $0x1;
	_ =	strace $0x80000046;
	[dreg:$0x1] =	wrdreg $0xFFFFFFFF  }
0xad: {  	s28 =	simm.s32 $_size_execute0_lowered;
	s9 =	sadd.s32 s9, s10;
	[dreg:$0x0] =	wrdreg $0x0  }
0xae: {  	s10 =	sshll.u32 s28, $0x1;
	[dreg:$0x2] =	wrdreg s9  }
0xaf: {  	[dreg:$0x3] =	wrdreg s10  }
0xb0: {  	[dreg:$0x4] =	wrdreg $0xC0  }
0xb1: {  	_ =	task [dreg:s13], $0x5FFFF  }
0xb2: {  	[dreg:$0x1] =	wrdreg $0xFFFFFFFF  }
0xb3: {  	[dreg:$0x0] =	wrdreg $0x60  }
0xb4: {  	[dreg:$0x2] =	wrdreg s2  }
0xb5: {  	[dreg:$0x3] =	wrdreg s19  }
0xb6: {  	[dreg:$0x4] =	wrdreg s4  }
0xb7: {  	[dreg:$0x5] =	wrdreg s5  }
0xb8: {  	[dreg:$0x6] =	wrdreg s6  }
0xb9: {  	[dreg:$0x7] =	wrdreg s7  }
0xba: {  	[dreg:$0x8] =	wrdreg s8  }
0xbb: {  	[dreg:$0x9] =	wrdreg $0xE4700  }
0xbc: {  	[dreg:$0xa] =	wrdreg $0x167B00  }
0xbd: {  	[dreg:$0xb] =	wrdreg $0x9  }
0xbe: {  	_ =	task.clear_ibuf [dreg:s13], $0xCFFFF;
	_ =	strace $0x90000046  }
0xbf: {  	s29 =	simm.s32 $0x9;
	_ =	strace $0x80000048  }
0xc0: {  	_ =	swait.ge [sflag:s29], $0x1  }
0xc1: {  	[sflag:s29] =	ssyncadd.s32 $0xFFFFFFFF  }
0xc2: {  	_ =	strace $0x90000048  }
0xc3: {  	_ =	sfence  }
0xc4: {  	s30 =	sld [smem:$0x0];
	_ =	sdelay $0x2  }
0xc5: {  	s31 =	sshll.u32 s1, $0xD;
	s1 =	sshrl.u32 s1, $0x2  }
0xc6: {  	s3 =	sand.u32 $0x4000, s31;
	s1 =	sadd.s32 s1, s30  }
0xc7: {  	s0 =	sor.u32 s3, s0;
	s1 =	sshll.u32 s1, $0x11  }
0xc8: {  	s0 =	sor.u32 s1, s0  }
0xc9: {  	s0 =	sadd.s32 $0x8F2B, s0  }
0xca: {  	[sflag:s0] =	ssyncadd.remote.s32 $0x1  }
0xcb: {  	_ =	sfence.sel $0xFFFF  }
0xcc: {  	[dreg:$0x0] =	wrdreg $0xFFFFFFFF;
	(pc) =	sbr.abs _section_cstart, $3  }
0xcd: {  	[dreg:$0x1] =	wrdreg $0xFFFFFFFF  }
0xce: {  	_ =	task.clear_ibuf [dreg:s13], $0x2FFFF;
	_ =	strace $0x9FFFFFFF  }
0xcf: {  	(tm) =	ssettm $0x7FFFFFFF  }
tec
execute0_lowered:
.L_overlay_start_1:
0x0: {  	(tag) =	ssettag $0x1  }
0x1: {  	s13 =	stileid.u32  }
0x2: {  	s0 =	smul.u32 $0x1870, s13;
	_ =	sdelay $0x1  }
0x3: {  	s4 =	smin.u32 s0, $0x16E30  }
0x4: {  	s0 =	ssub.s32 s0, s4  }
0x5: {  	p0 =	slt.u32 s0, $0x11  }
0x6: {  	p4 =	slt.u32 @!p0 s0, $0x21  }
0x7: {  	p1 =	por p4, p0  }
0x8: {  	s5 =	rddreg [dreg:$0x0];
	p5 =	slt.u32 @!p1 s0, $0x31  }
0x9: {  	s8 =	rddreg [dreg:$0x1];
	p2 =	por @!p0 p5, p4  }
0xa: {  	s9 =	rddreg [dreg:$0x2];
	p2 =	por p2, p0  }
0xb: {  	s1 =	rddreg [dreg:$0x3];
	p6 =	slt.u32 @!p2 s0, $0x41  }
0xc: {  	s2 =	rddreg [dreg:$0x4];
	p3 =	por @!p1 p6, p5  }
0xd: {  	s3 =	rddreg [dreg:$0x5];
	p3 =	por @!p0 p3, p4  }
0xe: {  	s6 =	rddreg [dreg:$0x7];
	s10 =	srdreg.scid;
	p3 =	por p3, p0  }
0xf: {  	s12 =	simm.s32 $0x0;
	s10 =	sand.u32 $0x1, s10;
	s7 =	simm.s32 @!p3 $0x0  }
0x10: {  	[smem:$0x7FF] =	sst s12;
	s20 =	sadd.s32 $0x30D2, s9;
	s7 =	simm.s32 @p3 $0x1  }
0x11: {  	s11 =	ssub.s32 $0x2, s10;
	s4 =	sshrl.u32 s4, $0x3;
	[smem:$0x7FC] =	sst s7  }
0x12: {  	s21 =	smul.u32 $0x61A8, s10;
	s5 =	sadd.s32 s5, s4;
	s7 =	rddreg [dreg:$0x8]  }
0x13: {  	s19 =	sadd.s32 s8, s4;
	_ =	strace $0x80000047;
	[dreg:$0xa] =	wrdreg s5  }
0x14: {  	s18 =	sshrl.u32 s11, $0x1;
	s4 =	sadd.s32 s9, s4;
	[dreg:$0xb] =	wrdreg s19  }
0x15: {  	s12 =	ssub.s32 s11, s18;
	s11 =	smul.u32 $0x108, s13;
	[dreg:$0xc] =	wrdreg s4  }
0x16: {  	s28 =	simm.s32 $0x3;
	s29 =	simm.s32 $0x4950;
	[dreg:$0xd] =	wrdreg s20  }
0x17: {  	s30 =	simm.s32 $0x5200;
	s22 =	sadd.s32 $0x40, s11;
	[dreg:$0xe] =	wrdreg s21  }
0x18: {  	s31 =	simm.s32 $0x5AB0;
	s23 =	sadd.s32 $0x80, s11;
	[dreg:$0xf] =	wrdreg s22  }
0x19: {  	s10 =	simm.s32 $0xC460;
	s24 =	sadd.s32 $0xC0, s11;
	[dreg:$0x10] =	wrdreg s23  }
0x1a: {  	s25 =	sadd.s32 $0x100, s11;
	p3 =	slt.u32 @!p3 s0, $0x51;
	[dreg:$0x11] =	wrdreg s24  }
0x1b: {  	s26 =	smax.u32 s12, $0x1;
	p3 =	por @!p2 p3, p6;
	[dreg:$0x12] =	wrdreg s25  }
0x1c: {  	s9 =	simm.s32 $0xA460;
	p5 =	por @!p1 p3, p5;
	[dreg:$0x13] =	wrdreg s26  }
.Ltmp0:
0x1d: {  	s24 =	simm.s32 $0x6460;
	s25 =	simm.s32 $0x8460;
	(pc) =	sbr.rel .LBB2_1-.Ltmp0, $4  }
0x1e: {  	s26 =	simm.s32 $0x1;
	p3 =	por @!p0 p5, p4;
	p4 =	slt.s32 s0, $0x1  }
0x1f: {  	s5 =	simm.s32 $0x40;
	s21 =	simm.s32 $0x6360;
	s0 =	simm.s32 @!p4 $0x0  }
0x20: {  	v0 =	vimm.s32 $0xFFFFFFFF;
	v1 =	vlaneseq.u32;
	s22 =	simm.s32 $0x2;
	s23 =	simm.s32 $0x63E0;
	s0 =	simm.s32 @p4 $0x1  }
0x21: {  	v2 =	vimm.s32 $0x0;
	v4 =	vimm.f32 $0.0e+00;
	v3 =	vor.u32 $0x8A0, v1;
	s4 =	simm.s32 $0x0;
	p5 =	por p3, p0;
	[smem:$0x7FD] =	sst s0  }
.LBB2_37:
0x22: {  	s4 =	rddreg [dreg:$0x14]  }
0x23: {  	s0 =	rddreg [dreg:$0x13];
	s4 =	sadd.s32 $0x1, s4  }
0x24: {  	p3 =	sne.s32 s4, s0  }
.Ltmp1:
0x25: {  	_ = 	snop;
	(pc) =	sbr.rel @!p3 .LBB2_38-.Ltmp1, $1  }
0x26: {  	_ =	sdelay $0x3  }
.LBB2_1:
0x27: {  	[dreg:$0x14] =	wrdreg s4  }
0x28: {  	s0 =	simm.s32 $0x0;
	s14 =	rddreg [dreg:$0xa];
	s8 =	simm.s32 $0x5  }
0x29: {  	[tilespmem:s0], [sflag:$0x5] =	stream.linear.gather [hbm4b:s14+s0], $0x1870, $0x38;
	[tilespmem:$0x1EAF0] =	vst v63  }
0x2a: {  	_ =	swait.ge [sflag:s8], $0x1870  }
0x2b: {  	[sflag:s8] =	ssyncset.done $0x0  }
0x2c: {  	s12 =	simm.s32 $0x1870;
	s15 =	rddreg [dreg:$0xb];
	[sflag:s8] =	ssyncadd.s32 $0xFFFFE790  }
0x2d: {  	[tilespmem:s12], [sflag:$0x5] =	stream.linear.gather [hbm4b:s15+s0], $0x1870, $0x38;
	[tilespmem:$0x1EAF0] =	vst v63  }
0x2e: {  	_ =	swait.ge [sflag:s8], $0x1870  }
0x2f: {  	[sflag:s8] =	ssyncset.done $0x0  }
0x30: {  	s17 =	simm.s32 $0x30E0;
	s16 =	rddreg [dreg:$0xc];
	[sflag:s8] =	ssyncadd.s32 $0xFFFFE790  }
0x31: {  	[tilespmem:s17], [sflag:$0x5] =	stream.linear.gather [hbm4b:s16+s0], $0x1870, $0x38;
	[tilespmem:$0x1EAF0] =	vst v63  }
0x32: {  	_ =	swait.ge [sflag:s8], $0x1870  }
0x33: {  	[sflag:s8] =	ssyncset.done $0x0  }
0x34: {  	s19 =	simm.s32 $0xE460;
	s18 =	rddreg [dreg:$0xd];
	[sflag:s8] =	ssyncadd.s32 $0xFFFFE790  }
0x35: {  	[tilespmem:s19], [sflag:$0x5] =	stream.linear.gather [hbm4b:s18+s0], $0x10, $0x38;
	[tilespmem:$0x1EAF0] =	vst v63  }
0x36: {  	_ =	swait.ge [sflag:s8], $0x10  }
0x37: {  	[sflag:s8] =	ssyncset.done $0x0  }
0x38: {  	[sflag:s8] =	ssyncadd.s32 $0xFFFFFFF0  }
0x39: {  	v5 =	vld [tilespmem:$0xE460];
	_ =	sdelay $0x4  }
0x3a: {  	v7 =	vbroadcast v5, $0xF;
	_ =	sdelay $0x1  }
0x3b: {  	v5 =	vmul.f32 $-1.000000010e-01, v7;
	_ =	sdelay $0x1  }
0x3c: {  	v5 =	vmul.f32 $1.442695020e+00, v5;
	_ =	sdelay $0x1  }
0x3d: {  	(erf) = vpow2.f32 v5  }
0x3e: {  	s20 =	sld [smem:$0x7FD];
	_ =	sdelay $0x2  }
0x3f: {  	p3 =	seq.s32 s20, $0x1  }
.Ltmp2:
0x40: {  	_ = 	snop;
	(pc) =	sbr.rel @p3 .LBB2_3-.Ltmp2, $2  }
0x41: {  	_ =	sdelay $0x2  }
0x42: {  	v5 =	vpop (erf)  }
0x43: {  	[tilespmem:$0x0] =	vst v0  }
0x44: {  	[tilespmem:$0x1870] =	vst v0;
	v6 =	vimm.s32 @!p0 $0xFFFFFFFF  }
0x45: {  	[tilespmem:$0x10] =	vst @!p0 v6  }
0x46: {  	s0 =	sld [smem:$0x7FC];
	[tilespmem:$0x1880] =	vst @!p0 v6;
	v6 =	vimm.s32 @!p1 $0xFFFFFFFF  }
0x47: {  	[tilespmem:$0x20] =	vst @!p1 v6  }
0x48: {  	[tilespmem:$0x1890] =	vst @!p1 v6;
	v6 =	vimm.s32 @!p2 $0xFFFFFFFF  }
0x49: {  	[tilespmem:$0x30] =	vst @!p2 v6;
	p3 =	seq.s32 s0, $0x1  }
0x4a: {  	[tilespmem:$0x18A0] =	vst @!p2 v6;
	v6 =	vimm.s32 @!p3 $0xFFFFFFFF  }
0x4b: {  	[tilespmem:$0x40] =	vst @!p3 v6  }
0x4c: {  	[tilespmem:$0x18B0] =	vst @!p3 v6;
	v6 =	vimm.s32 @!p5 $0xFFFFFFFF  }
0x4d: {  	[tilespmem:$0x50] =	vst @!p5 v6  }
0x4e: {  	[tilespmem:$0x18C0] =	vst @!p5 v6  }
.LBB2_3:
0x4f: {  	v6 =	vmul.f32 v5, v5;
	s8 =	simm.s32 $0x0;
	s0 =	simm.s32 $0x0;
	s4 =	simm.s32 $0x40  }
.LBB2_4:
0x50: {  	p4 =	sne.s32 s4, $0x6180;
	v8 =	vld [tilespmem:s0+$0x30E0];
	_ =	sdelay $0x4  }
0x51: {  	v8 =	vsub.f32 v8, v7;
	_ =	sdelay $0x1  }
0x52: {  	v8 =	vmul.f32 $1.000000010e-01, v8;
	_ =	sdelay $0x1  }
0x53: {  	v8 =	vmul.f32 $1.442695020e+00, v8;
	_ =	sdelay $0x1  }
0x54: {  	(erf) = vpow2.f32 v8;
	_ =	sdelay $0x5  }
.Ltmp3:
0x55: {  	(pc) =	sbr.rel @p4 .LBB2_4-.Ltmp3, $3  }
0x56: {  	_ =	sdelay $0x1  }
0x57: {  	v8 =	vpop (erf)  }
0x58: {  	[tilespmem:s0+$0x30E0] =	vst v8;
	s0 =	sshra.s32 s4, $0x2;
	s4 =	sadd.s32 $0x40, s4  }
0x59: {  	v8 =	vld [tilespmem:s0+$0x30E0];
	_ =	sdelay $0x4  }
0x5a: {  	v7 =	vsub.f32 v8, v7;
	_ =	sdelay $0x1  }
0x5b: {  	v7 =	vmul.f32 $1.000000010e-01, v7;
	_ =	sdelay $0x1  }
0x5c: {  	v7 =	vmul.f32 $1.442695020e+00, v7;
	_ =	sdelay $0x1  }
0x5d: {  	(erf) = vpow2.f32 v7;
	_ =	sdelay $0x5  }
.Ltmp4:
0x5e: {  	_ = 	snop;
	(pc) =	sbr.rel .LBB2_6-.Ltmp4, $3  }
0x5f: {  	_ =	sdelay $0x1  }
0x60: {  	v7 =	vpop (erf)  }
0x61: {  	[tilespmem:s0+$0x30E0] =	vst v7  }
.LBB2_36:
0x62: {  	p3 =	slt.s32 s0, $0x1  }
0x63: {  	s4 =	simm.s32 @!p3 $0x3  }
0x64: {  	_ =	swait.ge @!p3 [sflag:s4], $0x2000  }
0x65: {  	[sflag:s4] =	ssyncset.done @!p3 $0x0  }
0x66: {  	[sflag:s4] =	ssyncadd.s32 @!p3 $0xFFFFE000  }
0x67: {  	p4 =	seq.s32 @!p3 s0, $0x1;
	_ =	swait.ge @!p3 [sflag:s4], $0x2000  }
0x68: {  	p4 =	por p4, p3;
	[sflag:s4] =	ssyncset.done @!p3 $0x0  }
0x69: {  	s0 =	simm.s32 @!p4 $0x4;
	[sflag:s4] =	ssyncadd.s32 @!p3 $0xFFFFE000  }
0x6a: {  	_ =	swait.ge @!p4 [sflag:s0], $0x2000  }
0x6b: {  	s14 =	stileid.u32;
	[sflag:s0] =	ssyncset.done @!p4 $0x0  }
0x6c: {  	p3 =	slt.s32 s11, s20;
	s4 =	smov.u32 s20;
	[sflag:s0] =	ssyncadd.s32 @!p4 $0xFFFFE000  }
0x6d: {  	s14 =	sshll.u32 s14, $0x6;
	s4 =	smov.u32 @p3 s11;
	_ =	swait.ge @!p4 [sflag:s0], $0x2000  }
0x6e: {  	s16 =	sadd.s32 s8, s4;
	s4 =	sshll.u32 s4, $0x7;
	[sflag:s0] =	ssyncset.done @!p4 $0x0  }
0x6f: {  	s12 =	sshll.u32 s16, $0x7;
	s13 =	sadd.s32 s4, s6;
	[sflag:s0] =	ssyncadd.s32 @!p4 $0xFFFFE000  }
0x70: {  	s17 =	sadd.s32 s4, s7;
	s13 =	sshrl.u32 s13, $0x3;
	[bflag:$0x0] =	sbarrier.arrive $0xFFFF  }
0x71: {  	s0 =	sshrl.u32 s12, $0x3;
	s12 =	sadd.s32 $0x61A800, s12;
	s16 =	rddreg [dreg:$0x6]  }
0x72: {  	s12 =	sshrl.u32 s12, $0x3;
	s15 =	sadd.s32 s16, s0;
	s0 =	sor.u32 $0x1C03, s14  }
0x73: {  	[hbm:s15], [sflag:s0] =	dma.local [spmem:s13], $0x400  }
0x74: {  	s4 =	sor.u32 $0x1C04, s14;
	s12 =	sadd.s32 s16, s12;
	s13 =	sshrl.u32 s17, $0x3  }
0x75: {  	[hbm:s12], [sflag:s4] =	dma.local [spmem:s13], $0x400  }
0x76: {  	s13 =	rddreg [dreg:$0xf]  }
0x77: {  	s12 =	smov.u32 s20;
	p3 =	slt.s32 s13, s20  }
0x78: {  	s12 =	smov.u32 @p3 s13  }
0x79: {  	s13 =	sadd.s32 s8, s12;
	s12 =	sshll.u32 s12, $0x7  }
0x7a: {  	s13 =	sshll.u32 s13, $0x7;
	s19 =	sadd.s32 s12, s6  }
0x7b: {  	s12 =	sadd.s32 s12, s7;
	s18 =	sshrl.u32 s13, $0x3;
	s13 =	sadd.s32 $0x61A800, s13  }
0x7c: {  	s15 =	sshrl.u32 s19, $0x3;
	s14 =	sadd.s32 s16, s18;
	s13 =	sshrl.u32 s13, $0x3  }
0x7d: {  	[hbm:s14], [sflag:s0] =	dma.local [spmem:s15], $0x400  }
0x7e: {  	s12 =	sshrl.u32 s12, $0x3;
	s13 =	sadd.s32 s16, s13  }
0x7f: {  	[hbm:s13], [sflag:s4] =	dma.local [spmem:s12], $0x400  }
0x80: {  	s13 =	rddreg [dreg:$0x10]  }
0x81: {  	s12 =	smov.u32 s20;
	p3 =	slt.s32 s13, s20  }
0x82: {  	s12 =	smov.u32 @p3 s13  }
0x83: {  	s13 =	sadd.s32 s8, s12;
	s12 =	sshll.u32 s12, $0x7  }
0x84: {  	s13 =	sshll.u32 s13, $0x7;
	s17 =	sadd.s32 s12, s6  }
0x85: {  	s12 =	sadd.s32 s12, s7;
	s15 =	sshrl.u32 s13, $0x3;
	s13 =	sadd.s32 $0x61A800, s13  }
0x86: {  	s14 =	sadd.s32 s16, s15;
	s15 =	sshrl.u32 s17, $0x3;
	s13 =	sshrl.u32 s13, $0x3  }
0x87: {  	[hbm:s14], [sflag:s0] =	dma.local [spmem:s15], $0x400  }
0x88: {  	s12 =	sshrl.u32 s12, $0x3;
	s13 =	sadd.s32 s16, s13  }
0x89: {  	[hbm:s13], [sflag:s4] =	dma.local [spmem:s12], $0x400  }
0x8a: {  	s13 =	rddreg [dreg:$0x11]  }
0x8b: {  	s12 =	smov.u32 s20;
	p3 =	slt.s32 s13, s20  }
0x8c: {  	s12 =	smov.u32 @p3 s13  }
0x8d: {  	s13 =	sadd.s32 s8, s12;
	s12 =	sshll.u32 s12, $0x7  }
0x8e: {  	s13 =	sshll.u32 s13, $0x7;
	s19 =	sadd.s32 s12, s6  }
0x8f: {  	s12 =	sadd.s32 s12, s7;
	s18 =	sshrl.u32 s13, $0x3;
	s13 =	sadd.s32 $0x61A800, s13  }
0x90: {  	s15 =	sshrl.u32 s19, $0x3;
	s14 =	sadd.s32 s16, s18;
	s13 =	sshrl.u32 s13, $0x3  }
0x91: {  	[hbm:s14], [sflag:s0] =	dma.local [spmem:s15], $0x400  }
0x92: {  	s12 =	sshrl.u32 s12, $0x3;
	s13 =	sadd.s32 s16, s13  }
0x93: {  	[hbm:s13], [sflag:s4] =	dma.local [spmem:s12], $0x400  }
0x94: {  	s12 =	rddreg [dreg:$0x12]  }
0x95: {  	p3 =	slt.s32 s12, s20  }
0x96: {  	s20 =	smov.u32 @p3 s12  }
0x97: {  	s13 =	sadd.s32 s8, s20  }
0x98: {  	s12 =	sshll.u32 s20, $0x7;
	s8 =	sshll.u32 s13, $0x7  }
0x99: {  	s15 =	sadd.s32 s12, s6;
	s14 =	sshrl.u32 s8, $0x3  }
0x9a: {  	s17 =	sadd.s32 $0x61A800, s8;
	s13 =	sadd.s32 s16, s14;
	s14 =	sshrl.u32 s15, $0x3  }
0x9b: {  	[hbm:s13], [sflag:s0] =	dma.local [spmem:s14], $0x400  }
0x9c: {  	s18 =	sadd.s32 s12, s7;
	s0 =	sshrl.u32 s17, $0x3  }
0x9d: {  	s8 =	sshrl.u32 s18, $0x3;
	s0 =	sadd.s32 s16, s0  }
0x9e: {  	[hbm:s0], [sflag:s4] =	dma.local [spmem:s8], $0x400  }
0x9f: {  	_ =	swait.ge [sflag:s28], $0x400  }
0xa0: {  	[sflag:s28] =	ssyncset.done $0x0  }
0xa1: {  	s19 =	simm.s32 $0x4;
	[sflag:s28] =	ssyncadd.s32 $0xFFFFFC00  }
0xa2: {  	_ =	swait.ge [sflag:s19], $0x400  }
0xa3: {  	[sflag:s19] =	ssyncset.done $0x0  }
0xa4: {  	[sflag:s19] =	ssyncadd.s32 $0xFFFFFC00  }
0xa5: {  	_ =	swait.ge [sflag:s28], $0x400  }
0xa6: {  	[sflag:s28] =	ssyncset.done $0x0  }
0xa7: {  	[sflag:s28] =	ssyncadd.s32 $0xFFFFFC00  }
0xa8: {  	_ =	swait.ge [sflag:s19], $0x400  }
0xa9: {  	[sflag:s19] =	ssyncset.done $0x0  }
0xaa: {  	[sflag:s19] =	ssyncadd.s32 $0xFFFFFC00  }
0xab: {  	_ =	swait.ge [sflag:s28], $0x400  }
0xac: {  	[sflag:s28] =	ssyncset.done $0x0  }
0xad: {  	[sflag:s28] =	ssyncadd.s32 $0xFFFFFC00  }
0xae: {  	_ =	swait.ge [sflag:s19], $0x400  }
0xaf: {  	[sflag:s19] =	ssyncset.done $0x0  }
0xb0: {  	[sflag:s19] =	ssyncadd.s32 $0xFFFFFC00  }
0xb1: {  	_ =	swait.ge [sflag:s28], $0x400  }
0xb2: {  	[sflag:s28] =	ssyncset.done $0x0  }
0xb3: {  	[sflag:s28] =	ssyncadd.s32 $0xFFFFFC00  }
0xb4: {  	_ =	swait.ge [sflag:s19], $0x400  }
0xb5: {  	[sflag:s19] =	ssyncset.done $0x0  }
0xb6: {  	[sflag:s19] =	ssyncadd.s32 $0xFFFFFC00  }
0xb7: {  	_ =	swait.ge [sflag:s28], $0x400  }
0xb8: {  	[sflag:s28] =	ssyncset.done $0x0  }
0xb9: {  	[sflag:s28] =	ssyncadd.s32 $0xFFFFFC00  }
0xba: {  	_ =	swait.ge [sflag:s19], $0x400  }
0xbb: {  	s20 =	rddreg [dreg:$0x15]  }
0xbc: {  	s8 =	sadd.s32 $0x1, s20  }
0xbd: {  	p3 =	sne.s32 s8, $0x6  }
.Ltmp5:
0xbe: {  	_ = 	snop;
	(pc) =	sbr.rel @!p3 .LBB2_37-.Ltmp5, $3  }
0xbf: {  	[sflag:s19] =	ssyncset.done $0x0  }
0xc0: {  	[sflag:s19] =	ssyncadd.s32 $0xFFFFFC00  }
0xc1: {  	[bflag:$0x0] =	sbarrier.arrive $0xFFFF;
	_ =	sdelay $0x1  }
.LBB2_6:
0xc2: {  	s0 =	smul.u32 $0x1068, s8;
	_ =	sdelay $0x1  }
0xc3: {  	s20 =	rddreg [dreg:$0xe];
	s4 =	ssub.s32 $0x61A8, s0  }
0xc4: {  	[dreg:$0x15] =	wrdreg s8;
	s8 =	sadd.s32 s20, s0;
	s0 =	smin.u32 s4, $0x1068  }
0xc5: {  	s13 =	simm.s32 $0x0;
	s14 =	simm.s32 $0x0;
	s20 =	sadd.s32 $0xFFFFFFC0, s0  }
.LBB2_7:
0xc6: {  	s4 =	sshll.u32 s14, $0x6  }
0xc7: {  	s4 =	sadd.s32 s11, s4  }
0xc8: {  	s15 =	smov.u32 s20;
	p3 =	slt.s32 s4, s20  }
0xc9: {  	s15 =	smov.u32 @p3 s4  }
0xca: {  	s4 =	sadd.s32 s8, s15  }
0xcb: {  	s4 =	sshll.u32 s4, $0x4  }
0xcc: {  	s4 =	sand.u32 $0x1FFFFFF0, s4  }
0xcd: {  	s12 =	sadd.s32 s2, s4  }
0xce: {  	[tilespmem:s24], [sflag:$0x1] =	stream.linear.gather [hbm4b:s12+s13], $0x2000, $0x38;
	[tilespmem:$0x1EAF0] =	vst v63  }
0xcf: {  	s4 =	sadd.s32 s3, s4  }
0xd0: {  	[tilespmem:s25], [sflag:$0x1] =	stream.linear.gather [hbm4b:s4+s13], $0x2000, $0x38;
	[tilespmem:$0x1EAF0] =	vst v63  }
0xd1: {  	_ =	swait.ge [sflag:s26], $0x2000  }
0xd2: {  	[sflag:s26] =	ssyncset.done $0x0  }
0xd3: {  	[sflag:s26] =	ssyncadd.s32 $0xFFFFE000  }
0xd4: {  	_ =	swait.ge [sflag:s26], $0x2000  }
0xd5: {  	[sflag:s26] =	ssyncset.done $0x0  }
0xd6: {  	s16 =	simm.s32 $0x0;
	[sflag:s26] =	ssyncadd.s32 $0xFFFFE000  }
0xd7: {  	v7 =	vld [tilespmem:s16+$0x6460]  }
0xd8: {  	v8 =	vld [tilespmem:s16+$0x8460]  }
0xd9: {  	v9 =	vld [tilespmem:s16+$0x6470]  }
0xda: {  	v10 =	vld [tilespmem:s16+$0x8470]  }
0xdb: {  	v11 =	vld [tilespmem:s16+$0x6480]  }
0xdc: {  	v12 =	vld [tilespmem:s16+$0x8480];
	v7 =	vmul.f32 v7, v5  }
0xdd: {  	v13 =	vld [tilespmem:s16+$0x6490];
	v8 =	vmul.f32 v8, v6  }
0xde: {  	v14 =	vld [tilespmem:s16+$0x8490];
	[tilespmem:s16+$0x6460] =	vst v7;
	v7 =	vmul.f32 v9, v5  }
0xdf: {  	v15 =	vld [tilespmem:s16+$0x64A0];
	[tilespmem:s16+$0x8460] =	vst v8;
	v8 =	vmul.f32 v10, v6  }
0xe0: {  	v16 =	vld [tilespmem:s16+$0x84A0];
	[tilespmem:s16+$0x6470] =	vst v7;
	v7 =	vmul.f32 v11, v5  }
0xe1: {  	v9 =	vmul.f32 v12, v6;
	[tilespmem:s16+$0x8470] =	vst v8;
	v8 =	vld [tilespmem:s16+$0x64B0]  }
0xe2: {  	v10 =	vmul.f32 v13, v5;
	[tilespmem:s16+$0x6480] =	vst v7;
	v7 =	vld [tilespmem:s16+$0x84B0]  }
0xe3: {  	[tilespmem:s16+$0x8480] =	vst v9;
	v9 =	vld [tilespmem:s16+$0x64C0];
	v11 =	vmul.f32 v14, v6  }
0xe4: {  	v13 =	vmul.f32 v15, v5;
	[tilespmem:s16+$0x6490] =	vst v10;
	v10 =	vld [tilespmem:s16+$0x84C0]  }
0xe5: {  	s4 =	simm.s32 $0x200;
	v12 =	vmul.f32 v16, v6;
	[tilespmem:s16+$0x8490] =	vst v11;
	v11 =	vld [tilespmem:s16+$0x64D0]  }
.LBB2_8:
0xe6: {  	s12 =	sshra.s32 s4, $0x2;
	p4 =	sne.s32 s4, $0x7E00;
	[tilespmem:s16+$0x64A0] =	vst v13;
	v8 =	vmul.f32 v8, v5;
	v13 =	vld [tilespmem:s16+$0x84D0]  }
0xe7: {  	v14 =	vld [tilespmem:s12+$0x6460];
	[tilespmem:s16+$0x84A0] =	vst v12;
	v7 =	vmul.f32 v7, v6  }
0xe8: {  	v12 =	vld [tilespmem:s12+$0x8460];
	[tilespmem:s16+$0x64B0] =	vst v8;
	v8 =	vmul.f32 v9, v5  }
0xe9: {  	v9 =	vld [tilespmem:s12+$0x6470];
	[tilespmem:s16+$0x84B0] =	vst v7;
	v7 =	vmul.f32 v10, v6  }
0xea: {  	v10 =	vld [tilespmem:s12+$0x8470];
	[tilespmem:s16+$0x64C0] =	vst v8;
	v8 =	vmul.f32 v11, v5  }
0xeb: {  	v11 =	vld [tilespmem:s12+$0x6480];
	[tilespmem:s16+$0x84C0] =	vst v7;
	v7 =	vmul.f32 v13, v6  }
0xec: {  	v13 =	vmul.f32 v14, v5;
	v14 =	vld [tilespmem:s12+$0x8480];
	[tilespmem:s16+$0x64D0] =	vst v8  }
0xed: {  	v8 =	vmul.f32 v12, v6;
	v12 =	vld [tilespmem:s12+$0x6490];
	[tilespmem:s16+$0x84D0] =	vst v7;
	s16 =	smov.u32 s12  }
0xee: {  	[tilespmem:s16+$0x6460] =	vst v13;
	v7 =	vmul.f32 v9, v5;
	v9 =	vld [tilespmem:s16+$0x8490]  }
0xef: {  	[tilespmem:s16+$0x8460] =	vst v8;
	v8 =	vmul.f32 v10, v6;
	v10 =	vld [tilespmem:s16+$0x64A0]  }
0xf0: {  	[tilespmem:s16+$0x6470] =	vst v7;
	v7 =	vmul.f32 v11, v5;
	v11 =	vld [tilespmem:s16+$0x84A0]  }
.Ltmp6:
0xf1: {  	[tilespmem:s16+$0x8470] =	vst v8;
	v13 =	vmul.f32 v14, v6;
	v8 =	vld [tilespmem:s16+$0x64B0];
	(pc) =	sbr.rel @p4 .LBB2_8-.Ltmp6, $4  }
0xf2: {  	[tilespmem:s16+$0x6480] =	vst v7;
	v12 =	vmul.f32 v12, v5;
	v7 =	vld [tilespmem:s16+$0x84B0]  }
0xf3: {  	[tilespmem:s16+$0x8480] =	vst v13;
	v14 =	vmul.f32 v9, v6;
	v9 =	vld [tilespmem:s16+$0x64C0]  }
0xf4: {  	[tilespmem:s16+$0x6490] =	vst v12;
	v13 =	vmul.f32 v10, v5;
	v10 =	vld [tilespmem:s16+$0x84C0]  }
0xf5: {  	s4 =	sadd.s32 $0x200, s4;
	[tilespmem:s16+$0x8490] =	vst v14;
	v12 =	vmul.f32 v11, v6;
	v11 =	vld [tilespmem:s16+$0x64D0]  }
0xf6: {  	[tilespmem:s16+$0x64A0] =	vst v13;
	v8 =	vmul.f32 v8, v5;
	v63 =	vld [tilespmem:s16+$0x84D0]  }
0xf7: {  	[tilespmem:s16+$0x84A0] =	vst v12;
	v7 =	vmul.f32 v7, v6  }
0xf8: {  	[tilespmem:s16+$0x64B0] =	vst v8;
	v8 =	vmul.f32 v9, v5  }
0xf9: {  	[tilespmem:s16+$0x84B0] =	vst v7;
	v7 =	vmul.f32 v10, v6  }
0xfa: {  	[tilespmem:s16+$0x64C0] =	vst v8;
	v8 =	vmul.f32 v11, v5  }
0xfb: {  	[tilespmem:s16+$0x84C0] =	vst v7;
	v7 =	vmul.f32 v63, v6  }
0xfc: {  	s4 =	sshll.u32 s15, $0x7;
	[tilespmem:s16+$0x64D0] =	vst v8  }
0xfd: {  	s12 =	sadd.s32 s4, s6;
	[tilespmem:s16+$0x84D0] =	vst v7  }
0xfe: {  	[spmem:s12] =	stream.linear.scatter [tilespmem:s24], [sflag:$0x3], $0x2000, $0x38;
	[tilespmem:$0x1EAF0] =	vst v63  }
0xff: {  	s14 =	sadd.s32 $0x1, s14;
	s4 =	sadd.s32 s4, s7  }
0x100: {  	[spmem:s4] =	stream.linear.scatter [tilespmem:s25], [sflag:$0x3], $0x2000, $0x38;
	[tilespmem:$0x1EAF0] =	vst v63  }
0x101: {  	p3 =	sne.s32 s14, $0x5;
	_ =	swait.ge [sflag:s28], $0x2000  }
.Ltmp7:
0x102: {  	[sflag:s28] =	ssyncset.done $0x0;
	(pc) =	sbr.rel @p3 .LBB2_7-.Ltmp7, $4  }
0x103: {  	[sflag:s28] =	ssyncadd.s32 $0xFFFFE000  }
0x104: {  	_ =	swait.ge [sflag:s28], $0x2000  }
0x105: {  	[sflag:s28] =	ssyncset.done $0x0  }
0x106: {  	[sflag:s28] =	ssyncadd.s32 $0xFFFFE000  }
.Ltmp8:
0x107: {  	(pc) =	sbr.rel .LBB2_11-.Ltmp8, $3  }
0x108: {  	_ =	sdelay $0x1  }
0x109: {  	s0 =	sadd.s32 s8, s0;
	[bflag:$0x0] =	sbarrier.arrive $0xFFFF  }
0x10a: {  	v7 =	vmov s8;
	s15 =	simm.s32 $0x0;
	s13 =	simm.s32 $0x0;
	v8 =	vmov s0  }
.LBB2_23:
0x10b: {  	p4 =	slt.s32 s0, $0x1  }
0x10c: {  	s4 =	simm.s32 @!p4 $0x3  }
0x10d: {  	_ =	swait.ge @!p4 [sflag:s4], $0x2000  }
0x10e: {  	[sflag:s4] =	ssyncset.done @!p4 $0x0  }
0x10f: {  	[sflag:s4] =	ssyncadd.s32 @!p4 $0xFFFFE000  }
0x110: {  	p3 =	seq.s32 @!p4 s0, $0x1;
	_ =	swait.ge @!p4 [sflag:s4], $0x2000  }
0x111: {  	p6 =	por p3, p4;
	[sflag:s4] =	ssyncset.done @!p4 $0x0  }
0x112: {  	s0 =	simm.s32 @!p6 $0x4;
	[sflag:s4] =	ssyncadd.s32 @!p4 $0xFFFFE000  }
0x113: {  	_ =	swait.ge @!p6 [sflag:s0], $0x2000  }
0x114: {  	[sflag:s0] =	ssyncset.done @!p6 $0x0  }
0x115: {  	[sflag:s0] =	ssyncadd.s32 @!p6 $0xFFFFE000  }
0x116: {  	s15 =	simm.s32 @!p4 $0x0;
	p3 =	por !p3, p4;
	_ =	swait.ge @!p6 [sflag:s0], $0x2000  }
0x117: {  	s15 =	simm.s32 @p3 $0x0;
	[sflag:s0] =	ssyncset.done @!p6 $0x0  }
0x118: {  	s15 =	simm.s32 @p4 $0x0;
	[sflag:s0] =	ssyncadd.s32 @!p6 $0xFFFFE000  }
.LBB2_24:
0x119: {  	s13 =	sadd.s32 $0x1, s13  }
0x11a: {  	p3 =	sne.s32 s13, $0x187  }
.Ltmp9:
0x11b: {  	_ = 	snop;
	(pc) =	sbr.rel @!p3 .LBB2_25-.Ltmp9, $1  }
0x11c: {  	_ =	sdelay $0x3  }
.LBB2_11:
0x11d: {  	s0 =	sshll.u32 s13, $0x4  }
0x11e: {  	v9 =	vld [tilespmem:s0+$0x0];
	_ =	sdelay $0x4  }
0x11f: {  	vm0 =	vge.s32 v9, v7;
	vm1 =	vlt.s32 v9, v8  }
0x120: {  	vm0 =	vmand vm0, vm1  }
0x121: {  	v10 =	vsel vm0, $0x1, v2  }
0x122: {  	(xrf0) =	vadd.scan.msk.s32 $0xffff, v10;
	v10 =	vld [tilespmem:s0+$0x1870];
	_ =	sdelay $0x4  }
0x123: {  	vm15 =	vge.s32 v10, v7;
	vm2 =	vlt.s32 v10, v8  }
0x124: {  	vm1 =	vmand vm15, vm2  }
0x125: {  	v11, _, _ =	vpop (xrf0);
	v12 =	vsel vm1, $0x1, v2  }
0x126: {  	(v2sf) =	vpush v11, $0xF;
	(xrf0) =	vadd.scan.msk.s32 $0xffff, v12;
	_ =	sdelay $0x5  }
0x127: {  	v12, _, _ =	vpop (xrf0)  }
0x128: {  	(v2sf) =	vpush v12, $0xF;
	_ =	sdelay $0x6  }
0x129: {  	v13 =	vmov s15  }
0x12a: {  	v13 =	vadd.s32 $0xFFFFFFFF, v13;
	s4 =	spop (v2sf)  }
0x12b: {  	v13 =	vbroadcast v13, $0x0;
	s4 =	sadd.s32 s15, s4  }
0x12c: {  	v14 =	vmov s4  }
0x12d: {  	v11 =	vadd.s32 v13, v11;
	v61 =	vadd.s32 $0xFFFFFFFF, v14  }
0x12e: {  	v11 =	vsel vm0, v11, v3;
	v13 =	vbroadcast v61, $0x0;
	_ =	sdelay $0x1  }
0x12f: {  	v62 =	vld [tilespmem:s0+$0x30E0];
	v12 =	vadd.s32 v12, v13  }
0x130: {  	v12 =	vsel vm1, v12, v3;
	s19 =	spop (v2sf)  }
0x131: {  	v63 =	vsub.s32 v9, v7;
	s15 =	sadd.s32 s19, s4  }
0x132: {  	[tilespmem:v11+s29+$0x0] =	vst.idx.msk $0xffff, v63;
	p3 =	slt.s32 s15, $0x800  }
.Ltmp10:
0x133: {  	[tilespmem:v11+s30+$0x0] =	vst.idx.msk $0xffff, v10;
	(pc) =	sbr.rel @p3 .LBB2_24-.Ltmp10, $4  }
0x134: {  	v10 =	vsub.s32 v10, v7;
	[tilespmem:v11+s31+$0x0] =	vst.idx.msk $0xffff, v62  }
0x135: {  	[tilespmem:v12+s29+$0x0] =	vst.idx.msk $0xffff, v10  }
0x136: {  	[tilespmem:v12+s30+$0x0] =	vst.idx.msk $0xffff, v9  }
0x137: {  	[tilespmem:v12+s31+$0x0] =	vst.idx.msk $0xffff, v62  }
0x138: {  	s0 =	sadd.s32 $0x3F, s15  }
0x139: {  	s4 =	sadd.s32 $0x10, s15;
	s12 =	sand.u32 $0x3F, s0  }
0x13a: {  	s14 =	sshra.s32 s0, $0x1F;
	p3 =	slt.s32 s0, $0x0;
	p4 =	sne.s32 s12, $0x0  }
0x13b: {  	v9 =	vadd.s32 s15, v1;
	v10 =	vadd.s32 s4, v1;
	s4 =	sshrl.u32 s14, $0x1A;
	p3 =	por !p3, !p4  }
0x13c: {  	s0 =	sadd.s32 s4, s0;
	s4 =	simm.s32 $0x1;
	p3 =	por !p3, !p3  }
0x13d: {  	s0 =	sshra.s32 s0, $0x6;
	s4 =	simm.s32 @!p3 $0x0  }
0x13e: {  	s0 =	ssub.s32 s0, s4  }
0x13f: {  	s14 =	sadd.s32 $0x1, s0  }
0x140: {  	s16 =	sadd.s32 $0x20, s15;
	[tilespmem:v9+s29+$0x0] =	vst.idx.msk $0xffff, v2;
	s18 =	sand.u32 $0x1, s14  }
0x141: {  	v11 =	vadd.s32 s16, v1;
	s12 =	simm.s32 $0x5AB0;
	[tilespmem:v9+s30+$0x0] =	vst.idx.msk $0xffff, v2;
	p4 =	slt.s32 s0, $0x0;
	p6 =	seq.s32 s18, $0x1  }
0x142: {  	s17 =	sadd.s32 $0x30, s15;
	[tilespmem:v9+s12+$0x0] =	vst.idx.msk $0xffff, v4;
	s19 =	sshrl.u32 s14, $0x1F;
	p3 =	por !p4, !p6  }
0x143: {  	[tilespmem:v10+s29+$0x0] =	vst.idx.msk $0xffff, v2;
	s4 =	sadd.s32 s19, s14;
	s14 =	simm.s32 $0x1;
	p3 =	por !p3, !p3  }
0x144: {  	v9 =	vadd.s32 s17, v1;
	[tilespmem:v10+s30+$0x0] =	vst.idx.msk $0xffff, v2;
	s4 =	sshra.s32 s4, $0x1;
	s14 =	simm.s32 @!p3 $0x0  }
0x145: {  	[tilespmem:v10+s12+$0x0] =	vst.idx.msk $0xffff, v4;
	s15 =	ssub.s32 s4, s14  }
0x146: {  	[tilespmem:v11+s29+$0x0] =	vst.idx.msk $0xffff, v2;
	p3 =	slt.s32 s15, $0x1  }
.Ltmp11:
0x147: {  	[tilespmem:v11+s30+$0x0] =	vst.idx.msk $0xffff, v2;
	(pc) =	sbr.rel @p3 .LBB2_23-.Ltmp11, $4  }
0x148: {  	[tilespmem:v11+s12+$0x0] =	vst.idx.msk $0xffff, v4  }
0x149: {  	[tilespmem:v9+s29+$0x0] =	vst.idx.msk $0xffff, v2  }
0x14a: {  	[tilespmem:v9+s30+$0x0] =	vst.idx.msk $0xffff, v2  }
0x14b: {  	[tilespmem:v9+s12+$0x0] =	vst.idx.msk $0xffff, v4  }
.Ltmp12:
0x14c: {  	(pc) =	sbr.rel .LBB2_14-.Ltmp12, $2  }
0x14d: {  	_ =	sdelay $0x2  }
0x14e: {  	s16 =	simm.s32 $0x0;
	s17 =	simm.s32 $0x5AF0  }
.LBB2_22:
0x14f: {  	s16 =	sadd.s32 $0x1, s16  }
0x150: {  	p3 =	sne.s32 s16, s15  }
.Ltmp13:
0x151: {  	_ = 	snop;
	(pc) =	sbr.rel @!p3 .LBB2_23-.Ltmp13, $2  }
0x152: {  	_ =	sdelay $0x2  }
0x153: {  	s12 =	sadd.s32 $0x80, s12;
	s17 =	sadd.s32 $0x80, s17  }
.LBB2_14:
0x154: {  	s4 =	sshll.u32 s16, $0x1  }
0x155: {  	p4 =	sge.s32 s4, s0  }
0x156: {  	p3 =	seq.s32 @!p4 s16, $0x0  }
0x157: {  	p3 =	por p3, p4  }
0x158: {  	s14 =	simm.s32 @!p3 $0x3  }
0x159: {  	_ =	swait.ge @!p3 [sflag:s14], $0x2000  }
0x15a: {  	[sflag:s14] =	ssyncset.done @!p3 $0x0  }
0x15b: {  	[sflag:s14] =	ssyncadd.s32 @!p3 $0xFFFFE000  }
0x15c: {  	_ =	swait.ge @!p3 [sflag:s14], $0x2000  }
0x15d: {  	[sflag:s14] =	ssyncset.done @!p3 $0x0  }
0x15e: {  	[sflag:s14] =	ssyncadd.s32 @!p3 $0xFFFFE000;
	s14 =	sshll.u32 @!p4 s16, $0x7  }
0x15f: {  	v9 =	vld @!p4 [tilespmem:s14+$0x4950];
	_ =	sdelay $0x4  }
0x160: {  	[tilespmem:$0x6360] =	vst @!p4 v9  }
0x161: {  	v9 =	vld @!p4 [tilespmem:s14+$0x5200];
	_ =	sdelay $0x4  }
0x162: {  	[tilespmem:$0x63A0] =	vst @!p4 v9  }
0x163: {  	v9 =	vld @!p4 [tilespmem:s14+$0x4960];
	_ =	sdelay $0x4  }
0x164: {  	[tilespmem:$0x6370] =	vst @!p4 v9  }
0x165: {  	v9 =	vld @!p4 [tilespmem:s14+$0x5210];
	_ =	sdelay $0x4  }
0x166: {  	[tilespmem:$0x63B0] =	vst @!p4 v9  }
0x167: {  	v9 =	vld @!p4 [tilespmem:s14+$0x4970];
	_ =	sdelay $0x4  }
0x168: {  	[tilespmem:$0x6380] =	vst @!p4 v9  }
0x169: {  	v9 =	vld @!p4 [tilespmem:s14+$0x5220];
	_ =	sdelay $0x4  }
0x16a: {  	[tilespmem:$0x63C0] =	vst @!p4 v9  }
0x16b: {  	v9 =	vld @!p4 [tilespmem:s14+$0x4980];
	_ =	sdelay $0x4  }
0x16c: {  	[tilespmem:$0x6390] =	vst @!p4 v9  }
0x16d: {  	v9 =	vld @!p4 [tilespmem:s14+$0x5230];
	_ =	sdelay $0x3  }
0x16e: {  	s4 =	sor.u32 $0x1, s4;
	s18 =	simm.s32 @!p4 $0x63A0;
	p3 =	seq.s32 s16, $0x0  }
0x16f: {  	s19 =	simm.s32 @!p4 $0x6460;
	p6 =	sge.s32 @!p3 s4, s0;
	s14 =	simm.s32 @!p4 $0x40;
	[tilespmem:$0x63D0] =	vst @!p4 v9  }
0x170: {  	[tilespmem:s19], [sflag:$0x1] =	stream.indirect.gather @!p4 [hbm4b:s1+s14], $0x80, s18, s14, $0xb8;
	[tilespmem:$0x1EAF0] =	vst v63  }
0x171: {  	p3 =	por p6, p3;
	s19 =	simm.s32 @!p4 $0x8460  }
0x172: {  	[tilespmem:s19], [sflag:$0x1] =	stream.indirect.gather @!p4 [hbm4b:s2+s14], $0x80, s18, s14, $0xb8;
	[tilespmem:$0x1EAF0] =	vst v63  }
0x173: {  	s14 =	simm.s32 @!p3 $0x4  }
0x174: {  	_ =	swait.ge @!p3 [sflag:s14], $0x2000  }
0x175: {  	[sflag:s14] =	ssyncset.done @!p3 $0x0  }
0x176: {  	[sflag:s14] =	ssyncadd.s32 @!p3 $0xFFFFE000  }
0x177: {  	_ =	swait.ge @!p3 [sflag:s14], $0x2000  }
0x178: {  	p6 =	sge.s32 s4, s0;
	[sflag:s14] =	ssyncset.done @!p3 $0x0  }
0x179: {  	s4 =	sshll.u32 @!p6 s4, $0x6;
	[sflag:s14] =	ssyncadd.s32 @!p3 $0xFFFFE000  }
0x17a: {  	v9 =	vld @!p6 [tilespmem:s4+$0x4950];
	_ =	sdelay $0x4  }
0x17b: {  	[tilespmem:$0x63E0] =	vst @!p6 v9  }
0x17c: {  	v9 =	vld @!p6 [tilespmem:s4+$0x5200];
	_ =	sdelay $0x4  }
0x17d: {  	[tilespmem:$0x6420] =	vst @!p6 v9  }
0x17e: {  	v9 =	vld @!p6 [tilespmem:s4+$0x4960];
	_ =	sdelay $0x4  }
0x17f: {  	[tilespmem:$0x63F0] =	vst @!p6 v9  }
0x180: {  	v9 =	vld @!p6 [tilespmem:s4+$0x5210];
	_ =	sdelay $0x4  }
0x181: {  	[tilespmem:$0x6430] =	vst @!p6 v9  }
0x182: {  	v9 =	vld @!p6 [tilespmem:s4+$0x4970];
	_ =	sdelay $0x4  }
0x183: {  	[tilespmem:$0x6400] =	vst @!p6 v9  }
0x184: {  	v9 =	vld @!p6 [tilespmem:s4+$0x5220];
	_ =	sdelay $0x4  }
0x185: {  	[tilespmem:$0x6440] =	vst @!p6 v9  }
0x186: {  	v9 =	vld @!p6 [tilespmem:s4+$0x4980];
	_ =	sdelay $0x4  }
0x187: {  	[tilespmem:$0x6410] =	vst @!p6 v9  }
0x188: {  	v9 =	vld @!p6 [tilespmem:s4+$0x5230];
	_ =	sdelay $0x3  }
.Ltmp14:
0x189: {  	_ = 	snop;
	(pc) =	sbr.rel @p4 .LBB2_18-.Ltmp14, $4  }
0x18a: {  	s18 =	simm.s32 @!p6 $0xA460;
	s14 =	simm.s32 @!p6 $0x6420;
	s4 =	simm.s32 @!p6 $0x40;
	[tilespmem:$0x6450] =	vst @!p6 v9  }
0x18b: {  	[tilespmem:s18], [sflag:$0x2] =	stream.indirect.gather @!p6 [hbm4b:s1+s4], $0x80, s14, s4, $0xb8;
	[tilespmem:$0x1EAF0] =	vst v63  }
0x18c: {  	s18 =	simm.s32 @!p6 $0xC460  }
0x18d: {  	[tilespmem:s18], [sflag:$0x2] =	stream.indirect.gather @!p6 [hbm4b:s2+s4], $0x80, s14, s4, $0xb8;
	[tilespmem:$0x1EAF0] =	vst v63  }
0x18e: {  	_ =	swait.ge [sflag:s26], $0x2000  }
0x18f: {  	[sflag:s26] =	ssyncset.done $0x0  }
0x190: {  	[sflag:s26] =	ssyncadd.s32 $0xFFFFE000  }
0x191: {  	_ =	swait.ge [sflag:s26], $0x2000  }
0x192: {  	[sflag:s26] =	ssyncset.done $0x0  }
0x193: {  	s18 =	simm.s32 $0x0;
	[sflag:s26] =	ssyncadd.s32 $0xFFFFE000  }
0x194: {  	v13 =	vld [tilespmem:s18+$0x6470]  }
0x195: {  	v12 =	vld [tilespmem:s18+$0x64D0]  }
0x196: {  	v9 =	vld [tilespmem:s18+$0x84C0]  }
0x197: {  	v16 =	vld [tilespmem:s18+$0x6460]  }
0x198: {  	v15 =	vld [tilespmem:s18+$0x6480]  }
0x199: {  	v14 =	vld [tilespmem:s18+$0x64A0]  }
0x19a: {  	v10 =	vld.msk [tilespmem:s12+$0x0 ss:$0x0], $0xffff  }
0x19b: {  	v11 =	vld [tilespmem:s18+$0x8490]  }
0x19c: {  	s4 =	simm.s32 $0x200;
	s14 =	smov.u32 s12;
	v17 =	vld [tilespmem:s18+$0x6490]  }
.LBB2_16:
0x19d: {  	p4 =	sne.s32 s4, $0x7E00  }
0x19e: {  	v18 =	vld [tilespmem:s18+$0x8470];
	s14 =	sadd.s32 $0x1, s14;
	s19 =	smov.u32 s4;
	s4 =	sadd.s32 $0x200, s4  }
0x19f: {  	v19 =	vld [tilespmem:s18+$0x84B0]  }
0x1a0: {  	v20 =	vld [tilespmem:s18+$0x8460]  }
0x1a1: {  	v16 =	vmul.f32 v10, v16;
	v13 =	vmul.f32 v13, v10;
	v21 =	vld [tilespmem:s18+$0x84D0]  }
0x1a2: {  	v15 =	vmul.f32 v15, v10;
	v17 =	vmul.f32 v17, v10;
	v22 =	vld [tilespmem:s18+$0x64B0]  }
0x1a3: {  	v14 =	vmul.f32 v14, v10;
	v12 =	vmul.f32 v12, v10;
	[tilespmem:s18+$0x6470] =	vst v13;
	v13 =	vld [tilespmem:s18+$0x8480]  }
0x1a4: {  	[tilespmem:s18+$0x6460] =	vst v16;
	v16 =	vld [tilespmem:s18+$0x64C0]  }
0x1a5: {  	[tilespmem:s18+$0x6480] =	vst v15  }
0x1a6: {  	v15 =	vmul.f32 v10, v5;
	[tilespmem:s18+$0x6490] =	vst v17;
	v17 =	vld [tilespmem:s18+$0x84A0]  }
0x1a7: {  	[tilespmem:s18+$0x64A0] =	vst v14;
	v14 =	vmul.f32 v22, v10  }
0x1a8: {  	v9 =	vmul.f32 v9, v15;
	v13 =	vmul.f32 v13, v15;
	[tilespmem:s18+$0x64D0] =	vst v12  }
0x1a9: {  	v11 =	vmul.f32 v11, v15;
	[tilespmem:s18+$0x64B0] =	vst v14;
	v10 =	vmul.f32 v16, v10  }
0x1aa: {  	v18 =	vmul.f32 v18, v15;
	v12 =	vmul.f32 v21, v15;
	[tilespmem:s18+$0x8480] =	vst v13  }
0x1ab: {  	v14 =	vmul.f32 v20, v15;
	[tilespmem:s18+$0x8490] =	vst v11;
	v11 =	vmul.f32 v17, v15  }
0x1ac: {  	s19 =	sshra.s32 s19, $0x2;
	v15 =	vmul.f32 v19, v15;
	[tilespmem:s18+$0x84D0] =	vst v12  }
0x1ad: {  	v13 =	vld [tilespmem:s19+$0x6470];
	[tilespmem:s18+$0x8460] =	vst v14  }
0x1ae: {  	v12 =	vld [tilespmem:s19+$0x64D0];
	[tilespmem:s18+$0x84C0] =	vst v9  }
0x1af: {  	v9 =	vld [tilespmem:s19+$0x84C0];
	[tilespmem:s18+$0x64C0] =	vst v10  }
0x1b0: {  	v16 =	vld [tilespmem:s19+$0x6460];
	[tilespmem:s18+$0x84B0] =	vst v15  }
.Ltmp15:
0x1b1: {  	v15 =	vld [tilespmem:s19+$0x6480];
	[tilespmem:s18+$0x84A0] =	vst v11;
	(pc) =	sbr.rel @p4 .LBB2_16-.Ltmp15, $4  }
0x1b2: {  	v14 =	vld [tilespmem:s19+$0x64A0];
	[tilespmem:s18+$0x8470] =	vst v18;
	s18 =	smov.u32 s19  }
0x1b3: {  	v10 =	vld.msk [tilespmem:s14+$0x0 ss:$0x0], $0xffff  }
0x1b4: {  	v11 =	vld [tilespmem:s18+$0x8490]  }
0x1b5: {  	v17 =	vld [tilespmem:s18+$0x6490]  }
0x1b6: {  	_ =	sdelay $0x1  }
0x1b7: {  	v13 =	vmul.f32 v13, v10  }
0x1b8: {  	v16 =	vmul.f32 v10, v16  }
0x1b9: {  	v15 =	vmul.f32 v15, v10;
	[tilespmem:s18+$0x6470] =	vst v13  }
0x1ba: {  	v22 =	vld [tilespmem:s18+$0x64B0];
	v14 =	vmul.f32 v14, v10;
	[tilespmem:s18+$0x6460] =	vst v16  }
0x1bb: {  	v56 =	vld [tilespmem:s18+$0x8480];
	v12 =	vmul.f32 v12, v10;
	v59 =	vmul.f32 v10, v5;
	[tilespmem:s18+$0x6480] =	vst v15  }
0x1bc: {  	v21 =	vld [tilespmem:s18+$0x84D0];
	v57 =	vmul.f32 v17, v10;
	[tilespmem:s18+$0x64A0] =	vst v14  }
0x1bd: {  	v20 =	vld [tilespmem:s18+$0x8460];
	[tilespmem:s18+$0x64D0] =	vst v12;
	v11 =	vmul.f32 v11, v59  }
0x1be: {  	v58 =	vld [tilespmem:s18+$0x64C0];
	v9 =	vmul.f32 v9, v59;
	[tilespmem:s18+$0x6490] =	vst v57  }
0x1bf: {  	v19 =	vld [tilespmem:s18+$0x84B0];
	v61 =	vmul.f32 v22, v10;
	[tilespmem:s18+$0x8490] =	vst v11  }
0x1c0: {  	v60 =	vld [tilespmem:s18+$0x84A0];
	v13 =	vmul.f32 v56, v59;
	[tilespmem:s18+$0x84C0] =	vst v9  }
0x1c1: {  	v18 =	vld [tilespmem:s18+$0x8470];
	v62 =	vmul.f32 v21, v59;
	[tilespmem:s18+$0x64B0] =	vst v61  }
0x1c2: {  	v63 =	vmul.f32 v20, v59;
	[tilespmem:s18+$0x8480] =	vst v13  }
0x1c3: {  	v10 =	vmul.f32 v58, v10;
	[tilespmem:s18+$0x84D0] =	vst v62  }
0x1c4: {  	v11 =	vmul.f32 v19, v59;
	[tilespmem:s18+$0x8460] =	vst v63  }
0x1c5: {  	v9 =	vmul.f32 v60, v59;
	[tilespmem:s18+$0x64C0] =	vst v10  }
0x1c6: {  	v10 =	vmul.f32 v18, v59;
	[tilespmem:s18+$0x84B0] =	vst v11  }
0x1c7: {  	[tilespmem:s18+$0x84A0] =	vst v9  }
0x1c8: {  	[tilespmem:s18+$0x8470] =	vst v10  }
0x1c9: {  	[spmem:s6] =	stream.indirect.scatter.add.f32 [tilespmem:s24], [sflag:$0x3], $0x80, s21, s5, $0xb8;
	[tilespmem:$0x1EAF0] =	vst v63  }
0x1ca: {  	_ = 	snop  }
0x1cb: {  	[spmem:s7] =	stream.indirect.scatter.add.f32 [tilespmem:s25], [sflag:$0x3], $0x80, s21, s5, $0xb8;
	[tilespmem:$0x1EAF0] =	vst v63  }
.LBB2_18:
.Ltmp16:
0x1cc: {  	(pc) =	sbr.rel @p6 .LBB2_22-.Ltmp16, $1  }
0x1cd: {  	_ =	sdelay $0x3  }
0x1ce: {  	_ =	swait.ge [sflag:s22], $0x2000  }
0x1cf: {  	[sflag:s22] =	ssyncset.done $0x0  }
0x1d0: {  	[sflag:s22] =	ssyncadd.s32 $0xFFFFE000  }
0x1d1: {  	_ =	swait.ge [sflag:s22], $0x2000  }
0x1d2: {  	[sflag:s22] =	ssyncset.done $0x0  }
0x1d3: {  	s18 =	simm.s32 $0x0;
	[sflag:s22] =	ssyncadd.s32 $0xFFFFE000  }
0x1d4: {  	v13 =	vld [tilespmem:s18+$0xA470]  }
0x1d5: {  	v12 =	vld [tilespmem:s18+$0xA4D0]  }
0x1d6: {  	v9 =	vld [tilespmem:s18+$0xC4C0]  }
0x1d7: {  	v16 =	vld [tilespmem:s18+$0xA460]  }
0x1d8: {  	v15 =	vld [tilespmem:s18+$0xA480]  }
0x1d9: {  	v14 =	vld [tilespmem:s18+$0xA4A0]  }
0x1da: {  	v10 =	vld.msk [tilespmem:s17+$0x0 ss:$0x0], $0xffff  }
0x1db: {  	v11 =	vld [tilespmem:s18+$0xC490]  }
0x1dc: {  	s4 =	simm.s32 $0x200;
	s14 =	smov.u32 s17;
	v17 =	vld [tilespmem:s18+$0xA490]  }
.LBB2_20:
0x1dd: {  	p4 =	sne.s32 s4, $0x7E00  }
0x1de: {  	v18 =	vld [tilespmem:s18+$0xC470];
	s14 =	sadd.s32 $0x1, s14;
	s19 =	smov.u32 s4;
	s4 =	sadd.s32 $0x200, s4  }
0x1df: {  	v19 =	vld [tilespmem:s18+$0xC4B0]  }
0x1e0: {  	v20 =	vld [tilespmem:s18+$0xC460]  }
0x1e1: {  	v16 =	vmul.f32 v10, v16;
	v13 =	vmul.f32 v13, v10;
	v21 =	vld [tilespmem:s18+$0xC4D0]  }
0x1e2: {  	v15 =	vmul.f32 v15, v10;
	v17 =	vmul.f32 v17, v10;
	v22 =	vld [tilespmem:s18+$0xA4B0]  }
0x1e3: {  	v14 =	vmul.f32 v14, v10;
	v12 =	vmul.f32 v12, v10;
	[tilespmem:s18+$0xA470] =	vst v13;
	v13 =	vld [tilespmem:s18+$0xC480]  }
0x1e4: {  	[tilespmem:s18+$0xA460] =	vst v16;
	v16 =	vld [tilespmem:s18+$0xA4C0]  }
0x1e5: {  	[tilespmem:s18+$0xA480] =	vst v15  }
0x1e6: {  	v15 =	vmul.f32 v10, v5;
	[tilespmem:s18+$0xA490] =	vst v17;
	v17 =	vld [tilespmem:s18+$0xC4A0]  }
0x1e7: {  	[tilespmem:s18+$0xA4A0] =	vst v14;
	v14 =	vmul.f32 v22, v10  }
0x1e8: {  	v9 =	vmul.f32 v9, v15;
	v13 =	vmul.f32 v13, v15;
	[tilespmem:s18+$0xA4D0] =	vst v12  }
0x1e9: {  	v11 =	vmul.f32 v11, v15;
	[tilespmem:s18+$0xA4B0] =	vst v14;
	v10 =	vmul.f32 v16, v10  }
0x1ea: {  	v18 =	vmul.f32 v18, v15;
	v12 =	vmul.f32 v21, v15;
	[tilespmem:s18+$0xC480] =	vst v13  }
0x1eb: {  	v14 =	vmul.f32 v20, v15;
	[tilespmem:s18+$0xC490] =	vst v11;
	v11 =	vmul.f32 v17, v15  }
0x1ec: {  	s19 =	sshra.s32 s19, $0x2;
	v15 =	vmul.f32 v19, v15;
	[tilespmem:s18+$0xC4D0] =	vst v12  }
0x1ed: {  	v13 =	vld [tilespmem:s19+$0xA470];
	[tilespmem:s18+$0xC460] =	vst v14  }
0x1ee: {  	v12 =	vld [tilespmem:s19+$0xA4D0];
	[tilespmem:s18+$0xC4C0] =	vst v9  }
0x1ef: {  	v9 =	vld [tilespmem:s19+$0xC4C0];
	[tilespmem:s18+$0xA4C0] =	vst v10  }
0x1f0: {  	v16 =	vld [tilespmem:s19+$0xA460];
	[tilespmem:s18+$0xC4B0] =	vst v15  }
.Ltmp17:
0x1f1: {  	v15 =	vld [tilespmem:s19+$0xA480];
	[tilespmem:s18+$0xC4A0] =	vst v11;
	(pc) =	sbr.rel @p4 .LBB2_20-.Ltmp17, $4  }
0x1f2: {  	v14 =	vld [tilespmem:s19+$0xA4A0];
	[tilespmem:s18+$0xC470] =	vst v18;
	s18 =	smov.u32 s19  }
0x1f3: {  	v10 =	vld.msk [tilespmem:s14+$0x0 ss:$0x0], $0xffff  }
0x1f4: {  	v11 =	vld [tilespmem:s18+$0xC490]  }
0x1f5: {  	v17 =	vld [tilespmem:s18+$0xA490]  }
0x1f6: {  	_ =	sdelay $0x1  }
0x1f7: {  	v13 =	vmul.f32 v13, v10  }
0x1f8: {  	v16 =	vmul.f32 v10, v16  }
0x1f9: {  	v15 =	vmul.f32 v15, v10;
	[tilespmem:s18+$0xA470] =	vst v13  }
0x1fa: {  	v22 =	vld [tilespmem:s18+$0xA4B0];
	v14 =	vmul.f32 v14, v10;
	[tilespmem:s18+$0xA460] =	vst v16  }
0x1fb: {  	v56 =	vld [tilespmem:s18+$0xC480];
	v12 =	vmul.f32 v12, v10;
	v59 =	vmul.f32 v10, v5;
	[tilespmem:s18+$0xA480] =	vst v15  }
0x1fc: {  	v21 =	vld [tilespmem:s18+$0xC4D0];
	v57 =	vmul.f32 v17, v10;
	[tilespmem:s18+$0xA4A0] =	vst v14  }
0x1fd: {  	v20 =	vld [tilespmem:s18+$0xC460];
	[tilespmem:s18+$0xA4D0] =	vst v12;
	v11 =	vmul.f32 v11, v59  }
0x1fe: {  	v58 =	vld [tilespmem:s18+$0xA4C0];
	v9 =	vmul.f32 v9, v59;
	[tilespmem:s18+$0xA490] =	vst v57  }
0x1ff: {  	v19 =	vld [tilespmem:s18+$0xC4B0];
	v61 =	vmul.f32 v22, v10;
	[tilespmem:s18+$0xC490] =	vst v11  }
0x200: {  	v60 =	vld [tilespmem:s18+$0xC4A0];
	v13 =	vmul.f32 v56, v59;
	[tilespmem:s18+$0xC4C0] =	vst v9  }
0x201: {  	v18 =	vld [tilespmem:s18+$0xC470];
	v62 =	vmul.f32 v21, v59;
	[tilespmem:s18+$0xA4B0] =	vst v61  }
0x202: {  	v63 =	vmul.f32 v20, v59;
	[tilespmem:s18+$0xC480] =	vst v13  }
0x203: {  	v10 =	vmul.f32 v58, v10;
	[tilespmem:s18+$0xC4D0] =	vst v62  }
0x204: {  	v11 =	vmul.f32 v19, v59;
	[tilespmem:s18+$0xC460] =	vst v63  }
0x205: {  	v9 =	vmul.f32 v60, v59;
	[tilespmem:s18+$0xA4C0] =	vst v10  }
0x206: {  	v10 =	vmul.f32 v18, v59;
	[tilespmem:s18+$0xC4B0] =	vst v11  }
.Ltmp18:
0x207: {  	[tilespmem:s18+$0xC4A0] =	vst v9;
	(pc) =	sbr.rel .LBB2_22-.Ltmp18, $4  }
0x208: {  	[tilespmem:s18+$0xC470] =	vst v10  }
0x209: {  	[spmem:s6] =	stream.indirect.scatter.add.f32 [tilespmem:s9], [sflag:$0x4], $0x80, s23, s5, $0xb8;
	[tilespmem:$0x1EAF0] =	vst v63  }
0x20a: {  	_ = 	snop  }
0x20b: {  	[spmem:s7] =	stream.indirect.scatter.add.f32 [tilespmem:s10], [sflag:$0x4], $0x80, s23, s5, $0xb8;
	[tilespmem:$0x1EAF0] =	vst v63  }
.LBB2_25:
0x20c: {  	s0 =	sadd.s32 $0x3F, s15  }
0x20d: {  	s4 =	sadd.s32 $0x10, s15;
	s12 =	sand.u32 $0x3F, s0  }
0x20e: {  	p3 =	slt.s32 s15, $0xFFFFFFC2;
	s13 =	sshra.s32 s0, $0x1F;
	p4 =	sne.s32 s12, $0x0  }
0x20f: {  	v7 =	vadd.s32 s15, v1;
	v8 =	vadd.s32 s4, v1;
	s4 =	sshrl.u32 s13, $0x1A;
	p3 =	por !p3, !p4  }
0x210: {  	s0 =	sadd.s32 s4, s0;
	s4 =	simm.s32 $0x1;
	p3 =	por !p3, !p3  }
0x211: {  	s0 =	sshra.s32 s0, $0x6;
	s4 =	simm.s32 @!p3 $0x0  }
0x212: {  	s0 =	ssub.s32 s0, s4  }
0x213: {  	s17 =	sadd.s32 $0x1, s0  }
0x214: {  	s14 =	sadd.s32 $0x20, s15;
	[tilespmem:v7+s29+$0x0] =	vst.idx.msk $0xffff, v2;
	s18 =	sand.u32 $0x1, s17  }
0x215: {  	v9 =	vadd.s32 s14, v1;
	s13 =	simm.s32 $0x5AB0;
	[tilespmem:v7+s30+$0x0] =	vst.idx.msk $0xffff, v2;
	p4 =	slt.s32 s0, $0x0;
	p6 =	seq.s32 s18, $0x1  }
0x216: {  	s16 =	sadd.s32 $0x30, s15;
	[tilespmem:v7+s13+$0x0] =	vst.idx.msk $0xffff, v4;
	s19 =	sshrl.u32 s17, $0x1F;
	p3 =	por !p4, !p6  }
0x217: {  	s12 =	simm.s32 $0x1;
	[tilespmem:v8+s29+$0x0] =	vst.idx.msk $0xffff, v2;
	s4 =	sadd.s32 s19, s17;
	p3 =	por !p3, !p3  }
0x218: {  	v7 =	vadd.s32 s16, v1;
	[tilespmem:v8+s30+$0x0] =	vst.idx.msk $0xffff, v2;
	s4 =	sshra.s32 s4, $0x1;
	s12 =	simm.s32 @!p3 $0x0  }
0x219: {  	[tilespmem:v8+s13+$0x0] =	vst.idx.msk $0xffff, v4;
	s14 =	ssub.s32 s4, s12  }
0x21a: {  	[tilespmem:v9+s29+$0x0] =	vst.idx.msk $0xffff, v2;
	p3 =	slt.s32 s14, $0x1  }
.Ltmp19:
0x21b: {  	[tilespmem:v9+s30+$0x0] =	vst.idx.msk $0xffff, v2;
	(pc) =	sbr.rel @p3 .LBB2_36-.Ltmp19, $4  }
0x21c: {  	[tilespmem:v9+s13+$0x0] =	vst.idx.msk $0xffff, v4  }
0x21d: {  	[tilespmem:v7+s29+$0x0] =	vst.idx.msk $0xffff, v2  }
0x21e: {  	[tilespmem:v7+s30+$0x0] =	vst.idx.msk $0xffff, v2  }
0x21f: {  	[tilespmem:v7+s13+$0x0] =	vst.idx.msk $0xffff, v4  }
.Ltmp20:
0x220: {  	(pc) =	sbr.rel .LBB2_27-.Ltmp20, $2  }
0x221: {  	_ =	sdelay $0x2  }
0x222: {  	s15 =	simm.s32 $0x0;
	s16 =	simm.s32 $0x5AF0  }
.LBB2_35:
0x223: {  	s15 =	sadd.s32 $0x1, s15  }
0x224: {  	p3 =	sne.s32 s15, s14  }
.Ltmp21:
0x225: {  	_ = 	snop;
	(pc) =	sbr.rel @!p3 .LBB2_36-.Ltmp21, $2  }
0x226: {  	_ =	sdelay $0x2  }
0x227: {  	s13 =	sadd.s32 $0x80, s13;
	s16 =	sadd.s32 $0x80, s16  }
.LBB2_27:
0x228: {  	s4 =	sshll.u32 s15, $0x1  }
0x229: {  	p4 =	sge.s32 s4, s0  }
0x22a: {  	p3 =	seq.s32 @!p4 s15, $0x0  }
0x22b: {  	p3 =	por p3, p4  }
0x22c: {  	s12 =	simm.s32 @!p3 $0x3  }
0x22d: {  	_ =	swait.ge @!p3 [sflag:s12], $0x2000  }
0x22e: {  	[sflag:s12] =	ssyncset.done @!p3 $0x0  }
0x22f: {  	[sflag:s12] =	ssyncadd.s32 @!p3 $0xFFFFE000  }
0x230: {  	_ =	swait.ge @!p3 [sflag:s12], $0x2000  }
0x231: {  	[sflag:s12] =	ssyncset.done @!p3 $0x0  }
0x232: {  	[sflag:s12] =	ssyncadd.s32 @!p3 $0xFFFFE000;
	s12 =	sshll.u32 @!p4 s15, $0x7  }
0x233: {  	v7 =	vld @!p4 [tilespmem:s12+$0x4950];
	_ =	sdelay $0x4  }
0x234: {  	[tilespmem:$0x6360] =	vst @!p4 v7  }
0x235: {  	v7 =	vld @!p4 [tilespmem:s12+$0x5200];
	_ =	sdelay $0x4  }
0x236: {  	[tilespmem:$0x63A0] =	vst @!p4 v7  }
0x237: {  	v7 =	vld @!p4 [tilespmem:s12+$0x4960];
	_ =	sdelay $0x4  }
0x238: {  	[tilespmem:$0x6370] =	vst @!p4 v7  }
0x239: {  	v7 =	vld @!p4 [tilespmem:s12+$0x5210];
	_ =	sdelay $0x4  }
0x23a: {  	[tilespmem:$0x63B0] =	vst @!p4 v7  }
0x23b: {  	v7 =	vld @!p4 [tilespmem:s12+$0x4970];
	_ =	sdelay $0x4  }
0x23c: {  	[tilespmem:$0x6380] =	vst @!p4 v7  }
0x23d: {  	v7 =	vld @!p4 [tilespmem:s12+$0x5220];
	_ =	sdelay $0x4  }
0x23e: {  	[tilespmem:$0x63C0] =	vst @!p4 v7  }
0x23f: {  	v7 =	vld @!p4 [tilespmem:s12+$0x4980];
	_ =	sdelay $0x4  }
0x240: {  	[tilespmem:$0x6390] =	vst @!p4 v7  }
0x241: {  	v7 =	vld @!p4 [tilespmem:s12+$0x5230];
	_ =	sdelay $0x3  }
0x242: {  	s4 =	sor.u32 $0x1, s4;
	s17 =	simm.s32 @!p4 $0x63A0;
	p3 =	seq.s32 s15, $0x0  }
0x243: {  	s18 =	simm.s32 @!p4 $0x6460;
	p6 =	sge.s32 @!p3 s4, s0;
	s12 =	simm.s32 @!p4 $0x40;
	[tilespmem:$0x63D0] =	vst @!p4 v7  }
0x244: {  	[tilespmem:s18], [sflag:$0x1] =	stream.indirect.gather @!p4 [hbm4b:s1+s12], $0x80, s17, s12, $0xb8;
	[tilespmem:$0x1EAF0] =	vst v63  }
0x245: {  	p3 =	por p6, p3;
	s18 =	simm.s32 @!p4 $0x8460  }
0x246: {  	[tilespmem:s18], [sflag:$0x1] =	stream.indirect.gather @!p4 [hbm4b:s2+s12], $0x80, s17, s12, $0xb8;
	[tilespmem:$0x1EAF0] =	vst v63  }
0x247: {  	s12 =	simm.s32 @!p3 $0x4  }
0x248: {  	_ =	swait.ge @!p3 [sflag:s12], $0x2000  }
0x249: {  	[sflag:s12] =	ssyncset.done @!p3 $0x0  }
0x24a: {  	[sflag:s12] =	ssyncadd.s32 @!p3 $0xFFFFE000  }
0x24b: {  	_ =	swait.ge @!p3 [sflag:s12], $0x2000  }
0x24c: {  	p6 =	sge.s32 s4, s0;
	[sflag:s12] =	ssyncset.done @!p3 $0x0  }
0x24d: {  	s4 =	sshll.u32 @!p6 s4, $0x6;
	[sflag:s12] =	ssyncadd.s32 @!p3 $0xFFFFE000  }
0x24e: {  	v7 =	vld @!p6 [tilespmem:s4+$0x4950];
	_ =	sdelay $0x4  }
0x24f: {  	[tilespmem:$0x63E0] =	vst @!p6 v7  }
0x250: {  	v7 =	vld @!p6 [tilespmem:s4+$0x5200];
	_ =	sdelay $0x4  }
0x251: {  	[tilespmem:$0x6420] =	vst @!p6 v7  }
0x252: {  	v7 =	vld @!p6 [tilespmem:s4+$0x4960];
	_ =	sdelay $0x4  }
0x253: {  	[tilespmem:$0x63F0] =	vst @!p6 v7  }
0x254: {  	v7 =	vld @!p6 [tilespmem:s4+$0x5210];
	_ =	sdelay $0x4  }
0x255: {  	[tilespmem:$0x6430] =	vst @!p6 v7  }
0x256: {  	v7 =	vld @!p6 [tilespmem:s4+$0x4970];
	_ =	sdelay $0x4  }
0x257: {  	[tilespmem:$0x6400] =	vst @!p6 v7  }
0x258: {  	v7 =	vld @!p6 [tilespmem:s4+$0x5220];
	_ =	sdelay $0x4  }
0x259: {  	[tilespmem:$0x6440] =	vst @!p6 v7  }
0x25a: {  	v7 =	vld @!p6 [tilespmem:s4+$0x4980];
	_ =	sdelay $0x4  }
0x25b: {  	[tilespmem:$0x6410] =	vst @!p6 v7  }
0x25c: {  	v7 =	vld @!p6 [tilespmem:s4+$0x5230];
	_ =	sdelay $0x3  }
.Ltmp22:
0x25d: {  	_ = 	snop;
	(pc) =	sbr.rel @p4 .LBB2_31-.Ltmp22, $4  }
0x25e: {  	s17 =	simm.s32 @!p6 $0xA460;
	s12 =	simm.s32 @!p6 $0x6420;
	s4 =	simm.s32 @!p6 $0x40;
	[tilespmem:$0x6450] =	vst @!p6 v7  }
0x25f: {  	[tilespmem:s17], [sflag:$0x2] =	stream.indirect.gather @!p6 [hbm4b:s1+s4], $0x80, s12, s4, $0xb8;
	[tilespmem:$0x1EAF0] =	vst v63  }
0x260: {  	s17 =	simm.s32 @!p6 $0xC460  }
0x261: {  	[tilespmem:s17], [sflag:$0x2] =	stream.indirect.gather @!p6 [hbm4b:s2+s4], $0x80, s12, s4, $0xb8;
	[tilespmem:$0x1EAF0] =	vst v63  }
0x262: {  	_ =	swait.ge [sflag:s26], $0x2000  }
0x263: {  	[sflag:s26] =	ssyncset.done $0x0  }
0x264: {  	[sflag:s26] =	ssyncadd.s32 $0xFFFFE000  }
0x265: {  	_ =	swait.ge [sflag:s26], $0x2000  }
0x266: {  	[sflag:s26] =	ssyncset.done $0x0  }
0x267: {  	s17 =	simm.s32 $0x0;
	[sflag:s26] =	ssyncadd.s32 $0xFFFFE000  }
0x268: {  	v11 =	vld [tilespmem:s17+$0x6470]  }
0x269: {  	v10 =	vld [tilespmem:s17+$0x64D0]  }
0x26a: {  	v7 =	vld [tilespmem:s17+$0x84C0]  }
0x26b: {  	v14 =	vld [tilespmem:s17+$0x6460]  }
0x26c: {  	v13 =	vld [tilespmem:s17+$0x6480]  }
0x26d: {  	v12 =	vld [tilespmem:s17+$0x64A0]  }
0x26e: {  	v8 =	vld.msk [tilespmem:s13+$0x0 ss:$0x0], $0xffff  }
0x26f: {  	v9 =	vld [tilespmem:s17+$0x8490]  }
0x270: {  	s4 =	simm.s32 $0x200;
	s12 =	smov.u32 s13;
	v15 =	vld [tilespmem:s17+$0x6490]  }
.LBB2_29:
0x271: {  	p4 =	sne.s32 s4, $0x7E00  }
0x272: {  	v16 =	vld [tilespmem:s17+$0x8470];
	s12 =	sadd.s32 $0x1, s12;
	s18 =	smov.u32 s4;
	s4 =	sadd.s32 $0x200, s4  }
0x273: {  	v17 =	vld [tilespmem:s17+$0x84B0]  }
0x274: {  	v18 =	vld [tilespmem:s17+$0x8460]  }
0x275: {  	v14 =	vmul.f32 v8, v14;
	v11 =	vmul.f32 v11, v8;
	v19 =	vld [tilespmem:s17+$0x84D0]  }
0x276: {  	v13 =	vmul.f32 v13, v8;
	v15 =	vmul.f32 v15, v8;
	v20 =	vld [tilespmem:s17+$0x64B0]  }
0x277: {  	v12 =	vmul.f32 v12, v8;
	v10 =	vmul.f32 v10, v8;
	[tilespmem:s17+$0x6470] =	vst v11;
	v11 =	vld [tilespmem:s17+$0x8480]  }
0x278: {  	[tilespmem:s17+$0x6460] =	vst v14;
	v14 =	vld [tilespmem:s17+$0x64C0]  }
0x279: {  	[tilespmem:s17+$0x6480] =	vst v13  }
0x27a: {  	v13 =	vmul.f32 v8, v5;
	[tilespmem:s17+$0x6490] =	vst v15;
	v15 =	vld [tilespmem:s17+$0x84A0]  }
0x27b: {  	[tilespmem:s17+$0x64A0] =	vst v12;
	v12 =	vmul.f32 v20, v8  }
0x27c: {  	v7 =	vmul.f32 v7, v13;
	v11 =	vmul.f32 v11, v13;
	[tilespmem:s17+$0x64D0] =	vst v10  }
0x27d: {  	v9 =	vmul.f32 v9, v13;
	[tilespmem:s17+$0x64B0] =	vst v12;
	v8 =	vmul.f32 v14, v8  }
0x27e: {  	v16 =	vmul.f32 v16, v13;
	v10 =	vmul.f32 v19, v13;
	[tilespmem:s17+$0x8480] =	vst v11  }
0x27f: {  	v12 =	vmul.f32 v18, v13;
	[tilespmem:s17+$0x8490] =	vst v9;
	v9 =	vmul.f32 v15, v13  }
0x280: {  	s18 =	sshra.s32 s18, $0x2;
	v13 =	vmul.f32 v17, v13;
	[tilespmem:s17+$0x84D0] =	vst v10  }
0x281: {  	v11 =	vld [tilespmem:s18+$0x6470];
	[tilespmem:s17+$0x8460] =	vst v12  }
0x282: {  	v10 =	vld [tilespmem:s18+$0x64D0];
	[tilespmem:s17+$0x84C0] =	vst v7  }
0x283: {  	v7 =	vld [tilespmem:s18+$0x84C0];
	[tilespmem:s17+$0x64C0] =	vst v8  }
0x284: {  	v14 =	vld [tilespmem:s18+$0x6460];
	[tilespmem:s17+$0x84B0] =	vst v13  }
.Ltmp23:
0x285: {  	v13 =	vld [tilespmem:s18+$0x6480];
	[tilespmem:s17+$0x84A0] =	vst v9;
	(pc) =	sbr.rel @p4 .LBB2_29-.Ltmp23, $4  }
0x286: {  	v12 =	vld [tilespmem:s18+$0x64A0];
	[tilespmem:s17+$0x8470] =	vst v16;
	s17 =	smov.u32 s18  }
0x287: {  	v8 =	vld.msk [tilespmem:s12+$0x0 ss:$0x0], $0xffff  }
0x288: {  	v9 =	vld [tilespmem:s17+$0x8490]  }
0x289: {  	v15 =	vld [tilespmem:s17+$0x6490]  }
0x28a: {  	_ =	sdelay $0x1  }
0x28b: {  	v11 =	vmul.f32 v11, v8  }
0x28c: {  	v14 =	vmul.f32 v8, v14  }
0x28d: {  	v13 =	vmul.f32 v13, v8;
	[tilespmem:s17+$0x6470] =	vst v11  }
0x28e: {  	v20 =	vld [tilespmem:s17+$0x64B0];
	v12 =	vmul.f32 v12, v8;
	[tilespmem:s17+$0x6460] =	vst v14  }
0x28f: {  	v55 =	vld [tilespmem:s17+$0x8480];
	v10 =	vmul.f32 v10, v8;
	v58 =	vmul.f32 v8, v5;
	[tilespmem:s17+$0x6480] =	vst v13  }
0x290: {  	v19 =	vld [tilespmem:s17+$0x84D0];
	v56 =	vmul.f32 v15, v8;
	[tilespmem:s17+$0x64A0] =	vst v12  }
0x291: {  	v18 =	vld [tilespmem:s17+$0x8460];
	[tilespmem:s17+$0x64D0] =	vst v10;
	v9 =	vmul.f32 v9, v58  }
0x292: {  	v57 =	vld [tilespmem:s17+$0x64C0];
	v7 =	vmul.f32 v7, v58;
	[tilespmem:s17+$0x6490] =	vst v56  }
0x293: {  	v17 =	vld [tilespmem:s17+$0x84B0];
	v60 =	vmul.f32 v20, v8;
	[tilespmem:s17+$0x8490] =	vst v9  }
0x294: {  	v59 =	vld [tilespmem:s17+$0x84A0];
	v11 =	vmul.f32 v55, v58;
	[tilespmem:s17+$0x84C0] =	vst v7  }
0x295: {  	v16 =	vld [tilespmem:s17+$0x8470];
	v61 =	vmul.f32 v19, v58;
	[tilespmem:s17+$0x64B0] =	vst v60  }
0x296: {  	v62 =	vmul.f32 v18, v58;
	[tilespmem:s17+$0x8480] =	vst v11  }
0x297: {  	v8 =	vmul.f32 v57, v8;
	[tilespmem:s17+$0x84D0] =	vst v61  }
0x298: {  	v63 =	vmul.f32 v17, v58;
	[tilespmem:s17+$0x8460] =	vst v62  }
0x299: {  	v7 =	vmul.f32 v59, v58;
	[tilespmem:s17+$0x64C0] =	vst v8  }
0x29a: {  	v8 =	vmul.f32 v16, v58;
	[tilespmem:s17+$0x84B0] =	vst v63  }
0x29b: {  	[tilespmem:s17+$0x84A0] =	vst v7  }
0x29c: {  	[tilespmem:s17+$0x8470] =	vst v8  }
0x29d: {  	[spmem:s6] =	stream.indirect.scatter.add.f32 [tilespmem:s24], [sflag:$0x3], $0x80, s21, s5, $0xb8;
	[tilespmem:$0x1EAF0] =	vst v63  }
0x29e: {  	_ = 	snop  }
0x29f: {  	[spmem:s7] =	stream.indirect.scatter.add.f32 [tilespmem:s25], [sflag:$0x3], $0x80, s21, s5, $0xb8;
	[tilespmem:$0x1EAF0] =	vst v63  }
.LBB2_31:
.Ltmp24:
0x2a0: {  	(pc) =	sbr.rel @p6 .LBB2_35-.Ltmp24, $1  }
0x2a1: {  	_ =	sdelay $0x3  }
0x2a2: {  	_ =	swait.ge [sflag:s22], $0x2000  }
0x2a3: {  	[sflag:s22] =	ssyncset.done $0x0  }
0x2a4: {  	[sflag:s22] =	ssyncadd.s32 $0xFFFFE000  }
0x2a5: {  	_ =	swait.ge [sflag:s22], $0x2000  }
0x2a6: {  	[sflag:s22] =	ssyncset.done $0x0  }
0x2a7: {  	s17 =	simm.s32 $0x0;
	[sflag:s22] =	ssyncadd.s32 $0xFFFFE000  }
0x2a8: {  	v11 =	vld [tilespmem:s17+$0xA470]  }
0x2a9: {  	v10 =	vld [tilespmem:s17+$0xA4D0]  }
0x2aa: {  	v7 =	vld [tilespmem:s17+$0xC4C0]  }
0x2ab: {  	v14 =	vld [tilespmem:s17+$0xA460]  }
0x2ac: {  	v13 =	vld [tilespmem:s17+$0xA480]  }
0x2ad: {  	v12 =	vld [tilespmem:s17+$0xA4A0]  }
0x2ae: {  	v8 =	vld.msk [tilespmem:s16+$0x0 ss:$0x0], $0xffff  }
0x2af: {  	v9 =	vld [tilespmem:s17+$0xC490]  }
0x2b0: {  	s4 =	simm.s32 $0x200;
	s12 =	smov.u32 s16;
	v15 =	vld [tilespmem:s17+$0xA490]  }
.LBB2_33:
0x2b1: {  	p4 =	sne.s32 s4, $0x7E00  }
0x2b2: {  	v16 =	vld [tilespmem:s17+$0xC470];
	s12 =	sadd.s32 $0x1, s12;
	s18 =	smov.u32 s4;
	s4 =	sadd.s32 $0x200, s4  }
0x2b3: {  	v17 =	vld [tilespmem:s17+$0xC4B0]  }
0x2b4: {  	v18 =	vld [tilespmem:s17+$0xC460]  }
0x2b5: {  	v14 =	vmul.f32 v8, v14;
	v11 =	vmul.f32 v11, v8;
	v19 =	vld [tilespmem:s17+$0xC4D0]  }
0x2b6: {  	v13 =	vmul.f32 v13, v8;
	v15 =	vmul.f32 v15, v8;
	v20 =	vld [tilespmem:s17+$0xA4B0]  }
0x2b7: {  	v12 =	vmul.f32 v12, v8;
	v10 =	vmul.f32 v10, v8;
	[tilespmem:s17+$0xA470] =	vst v11;
	v11 =	vld [tilespmem:s17+$0xC480]  }
0x2b8: {  	[tilespmem:s17+$0xA460] =	vst v14;
	v14 =	vld [tilespmem:s17+$0xA4C0]  }
0x2b9: {  	[tilespmem:s17+$0xA480] =	vst v13  }
0x2ba: {  	v13 =	vmul.f32 v8, v5;
	[tilespmem:s17+$0xA490] =	vst v15;
	v15 =	vld [tilespmem:s17+$0xC4A0]  }
0x2bb: {  	[tilespmem:s17+$0xA4A0] =	vst v12;
	v12 =	vmul.f32 v20, v8  }
0x2bc: {  	v7 =	vmul.f32 v7, v13;
	v11 =	vmul.f32 v11, v13;
	[tilespmem:s17+$0xA4D0] =	vst v10  }
0x2bd: {  	v9 =	vmul.f32 v9, v13;
	[tilespmem:s17+$0xA4B0] =	vst v12;
	v8 =	vmul.f32 v14, v8  }
0x2be: {  	v16 =	vmul.f32 v16, v13;
	v10 =	vmul.f32 v19, v13;
	[tilespmem:s17+$0xC480] =	vst v11  }
0x2bf: {  	v12 =	vmul.f32 v18, v13;
	[tilespmem:s17+$0xC490] =	vst v9;
	v9 =	vmul.f32 v15, v13  }
0x2c0: {  	s18 =	sshra.s32 s18, $0x2;
	v13 =	vmul.f32 v17, v13;
	[tilespmem:s17+$0xC4D0] =	vst v10  }
0x2c1: {  	v11 =	vld [tilespmem:s18+$0xA470];
	[tilespmem:s17+$0xC460] =	vst v12  }
0x2c2: {  	v10 =	vld [tilespmem:s18+$0xA4D0];
	[tilespmem:s17+$0xC4C0] =	vst v7  }
0x2c3: {  	v7 =	vld [tilespmem:s18+$0xC4C0];
	[tilespmem:s17+$0xA4C0] =	vst v8  }
0x2c4: {  	v14 =	vld [tilespmem:s18+$0xA460];
	[tilespmem:s17+$0xC4B0] =	vst v13  }
.Ltmp25:
0x2c5: {  	v13 =	vld [tilespmem:s18+$0xA480];
	[tilespmem:s17+$0xC4A0] =	vst v9;
	(pc) =	sbr.rel @p4 .LBB2_33-.Ltmp25, $4  }
0x2c6: {  	v12 =	vld [tilespmem:s18+$0xA4A0];
	[tilespmem:s17+$0xC470] =	vst v16;
	s17 =	smov.u32 s18  }
0x2c7: {  	v8 =	vld.msk [tilespmem:s12+$0x0 ss:$0x0], $0xffff  }
0x2c8: {  	v9 =	vld [tilespmem:s17+$0xC490]  }
0x2c9: {  	v15 =	vld [tilespmem:s17+$0xA490]  }
0x2ca: {  	_ =	sdelay $0x1  }
0x2cb: {  	v11 =	vmul.f32 v11, v8  }
0x2cc: {  	v14 =	vmul.f32 v8, v14  }
0x2cd: {  	v13 =	vmul.f32 v13, v8;
	[tilespmem:s17+$0xA470] =	vst v11  }
0x2ce: {  	v20 =	vld [tilespmem:s17+$0xA4B0];
	v12 =	vmul.f32 v12, v8;
	[tilespmem:s17+$0xA460] =	vst v14  }
0x2cf: {  	v55 =	vld [tilespmem:s17+$0xC480];
	v10 =	vmul.f32 v10, v8;
	v58 =	vmul.f32 v8, v5;
	[tilespmem:s17+$0xA480] =	vst v13  }
0x2d0: {  	v19 =	vld [tilespmem:s17+$0xC4D0];
	v56 =	vmul.f32 v15, v8;
	[tilespmem:s17+$0xA4A0] =	vst v12  }
0x2d1: {  	v18 =	vld [tilespmem:s17+$0xC460];
	[tilespmem:s17+$0xA4D0] =	vst v10;
	v9 =	vmul.f32 v9, v58  }
0x2d2: {  	v57 =	vld [tilespmem:s17+$0xA4C0];
	v7 =	vmul.f32 v7, v58;
	[tilespmem:s17+$0xA490] =	vst v56  }
0x2d3: {  	v17 =	vld [tilespmem:s17+$0xC4B0];
	v60 =	vmul.f32 v20, v8;
	[tilespmem:s17+$0xC490] =	vst v9  }
0x2d4: {  	v59 =	vld [tilespmem:s17+$0xC4A0];
	v11 =	vmul.f32 v55, v58;
	[tilespmem:s17+$0xC4C0] =	vst v7  }
0x2d5: {  	v16 =	vld [tilespmem:s17+$0xC470];
	v61 =	vmul.f32 v19, v58;
	[tilespmem:s17+$0xA4B0] =	vst v60  }
0x2d6: {  	v62 =	vmul.f32 v18, v58;
	[tilespmem:s17+$0xC480] =	vst v11  }
0x2d7: {  	v8 =	vmul.f32 v57, v8;
	[tilespmem:s17+$0xC4D0] =	vst v61  }
0x2d8: {  	v63 =	vmul.f32 v17, v58;
	[tilespmem:s17+$0xC460] =	vst v62  }
0x2d9: {  	v7 =	vmul.f32 v59, v58;
	[tilespmem:s17+$0xA4C0] =	vst v8  }
0x2da: {  	v8 =	vmul.f32 v16, v58;
	[tilespmem:s17+$0xC4B0] =	vst v63  }
.Ltmp26:
0x2db: {  	[tilespmem:s17+$0xC4A0] =	vst v7;
	(pc) =	sbr.rel .LBB2_35-.Ltmp26, $4  }
0x2dc: {  	[tilespmem:s17+$0xC470] =	vst v8  }
0x2dd: {  	[spmem:s6] =	stream.indirect.scatter.add.f32 [tilespmem:s9], [sflag:$0x4], $0x80, s23, s5, $0xb8;
	[tilespmem:$0x1EAF0] =	vst v63  }
0x2de: {  	_ = 	snop  }
0x2df: {  	[spmem:s7] =	stream.indirect.scatter.add.f32 [tilespmem:s10], [sflag:$0x4], $0x80, s23, s5, $0xb8;
	[tilespmem:$0x1EAF0] =	vst v63  }
.LBB2_38:
0x2e0: {  	_ =	sfence.sel $0x180000  }
0x2e1: {  	[bflag:$0x0] =	sbarrier.arrive $0xFFFF  }
0x2e2: {  	_ =	strace $0x90000047  }
0x2e3: {  	s0 =	stileid.u32;
	[bflag:$0x2] =	sbarrier.arrive $0xFFFF  }
0x2e4: {  	p0 =	sne.s32 s0, $0x0;
	s0 =	rddreg [dreg:$0x9]  }
0x2e5: {  	s0 =	sadd.s32 @!p0 $0x100000, s0  }
0x2e6: {  	[sflag:s0] =	ssyncadd.tile.s32 @!p0 $0x1;
	_ =	shalt  }
.Lfunc_end2:
_tile_overlayer_lowered:
.L_overlay_start_2:
0x2e7: {  	(tag) =	ssettag $0x2  }
0x2e8: {  	s0 =	rddreg [dreg:$0x0];
	s2 =	stileid.u32  }
0x2e9: {  	s1 =	rddreg [dreg:$0x1];
	p0 =	sne.s32 s2, $0x0  }
0x2ea: {  	s3 =	rddreg [dreg:$0x2];
	[bflag:$0x3] =	sbarrier.arrive $0xFFFF;
	s2 =	simm.s32 @!p0 $0x1C05  }
0x2eb: {  	[timem:s3], [sflag:s2] =	dma.local @!p0 [hbm:s0], s1  }
0x2ec: {  	s0 =	simm.s32 @!p0 $0x5  }
0x2ed: {  	_ =	swait.ge @!p0 [sflag:s0], s1  }
0x2ee: {  	s1 =	ssub.s32 @!p0 $0x0, s1;
	[sflag:s0] =	ssyncset.done @!p0 $0x0  }
0x2ef: {  	[sflag:s0] =	ssyncadd.s32 @!p0 s1  }
0x2f0: {  	[bflag:$0x3] =	sbarrier.arrive $0xFFFF  }
0x2f1: {  	_ =	shalt  }

</sc_bundles>
